<compile_context>
chip_gen: v7x
topology: tpu7x:2x2x1
jax: 0.10.2.dev20260603
libtpu: 0.0.44.dev20260713+nightly
codegen_flags: <defaults>
</compile_context>

<pallas_src>
import functools

import jax
import jax.numpy as jnp
from jax import lax
from jax.experimental import pallas as pl
from jax.experimental.pallas import tpu as pltpu
from jax.experimental.pallas import tpu_sc as plsc

AD = 128
OD = 128
ED = 16
N = 10000
E = 320000

NH = 2
EH = E // NH

NC, NS = 2, 16
NW = NC * NS
EPW = EH // NW
CH = 40
NCHUNK = EPW // CH
NBUF = 5
CZ = 16
NZC = N // CZ

_mesh = plsc.VectorSubcoreMesh(
    core_axis_name="c", subcore_axis_name="s", num_cores=NC, num_subcores=NS)



def _make_gather(h):
    @functools.partial(
        pl.kernel,
        out_type=jax.ShapeDtypeStruct((EH, AD), jnp.float32),
        mesh=_mesh,
        scratch_types=[
            pltpu.VMEM((NBUF, CH), jnp.int32),
            pltpu.VMEM((NBUF, CH, AD), jnp.float32),
            pltpu.SemaphoreType.DMA,
            pltpu.SemaphoreType.DMA,
            pltpu.SemaphoreType.DMA,
        ],
    )
    def _gather_rows(x_hbm, src_hbm, xj_hbm, idx_v, rows_v, si, sg, sw):
        wid = lax.axis_index("s") * NC + lax.axis_index("c")
        base = wid * EPW

        def outer(t, carry):
            j0 = t * NBUF
            d = [pltpu.async_copy(
                src_hbm.at[pl.ds(h * EH + base + (j0 + b) * CH, CH)],
                idx_v.at[b], si) for b in range(NBUF)]
            for b in range(NBUF):
                d[b].wait()
            d = [pltpu.async_copy(x_hbm.at[idx_v.at[b]], rows_v.at[b], sg)
                 for b in range(NBUF)]
            for b in range(NBUF):
                d[b].wait()
            d = [pltpu.async_copy(
                rows_v.at[b], xj_hbm.at[pl.ds(base + (j0 + b) * CH, CH)], sw)
                for b in range(NBUF)]
            for b in range(NBUF):
                d[b].wait()
            return carry

        lax.fori_loop(0, NCHUNK // NBUF, outer, 0)

    return _gather_rows


_gathers = [_make_gather(h) for h in range(NH)]



BE = 1280
KG = 8


def _msg_body(attrt_ref, xj_ref, w_ref, eye_ref, out_ref):
    xj = xj_ref[...].astype(jnp.bfloat16)
    xjt = jax.lax.dot_general(
        eye_ref[...], xj, (((1,), (1,)), ((), ())),
        preferred_element_type=jnp.float32).astype(jnp.bfloat16)
    attrt = attrt_ref[...].astype(jnp.bfloat16)
    acc = jax.lax.dot_general(
        xjt, w_ref[ED * AD:, :], (((0,), (0,)), ((), ())),
        preferred_element_type=jnp.float32)
    for g in range(ED // KG):
        zg = jnp.concatenate(
            [xjt * attrt[KG * g + j][None, :] for j in range(KG)], axis=0)
        acc = acc + jax.lax.dot_general(
            zg, w_ref[KG * g * AD:KG * (g + 1) * AD, :],
            (((0,), (0,)), ((), ())), preferred_element_type=jnp.float32)
    out_ref[...] = acc


def _messages(attrt, xj, wcat, eye, h):
    nb = EH // BE
    return pl.pallas_call(
        _msg_body,
        grid=(nb,),
        in_specs=[
            pl.BlockSpec((ED, BE), lambda i: (0, i + h * nb)),
            pl.BlockSpec((BE, AD), lambda i: (i, 0)),
            pl.BlockSpec(((ED + 1) * AD, OD), lambda i: (0, 0)),
            pl.BlockSpec((AD, AD), lambda i: (0, 0)),
        ],
        out_specs=pl.BlockSpec((BE, OD), lambda i: (i, 0)),
        out_shape=jax.ShapeDtypeStruct((EH, OD), jnp.float32),
    )(attrt, xj, wcat, eye)



def _make_scatter(h):
    @functools.partial(
        pl.kernel,
        out_type=jax.ShapeDtypeStruct((NC, N, OD), jnp.float32),
        mesh=_mesh,
        scratch_types=(
            [pltpu.VMEM((CH,), jnp.int32) for _ in range(NBUF)] + [
                pltpu.VMEM((NBUF, CH, OD), jnp.float32),
                pltpu.VMEM((CZ, OD), jnp.float32),
                pltpu.VMEM_SHARED((N, OD), jnp.float32),
                pltpu.SemaphoreType.DMA,
                pltpu.SemaphoreType.DMA,
                pltpu.SemaphoreType.DMA,
            ]),
    )
    def _scatter_add(msg_hbm, dst_hbm, out_hbm,
                     i0, i1, i2, i3, i4, rows_v, zero_v, acc_sh, si, sm, ss):
        idxs = [i0, i1, i2, i3, i4]
        cid = lax.axis_index("c")
        sid = lax.axis_index("s")
        wid = sid * NC + cid
        base = wid * EPW

        zvec = jnp.zeros((16,), jnp.float32)

        def zfill(t, carry):
            zero_v[t // 8, pl.ds((t % 8) * 16, 16)] = zvec
            return carry

        lax.fori_loop(0, CZ * 8, zfill, 0)

        def zcopy(j, carry):
            c = j * NS + sid

            @pl.when(c < NZC)
            def _():
                pltpu.sync_copy(zero_v, acc_sh.at[pl.ds(c * CZ, CZ)])

            return carry

        lax.fori_loop(0, pl.cdiv(NZC, NS), zcopy, 0)
        plsc.subcore_barrier()

        def outer(t, carry):
            j0 = t * NBUF
            di = [pltpu.async_copy(
                dst_hbm.at[pl.ds(h * EH + base + (j0 + b) * CH, CH)],
                idxs[b], si) for b in range(NBUF)]
            dm = [pltpu.async_copy(
                msg_hbm.at[pl.ds(base + (j0 + b) * CH, CH)],
                rows_v.at[b], sm) for b in range(NBUF)]
            for b in range(NBUF):
                di[b].wait()
                dm[b].wait()
            ds = [pltpu.async_copy(rows_v.at[b], acc_sh.at[idxs[b]], ss,
                                   add=True) for b in range(NBUF)]
            for b in range(NBUF):
                ds[b].wait()
            return carry

        lax.fori_loop(0, NCHUNK // NBUF, outer, 0)
        plsc.subcore_barrier()

        def dump(j, carry):
            c = j * NS + sid

            @pl.when(c < NZC)
            def _():
                pltpu.sync_copy(acc_sh.at[pl.ds(c * CZ, CZ)],
                                out_hbm.at[cid, pl.ds(c * CZ, CZ)])

            return carry

        lax.fori_loop(0, pl.cdiv(NZC, NS), dump, 0)

    return _scatter_add


_scatters = [_make_scatter(h) for h in range(NH)]



BN = 2000


def _final_body(p0_ref, p1_ref, x_ref, rw_ref, b_ref, out_ref):
    root = jnp.dot(x_ref[...], rw_ref[...], preferred_element_type=jnp.float32)
    s = p0_ref[0] + p0_ref[1] + p1_ref[0] + p1_ref[1]
    out_ref[...] = s + root + b_ref[...]


def _finalize(p0, p1, x, root_w, bias2d):
    return pl.pallas_call(
        _final_body,
        grid=(N // BN,),
        in_specs=[
            pl.BlockSpec((NC, BN, OD), lambda i: (0, i, 0)),
            pl.BlockSpec((NC, BN, OD), lambda i: (0, i, 0)),
            pl.BlockSpec((BN, AD), lambda i: (i, 0)),
            pl.BlockSpec((AD, OD), lambda i: (0, 0)),
            pl.BlockSpec((1, OD), lambda i: (0, 0)),
        ],
        out_specs=pl.BlockSpec((BN, OD), lambda i: (i, 0)),
        out_shape=jax.ShapeDtypeStruct((N, OD), jnp.float32),
    )(p0, p1, x, root_w, bias2d)


def kernel(x, edge_index, edge_attr, lin_w, lin_b, root_w, bias):
    src = edge_index[0].astype(jnp.int32)
    dst = edge_index[1].astype(jnp.int32)
    wcat = jnp.concatenate(
        [lin_w.reshape(AD, OD, ED).transpose(2, 0, 1).reshape(ED * AD, OD),
         lin_b.reshape(AD, OD)], axis=0).astype(jnp.bfloat16)
    attrt = edge_attr.T
    eye = jnp.eye(AD, dtype=jnp.bfloat16)
    parts = []
    for h in range(NH):
        xj_h = _gathers[h](x, src)
        msg_h = _messages(attrt, xj_h, wcat, eye, h)
        parts.append(_scatters[h](msg_h, dst))
    return _finalize(parts[0], parts[1], x, root_w, bias.reshape(1, OD))

# --- scband reference (transcript-rebuilt; emitter-appended) ---
"""Pipeline reference for scband-conv-layer-42159398977698 (READ-ONLY COPY).

The authoritative reference and input builder live on the scoring server;
editing this copy changes nothing except your own understanding.
"""

import jax, jax.numpy as jnp
import numpy as np

ATOM_DIM = 128
OUT_DIM = 128
EDGE_DIM = 16
N_NODES = 10000
N_EDGES = 320000


def setup_inputs(seed: int = 0) -> dict:
    key = jax.random.key(seed)
    k_x, k_ei, k_ea, k_lw, k_lb, k_rw, k_b = jax.random.split(key, 7)
    x = jax.random.normal(k_x, (N_NODES, ATOM_DIM), dtype=jnp.float32)
    edge_index = jax.random.randint(k_ei, (2, N_EDGES), 0, N_NODES, dtype=jnp.int64)
    edge_attr = jax.random.normal(k_ea, (N_EDGES, EDGE_DIM), dtype=jnp.float32)
    # nn.Linear(edge_dim, atom_dim * out_dim): weight [atom*out, edge_dim], bias [atom*out]
    bound_lin = 1.0 / np.sqrt(EDGE_DIM)
    lin_w = jax.random.uniform(k_lw, (ATOM_DIM * OUT_DIM, EDGE_DIM), minval=-bound_lin, maxval=bound_lin, dtype=jnp.float32)
    lin_b = jax.random.uniform(k_lb, (ATOM_DIM * OUT_DIM,), minval=-bound_lin, maxval=bound_lin, dtype=jnp.float32)
    # NNConv root weight [in_channels, out_channels] and bias [out_channels]
    bound_root = 1.0 / np.sqrt(ATOM_DIM)
    root_w = jax.random.uniform(k_rw, (ATOM_DIM, OUT_DIM), minval=-bound_root, maxval=bound_root, dtype=jnp.float32)
    bias = jax.random.uniform(k_b, (OUT_DIM,), minval=-bound_root, maxval=bound_root, dtype=jnp.float32)
    return {"x": x, "edge_index": edge_index, "edge_attr": edge_attr,
            "lin_w": lin_w, "lin_b": lin_b, "root_w": root_w, "bias": bias}


def reference(x, edge_index, edge_attr, lin_w, lin_b, root_w, bias):
    # NNConv (aggr='add', root_weight=True, bias=True)
    src = edge_index[0]
    dst = edge_index[1]
    # per-edge kernel weight from edge features
    w = edge_attr @ lin_w.T + lin_b                      # [E, atom*out]
    w = w.reshape(-1, ATOM_DIM, OUT_DIM)                 # [E, atom, out]
    x_j = jnp.take(x, src, axis=0)                       # gather source features [E, atom]
    msg = jnp.einsum('ei,eio->eo', x_j, w)               # per-edge matmul [E, out]
    out = jax.ops.segment_sum(msg, dst, num_segments=N_NODES)  # scatter-add to dst
    out = out + x @ root_w + bias                        # root term + bias
    return out

if __name__ == "__main__":
    import jax
    _d = setup_inputs()
    print(jax.jit(kernel)(*tuple(_d.values())))

</pallas_src>

<mosaic_0001>
#map = affine_map<(d0, d1) -> (0, 0)>
#map1 = affine_map<(d0, d1) -> (0)>
#map2 = affine_map<(d0, d1) -> (0, 0, 0)>
module attributes {stable_mosaic.version = 14 : i64} {
  func.func @_scatter_add(%arg0: i32, %arg1: i32, %arg2: memref<160000x128xf32, #tpu.memory_space<hbm>>, %arg3: memref<320000xi32, #tpu.memory_space<hbm>>, %arg4: memref<2x10000x128xf32, #tpu.memory_space<hbm>>, %arg5: memref<40xi32, #tpu.memory_space<vmem>>, %arg6: memref<40xi32, #tpu.memory_space<vmem>>, %arg7: memref<40xi32, #tpu.memory_space<vmem>>, %arg8: memref<40xi32, #tpu.memory_space<vmem>>, %arg9: memref<40xi32, #tpu.memory_space<vmem>>, %arg10: memref<5x40x128xf32, #tpu.memory_space<vmem>>, %arg11: memref<16x128xf32, #tpu.memory_space<vmem>>, %arg12: memref<10000x128xf32, #tpu.memory_space<vmem_shared>>, %arg13: memref<!tpu.dma_semaphore, #tpu.memory_space<semaphore_mem>>, %arg14: memref<!tpu.dma_semaphore, #tpu.memory_space<semaphore_mem>>, %arg15: memref<!tpu.dma_semaphore, #tpu.memory_space<semaphore_mem>>) attributes {dimension_semantics = [#tpu.dimension_semantics<core_parallel>, #tpu.dimension_semantics<subcore_parallel>], iteration_bounds = array<i64: 2, 16>, scalar_prefetch = 0 : i64, scratch_operands = 11 : i64, tpu.core_type = #tpu.core_type<sc_vector_subcore>, window_params = [{transform_indices = #map}, {transform_indices = #map1}, {transform_indices = #map2}]} {
    %mul3A = arith.constant 2 : i32
    %mul3A_0 = arith.muli %arg1, %mul3A : i32
    %add3A = arith.addi %mul3A_0, %arg0 : i32
    %mul3A_1 = arith.constant 5000 : i32
    %mul3A_2 = arith.muli %add3A, %mul3A_1 : i32
    %broadcast_in_dim3A = arith.constant 0.000000e+00 : f32
    %broadcast_in_dim3A_3 = vector.broadcast %broadcast_in_dim3A : f32 to vector<16xf32>
    %scan3A = arith.constant 0 : i32
    %scan3A_4 = arith.constant 0 : i32
    %scan3A_5 = arith.constant 128 : i32
    %scan3A_6 = arith.addi %scan3A_4, %scan3A_5 : i32
    %scan3A_7 = arith.constant 1 : i32
    scf.for %scan3A_28 = %scan3A_4 to %scan3A_6 step %scan3A_7  : i32 {
      %jit3A = arith.constant 8 : i32
      %div3A = arith.divsi %scan3A_28, %jit3A : i32
      %sign3A = arith.constant 0 : i32
      %sign3A_29 = arith.cmpi sgt, %scan3A_28, %sign3A : i32
      %sign3A_30 = arith.extui %sign3A_29 : i1 to i32
      %sign3A_31 = arith.constant 0 : i32
      %sign3A_32 = arith.cmpi slt, %scan3A_28, %sign3A_31 : i32
      %sign3A_33 = arith.extui %sign3A_32 : i1 to i32
      %sign3A_34 = arith.subi %sign3A_30, %sign3A_33 : i32
      %sign3A_35 = arith.constant 0 : i32
      %sign3A_36 = arith.cmpi sgt, %jit3A, %sign3A_35 : i32
      %sign3A_37 = arith.extui %sign3A_36 : i1 to i32
      %sign3A_38 = arith.constant 0 : i32
      %sign3A_39 = arith.cmpi slt, %jit3A, %sign3A_38 : i32
      %sign3A_40 = arith.extui %sign3A_39 : i1 to i32
      %sign3A_41 = arith.subi %sign3A_37, %sign3A_40 : i32
      %ne3A = arith.cmpi ne, %sign3A_34, %sign3A_41 : i32
      %rem3A = arith.remsi %scan3A_28, %jit3A : i32
      %ne3A_42 = arith.constant 0 : i32
      %ne3A_43 = arith.cmpi ne, %rem3A, %ne3A_42 : i32
      %and3A = arith.andi %ne3A, %ne3A_43 : i1
      %sub3A = arith.constant 1 : i32
      %sub3A_44 = arith.subi %div3A, %sub3A : i32
      %select_n3A = arith.select %and3A, %sub3A_44, %div3A : i32
      %jit3A_45 = arith.constant 8 : i32
      %eq3A = arith.constant 0 : i32
      %eq3A_46 = arith.cmpi eq, %jit3A_45, %eq3A : i32
      %jit3A_47 = arith.constant 1 : i32
      %select_n3A_48 = arith.select %eq3A_46, %jit3A_47, %jit3A_45 : i32
      %rem3A_49 = arith.remsi %scan3A_28, %select_n3A_48 : i32
      %ne3A_50 = arith.constant 0 : i32
      %ne3A_51 = arith.cmpi ne, %rem3A_49, %ne3A_50 : i32
      %lt3A = arith.constant 0 : i32
      %lt3A_52 = arith.cmpi slt, %rem3A_49, %lt3A : i32
      %lt3A_53 = arith.constant 0 : i32
      %lt3A_54 = arith.cmpi slt, %select_n3A_48, %lt3A_53 : i32
      %ne3A_55 = arith.xori %lt3A_52, %lt3A_54 : i1
      %and3A_56 = arith.andi %ne3A_55, %ne3A_51 : i1
      %add3A_57 = arith.addi %rem3A_49, %select_n3A_48 : i32
      %select_n3A_58 = arith.select %and3A_56, %add3A_57, %rem3A_49 : i32
      %mul3A_59 = arith.constant 16 : i32
      %mul3A_60 = arith.muli %select_n3A_58, %mul3A_59 : i32
      %swap3A = arith.index_cast %select_n3A : i32 to index
      %swap3A_61 = arith.index_cast %mul3A_60 : i32 to index
      %swap3A_62 = tpu.vector_load %arg11[%swap3A, %swap3A_61] {strides = array<i32>} : memref<16x128xf32, #tpu.memory_space<vmem>>, vector<1x16xf32>,
      %swap3A_63 = vector.shape_cast %swap3A_62 : vector<1x16xf32> to vector<16xf32>
      %swap3A_64 = vector.shape_cast %broadcast_in_dim3A_3 : vector<16xf32> to vector<1x16xf32>
      tpu.vector_store %arg11[%swap3A, %swap3A_61], %swap3A_64 {strides = array<i32>} : memref<16x128xf32, #tpu.memory_space<vmem>>, vector<1x16xf32>,
    }
    %scan3A_8 = arith.constant 128 : i32
    %scan3A_9 = arith.constant 0 : i32
    %scan3A_10 = arith.constant 0 : i32
    %scan3A_11 = arith.constant 40 : i32
    %scan3A_12 = arith.addi %scan3A_10, %scan3A_11 : i32
    %scan3A_13 = arith.constant 1 : i32
    scf.for %scan3A_28 = %scan3A_10 to %scan3A_12 step %scan3A_13  : i32 {
      %mul3A_29 = arith.constant 16 : i32
      %mul3A_30 = arith.muli %scan3A_28, %mul3A_29 : i32
      %add3A_31 = arith.addi %mul3A_30, %arg1 : i32
      %lt3A = arith.constant 625 : i32
      %lt3A_32 = arith.cmpi slt, %add3A_31, %lt3A : i32
      %convert_element_type3A = arith.extui %lt3A_32 : i1 to i32
      %cond3A = arith.constant 0 : i32
      %cond3A_33 = arith.cmpi ne, %convert_element_type3A, %cond3A : i32
      scf.if %cond3A_33 {
        %mul3A_34 = arith.constant 16 : i32
        %mul3A_35 = arith.muli %add3A_31, %mul3A_34 : i32
        "tpu.region"() ({
          %run_scoped3A = tpu.sem_alloc : memref<!tpu.dma_semaphore, #tpu.memory_space<semaphore_mem>>
          %dma_start3A = arith.constant 0 : i32
          %dma_start3A_36 = tpu.memref_slice %arg12[%mul3A_35, %dma_start3A] : memref<10000x128xf32, #tpu.memory_space<vmem_shared>> -> memref<16x128xf32, #tpu.memory_space<vmem_shared>>
          %dma_start3A_37 = arith.constant 0 : i32
          %dma_start3A_38 = tpu.memref_slice %arg12[%mul3A_35, %dma_start3A_37] : memref<10000x128xf32, #tpu.memory_space<vmem_shared>> -> memref<16x128xf32, #tpu.memory_space<vmem_shared>>
          tpu.enqueue_dma source(%arg11 : memref<16x128xf32, #tpu.memory_space<vmem>>) target(%dma_start3A_38 : memref<16x128xf32, #tpu.memory_space<vmem_shared>>) target_semaphore(%run_scoped3A : memref<!tpu.dma_semaphore, #tpu.memory_space<semaphore_mem>>)
          %dma_wait3A = arith.constant 0 : i32
          %dma_wait3A_39 = tpu.memref_slice %arg12[%mul3A_35, %dma_wait3A] : memref<10000x128xf32, #tpu.memory_space<vmem_shared>> -> memref<16x128xf32, #tpu.memory_space<vmem_shared>>
          %dma_wait3A_40 = arith.constant 0 : i32
          %dma_wait3A_41 = tpu.memref_slice %arg12[%mul3A_35, %dma_wait3A_40] : memref<10000x128xf32, #tpu.memory_space<vmem_shared>> -> memref<16x128xf32, #tpu.memory_space<vmem_shared>>
          tpu.wait_dma2 semaphore(%run_scoped3A : memref<!tpu.dma_semaphore, #tpu.memory_space<semaphore_mem>>) src(%arg11 : memref<16x128xf32, #tpu.memory_space<vmem>>) dst(%dma_wait3A_41 : memref<16x128xf32, #tpu.memory_space<vmem_shared>>)
          tpu.yield
        }) : () -> ()
      } else {
      }
    }
    %scan3A_14 = arith.constant 40 : i32
    %barrier3A = arith.constant 0 : index
    tpu.barrier barrier_id(%barrier3A)
    %scan3A_15 = arith.constant 0 : i32
    %scan3A_16 = arith.constant 0 : i32
    %scan3A_17 = arith.constant 25 : i32
    %scan3A_18 = arith.addi %scan3A_16, %scan3A_17 : i32
    %scan3A_19 = arith.constant 1 : i32
    scf.for %scan3A_28 = %scan3A_16 to %scan3A_18 step %scan3A_19  : i32 {
      %mul3A_29 = arith.constant 5 : i32
      %mul3A_30 = arith.muli %scan3A_28, %mul3A_29 : i32
      %add3A_31 = arith.constant 160000 : i32
      %add3A_32 = arith.addi %add3A_31, %mul3A_2 : i32
      %add3A_33 = arith.constant 0 : i32
      %add3A_34 = arith.addi %mul3A_30, %add3A_33 : i32
      %mul3A_35 = arith.constant 40 : i32
      %mul3A_36 = arith.muli %add3A_34, %mul3A_35 : i32
      %add3A_37 = arith.addi %add3A_32, %mul3A_36 : i32
      %dma_start3A = tpu.memref_slice %arg3[%add3A_37] : memref<320000xi32, #tpu.memory_space<hbm>> -> memref<40xi32, #tpu.memory_space<hbm>>
      %dma_start3A_38 = tpu.memref_slice %arg3[%add3A_37] : memref<320000xi32, #tpu.memory_space<hbm>> -> memref<40xi32, #tpu.memory_space<hbm>>
      tpu.enqueue_dma source(%dma_start3A_38 : memref<40xi32, #tpu.memory_space<hbm>>) target(%arg5 : memref<40xi32, #tpu.memory_space<vmem>>) target_semaphore(%arg13 : memref<!tpu.dma_semaphore, #tpu.memory_space<semaphore_mem>>)
      %add3A_39 = arith.constant 160000 : i32
      %add3A_40 = arith.addi %add3A_39, %mul3A_2 : i32
      %add3A_41 = arith.constant 1 : i32
      %add3A_42 = arith.addi %mul3A_30, %add3A_41 : i32
      %mul3A_43 = arith.constant 40 : i32
      %mul3A_44 = arith.muli %add3A_42, %mul3A_43 : i32
      %add3A_45 = arith.addi %add3A_40, %mul3A_44 : i32
      %dma_start3A_46 = tpu.memref_slice %arg3[%add3A_45] : memref<320000xi32, #tpu.memory_space<hbm>> -> memref<40xi32, #tpu.memory_space<hbm>>
      %dma_start3A_47 = tpu.memref_slice %arg3[%add3A_45] : memref<320000xi32, #tpu.memory_space<hbm>> -> memref<40xi32, #tpu.memory_space<hbm>>
      tpu.enqueue_dma source(%dma_start3A_47 : memref<40xi32, #tpu.memory_space<hbm>>) target(%arg6 : memref<40xi32, #tpu.memory_space<vmem>>) target_semaphore(%arg13 : memref<!tpu.dma_semaphore, #tpu.memory_space<semaphore_mem>>)
      %add3A_48 = arith.constant 160000 : i32
      %add3A_49 = arith.addi %add3A_48, %mul3A_2 : i32
      %add3A_50 = arith.constant 2 : i32
      %add3A_51 = arith.addi %mul3A_30, %add3A_50 : i32
      %mul3A_52 = arith.constant 40 : i32
      %mul3A_53 = arith.muli %add3A_51, %mul3A_52 : i32
      %add3A_54 = arith.addi %add3A_49, %mul3A_53 : i32
      %dma_start3A_55 = tpu.memref_slice %arg3[%add3A_54] : memref<320000xi32, #tpu.memory_space<hbm>> -> memref<40xi32, #tpu.memory_space<hbm>>
      %dma_start3A_56 = tpu.memref_slice %arg3[%add3A_54] : memref<320000xi32, #tpu.memory_space<hbm>> -> memref<40xi32, #tpu.memory_space<hbm>>
      tpu.enqueue_dma source(%dma_start3A_56 : memref<40xi32, #tpu.memory_space<hbm>>) target(%arg7 : memref<40xi32, #tpu.memory_space<vmem>>) target_semaphore(%arg13 : memref<!tpu.dma_semaphore, #tpu.memory_space<semaphore_mem>>)
      %add3A_57 = arith.constant 160000 : i32
      %add3A_58 = arith.addi %add3A_57, %mul3A_2 : i32
      %add3A_59 = arith.constant 3 : i32
      %add3A_60 = arith.addi %mul3A_30, %add3A_59 : i32
      %mul3A_61 = arith.constant 40 : i32
      %mul3A_62 = arith.muli %add3A_60, %mul3A_61 : i32
      %add3A_63 = arith.addi %add3A_58, %mul3A_62 : i32
      %dma_start3A_64 = tpu.memref_slice %arg3[%add3A_63] : memref<320000xi32, #tpu.memory_space<hbm>> -> memref<40xi32, #tpu.memory_space<hbm>>
      %dma_start3A_65 = tpu.memref_slice %arg3[%add3A_63] : memref<320000xi32, #tpu.memory_space<hbm>> -> memref<40xi32, #tpu.memory_space<hbm>>
      tpu.enqueue_dma source(%dma_start3A_65 : memref<40xi32, #tpu.memory_space<hbm>>) target(%arg8 : memref<40xi32, #tpu.memory_space<vmem>>) target_semaphore(%arg13 : memref<!tpu.dma_semaphore, #tpu.memory_space<semaphore_mem>>)
      %add3A_66 = arith.constant 160000 : i32
      %add3A_67 = arith.addi %add3A_66, %mul3A_2 : i32
      %add3A_68 = arith.constant 4 : i32
      %add3A_69 = arith.addi %mul3A_30, %add3A_68 : i32
      %mul3A_70 = arith.constant 40 : i32
      %mul3A_71 = arith.muli %add3A_69, %mul3A_70 : i32
      %add3A_72 = arith.addi %add3A_67, %mul3A_71 : i32
      %dma_start3A_73 = tpu.memref_slice %arg3[%add3A_72] : memref<320000xi32, #tpu.memory_space<hbm>> -> memref<40xi32, #tpu.memory_space<hbm>>
      %dma_start3A_74 = tpu.memref_slice %arg3[%add3A_72] : memref<320000xi32, #tpu.memory_space<hbm>> -> memref<40xi32, #tpu.memory_space<hbm>>
      tpu.enqueue_dma source(%dma_start3A_74 : memref<40xi32, #tpu.memory_space<hbm>>) target(%arg9 : memref<40xi32, #tpu.memory_space<vmem>>) target_semaphore(%arg13 : memref<!tpu.dma_semaphore, #tpu.memory_space<semaphore_mem>>)
      %add3A_75 = arith.constant 0 : i32
      %add3A_76 = arith.addi %mul3A_30, %add3A_75 : i32
      %mul3A_77 = arith.constant 40 : i32
      %mul3A_78 = arith.muli %add3A_76, %mul3A_77 : i32
      %add3A_79 = arith.addi %mul3A_2, %mul3A_78 : i32
      %dma_start3A_80 = arith.constant 0 : i32
      %dma_start3A_81 = arith.constant 0 : i32
      %dma_start3A_82 = arith.constant 0 : i32
      %dma_start3A_83 = tpu.memref_slice %arg10[%dma_start3A_80, %dma_start3A_81, %dma_start3A_82] : memref<5x40x128xf32, #tpu.memory_space<vmem>> -> memref<1x40x128xf32, #tpu.memory_space<vmem>>
      %dma_start3A_84 = tpu.memref_squeeze %dma_start3A_83 : memref<1x40x128xf32, #tpu.memory_space<vmem>> -> memref<40x128xf32, #tpu.memory_space<vmem>>
      %dma_start3A_85 = arith.constant 0 : i32
      %dma_start3A_86 = tpu.memref_slice %arg2[%add3A_79, %dma_start3A_85] : memref<160000x128xf32, #tpu.memory_space<hbm>> -> memref<40x128xf32, #tpu.memory_space<hbm>>
      %dma_start3A_87 = arith.constant 0 : i32
      %dma_start3A_88 = arith.constant 0 : i32
      %dma_start3A_89 = tpu.memref_slice %arg10[%dma_start3A_80, %dma_start3A_87, %dma_start3A_88] : memref<5x40x128xf32, #tpu.memory_space<vmem>> -> memref<1x40x128xf32, #tpu.memory_space<vmem>>
      %dma_start3A_90 = tpu.memref_squeeze %dma_start3A_89 : memref<1x40x128xf32, #tpu.memory_space<vmem>> -> memref<40x128xf32, #tpu.memory_space<vmem>>
      %dma_start3A_91 = arith.constant 0 : i32
      %dma_start3A_92 = tpu.memref_slice %arg2[%add3A_79, %dma_start3A_91] : memref<160000x128xf32, #tpu.memory_space<hbm>> -> memref<40x128xf32, #tpu.memory_space<hbm>>
      tpu.enqueue_dma source(%dma_start3A_92 : memref<40x128xf32, #tpu.memory_space<hbm>>) target(%dma_start3A_90 : memref<40x128xf32, #tpu.memory_space<vmem>>) target_semaphore(%arg14 : memref<!tpu.dma_semaphore, #tpu.memory_space<semaphore_mem>>)
      %add3A_93 = arith.constant 1 : i32
      %add3A_94 = arith.addi %mul3A_30, %add3A_93 : i32
      %mul3A_95 = arith.constant 40 : i32
      %mul3A_96 = arith.muli %add3A_94, %mul3A_95 : i32
      %add3A_97 = arith.addi %mul3A_2, %mul3A_96 : i32
      %dma_start3A_98 = arith.constant 1 : i32
      %dma_start3A_99 = arith.constant 0 : i32
      %dma_start3A_100 = arith.constant 0 : i32
      %dma_start3A_101 = tpu.memref_slice %arg10[%dma_start3A_98, %dma_start3A_99, %dma_start3A_100] : memref<5x40x128xf32, #tpu.memory_space<vmem>> -> memref<1x40x128xf32, #tpu.memory_space<vmem>>
      %dma_start3A_102 = tpu.memref_squeeze %dma_start3A_101 : memref<1x40x128xf32, #tpu.memory_space<vmem>> -> memref<40x128xf32, #tpu.memory_space<vmem>>
      %dma_start3A_103 = arith.constant 0 : i32
      %dma_start3A_104 = tpu.memref_slice %arg2[%add3A_97, %dma_start3A_103] : memref<160000x128xf32, #tpu.memory_space<hbm>> -> memref<40x128xf32, #tpu.memory_space<hbm>>
      %dma_start3A_105 = arith.constant 0 : i32
      %dma_start3A_106 = arith.constant 0 : i32
      %dma_start3A_107 = tpu.memref_slice %arg10[%dma_start3A_98, %dma_start3A_105, %dma_start3A_106] : memref<5x40x128xf32, #tpu.memory_space<vmem>> -> memref<1x40x128xf32, #tpu.memory_space<vmem>>
      %dma_start3A_108 = tpu.memref_squeeze %dma_start3A_107 : memref<1x40x128xf32, #tpu.memory_space<vmem>> -> memref<40x128xf32, #tpu.memory_space<vmem>>
      %dma_start3A_109 = arith.constant 0 : i32
      %dma_start3A_110 = tpu.memref_slice %arg2[%add3A_97, %dma_start3A_109] : memref<160000x128xf32, #tpu.memory_space<hbm>> -> memref<40x128xf32, #tpu.memory_space<hbm>>
      tpu.enqueue_dma source(%dma_start3A_110 : memref<40x128xf32, #tpu.memory_space<hbm>>) target(%dma_start3A_108 : memref<40x128xf32, #tpu.memory_space<vmem>>) target_semaphore(%arg14 : memref<!tpu.dma_semaphore, #tpu.memory_space<semaphore_mem>>)
      %add3A_111 = arith.constant 2 : i32
      %add3A_112 = arith.addi %mul3A_30, %add3A_111 : i32
      %mul3A_113 = arith.constant 40 : i32
      %mul3A_114 = arith.muli %add3A_112, %mul3A_113 : i32
      %add3A_115 = arith.addi %mul3A_2, %mul3A_114 : i32
      %dma_start3A_116 = arith.constant 2 : i32
      %dma_start3A_117 = arith.constant 0 : i32
      %dma_start3A_118 = arith.constant 0 : i32
      %dma_start3A_119 = tpu.memref_slice %arg10[%dma_start3A_116, %dma_start3A_117, %dma_start3A_118] : memref<5x40x128xf32, #tpu.memory_space<vmem>> -> memref<1x40x128xf32, #tpu.memory_space<vmem>>
      %dma_start3A_120 = tpu.memref_squeeze %dma_start3A_119 : memref<1x40x128xf32, #tpu.memory_space<vmem>> -> memref<40x128xf32, #tpu.memory_space<vmem>>
      %dma_start3A_121 = arith.constant 0 : i32
      %dma_start3A_122 = tpu.memref_slice %arg2[%add3A_115, %dma_start3A_121] : memref<160000x128xf32, #tpu.memory_space<hbm>> -> memref<40x128xf32, #tpu.memory_space<hbm>>
      %dma_start3A_123 = arith.constant 0 : i32
      %dma_start3A_124 = arith.constant 0 : i32
      %dma_start3A_125 = tpu.memref_slice %arg10[%dma_start3A_116, %dma_start3A_123, %dma_start3A_124] : memref<5x40x128xf32, #tpu.memory_space<vmem>> -> memref<1x40x128xf32, #tpu.memory_space<vmem>>
      %dma_start3A_126 = tpu.memref_squeeze %dma_start3A_125 : memref<1x40x128xf32, #tpu.memory_space<vmem>> -> memref<40x128xf32, #tpu.memory_space<vmem>>
      %dma_start3A_127 = arith.constant 0 : i32
      %dma_start3A_128 = tpu.memref_slice %arg2[%add3A_115, %dma_start3A_127] : memref<160000x128xf32, #tpu.memory_space<hbm>> -> memref<40x128xf32, #tpu.memory_space<hbm>>
      tpu.enqueue_dma source(%dma_start3A_128 : memref<40x128xf32, #tpu.memory_space<hbm>>) target(%dma_start3A_126 : memref<40x128xf32, #tpu.memory_space<vmem>>) target_semaphore(%arg14 : memref<!tpu.dma_semaphore, #tpu.memory_space<semaphore_mem>>)
      %add3A_129 = arith.constant 3 : i32
      %add3A_130 = arith.addi %mul3A_30, %add3A_129 : i32
      %mul3A_131 = arith.constant 40 : i32
      %mul3A_132 = arith.muli %add3A_130, %mul3A_131 : i32
      %add3A_133 = arith.addi %mul3A_2, %mul3A_132 : i32
      %dma_start3A_134 = arith.constant 3 : i32
      %dma_start3A_135 = arith.constant 0 : i32
      %dma_start3A_136 = arith.constant 0 : i32
      %dma_start3A_137 = tpu.memref_slice %arg10[%dma_start3A_134, %dma_start3A_135, %dma_start3A_136] : memref<5x40x128xf32, #tpu.memory_space<vmem>> -> memref<1x40x128xf32, #tpu.memory_space<vmem>>
      %dma_start3A_138 = tpu.memref_squeeze %dma_start3A_137 : memref<1x40x128xf32, #tpu.memory_space<vmem>> -> memref<40x128xf32, #tpu.memory_space<vmem>>
      %dma_start3A_139 = arith.constant 0 : i32
      %dma_start3A_140 = tpu.memref_slice %arg2[%add3A_133, %dma_start3A_139] : memref<160000x128xf32, #tpu.memory_space<hbm>> -> memref<40x128xf32, #tpu.memory_space<hbm>>
      %dma_start3A_141 = arith.constant 0 : i32
      %dma_start3A_142 = arith.constant 0 : i32
      %dma_start3A_143 = tpu.memref_slice %arg10[%dma_start3A_134, %dma_start3A_141, %dma_start3A_142] : memref<5x40x128xf32, #tpu.memory_space<vmem>> -> memref<1x40x128xf32, #tpu.memory_space<vmem>>
      %dma_start3A_144 = tpu.memref_squeeze %dma_start3A_143 : memref<1x40x128xf32, #tpu.memory_space<vmem>> -> memref<40x128xf32, #tpu.memory_space<vmem>>
      %dma_start3A_145 = arith.constant 0 : i32
      %dma_start3A_146 = tpu.memref_slice %arg2[%add3A_133, %dma_start3A_145] : memref<160000x128xf32, #tpu.memory_space<hbm>> -> memref<40x128xf32, #tpu.memory_space<hbm>>
      tpu.enqueue_dma source(%dma_start3A_146 : memref<40x128xf32, #tpu.memory_space<hbm>>) target(%dma_start3A_144 : memref<40x128xf32, #tpu.memory_space<vmem>>) target_semaphore(%arg14 : memref<!tpu.dma_semaphore, #tpu.memory_space<semaphore_mem>>)
      %add3A_147 = arith.constant 4 : i32
      %add3A_148 = arith.addi %mul3A_30, %add3A_147 : i32
      %mul3A_149 = arith.constant 40 : i32
      %mul3A_150 = arith.muli %add3A_148, %mul3A_149 : i32
      %add3A_151 = arith.addi %mul3A_2, %mul3A_150 : i32
      %dma_start3A_152 = arith.constant 4 : i32
      %dma_start3A_153 = arith.constant 0 : i32
      %dma_start3A_154 = arith.constant 0 : i32
      %dma_start3A_155 = tpu.memref_slice %arg10[%dma_start3A_152, %dma_start3A_153, %dma_start3A_154] : memref<5x40x128xf32, #tpu.memory_space<vmem>> -> memref<1x40x128xf32, #tpu.memory_space<vmem>>
      %dma_start3A_156 = tpu.memref_squeeze %dma_start3A_155 : memref<1x40x128xf32, #tpu.memory_space<vmem>> -> memref<40x128xf32, #tpu.memory_space<vmem>>
      %dma_start3A_157 = arith.constant 0 : i32
      %dma_start3A_158 = tpu.memref_slice %arg2[%add3A_151, %dma_start3A_157] : memref<160000x128xf32, #tpu.memory_space<hbm>> -> memref<40x128xf32, #tpu.memory_space<hbm>>
      %dma_start3A_159 = arith.constant 0 : i32
      %dma_start3A_160 = arith.constant 0 : i32
      %dma_start3A_161 = tpu.memref_slice %arg10[%dma_start3A_152, %dma_start3A_159, %dma_start3A_160] : memref<5x40x128xf32, #tpu.memory_space<vmem>> -> memref<1x40x128xf32, #tpu.memory_space<vmem>>
      %dma_start3A_162 = tpu.memref_squeeze %dma_start3A_161 : memref<1x40x128xf32, #tpu.memory_space<vmem>> -> memref<40x128xf32, #tpu.memory_space<vmem>>
      %dma_start3A_163 = arith.constant 0 : i32
      %dma_start3A_164 = tpu.memref_slice %arg2[%add3A_151, %dma_start3A_163] : memref<160000x128xf32, #tpu.memory_space<hbm>> -> memref<40x128xf32, #tpu.memory_space<hbm>>
      tpu.enqueue_dma source(%dma_start3A_164 : memref<40x128xf32, #tpu.memory_space<hbm>>) target(%dma_start3A_162 : memref<40x128xf32, #tpu.memory_space<vmem>>) target_semaphore(%arg14 : memref<!tpu.dma_semaphore, #tpu.memory_space<semaphore_mem>>)
      %dma_wait3A = tpu.memref_slice %arg3[%add3A_37] : memref<320000xi32, #tpu.memory_space<hbm>> -> memref<40xi32, #tpu.memory_space<hbm>>
      %dma_wait3A_165 = tpu.memref_slice %arg3[%add3A_37] : memref<320000xi32, #tpu.memory_space<hbm>> -> memref<40xi32, #tpu.memory_space<hbm>>
      tpu.wait_dma2 semaphore(%arg13 : memref<!tpu.dma_semaphore, #tpu.memory_space<semaphore_mem>>) src(%dma_wait3A_165 : memref<40xi32, #tpu.memory_space<hbm>>) dst(%arg5 : memref<40xi32, #tpu.memory_space<vmem>>)
      %dma_wait3A_166 = arith.constant 0 : i32
      %dma_wait3A_167 = arith.constant 0 : i32
      %dma_wait3A_168 = arith.constant 0 : i32
      %dma_wait3A_169 = tpu.memref_slice %arg10[%dma_wait3A_166, %dma_wait3A_167, %dma_wait3A_168] : memref<5x40x128xf32, #tpu.memory_space<vmem>> -> memref<1x40x128xf32, #tpu.memory_space<vmem>>
      %dma_wait3A_170 = tpu.memref_squeeze %dma_wait3A_169 : memref<1x40x128xf32, #tpu.memory_space<vmem>> -> memref<40x128xf32, #tpu.memory_space<vmem>>
      %dma_wait3A_171 = arith.constant 0 : i32
      %dma_wait3A_172 = tpu.memref_slice %arg2[%add3A_79, %dma_wait3A_171] : memref<160000x128xf32, #tpu.memory_space<hbm>> -> memref<40x128xf32, #tpu.memory_space<hbm>>
      %dma_wait3A_173 = arith.constant 0 : i32
      %dma_wait3A_174 = arith.constant 0 : i32
      %dma_wait3A_175 = tpu.memref_slice %arg10[%dma_wait3A_166, %dma_wait3A_173, %dma_wait3A_174] : memref<5x40x128xf32, #tpu.memory_space<vmem>> -> memref<1x40x128xf32, #tpu.memory_space<vmem>>
      %dma_wait3A_176 = tpu.memref_squeeze %dma_wait3A_175 : memref<1x40x128xf32, #tpu.memory_space<vmem>> -> memref<40x128xf32, #tpu.memory_space<vmem>>
      %dma_wait3A_177 = arith.constant 0 : i32
      %dma_wait3A_178 = tpu.memref_slice %arg2[%add3A_79, %dma_wait3A_177] : memref<160000x128xf32, #tpu.memory_space<hbm>> -> memref<40x128xf32, #tpu.memory_space<hbm>>
      tpu.wait_dma2 semaphore(%arg14 : memref<!tpu.dma_semaphore, #tpu.memory_space<semaphore_mem>>) src(%dma_wait3A_178 : memref<40x128xf32, #tpu.memory_space<hbm>>) dst(%dma_wait3A_176 : memref<40x128xf32, #tpu.memory_space<vmem>>)
      %dma_wait3A_179 = tpu.memref_slice %arg3[%add3A_45] : memref<320000xi32, #tpu.memory_space<hbm>> -> memref<40xi32, #tpu.memory_space<hbm>>
      %dma_wait3A_180 = tpu.memref_slice %arg3[%add3A_45] : memref<320000xi32, #tpu.memory_space<hbm>> -> memref<40xi32, #tpu.memory_space<hbm>>
      tpu.wait_dma2 semaphore(%arg13 : memref<!tpu.dma_semaphore, #tpu.memory_space<semaphore_mem>>) src(%dma_wait3A_180 : memref<40xi32, #tpu.memory_space<hbm>>) dst(%arg6 : memref<40xi32, #tpu.memory_space<vmem>>)
      %dma_wait3A_181 = arith.constant 1 : i32
      %dma_wait3A_182 = arith.constant 0 : i32
      %dma_wait3A_183 = arith.constant 0 : i32
      %dma_wait3A_184 = tpu.memref_slice %arg10[%dma_wait3A_181, %dma_wait3A_182, %dma_wait3A_183] : memref<5x40x128xf32, #tpu.memory_space<vmem>> -> memref<1x40x128xf32, #tpu.memory_space<vmem>>
      %dma_wait3A_185 = tpu.memref_squeeze %dma_wait3A_184 : memref<1x40x128xf32, #tpu.memory_space<vmem>> -> memref<40x128xf32, #tpu.memory_space<vmem>>
      %dma_wait3A_186 = arith.constant 0 : i32
      %dma_wait3A_187 = tpu.memref_slice %arg2[%add3A_97, %dma_wait3A_186] : memref<160000x128xf32, #tpu.memory_space<hbm>> -> memref<40x128xf32, #tpu.memory_space<hbm>>
      %dma_wait3A_188 = arith.constant 0 : i32
      %dma_wait3A_189 = arith.constant 0 : i32
      %dma_wait3A_190 = tpu.memref_slice %arg10[%dma_wait3A_181, %dma_wait3A_188, %dma_wait3A_189] : memref<5x40x128xf32, #tpu.memory_space<vmem>> -> memref<1x40x128xf32, #tpu.memory_space<vmem>>
      %dma_wait3A_191 = tpu.memref_squeeze %dma_wait3A_190 : memref<1x40x128xf32, #tpu.memory_space<vmem>> -> memref<40x128xf32, #tpu.memory_space<vmem>>
      %dma_wait3A_192 = arith.constant 0 : i32
      %dma_wait3A_193 = tpu.memref_slice %arg2[%add3A_97, %dma_wait3A_192] : memref<160000x128xf32, #tpu.memory_space<hbm>> -> memref<40x128xf32, #tpu.memory_space<hbm>>
      tpu.wait_dma2 semaphore(%arg14 : memref<!tpu.dma_semaphore, #tpu.memory_space<semaphore_mem>>) src(%dma_wait3A_193 : memref<40x128xf32, #tpu.memory_space<hbm>>) dst(%dma_wait3A_191 : memref<40x128xf32, #tpu.memory_space<vmem>>)
      %dma_wait3A_194 = tpu.memref_slice %arg3[%add3A_54] : memref<320000xi32, #tpu.memory_space<hbm>> -> memref<40xi32, #tpu.memory_space<hbm>>
      %dma_wait3A_195 = tpu.memref_slice %arg3[%add3A_54] : memref<320000xi32, #tpu.memory_space<hbm>> -> memref<40xi32, #tpu.memory_space<hbm>>
      tpu.wait_dma2 semaphore(%arg13 : memref<!tpu.dma_semaphore, #tpu.memory_space<semaphore_mem>>) src(%dma_wait3A_195 : memref<40xi32, #tpu.memory_space<hbm>>) dst(%arg7 : memref<40xi32, #tpu.memory_space<vmem>>)
      %dma_wait3A_196 = arith.constant 2 : i32
      %dma_wait3A_197 = arith.constant 0 : i32
      %dma_wait3A_198 = arith.constant 0 : i32
      %dma_wait3A_199 = tpu.memref_slice %arg10[%dma_wait3A_196, %dma_wait3A_197, %dma_wait3A_198] : memref<5x40x128xf32, #tpu.memory_space<vmem>> -> memref<1x40x128xf32, #tpu.memory_space<vmem>>
      %dma_wait3A_200 = tpu.memref_squeeze %dma_wait3A_199 : memref<1x40x128xf32, #tpu.memory_space<vmem>> -> memref<40x128xf32, #tpu.memory_space<vmem>>
      %dma_wait3A_201 = arith.constant 0 : i32
      %dma_wait3A_202 = tpu.memref_slice %arg2[%add3A_115, %dma_wait3A_201] : memref<160000x128xf32, #tpu.memory_space<hbm>> -> memref<40x128xf32, #tpu.memory_space<hbm>>
      %dma_wait3A_203 = arith.constant 0 : i32
      %dma_wait3A_204 = arith.constant 0 : i32
      %dma_wait3A_205 = tpu.memref_slice %arg10[%dma_wait3A_196, %dma_wait3A_203, %dma_wait3A_204] : memref<5x40x128xf32, #tpu.memory_space<vmem>> -> memref<1x40x128xf32, #tpu.memory_space<vmem>>
      %dma_wait3A_206 = tpu.memref_squeeze %dma_wait3A_205 : memref<1x40x128xf32, #tpu.memory_space<vmem>> -> memref<40x128xf32, #tpu.memory_space<vmem>>
      %dma_wait3A_207 = arith.constant 0 : i32
      %dma_wait3A_208 = tpu.memref_slice %arg2[%add3A_115, %dma_wait3A_207] : memref<160000x128xf32, #tpu.memory_space<hbm>> -> memref<40x128xf32, #tpu.memory_space<hbm>>
      tpu.wait_dma2 semaphore(%arg14 : memref<!tpu.dma_semaphore, #tpu.memory_space<semaphore_mem>>) src(%dma_wait3A_208 : memref<40x128xf32, #tpu.memory_space<hbm>>) dst(%dma_wait3A_206 : memref<40x128xf32, #tpu.memory_space<vmem>>)
      %dma_wait3A_209 = tpu.memref_slice %arg3[%add3A_63] : memref<320000xi32, #tpu.memory_space<hbm>> -> memref<40xi32, #tpu.memory_space<hbm>>
      %dma_wait3A_210 = tpu.memref_slice %arg3[%add3A_63] : memref<320000xi32, #tpu.memory_space<hbm>> -> memref<40xi32, #tpu.memory_space<hbm>>
      tpu.wait_dma2 semaphore(%arg13 : memref<!tpu.dma_semaphore, #tpu.memory_space<semaphore_mem>>) src(%dma_wait3A_210 : memref<40xi32, #tpu.memory_space<hbm>>) dst(%arg8 : memref<40xi32, #tpu.memory_space<vmem>>)
      %dma_wait3A_211 = arith.constant 3 : i32
      %dma_wait3A_212 = arith.constant 0 : i32
      %dma_wait3A_213 = arith.constant 0 : i32
      %dma_wait3A_214 = tpu.memref_slice %arg10[%dma_wait3A_211, %dma_wait3A_212, %dma_wait3A_213] : memref<5x40x128xf32, #tpu.memory_space<vmem>> -> memref<1x40x128xf32, #tpu.memory_space<vmem>>
      %dma_wait3A_215 = tpu.memref_squeeze %dma_wait3A_214 : memref<1x40x128xf32, #tpu.memory_space<vmem>> -> memref<40x128xf32, #tpu.memory_space<vmem>>
      %dma_wait3A_216 = arith.constant 0 : i32
      %dma_wait3A_217 = tpu.memref_slice %arg2[%add3A_133, %dma_wait3A_216] : memref<160000x128xf32, #tpu.memory_space<hbm>> -> memref<40x128xf32, #tpu.memory_space<hbm>>
      %dma_wait3A_218 = arith.constant 0 : i32
      %dma_wait3A_219 = arith.constant 0 : i32
      %dma_wait3A_220 = tpu.memref_slice %arg10[%dma_wait3A_211, %dma_wait3A_218, %dma_wait3A_219] : memref<5x40x128xf32, #tpu.memory_space<vmem>> -> memref<1x40x128xf32, #tpu.memory_space<vmem>>
      %dma_wait3A_221 = tpu.memref_squeeze %dma_wait3A_220 : memref<1x40x128xf32, #tpu.memory_space<vmem>> -> memref<40x128xf32, #tpu.memory_space<vmem>>
      %dma_wait3A_222 = arith.constant 0 : i32
      %dma_wait3A_223 = tpu.memref_slice %arg2[%add3A_133, %dma_wait3A_222] : memref<160000x128xf32, #tpu.memory_space<hbm>> -> memref<40x128xf32, #tpu.memory_space<hbm>>
      tpu.wait_dma2 semaphore(%arg14 : memref<!tpu.dma_semaphore, #tpu.memory_space<semaphore_mem>>) src(%dma_wait3A_223 : memref<40x128xf32, #tpu.memory_space<hbm>>) dst(%dma_wait3A_221 : memref<40x128xf32, #tpu.memory_space<vmem>>)
      %dma_wait3A_224 = tpu.memref_slice %arg3[%add3A_72] : memref<320000xi32, #tpu.memory_space<hbm>> -> memref<40xi32, #tpu.memory_space<hbm>>
      %dma_wait3A_225 = tpu.memref_slice %arg3[%add3A_72] : memref<320000xi32, #tpu.memory_space<hbm>> -> memref<40xi32, #tpu.memory_space<hbm>>
      tpu.wait_dma2 semaphore(%arg13 : memref<!tpu.dma_semaphore, #tpu.memory_space<semaphore_mem>>) src(%dma_wait3A_225 : memref<40xi32, #tpu.memory_space<hbm>>) dst(%arg9 : memref<40xi32, #tpu.memory_space<vmem>>)
      %dma_wait3A_226 = arith.constant 4 : i32
      %dma_wait3A_227 = arith.constant 0 : i32
      %dma_wait3A_228 = arith.constant 0 : i32
      %dma_wait3A_229 = tpu.memref_slice %arg10[%dma_wait3A_226, %dma_wait3A_227, %dma_wait3A_228] : memref<5x40x128xf32, #tpu.memory_space<vmem>> -> memref<1x40x128xf32, #tpu.memory_space<vmem>>
      %dma_wait3A_230 = tpu.memref_squeeze %dma_wait3A_229 : memref<1x40x128xf32, #tpu.memory_space<vmem>> -> memref<40x128xf32, #tpu.memory_space<vmem>>
      %dma_wait3A_231 = arith.constant 0 : i32
      %dma_wait3A_232 = tpu.memref_slice %arg2[%add3A_151, %dma_wait3A_231] : memref<160000x128xf32, #tpu.memory_space<hbm>> -> memref<40x128xf32, #tpu.memory_space<hbm>>
      %dma_wait3A_233 = arith.constant 0 : i32
      %dma_wait3A_234 = arith.constant 0 : i32
      %dma_wait3A_235 = tpu.memref_slice %arg10[%dma_wait3A_226, %dma_wait3A_233, %dma_wait3A_234] : memref<5x40x128xf32, #tpu.memory_space<vmem>> -> memref<1x40x128xf32, #tpu.memory_space<vmem>>
      %dma_wait3A_236 = tpu.memref_squeeze %dma_wait3A_235 : memref<1x40x128xf32, #tpu.memory_space<vmem>> -> memref<40x128xf32, #tpu.memory_space<vmem>>
      %dma_wait3A_237 = arith.constant 0 : i32
      %dma_wait3A_238 = tpu.memref_slice %arg2[%add3A_151, %dma_wait3A_237] : memref<160000x128xf32, #tpu.memory_space<hbm>> -> memref<40x128xf32, #tpu.memory_space<hbm>>
      tpu.wait_dma2 semaphore(%arg14 : memref<!tpu.dma_semaphore, #tpu.memory_space<semaphore_mem>>) src(%dma_wait3A_238 : memref<40x128xf32, #tpu.memory_space<hbm>>) dst(%dma_wait3A_236 : memref<40x128xf32, #tpu.memory_space<vmem>>)
      %dma_start3A_239 = arith.constant 0 : i32
      %dma_start3A_240 = arith.constant 0 : i32
      %dma_start3A_241 = arith.constant 0 : i32
      %dma_start3A_242 = tpu.memref_slice %arg10[%dma_start3A_239, %dma_start3A_240, %dma_start3A_241] : memref<5x40x128xf32, #tpu.memory_space<vmem>> -> memref<1x40x128xf32, #tpu.memory_space<vmem>>
      %dma_start3A_243 = tpu.memref_squeeze %dma_start3A_242 : memref<1x40x128xf32, #tpu.memory_space<vmem>> -> memref<40x128xf32, #tpu.memory_space<vmem>>
      %dma_start3A_244 = arith.constant 0 : i32
      %dma_start3A_245 = arith.constant 0 : i32
      %dma_start3A_246 = tpu.memref_slice %arg12[%dma_start3A_244, %dma_start3A_245] : memref<10000x128xf32, #tpu.memory_space<vmem_shared>> -> memref<10000x128xf32, #tpu.memory_space<vmem_shared>>
      tpu.enqueue_indirect_dma source(%dma_start3A_243 : memref<40x128xf32, #tpu.memory_space<vmem>>) target(%dma_start3A_246 : memref<10000x128xf32, #tpu.memory_space<vmem_shared>>) offsets(%arg5 : memref<40xi32, #tpu.memory_space<vmem>>) semaphore(%arg15 : memref<!tpu.dma_semaphore, #tpu.memory_space<semaphore_mem>>) {add = true}
      %dma_start3A_247 = arith.constant 1 : i32
      %dma_start3A_248 = arith.constant 0 : i32
      %dma_start3A_249 = arith.constant 0 : i32
      %dma_start3A_250 = tpu.memref_slice %arg10[%dma_start3A_247, %dma_start3A_248, %dma_start3A_249] : memref<5x40x128xf32, #tpu.memory_space<vmem>> -> memref<1x40x128xf32, #tpu.memory_space<vmem>>
      %dma_start3A_251 = tpu.memref_squeeze %dma_start3A_250 : memref<1x40x128xf32, #tpu.memory_space<vmem>> -> memref<40x128xf32, #tpu.memory_space<vmem>>
      %dma_start3A_252 = arith.constant 0 : i32
      %dma_start3A_253 = arith.constant 0 : i32
      %dma_start3A_254 = tpu.memref_slice %arg12[%dma_start3A_252, %dma_start3A_253] : memref<10000x128xf32, #tpu.memory_space<vmem_shared>> -> memref<10000x128xf32, #tpu.memory_space<vmem_shared>>
      tpu.enqueue_indirect_dma source(%dma_start3A_251 : memref<40x128xf32, #tpu.memory_space<vmem>>) target(%dma_start3A_254 : memref<10000x128xf32, #tpu.memory_space<vmem_shared>>) offsets(%arg6 : memref<40xi32, #tpu.memory_space<vmem>>) semaphore(%arg15 : memref<!tpu.dma_semaphore, #tpu.memory_space<semaphore_mem>>) {add = true}
      %dma_start3A_255 = arith.constant 2 : i32
      %dma_start3A_256 = arith.constant 0 : i32
      %dma_start3A_257 = arith.constant 0 : i32
      %dma_start3A_258 = tpu.memref_slice %arg10[%dma_start3A_255, %dma_start3A_256, %dma_start3A_257] : memref<5x40x128xf32, #tpu.memory_space<vmem>> -> memref<1x40x128xf32, #tpu.memory_space<vmem>>
      %dma_start3A_259 = tpu.memref_squeeze %dma_start3A_258 : memref<1x40x128xf32, #tpu.memory_space<vmem>> -> memref<40x128xf32, #tpu.memory_space<vmem>>
      %dma_start3A_260 = arith.constant 0 : i32
      %dma_start3A_261 = arith.constant 0 : i32
      %dma_start3A_262 = tpu.memref_slice %arg12[%dma_start3A_260, %dma_start3A_261] : memref<10000x128xf32, #tpu.memory_space<vmem_shared>> -> memref<10000x128xf32, #tpu.memory_space<vmem_shared>>
      tpu.enqueue_indirect_dma source(%dma_start3A_259 : memref<40x128xf32, #tpu.memory_space<vmem>>) target(%dma_start3A_262 : memref<10000x128xf32, #tpu.memory_space<vmem_shared>>) offsets(%arg7 : memref<40xi32, #tpu.memory_space<vmem>>) semaphore(%arg15 : memref<!tpu.dma_semaphore, #tpu.memory_space<semaphore_mem>>) {add = true}
      %dma_start3A_263 = arith.constant 3 : i32
      %dma_start3A_264 = arith.constant 0 : i32
      %dma_start3A_265 = arith.constant 0 : i32
      %dma_start3A_266 = tpu.memref_slice %arg10[%dma_start3A_263, %dma_start3A_264, %dma_start3A_265] : memref<5x40x128xf32, #tpu.memory_space<vmem>> -> memref<1x40x128xf32, #tpu.memory_space<vmem>>
      %dma_start3A_267 = tpu.memref_squeeze %dma_start3A_266 : memref<1x40x128xf32, #tpu.memory_space<vmem>> -> memref<40x128xf32, #tpu.memory_space<vmem>>
      %dma_start3A_268 = arith.constant 0 : i32
      %dma_start3A_269 = arith.constant 0 : i32
      %dma_start3A_270 = tpu.memref_slice %arg12[%dma_start3A_268, %dma_start3A_269] : memref<10000x128xf32, #tpu.memory_space<vmem_shared>> -> memref<10000x128xf32, #tpu.memory_space<vmem_shared>>
      tpu.enqueue_indirect_dma source(%dma_start3A_267 : memref<40x128xf32, #tpu.memory_space<vmem>>) target(%dma_start3A_270 : memref<10000x128xf32, #tpu.memory_space<vmem_shared>>) offsets(%arg8 : memref<40xi32, #tpu.memory_space<vmem>>) semaphore(%arg15 : memref<!tpu.dma_semaphore, #tpu.memory_space<semaphore_mem>>) {add = true}
      %dma_start3A_271 = arith.constant 4 : i32
      %dma_start3A_272 = arith.constant 0 : i32
      %dma_start3A_273 = arith.constant 0 : i32
      %dma_start3A_274 = tpu.memref_slice %arg10[%dma_start3A_271, %dma_start3A_272, %dma_start3A_273] : memref<5x40x128xf32, #tpu.memory_space<vmem>> -> memref<1x40x128xf32, #tpu.memory_space<vmem>>
      %dma_start3A_275 = tpu.memref_squeeze %dma_start3A_274 : memref<1x40x128xf32, #tpu.memory_space<vmem>> -> memref<40x128xf32, #tpu.memory_space<vmem>>
      %dma_start3A_276 = arith.constant 0 : i32
      %dma_start3A_277 = arith.constant 0 : i32
      %dma_start3A_278 = tpu.memref_slice %arg12[%dma_start3A_276, %dma_start3A_277] : memref<10000x128xf32, #tpu.memory_space<vmem_shared>> -> memref<10000x128xf32, #tpu.memory_space<vmem_shared>>
      tpu.enqueue_indirect_dma source(%dma_start3A_275 : memref<40x128xf32, #tpu.memory_space<vmem>>) target(%dma_start3A_278 : memref<10000x128xf32, #tpu.memory_space<vmem_shared>>) offsets(%arg9 : memref<40xi32, #tpu.memory_space<vmem>>) semaphore(%arg15 : memref<!tpu.dma_semaphore, #tpu.memory_space<semaphore_mem>>) {add = true}
      %dma_wait3A_279 = arith.constant 0 : i32
      %dma_wait3A_280 = arith.constant 0 : i32
      %dma_wait3A_281 = arith.constant 0 : i32
      %dma_wait3A_282 = tpu.memref_slice %arg10[%dma_wait3A_279, %dma_wait3A_280, %dma_wait3A_281] : memref<5x40x128xf32, #tpu.memory_space<vmem>> -> memref<1x40x128xf32, #tpu.memory_space<vmem>>
      %dma_wait3A_283 = tpu.memref_squeeze %dma_wait3A_282 : memref<1x40x128xf32, #tpu.memory_space<vmem>> -> memref<40x128xf32, #tpu.memory_space<vmem>>
      %dma_wait3A_284 = arith.constant 0 : i32
      %dma_wait3A_285 = arith.constant 0 : i32
      %dma_wait3A_286 = tpu.memref_slice %arg12[%dma_wait3A_284, %dma_wait3A_285] : memref<10000x128xf32, #tpu.memory_space<vmem_shared>> -> memref<10000x128xf32, #tpu.memory_space<vmem_shared>>
      tpu.wait_indirect_dma semaphore(%arg15 : memref<!tpu.dma_semaphore, #tpu.memory_space<semaphore_mem>>) src(%dma_wait3A_283 : memref<40x128xf32, #tpu.memory_space<vmem>>) dst(%dma_wait3A_286 : memref<10000x128xf32, #tpu.memory_space<vmem_shared>>)
      %dma_wait3A_287 = arith.constant 1 : i32
      %dma_wait3A_288 = arith.constant 0 : i32
      %dma_wait3A_289 = arith.constant 0 : i32
      %dma_wait3A_290 = tpu.memref_slice %arg10[%dma_wait3A_287, %dma_wait3A_288, %dma_wait3A_289] : memref<5x40x128xf32, #tpu.memory_space<vmem>> -> memref<1x40x128xf32, #tpu.memory_space<vmem>>
      %dma_wait3A_291 = tpu.memref_squeeze %dma_wait3A_290 : memref<1x40x128xf32, #tpu.memory_space<vmem>> -> memref<40x128xf32, #tpu.memory_space<vmem>>
      %dma_wait3A_292 = arith.constant 0 : i32
      %dma_wait3A_293 = arith.constant 0 : i32
      %dma_wait3A_294 = tpu.memref_slice %arg12[%dma_wait3A_292, %dma_wait3A_293] : memref<10000x128xf32, #tpu.memory_space<vmem_shared>> -> memref<10000x128xf32, #tpu.memory_space<vmem_shared>>
      tpu.wait_indirect_dma semaphore(%arg15 : memref<!tpu.dma_semaphore, #tpu.memory_space<semaphore_mem>>) src(%dma_wait3A_291 : memref<40x128xf32, #tpu.memory_space<vmem>>) dst(%dma_wait3A_294 : memref<10000x128xf32, #tpu.memory_space<vmem_shared>>)
      %dma_wait3A_295 = arith.constant 2 : i32
      %dma_wait3A_296 = arith.constant 0 : i32
      %dma_wait3A_297 = arith.constant 0 : i32
      %dma_wait3A_298 = tpu.memref_slice %arg10[%dma_wait3A_295, %dma_wait3A_296, %dma_wait3A_297] : memref<5x40x128xf32, #tpu.memory_space<vmem>> -> memref<1x40x128xf32, #tpu.memory_space<vmem>>
      %dma_wait3A_299 = tpu.memref_squeeze %dma_wait3A_298 : memref<1x40x128xf32, #tpu.memory_space<vmem>> -> memref<40x128xf32, #tpu.memory_space<vmem>>
      %dma_wait3A_300 = arith.constant 0 : i32
      %dma_wait3A_301 = arith.constant 0 : i32
      %dma_wait3A_302 = tpu.memref_slice %arg12[%dma_wait3A_300, %dma_wait3A_301] : memref<10000x128xf32, #tpu.memory_space<vmem_shared>> -> memref<10000x128xf32, #tpu.memory_space<vmem_shared>>
      tpu.wait_indirect_dma semaphore(%arg15 : memref<!tpu.dma_semaphore, #tpu.memory_space<semaphore_mem>>) src(%dma_wait3A_299 : memref<40x128xf32, #tpu.memory_space<vmem>>) dst(%dma_wait3A_302 : memref<10000x128xf32, #tpu.memory_space<vmem_shared>>)
      %dma_wait3A_303 = arith.constant 3 : i32
      %dma_wait3A_304 = arith.constant 0 : i32
      %dma_wait3A_305 = arith.constant 0 : i32
      %dma_wait3A_306 = tpu.memref_slice %arg10[%dma_wait3A_303, %dma_wait3A_304, %dma_wait3A_305] : memref<5x40x128xf32, #tpu.memory_space<vmem>> -> memref<1x40x128xf32, #tpu.memory_space<vmem>>
      %dma_wait3A_307 = tpu.memref_squeeze %dma_wait3A_306 : memref<1x40x128xf32, #tpu.memory_space<vmem>> -> memref<40x128xf32, #tpu.memory_space<vmem>>
      %dma_wait3A_308 = arith.constant 0 : i32
      %dma_wait3A_309 = arith.constant 0 : i32
      %dma_wait3A_310 = tpu.memref_slice %arg12[%dma_wait3A_308, %dma_wait3A_309] : memref<10000x128xf32, #tpu.memory_space<vmem_shared>> -> memref<10000x128xf32, #tpu.memory_space<vmem_shared>>
      tpu.wait_indirect_dma semaphore(%arg15 : memref<!tpu.dma_semaphore, #tpu.memory_space<semaphore_mem>>) src(%dma_wait3A_307 : memref<40x128xf32, #tpu.memory_space<vmem>>) dst(%dma_wait3A_310 : memref<10000x128xf32, #tpu.memory_space<vmem_shared>>)
      %dma_wait3A_311 = arith.constant 4 : i32
      %dma_wait3A_312 = arith.constant 0 : i32
      %dma_wait3A_313 = arith.constant 0 : i32
      %dma_wait3A_314 = tpu.memref_slice %arg10[%dma_wait3A_311, %dma_wait3A_312, %dma_wait3A_313] : memref<5x40x128xf32, #tpu.memory_space<vmem>> -> memref<1x40x128xf32, #tpu.memory_space<vmem>>
      %dma_wait3A_315 = tpu.memref_squeeze %dma_wait3A_314 : memref<1x40x128xf32, #tpu.memory_space<vmem>> -> memref<40x128xf32, #tpu.memory_space<vmem>>
      %dma_wait3A_316 = arith.constant 0 : i32
      %dma_wait3A_317 = arith.constant 0 : i32
      %dma_wait3A_318 = tpu.memref_slice %arg12[%dma_wait3A_316, %dma_wait3A_317] : memref<10000x128xf32, #tpu.memory_space<vmem_shared>> -> memref<10000x128xf32, #tpu.memory_space<vmem_shared>>
      tpu.wait_indirect_dma semaphore(%arg15 : memref<!tpu.dma_semaphore, #tpu.memory_space<semaphore_mem>>) src(%dma_wait3A_315 : memref<40x128xf32, #tpu.memory_space<vmem>>) dst(%dma_wait3A_318 : memref<10000x128xf32, #tpu.memory_space<vmem_shared>>)
    }
    %scan3A_20 = arith.constant 25 : i32
    %barrier3A_21 = arith.constant 0 : index
    tpu.barrier barrier_id(%barrier3A_21)
    %scan3A_22 = arith.constant 0 : i32
    %scan3A_23 = arith.constant 0 : i32
    %scan3A_24 = arith.constant 40 : i32
    %scan3A_25 = arith.addi %scan3A_23, %scan3A_24 : i32
    %scan3A_26 = arith.constant 1 : i32
    scf.for %scan3A_28 = %scan3A_23 to %scan3A_25 step %scan3A_26  : i32 {
      %mul3A_29 = arith.constant 16 : i32
      %mul3A_30 = arith.muli %scan3A_28, %mul3A_29 : i32
      %add3A_31 = arith.addi %mul3A_30, %arg1 : i32
      %lt3A = arith.constant 625 : i32
      %lt3A_32 = arith.cmpi slt, %add3A_31, %lt3A : i32
      %convert_element_type3A = arith.extui %lt3A_32 : i1 to i32
      %cond3A = arith.constant 0 : i32
      %cond3A_33 = arith.cmpi ne, %convert_element_type3A, %cond3A : i32
      scf.if %cond3A_33 {
        %mul3A_34 = arith.constant 16 : i32
        %mul3A_35 = arith.muli %add3A_31, %mul3A_34 : i32
        %mul3A_36 = arith.constant 16 : i32
        %mul3A_37 = arith.muli %add3A_31, %mul3A_36 : i32
        "tpu.region"() ({
          %run_scoped3A = tpu.sem_alloc : memref<!tpu.dma_semaphore, #tpu.memory_space<semaphore_mem>>
          %dma_start3A = arith.constant 0 : i32
          %dma_start3A_38 = tpu.memref_slice %arg4[%arg0, %mul3A_37, %dma_start3A] : memref<2x10000x128xf32, #tpu.memory_space<hbm>> -> memref<1x16x128xf32, #tpu.memory_space<hbm>>
          %dma_start3A_39 = tpu.memref_squeeze %dma_start3A_38 : memref<1x16x128xf32, #tpu.memory_space<hbm>> -> memref<16x128xf32, #tpu.memory_space<hbm>>
          %dma_start3A_40 = arith.constant 0 : i32
          %dma_start3A_41 = tpu.memref_slice %arg12[%mul3A_35, %dma_start3A_40] : memref<10000x128xf32, #tpu.memory_space<vmem_shared>> -> memref<16x128xf32, #tpu.memory_space<vmem_shared>>
          tpu.enqueue_dma source(%dma_start3A_41 : memref<16x128xf32, #tpu.memory_space<vmem_shared>>) target(%dma_start3A_39 : memref<16x128xf32, #tpu.memory_space<hbm>>) target_semaphore(%run_scoped3A : memref<!tpu.dma_semaphore, #tpu.memory_space<semaphore_mem>>)
          %dma_wait3A = arith.constant 0 : i32
          %dma_wait3A_42 = tpu.memref_slice %arg4[%arg0, %mul3A_37, %dma_wait3A] : memref<2x10000x128xf32, #tpu.memory_space<hbm>> -> memref<1x16x128xf32, #tpu.memory_space<hbm>>
          %dma_wait3A_43 = tpu.memref_squeeze %dma_wait3A_42 : memref<1x16x128xf32, #tpu.memory_space<hbm>> -> memref<16x128xf32, #tpu.memory_space<hbm>>
          %dma_wait3A_44 = arith.constant 0 : i32
          %dma_wait3A_45 = tpu.memref_slice %arg12[%mul3A_35, %dma_wait3A_44] : memref<10000x128xf32, #tpu.memory_space<vmem_shared>> -> memref<16x128xf32, #tpu.memory_space<vmem_shared>>
          tpu.wait_dma2 semaphore(%run_scoped3A : memref<!tpu.dma_semaphore, #tpu.memory_space<semaphore_mem>>) src(%dma_wait3A_45 : memref<16x128xf32, #tpu.memory_space<vmem_shared>>) dst(%dma_wait3A_43 : memref<16x128xf32, #tpu.memory_space<hbm>>)
          tpu.yield
        }) : () -> ()
      } else {
      }
    }
    %scan3A_27 = arith.constant 40 : i32
    return
  }
}

#map = affine_map<(d0, d1) -> (0, 0)>
#map1 = affine_map<(d0, d1) -> (0)>
#map2 = affine_map<(d0, d1) -> (0, 0, 0)>
module attributes {stable_mosaic.version = 14 : i64} {
  func.func @_scatter_add(%arg0: i32, %arg1: i32, %arg2: memref<160000x128xf32, #tpu.memory_space<hbm>>, %arg3: memref<320000xi32, #tpu.memory_space<hbm>>, %arg4: memref<2x10000x128xf32, #tpu.memory_space<hbm>>, %arg5: memref<40xi32, #tpu.memory_space<vmem>>, %arg6: memref<40xi32, #tpu.memory_space<vmem>>, %arg7: memref<40xi32, #tpu.memory_space<vmem>>, %arg8: memref<40xi32, #tpu.memory_space<vmem>>, %arg9: memref<40xi32, #tpu.memory_space<vmem>>, %arg10: memref<5x40x128xf32, #tpu.memory_space<vmem>>, %arg11: memref<16x128xf32, #tpu.memory_space<vmem>>, %arg12: memref<10000x128xf32, #tpu.memory_space<vmem_shared>>, %arg13: memref<!tpu.dma_semaphore, #tpu.memory_space<semaphore_mem>>, %arg14: memref<!tpu.dma_semaphore, #tpu.memory_space<semaphore_mem>>, %arg15: memref<!tpu.dma_semaphore, #tpu.memory_space<semaphore_mem>>) attributes {dimension_semantics = [#tpu.dimension_semantics<core_parallel>, #tpu.dimension_semantics<subcore_parallel>], iteration_bounds = array<i64: 2, 16>, scalar_prefetch = 0 : i64, scratch_operands = 11 : i64, tpu.core_type = #tpu.core_type<sc_vector_subcore>, window_params = [{transform_indices = #map}, {transform_indices = #map1}, {transform_indices = #map2}]} {
    %mul3A = arith.constant 2 : i32
    %mul3A_0 = arith.muli %arg1, %mul3A : i32
    %add3A = arith.addi %mul3A_0, %arg0 : i32
    %mul3A_1 = arith.constant 5000 : i32
    %mul3A_2 = arith.muli %add3A, %mul3A_1 : i32
    %broadcast_in_dim3A = arith.constant 0.000000e+00 : f32
    %broadcast_in_dim3A_3 = vector.broadcast %broadcast_in_dim3A : f32 to vector<16xf32>
    %scan3A = arith.constant 0 : i32
    %scan3A_4 = arith.constant 0 : i32
    %scan3A_5 = arith.constant 128 : i32
    %scan3A_6 = arith.addi %scan3A_4, %scan3A_5 : i32
    %scan3A_7 = arith.constant 1 : i32
    scf.for %scan3A_28 = %scan3A_4 to %scan3A_6 step %scan3A_7  : i32 {
      %jit3A = arith.constant 8 : i32
      %div3A = arith.divsi %scan3A_28, %jit3A : i32
      %sign3A = arith.constant 0 : i32
      %sign3A_29 = arith.cmpi sgt, %scan3A_28, %sign3A : i32
      %sign3A_30 = arith.extui %sign3A_29 : i1 to i32
      %sign3A_31 = arith.constant 0 : i32
      %sign3A_32 = arith.cmpi slt, %scan3A_28, %sign3A_31 : i32
      %sign3A_33 = arith.extui %sign3A_32 : i1 to i32
      %sign3A_34 = arith.subi %sign3A_30, %sign3A_33 : i32
      %sign3A_35 = arith.constant 0 : i32
      %sign3A_36 = arith.cmpi sgt, %jit3A, %sign3A_35 : i32
      %sign3A_37 = arith.extui %sign3A_36 : i1 to i32
      %sign3A_38 = arith.constant 0 : i32
      %sign3A_39 = arith.cmpi slt, %jit3A, %sign3A_38 : i32
      %sign3A_40 = arith.extui %sign3A_39 : i1 to i32
      %sign3A_41 = arith.subi %sign3A_37, %sign3A_40 : i32
      %ne3A = arith.cmpi ne, %sign3A_34, %sign3A_41 : i32
      %rem3A = arith.remsi %scan3A_28, %jit3A : i32
      %ne3A_42 = arith.constant 0 : i32
      %ne3A_43 = arith.cmpi ne, %rem3A, %ne3A_42 : i32
      %and3A = arith.andi %ne3A, %ne3A_43 : i1
      %sub3A = arith.constant 1 : i32
      %sub3A_44 = arith.subi %div3A, %sub3A : i32
      %select_n3A = arith.select %and3A, %sub3A_44, %div3A : i32
      %jit3A_45 = arith.constant 8 : i32
      %eq3A = arith.constant 0 : i32
      %eq3A_46 = arith.cmpi eq, %jit3A_45, %eq3A : i32
      %jit3A_47 = arith.constant 1 : i32
      %select_n3A_48 = arith.select %eq3A_46, %jit3A_47, %jit3A_45 : i32
      %rem3A_49 = arith.remsi %scan3A_28, %select_n3A_48 : i32
      %ne3A_50 = arith.constant 0 : i32
      %ne3A_51 = arith.cmpi ne, %rem3A_49, %ne3A_50 : i32
      %lt3A = arith.constant 0 : i32
      %lt3A_52 = arith.cmpi slt, %rem3A_49, %lt3A : i32
      %lt3A_53 = arith.constant 0 : i32
      %lt3A_54 = arith.cmpi slt, %select_n3A_48, %lt3A_53 : i32
      %ne3A_55 = arith.xori %lt3A_52, %lt3A_54 : i1
      %and3A_56 = arith.andi %ne3A_55, %ne3A_51 : i1
      %add3A_57 = arith.addi %rem3A_49, %select_n3A_48 : i32
      %select_n3A_58 = arith.select %and3A_56, %add3A_57, %rem3A_49 : i32
      %mul3A_59 = arith.constant 16 : i32
      %mul3A_60 = arith.muli %select_n3A_58, %mul3A_59 : i32
      %swap3A = arith.index_cast %select_n3A : i32 to index
      %swap3A_61 = arith.index_cast %mul3A_60 : i32 to index
      %swap3A_62 = tpu.vector_load %arg11[%swap3A, %swap3A_61] {strides = array<i32>} : memref<16x128xf32, #tpu.memory_space<vmem>>, vector<1x16xf32>,
      %swap3A_63 = vector.shape_cast %swap3A_62 : vector<1x16xf32> to vector<16xf32>
      %swap3A_64 = vector.shape_cast %broadcast_in_dim3A_3 : vector<16xf32> to vector<1x16xf32>
      tpu.vector_store %arg11[%swap3A, %swap3A_61], %swap3A_64 {strides = array<i32>} : memref<16x128xf32, #tpu.memory_space<vmem>>, vector<1x16xf32>,
    }
    %scan3A_8 = arith.constant 128 : i32
    %scan3A_9 = arith.constant 0 : i32
    %scan3A_10 = arith.constant 0 : i32
    %scan3A_11 = arith.constant 40 : i32
    %scan3A_12 = arith.addi %scan3A_10, %scan3A_11 : i32
    %scan3A_13 = arith.constant 1 : i32
    scf.for %scan3A_28 = %scan3A_10 to %scan3A_12 step %scan3A_13  : i32 {
      %mul3A_29 = arith.constant 16 : i32
      %mul3A_30 = arith.muli %scan3A_28, %mul3A_29 : i32
      %add3A_31 = arith.addi %mul3A_30, %arg1 : i32
      %lt3A = arith.constant 625 : i32
      %lt3A_32 = arith.cmpi slt, %add3A_31, %lt3A : i32
      %convert_element_type3A = arith.extui %lt3A_32 : i1 to i32
      %cond3A = arith.constant 0 : i32
      %cond3A_33 = arith.cmpi ne, %convert_element_type3A, %cond3A : i32
      scf.if %cond3A_33 {
        %mul3A_34 = arith.constant 16 : i32
        %mul3A_35 = arith.muli %add3A_31, %mul3A_34 : i32
        "tpu.region"() ({
          %run_scoped3A = tpu.sem_alloc : memref<!tpu.dma_semaphore, #tpu.memory_space<semaphore_mem>>
          %dma_start3A = arith.constant 0 : i32
          %dma_start3A_36 = tpu.memref_slice %arg12[%mul3A_35, %dma_start3A] : memref<10000x128xf32, #tpu.memory_space<vmem_shared>> -> memref<16x128xf32, #tpu.memory_space<vmem_shared>>
          %dma_start3A_37 = arith.constant 0 : i32
          %dma_start3A_38 = tpu.memref_slice %arg12[%mul3A_35, %dma_start3A_37] : memref<10000x128xf32, #tpu.memory_space<vmem_shared>> -> memref<16x128xf32, #tpu.memory_space<vmem_shared>>
          tpu.enqueue_dma source(%arg11 : memref<16x128xf32, #tpu.memory_space<vmem>>) target(%dma_start3A_38 : memref<16x128xf32, #tpu.memory_space<vmem_shared>>) target_semaphore(%run_scoped3A : memref<!tpu.dma_semaphore, #tpu.memory_space<semaphore_mem>>)
          %dma_wait3A = arith.constant 0 : i32
          %dma_wait3A_39 = tpu.memref_slice %arg12[%mul3A_35, %dma_wait3A] : memref<10000x128xf32, #tpu.memory_space<vmem_shared>> -> memref<16x128xf32, #tpu.memory_space<vmem_shared>>
          %dma_wait3A_40 = arith.constant 0 : i32
          %dma_wait3A_41 = tpu.memref_slice %arg12[%mul3A_35, %dma_wait3A_40] : memref<10000x128xf32, #tpu.memory_space<vmem_shared>> -> memref<16x128xf32, #tpu.memory_space<vmem_shared>>
          tpu.wait_dma2 semaphore(%run_scoped3A : memref<!tpu.dma_semaphore, #tpu.memory_space<semaphore_mem>>) src(%arg11 : memref<16x128xf32, #tpu.memory_space<vmem>>) dst(%dma_wait3A_41 : memref<16x128xf32, #tpu.memory_space<vmem_shared>>)
          tpu.yield
        }) : () -> ()
      } else {
      }
    }
    %scan3A_14 = arith.constant 40 : i32
    %barrier3A = arith.constant 0 : index
    tpu.barrier barrier_id(%barrier3A)
    %scan3A_15 = arith.constant 0 : i32
    %scan3A_16 = arith.constant 0 : i32
    %scan3A_17 = arith.constant 25 : i32
    %scan3A_18 = arith.addi %scan3A_16, %scan3A_17 : i32
    %scan3A_19 = arith.constant 1 : i32
    scf.for %scan3A_28 = %scan3A_16 to %scan3A_18 step %scan3A_19  : i32 {
      %mul3A_29 = arith.constant 5 : i32
      %mul3A_30 = arith.muli %scan3A_28, %mul3A_29 : i32
      %add3A_31 = arith.constant 0 : i32
      %add3A_32 = arith.addi %add3A_31, %mul3A_2 : i32
      %add3A_33 = arith.constant 0 : i32
      %add3A_34 = arith.addi %mul3A_30, %add3A_33 : i32
      %mul3A_35 = arith.constant 40 : i32
      %mul3A_36 = arith.muli %add3A_34, %mul3A_35 : i32
      %add3A_37 = arith.addi %add3A_32, %mul3A_36 : i32
      %dma_start3A = tpu.memref_slice %arg3[%add3A_37] : memref<320000xi32, #tpu.memory_space<hbm>> -> memref<40xi32, #tpu.memory_space<hbm>>
      %dma_start3A_38 = tpu.memref_slice %arg3[%add3A_37] : memref<320000xi32, #tpu.memory_space<hbm>> -> memref<40xi32, #tpu.memory_space<hbm>>
      tpu.enqueue_dma source(%dma_start3A_38 : memref<40xi32, #tpu.memory_space<hbm>>) target(%arg5 : memref<40xi32, #tpu.memory_space<vmem>>) target_semaphore(%arg13 : memref<!tpu.dma_semaphore, #tpu.memory_space<semaphore_mem>>)
      %add3A_39 = arith.constant 0 : i32
      %add3A_40 = arith.addi %add3A_39, %mul3A_2 : i32
      %add3A_41 = arith.constant 1 : i32
      %add3A_42 = arith.addi %mul3A_30, %add3A_41 : i32
      %mul3A_43 = arith.constant 40 : i32
      %mul3A_44 = arith.muli %add3A_42, %mul3A_43 : i32
      %add3A_45 = arith.addi %add3A_40, %mul3A_44 : i32
      %dma_start3A_46 = tpu.memref_slice %arg3[%add3A_45] : memref<320000xi32, #tpu.memory_space<hbm>> -> memref<40xi32, #tpu.memory_space<hbm>>
      %dma_start3A_47 = tpu.memref_slice %arg3[%add3A_45] : memref<320000xi32, #tpu.memory_space<hbm>> -> memref<40xi32, #tpu.memory_space<hbm>>
      tpu.enqueue_dma source(%dma_start3A_47 : memref<40xi32, #tpu.memory_space<hbm>>) target(%arg6 : memref<40xi32, #tpu.memory_space<vmem>>) target_semaphore(%arg13 : memref<!tpu.dma_semaphore, #tpu.memory_space<semaphore_mem>>)
      %add3A_48 = arith.constant 0 : i32
      %add3A_49 = arith.addi %add3A_48, %mul3A_2 : i32
      %add3A_50 = arith.constant 2 : i32
      %add3A_51 = arith.addi %mul3A_30, %add3A_50 : i32
      %mul3A_52 = arith.constant 40 : i32
      %mul3A_53 = arith.muli %add3A_51, %mul3A_52 : i32
      %add3A_54 = arith.addi %add3A_49, %mul3A_53 : i32
      %dma_start3A_55 = tpu.memref_slice %arg3[%add3A_54] : memref<320000xi32, #tpu.memory_space<hbm>> -> memref<40xi32, #tpu.memory_space<hbm>>
      %dma_start3A_56 = tpu.memref_slice %arg3[%add3A_54] : memref<320000xi32, #tpu.memory_space<hbm>> -> memref<40xi32, #tpu.memory_space<hbm>>
      tpu.enqueue_dma source(%dma_start3A_56 : memref<40xi32, #tpu.memory_space<hbm>>) target(%arg7 : memref<40xi32, #tpu.memory_space<vmem>>) target_semaphore(%arg13 : memref<!tpu.dma_semaphore, #tpu.memory_space<semaphore_mem>>)
      %add3A_57 = arith.constant 0 : i32
      %add3A_58 = arith.addi %add3A_57, %mul3A_2 : i32
      %add3A_59 = arith.constant 3 : i32
      %add3A_60 = arith.addi %mul3A_30, %add3A_59 : i32
      %mul3A_61 = arith.constant 40 : i32
      %mul3A_62 = arith.muli %add3A_60, %mul3A_61 : i32
      %add3A_63 = arith.addi %add3A_58, %mul3A_62 : i32
      %dma_start3A_64 = tpu.memref_slice %arg3[%add3A_63] : memref<320000xi32, #tpu.memory_space<hbm>> -> memref<40xi32, #tpu.memory_space<hbm>>
      %dma_start3A_65 = tpu.memref_slice %arg3[%add3A_63] : memref<320000xi32, #tpu.memory_space<hbm>> -> memref<40xi32, #tpu.memory_space<hbm>>
      tpu.enqueue_dma source(%dma_start3A_65 : memref<40xi32, #tpu.memory_space<hbm>>) target(%arg8 : memref<40xi32, #tpu.memory_space<vmem>>) target_semaphore(%arg13 : memref<!tpu.dma_semaphore, #tpu.memory_space<semaphore_mem>>)
      %add3A_66 = arith.constant 0 : i32
      %add3A_67 = arith.addi %add3A_66, %mul3A_2 : i32
      %add3A_68 = arith.constant 4 : i32
      %add3A_69 = arith.addi %mul3A_30, %add3A_68 : i32
      %mul3A_70 = arith.constant 40 : i32
      %mul3A_71 = arith.muli %add3A_69, %mul3A_70 : i32
      %add3A_72 = arith.addi %add3A_67, %mul3A_71 : i32
      %dma_start3A_73 = tpu.memref_slice %arg3[%add3A_72] : memref<320000xi32, #tpu.memory_space<hbm>> -> memref<40xi32, #tpu.memory_space<hbm>>
      %dma_start3A_74 = tpu.memref_slice %arg3[%add3A_72] : memref<320000xi32, #tpu.memory_space<hbm>> -> memref<40xi32, #tpu.memory_space<hbm>>
      tpu.enqueue_dma source(%dma_start3A_74 : memref<40xi32, #tpu.memory_space<hbm>>) target(%arg9 : memref<40xi32, #tpu.memory_space<vmem>>) target_semaphore(%arg13 : memref<!tpu.dma_semaphore, #tpu.memory_space<semaphore_mem>>)
      %add3A_75 = arith.constant 0 : i32
      %add3A_76 = arith.addi %mul3A_30, %add3A_75 : i32
      %mul3A_77 = arith.constant 40 : i32
      %mul3A_78 = arith.muli %add3A_76, %mul3A_77 : i32
      %add3A_79 = arith.addi %mul3A_2, %mul3A_78 : i32
      %dma_start3A_80 = arith.constant 0 : i32
      %dma_start3A_81 = arith.constant 0 : i32
      %dma_start3A_82 = arith.constant 0 : i32
      %dma_start3A_83 = tpu.memref_slice %arg10[%dma_start3A_80, %dma_start3A_81, %dma_start3A_82] : memref<5x40x128xf32, #tpu.memory_space<vmem>> -> memref<1x40x128xf32, #tpu.memory_space<vmem>>
      %dma_start3A_84 = tpu.memref_squeeze %dma_start3A_83 : memref<1x40x128xf32, #tpu.memory_space<vmem>> -> memref<40x128xf32, #tpu.memory_space<vmem>>
      %dma_start3A_85 = arith.constant 0 : i32
      %dma_start3A_86 = tpu.memref_slice %arg2[%add3A_79, %dma_start3A_85] : memref<160000x128xf32, #tpu.memory_space<hbm>> -> memref<40x128xf32, #tpu.memory_space<hbm>>
      %dma_start3A_87 = arith.constant 0 : i32
      %dma_start3A_88 = arith.constant 0 : i32
      %dma_start3A_89 = tpu.memref_slice %arg10[%dma_start3A_80, %dma_start3A_87, %dma_start3A_88] : memref<5x40x128xf32, #tpu.memory_space<vmem>> -> memref<1x40x128xf32, #tpu.memory_space<vmem>>
      %dma_start3A_90 = tpu.memref_squeeze %dma_start3A_89 : memref<1x40x128xf32, #tpu.memory_space<vmem>> -> memref<40x128xf32, #tpu.memory_space<vmem>>
      %dma_start3A_91 = arith.constant 0 : i32
      %dma_start3A_92 = tpu.memref_slice %arg2[%add3A_79, %dma_start3A_91] : memref<160000x128xf32, #tpu.memory_space<hbm>> -> memref<40x128xf32, #tpu.memory_space<hbm>>
      tpu.enqueue_dma source(%dma_start3A_92 : memref<40x128xf32, #tpu.memory_space<hbm>>) target(%dma_start3A_90 : memref<40x128xf32, #tpu.memory_space<vmem>>) target_semaphore(%arg14 : memref<!tpu.dma_semaphore, #tpu.memory_space<semaphore_mem>>)
      %add3A_93 = arith.constant 1 : i32
      %add3A_94 = arith.addi %mul3A_30, %add3A_93 : i32
      %mul3A_95 = arith.constant 40 : i32
      %mul3A_96 = arith.muli %add3A_94, %mul3A_95 : i32
      %add3A_97 = arith.addi %mul3A_2, %mul3A_96 : i32
      %dma_start3A_98 = arith.constant 1 : i32
      %dma_start3A_99 = arith.constant 0 : i32
      %dma_start3A_100 = arith.constant 0 : i32
      %dma_start3A_101 = tpu.memref_slice %arg10[%dma_start3A_98, %dma_start3A_99, %dma_start3A_100] : memref<5x40x128xf32, #tpu.memory_space<vmem>> -> memref<1x40x128xf32, #tpu.memory_space<vmem>>
      %dma_start3A_102 = tpu.memref_squeeze %dma_start3A_101 : memref<1x40x128xf32, #tpu.memory_space<vmem>> -> memref<40x128xf32, #tpu.memory_space<vmem>>
      %dma_start3A_103 = arith.constant 0 : i32
      %dma_start3A_104 = tpu.memref_slice %arg2[%add3A_97, %dma_start3A_103] : memref<160000x128xf32, #tpu.memory_space<hbm>> -> memref<40x128xf32, #tpu.memory_space<hbm>>
      %dma_start3A_105 = arith.constant 0 : i32
      %dma_start3A_106 = arith.constant 0 : i32
      %dma_start3A_107 = tpu.memref_slice %arg10[%dma_start3A_98, %dma_start3A_105, %dma_start3A_106] : memref<5x40x128xf32, #tpu.memory_space<vmem>> -> memref<1x40x128xf32, #tpu.memory_space<vmem>>
      %dma_start3A_108 = tpu.memref_squeeze %dma_start3A_107 : memref<1x40x128xf32, #tpu.memory_space<vmem>> -> memref<40x128xf32, #tpu.memory_space<vmem>>
      %dma_start3A_109 = arith.constant 0 : i32
      %dma_start3A_110 = tpu.memref_slice %arg2[%add3A_97, %dma_start3A_109] : memref<160000x128xf32, #tpu.memory_space<hbm>> -> memref<40x128xf32, #tpu.memory_space<hbm>>
      tpu.enqueue_dma source(%dma_start3A_110 : memref<40x128xf32, #tpu.memory_space<hbm>>) target(%dma_start3A_108 : memref<40x128xf32, #tpu.memory_space<vmem>>) target_semaphore(%arg14 : memref<!tpu.dma_semaphore, #tpu.memory_space<semaphore_mem>>)
      %add3A_111 = arith.constant 2 : i32
      %add3A_112 = arith.addi %mul3A_30, %add3A_111 : i32
      %mul3A_113 = arith.constant 40 : i32
      %mul3A_114 = arith.muli %add3A_112, %mul3A_113 : i32
      %add3A_115 = arith.addi %mul3A_2, %mul3A_114 : i32
      %dma_start3A_116 = arith.constant 2 : i32
      %dma_start3A_117 = arith.constant 0 : i32
      %dma_start3A_118 = arith.constant 0 : i32
      %dma_start3A_119 = tpu.memref_slice %arg10[%dma_start3A_116, %dma_start3A_117, %dma_start3A_118] : memref<5x40x128xf32, #tpu.memory_space<vmem>> -> memref<1x40x128xf32, #tpu.memory_space<vmem>>
      %dma_start3A_120 = tpu.memref_squeeze %dma_start3A_119 : memref<1x40x128xf32, #tpu.memory_space<vmem>> -> memref<40x128xf32, #tpu.memory_space<vmem>>
      %dma_start3A_121 = arith.constant 0 : i32
      %dma_start3A_122 = tpu.memref_slice %arg2[%add3A_115, %dma_start3A_121] : memref<160000x128xf32, #tpu.memory_space<hbm>> -> memref<40x128xf32, #tpu.memory_space<hbm>>
      %dma_start3A_123 = arith.constant 0 : i32
      %dma_start3A_124 = arith.constant 0 : i32
      %dma_start3A_125 = tpu.memref_slice %arg10[%dma_start3A_116, %dma_start3A_123, %dma_start3A_124] : memref<5x40x128xf32, #tpu.memory_space<vmem>> -> memref<1x40x128xf32, #tpu.memory_space<vmem>>
      %dma_start3A_126 = tpu.memref_squeeze %dma_start3A_125 : memref<1x40x128xf32, #tpu.memory_space<vmem>> -> memref<40x128xf32, #tpu.memory_space<vmem>>
      %dma_start3A_127 = arith.constant 0 : i32
      %dma_start3A_128 = tpu.memref_slice %arg2[%add3A_115, %dma_start3A_127] : memref<160000x128xf32, #tpu.memory_space<hbm>> -> memref<40x128xf32, #tpu.memory_space<hbm>>
      tpu.enqueue_dma source(%dma_start3A_128 : memref<40x128xf32, #tpu.memory_space<hbm>>) target(%dma_start3A_126 : memref<40x128xf32, #tpu.memory_space<vmem>>) target_semaphore(%arg14 : memref<!tpu.dma_semaphore, #tpu.memory_space<semaphore_mem>>)
      %add3A_129 = arith.constant 3 : i32
      %add3A_130 = arith.addi %mul3A_30, %add3A_129 : i32
      %mul3A_131 = arith.constant 40 : i32
      %mul3A_132 = arith.muli %add3A_130, %mul3A_131 : i32
      %add3A_133 = arith.addi %mul3A_2, %mul3A_132 : i32
      %dma_start3A_134 = arith.constant 3 : i32
      %dma_start3A_135 = arith.constant 0 : i32
      %dma_start3A_136 = arith.constant 0 : i32
      %dma_start3A_137 = tpu.memref_slice %arg10[%dma_start3A_134, %dma_start3A_135, %dma_start3A_136] : memref<5x40x128xf32, #tpu.memory_space<vmem>> -> memref<1x40x128xf32, #tpu.memory_space<vmem>>
      %dma_start3A_138 = tpu.memref_squeeze %dma_start3A_137 : memref<1x40x128xf32, #tpu.memory_space<vmem>> -> memref<40x128xf32, #tpu.memory_space<vmem>>
      %dma_start3A_139 = arith.constant 0 : i32
      %dma_start3A_140 = tpu.memref_slice %arg2[%add3A_133, %dma_start3A_139] : memref<160000x128xf32, #tpu.memory_space<hbm>> -> memref<40x128xf32, #tpu.memory_space<hbm>>
      %dma_start3A_141 = arith.constant 0 : i32
      %dma_start3A_142 = arith.constant 0 : i32
      %dma_start3A_143 = tpu.memref_slice %arg10[%dma_start3A_134, %dma_start3A_141, %dma_start3A_142] : memref<5x40x128xf32, #tpu.memory_space<vmem>> -> memref<1x40x128xf32, #tpu.memory_space<vmem>>
      %dma_start3A_144 = tpu.memref_squeeze %dma_start3A_143 : memref<1x40x128xf32, #tpu.memory_space<vmem>> -> memref<40x128xf32, #tpu.memory_space<vmem>>
      %dma_start3A_145 = arith.constant 0 : i32
      %dma_start3A_146 = tpu.memref_slice %arg2[%add3A_133, %dma_start3A_145] : memref<160000x128xf32, #tpu.memory_space<hbm>> -> memref<40x128xf32, #tpu.memory_space<hbm>>
      tpu.enqueue_dma source(%dma_start3A_146 : memref<40x128xf32, #tpu.memory_space<hbm>>) target(%dma_start3A_144 : memref<40x128xf32, #tpu.memory_space<vmem>>) target_semaphore(%arg14 : memref<!tpu.dma_semaphore, #tpu.memory_space<semaphore_mem>>)
      %add3A_147 = arith.constant 4 : i32
      %add3A_148 = arith.addi %mul3A_30, %add3A_147 : i32
      %mul3A_149 = arith.constant 40 : i32
      %mul3A_150 = arith.muli %add3A_148, %mul3A_149 : i32
      %add3A_151 = arith.addi %mul3A_2, %mul3A_150 : i32
      %dma_start3A_152 = arith.constant 4 : i32
      %dma_start3A_153 = arith.constant 0 : i32
      %dma_start3A_154 = arith.constant 0 : i32
      %dma_start3A_155 = tpu.memref_slice %arg10[%dma_start3A_152, %dma_start3A_153, %dma_start3A_154] : memref<5x40x128xf32, #tpu.memory_space<vmem>> -> memref<1x40x128xf32, #tpu.memory_space<vmem>>
      %dma_start3A_156 = tpu.memref_squeeze %dma_start3A_155 : memref<1x40x128xf32, #tpu.memory_space<vmem>> -> memref<40x128xf32, #tpu.memory_space<vmem>>
      %dma_start3A_157 = arith.constant 0 : i32
      %dma_start3A_158 = tpu.memref_slice %arg2[%add3A_151, %dma_start3A_157] : memref<160000x128xf32, #tpu.memory_space<hbm>> -> memref<40x128xf32, #tpu.memory_space<hbm>>
      %dma_start3A_159 = arith.constant 0 : i32
      %dma_start3A_160 = arith.constant 0 : i32
      %dma_start3A_161 = tpu.memref_slice %arg10[%dma_start3A_152, %dma_start3A_159, %dma_start3A_160] : memref<5x40x128xf32, #tpu.memory_space<vmem>> -> memref<1x40x128xf32, #tpu.memory_space<vmem>>
      %dma_start3A_162 = tpu.memref_squeeze %dma_start3A_161 : memref<1x40x128xf32, #tpu.memory_space<vmem>> -> memref<40x128xf32, #tpu.memory_space<vmem>>
      %dma_start3A_163 = arith.constant 0 : i32
      %dma_start3A_164 = tpu.memref_slice %arg2[%add3A_151, %dma_start3A_163] : memref<160000x128xf32, #tpu.memory_space<hbm>> -> memref<40x128xf32, #tpu.memory_space<hbm>>
      tpu.enqueue_dma source(%dma_start3A_164 : memref<40x128xf32, #tpu.memory_space<hbm>>) target(%dma_start3A_162 : memref<40x128xf32, #tpu.memory_space<vmem>>) target_semaphore(%arg14 : memref<!tpu.dma_semaphore, #tpu.memory_space<semaphore_mem>>)
      %dma_wait3A = tpu.memref_slice %arg3[%add3A_37] : memref<320000xi32, #tpu.memory_space<hbm>> -> memref<40xi32, #tpu.memory_space<hbm>>
      %dma_wait3A_165 = tpu.memref_slice %arg3[%add3A_37] : memref<320000xi32, #tpu.memory_space<hbm>> -> memref<40xi32, #tpu.memory_space<hbm>>
      tpu.wait_dma2 semaphore(%arg13 : memref<!tpu.dma_semaphore, #tpu.memory_space<semaphore_mem>>) src(%dma_wait3A_165 : memref<40xi32, #tpu.memory_space<hbm>>) dst(%arg5 : memref<40xi32, #tpu.memory_space<vmem>>)
      %dma_wait3A_166 = arith.constant 0 : i32
      %dma_wait3A_167 = arith.constant 0 : i32
      %dma_wait3A_168 = arith.constant 0 : i32
      %dma_wait3A_169 = tpu.memref_slice %arg10[%dma_wait3A_166, %dma_wait3A_167, %dma_wait3A_168] : memref<5x40x128xf32, #tpu.memory_space<vmem>> -> memref<1x40x128xf32, #tpu.memory_space<vmem>>
      %dma_wait3A_170 = tpu.memref_squeeze %dma_wait3A_169 : memref<1x40x128xf32, #tpu.memory_space<vmem>> -> memref<40x128xf32, #tpu.memory_space<vmem>>
      %dma_wait3A_171 = arith.constant 0 : i32
      %dma_wait3A_172 = tpu.memref_slice %arg2[%add3A_79, %dma_wait3A_171] : memref<160000x128xf32, #tpu.memory_space<hbm>> -> memref<40x128xf32, #tpu.memory_space<hbm>>
      %dma_wait3A_173 = arith.constant 0 : i32
      %dma_wait3A_174 = arith.constant 0 : i32
      %dma_wait3A_175 = tpu.memref_slice %arg10[%dma_wait3A_166, %dma_wait3A_173, %dma_wait3A_174] : memref<5x40x128xf32, #tpu.memory_space<vmem>> -> memref<1x40x128xf32, #tpu.memory_space<vmem>>
      %dma_wait3A_176 = tpu.memref_squeeze %dma_wait3A_175 : memref<1x40x128xf32, #tpu.memory_space<vmem>> -> memref<40x128xf32, #tpu.memory_space<vmem>>
      %dma_wait3A_177 = arith.constant 0 : i32
      %dma_wait3A_178 = tpu.memref_slice %arg2[%add3A_79, %dma_wait3A_177] : memref<160000x128xf32, #tpu.memory_space<hbm>> -> memref<40x128xf32, #tpu.memory_space<hbm>>
      tpu.wait_dma2 semaphore(%arg14 : memref<!tpu.dma_semaphore, #tpu.memory_space<semaphore_mem>>) src(%dma_wait3A_178 : memref<40x128xf32, #tpu.memory_space<hbm>>) dst(%dma_wait3A_176 : memref<40x128xf32, #tpu.memory_space<vmem>>)
      %dma_wait3A_179 = tpu.memref_slice %arg3[%add3A_45] : memref<320000xi32, #tpu.memory_space<hbm>> -> memref<40xi32, #tpu.memory_space<hbm>>
      %dma_wait3A_180 = tpu.memref_slice %arg3[%add3A_45] : memref<320000xi32, #tpu.memory_space<hbm>> -> memref<40xi32, #tpu.memory_space<hbm>>
      tpu.wait_dma2 semaphore(%arg13 : memref<!tpu.dma_semaphore, #tpu.memory_space<semaphore_mem>>) src(%dma_wait3A_180 : memref<40xi32, #tpu.memory_space<hbm>>) dst(%arg6 : memref<40xi32, #tpu.memory_space<vmem>>)
      %dma_wait3A_181 = arith.constant 1 : i32
      %dma_wait3A_182 = arith.constant 0 : i32
      %dma_wait3A_183 = arith.constant 0 : i32
      %dma_wait3A_184 = tpu.memref_slice %arg10[%dma_wait3A_181, %dma_wait3A_182, %dma_wait3A_183] : memref<5x40x128xf32, #tpu.memory_space<vmem>> -> memref<1x40x128xf32, #tpu.memory_space<vmem>>
      %dma_wait3A_185 = tpu.memref_squeeze %dma_wait3A_184 : memref<1x40x128xf32, #tpu.memory_space<vmem>> -> memref<40x128xf32, #tpu.memory_space<vmem>>
      %dma_wait3A_186 = arith.constant 0 : i32
      %dma_wait3A_187 = tpu.memref_slice %arg2[%add3A_97, %dma_wait3A_186] : memref<160000x128xf32, #tpu.memory_space<hbm>> -> memref<40x128xf32, #tpu.memory_space<hbm>>
      %dma_wait3A_188 = arith.constant 0 : i32
      %dma_wait3A_189 = arith.constant 0 : i32
      %dma_wait3A_190 = tpu.memref_slice %arg10[%dma_wait3A_181, %dma_wait3A_188, %dma_wait3A_189] : memref<5x40x128xf32, #tpu.memory_space<vmem>> -> memref<1x40x128xf32, #tpu.memory_space<vmem>>
      %dma_wait3A_191 = tpu.memref_squeeze %dma_wait3A_190 : memref<1x40x128xf32, #tpu.memory_space<vmem>> -> memref<40x128xf32, #tpu.memory_space<vmem>>
      %dma_wait3A_192 = arith.constant 0 : i32
      %dma_wait3A_193 = tpu.memref_slice %arg2[%add3A_97, %dma_wait3A_192] : memref<160000x128xf32, #tpu.memory_space<hbm>> -> memref<40x128xf32, #tpu.memory_space<hbm>>
      tpu.wait_dma2 semaphore(%arg14 : memref<!tpu.dma_semaphore, #tpu.memory_space<semaphore_mem>>) src(%dma_wait3A_193 : memref<40x128xf32, #tpu.memory_space<hbm>>) dst(%dma_wait3A_191 : memref<40x128xf32, #tpu.memory_space<vmem>>)
      %dma_wait3A_194 = tpu.memref_slice %arg3[%add3A_54] : memref<320000xi32, #tpu.memory_space<hbm>> -> memref<40xi32, #tpu.memory_space<hbm>>
      %dma_wait3A_195 = tpu.memref_slice %arg3[%add3A_54] : memref<320000xi32, #tpu.memory_space<hbm>> -> memref<40xi32, #tpu.memory_space<hbm>>
      tpu.wait_dma2 semaphore(%arg13 : memref<!tpu.dma_semaphore, #tpu.memory_space<semaphore_mem>>) src(%dma_wait3A_195 : memref<40xi32, #tpu.memory_space<hbm>>) dst(%arg7 : memref<40xi32, #tpu.memory_space<vmem>>)
      %dma_wait3A_196 = arith.constant 2 : i32
      %dma_wait3A_197 = arith.constant 0 : i32
      %dma_wait3A_198 = arith.constant 0 : i32
      %dma_wait3A_199 = tpu.memref_slice %arg10[%dma_wait3A_196, %dma_wait3A_197, %dma_wait3A_198] : memref<5x40x128xf32, #tpu.memory_space<vmem>> -> memref<1x40x128xf32, #tpu.memory_space<vmem>>
      %dma_wait3A_200 = tpu.memref_squeeze %dma_wait3A_199 : memref<1x40x128xf32, #tpu.memory_space<vmem>> -> memref<40x128xf32, #tpu.memory_space<vmem>>
      %dma_wait3A_201 = arith.constant 0 : i32
      %dma_wait3A_202 = tpu.memref_slice %arg2[%add3A_115, %dma_wait3A_201] : memref<160000x128xf32, #tpu.memory_space<hbm>> -> memref<40x128xf32, #tpu.memory_space<hbm>>
      %dma_wait3A_203 = arith.constant 0 : i32
      %dma_wait3A_204 = arith.constant 0 : i32
      %dma_wait3A_205 = tpu.memref_slice %arg10[%dma_wait3A_196, %dma_wait3A_203, %dma_wait3A_204] : memref<5x40x128xf32, #tpu.memory_space<vmem>> -> memref<1x40x128xf32, #tpu.memory_space<vmem>>
      %dma_wait3A_206 = tpu.memref_squeeze %dma_wait3A_205 : memref<1x40x128xf32, #tpu.memory_space<vmem>> -> memref<40x128xf32, #tpu.memory_space<vmem>>
      %dma_wait3A_207 = arith.constant 0 : i32
      %dma_wait3A_208 = tpu.memref_slice %arg2[%add3A_115, %dma_wait3A_207] : memref<160000x128xf32, #tpu.memory_space<hbm>> -> memref<40x128xf32, #tpu.memory_space<hbm>>
      tpu.wait_dma2 semaphore(%arg14 : memref<!tpu.dma_semaphore, #tpu.memory_space<semaphore_mem>>) src(%dma_wait3A_208 : memref<40x128xf32, #tpu.memory_space<hbm>>) dst(%dma_wait3A_206 : memref<40x128xf32, #tpu.memory_space<vmem>>)
      %dma_wait3A_209 = tpu.memref_slice %arg3[%add3A_63] : memref<320000xi32, #tpu.memory_space<hbm>> -> memref<40xi32, #tpu.memory_space<hbm>>
      %dma_wait3A_210 = tpu.memref_slice %arg3[%add3A_63] : memref<320000xi32, #tpu.memory_space<hbm>> -> memref<40xi32, #tpu.memory_space<hbm>>
      tpu.wait_dma2 semaphore(%arg13 : memref<!tpu.dma_semaphore, #tpu.memory_space<semaphore_mem>>) src(%dma_wait3A_210 : memref<40xi32, #tpu.memory_space<hbm>>) dst(%arg8 : memref<40xi32, #tpu.memory_space<vmem>>)
      %dma_wait3A_211 = arith.constant 3 : i32
      %dma_wait3A_212 = arith.constant 0 : i32
      %dma_wait3A_213 = arith.constant 0 : i32
      %dma_wait3A_214 = tpu.memref_slice %arg10[%dma_wait3A_211, %dma_wait3A_212, %dma_wait3A_213] : memref<5x40x128xf32, #tpu.memory_space<vmem>> -> memref<1x40x128xf32, #tpu.memory_space<vmem>>
      %dma_wait3A_215 = tpu.memref_squeeze %dma_wait3A_214 : memref<1x40x128xf32, #tpu.memory_space<vmem>> -> memref<40x128xf32, #tpu.memory_space<vmem>>
      %dma_wait3A_216 = arith.constant 0 : i32
      %dma_wait3A_217 = tpu.memref_slice %arg2[%add3A_133, %dma_wait3A_216] : memref<160000x128xf32, #tpu.memory_space<hbm>> -> memref<40x128xf32, #tpu.memory_space<hbm>>
      %dma_wait3A_218 = arith.constant 0 : i32
      %dma_wait3A_219 = arith.constant 0 : i32
      %dma_wait3A_220 = tpu.memref_slice %arg10[%dma_wait3A_211, %dma_wait3A_218, %dma_wait3A_219] : memref<5x40x128xf32, #tpu.memory_space<vmem>> -> memref<1x40x128xf32, #tpu.memory_space<vmem>>
      %dma_wait3A_221 = tpu.memref_squeeze %dma_wait3A_220 : memref<1x40x128xf32, #tpu.memory_space<vmem>> -> memref<40x128xf32, #tpu.memory_space<vmem>>
      %dma_wait3A_222 = arith.constant 0 : i32
      %dma_wait3A_223 = tpu.memref_slice %arg2[%add3A_133, %dma_wait3A_222] : memref<160000x128xf32, #tpu.memory_space<hbm>> -> memref<40x128xf32, #tpu.memory_space<hbm>>
      tpu.wait_dma2 semaphore(%arg14 : memref<!tpu.dma_semaphore, #tpu.memory_space<semaphore_mem>>) src(%dma_wait3A_223 : memref<40x128xf32, #tpu.memory_space<hbm>>) dst(%dma_wait3A_221 : memref<40x128xf32, #tpu.memory_space<vmem>>)
      %dma_wait3A_224 = tpu.memref_slice %arg3[%add3A_72] : memref<320000xi32, #tpu.memory_space<hbm>> -> memref<40xi32, #tpu.memory_space<hbm>>
      %dma_wait3A_225 = tpu.memref_slice %arg3[%add3A_72] : memref<320000xi32, #tpu.memory_space<hbm>> -> memref<40xi32, #tpu.memory_space<hbm>>
      tpu.wait_dma2 semaphore(%arg13 : memref<!tpu.dma_semaphore, #tpu.memory_space<semaphore_mem>>) src(%dma_wait3A_225 : memref<40xi32, #tpu.memory_space<hbm>>) dst(%arg9 : memref<40xi32, #tpu.memory_space<vmem>>)
      %dma_wait3A_226 = arith.constant 4 : i32
      %dma_wait3A_227 = arith.constant 0 : i32
      %dma_wait3A_228 = arith.constant 0 : i32
      %dma_wait3A_229 = tpu.memref_slice %arg10[%dma_wait3A_226, %dma_wait3A_227, %dma_wait3A_228] : memref<5x40x128xf32, #tpu.memory_space<vmem>> -> memref<1x40x128xf32, #tpu.memory_space<vmem>>
      %dma_wait3A_230 = tpu.memref_squeeze %dma_wait3A_229 : memref<1x40x128xf32, #tpu.memory_space<vmem>> -> memref<40x128xf32, #tpu.memory_space<vmem>>
      %dma_wait3A_231 = arith.constant 0 : i32
      %dma_wait3A_232 = tpu.memref_slice %arg2[%add3A_151, %dma_wait3A_231] : memref<160000x128xf32, #tpu.memory_space<hbm>> -> memref<40x128xf32, #tpu.memory_space<hbm>>
      %dma_wait3A_233 = arith.constant 0 : i32
      %dma_wait3A_234 = arith.constant 0 : i32
      %dma_wait3A_235 = tpu.memref_slice %arg10[%dma_wait3A_226, %dma_wait3A_233, %dma_wait3A_234] : memref<5x40x128xf32, #tpu.memory_space<vmem>> -> memref<1x40x128xf32, #tpu.memory_space<vmem>>
      %dma_wait3A_236 = tpu.memref_squeeze %dma_wait3A_235 : memref<1x40x128xf32, #tpu.memory_space<vmem>> -> memref<40x128xf32, #tpu.memory_space<vmem>>
      %dma_wait3A_237 = arith.constant 0 : i32
      %dma_wait3A_238 = tpu.memref_slice %arg2[%add3A_151, %dma_wait3A_237] : memref<160000x128xf32, #tpu.memory_space<hbm>> -> memref<40x128xf32, #tpu.memory_space<hbm>>
      tpu.wait_dma2 semaphore(%arg14 : memref<!tpu.dma_semaphore, #tpu.memory_space<semaphore_mem>>) src(%dma_wait3A_238 : memref<40x128xf32, #tpu.memory_space<hbm>>) dst(%dma_wait3A_236 : memref<40x128xf32, #tpu.memory_space<vmem>>)
      %dma_start3A_239 = arith.constant 0 : i32
      %dma_start3A_240 = arith.constant 0 : i32
      %dma_start3A_241 = arith.constant 0 : i32
      %dma_start3A_242 = tpu.memref_slice %arg10[%dma_start3A_239, %dma_start3A_240, %dma_start3A_241] : memref<5x40x128xf32, #tpu.memory_space<vmem>> -> memref<1x40x128xf32, #tpu.memory_space<vmem>>
      %dma_start3A_243 = tpu.memref_squeeze %dma_start3A_242 : memref<1x40x128xf32, #tpu.memory_space<vmem>> -> memref<40x128xf32, #tpu.memory_space<vmem>>
      %dma_start3A_244 = arith.constant 0 : i32
      %dma_start3A_245 = arith.constant 0 : i32
      %dma_start3A_246 = tpu.memref_slice %arg12[%dma_start3A_244, %dma_start3A_245] : memref<10000x128xf32, #tpu.memory_space<vmem_shared>> -> memref<10000x128xf32, #tpu.memory_space<vmem_shared>>
      tpu.enqueue_indirect_dma source(%dma_start3A_243 : memref<40x128xf32, #tpu.memory_space<vmem>>) target(%dma_start3A_246 : memref<10000x128xf32, #tpu.memory_space<vmem_shared>>) offsets(%arg5 : memref<40xi32, #tpu.memory_space<vmem>>) semaphore(%arg15 : memref<!tpu.dma_semaphore, #tpu.memory_space<semaphore_mem>>) {add = true}
      %dma_start3A_247 = arith.constant 1 : i32
      %dma_start3A_248 = arith.constant 0 : i32
      %dma_start3A_249 = arith.constant 0 : i32
      %dma_start3A_250 = tpu.memref_slice %arg10[%dma_start3A_247, %dma_start3A_248, %dma_start3A_249] : memref<5x40x128xf32, #tpu.memory_space<vmem>> -> memref<1x40x128xf32, #tpu.memory_space<vmem>>
      %dma_start3A_251 = tpu.memref_squeeze %dma_start3A_250 : memref<1x40x128xf32, #tpu.memory_space<vmem>> -> memref<40x128xf32, #tpu.memory_space<vmem>>
      %dma_start3A_252 = arith.constant 0 : i32
      %dma_start3A_253 = arith.constant 0 : i32
      %dma_start3A_254 = tpu.memref_slice %arg12[%dma_start3A_252, %dma_start3A_253] : memref<10000x128xf32, #tpu.memory_space<vmem_shared>> -> memref<10000x128xf32, #tpu.memory_space<vmem_shared>>
      tpu.enqueue_indirect_dma source(%dma_start3A_251 : memref<40x128xf32, #tpu.memory_space<vmem>>) target(%dma_start3A_254 : memref<10000x128xf32, #tpu.memory_space<vmem_shared>>) offsets(%arg6 : memref<40xi32, #tpu.memory_space<vmem>>) semaphore(%arg15 : memref<!tpu.dma_semaphore, #tpu.memory_space<semaphore_mem>>) {add = true}
      %dma_start3A_255 = arith.constant 2 : i32
      %dma_start3A_256 = arith.constant 0 : i32
      %dma_start3A_257 = arith.constant 0 : i32
      %dma_start3A_258 = tpu.memref_slice %arg10[%dma_start3A_255, %dma_start3A_256, %dma_start3A_257] : memref<5x40x128xf32, #tpu.memory_space<vmem>> -> memref<1x40x128xf32, #tpu.memory_space<vmem>>
      %dma_start3A_259 = tpu.memref_squeeze %dma_start3A_258 : memref<1x40x128xf32, #tpu.memory_space<vmem>> -> memref<40x128xf32, #tpu.memory_space<vmem>>
      %dma_start3A_260 = arith.constant 0 : i32
      %dma_start3A_261 = arith.constant 0 : i32
      %dma_start3A_262 = tpu.memref_slice %arg12[%dma_start3A_260, %dma_start3A_261] : memref<10000x128xf32, #tpu.memory_space<vmem_shared>> -> memref<10000x128xf32, #tpu.memory_space<vmem_shared>>
      tpu.enqueue_indirect_dma source(%dma_start3A_259 : memref<40x128xf32, #tpu.memory_space<vmem>>) target(%dma_start3A_262 : memref<10000x128xf32, #tpu.memory_space<vmem_shared>>) offsets(%arg7 : memref<40xi32, #tpu.memory_space<vmem>>) semaphore(%arg15 : memref<!tpu.dma_semaphore, #tpu.memory_space<semaphore_mem>>) {add = true}
      %dma_start3A_263 = arith.constant 3 : i32
      %dma_start3A_264 = arith.constant 0 : i32
      %dma_start3A_265 = arith.constant 0 : i32
      %dma_start3A_266 = tpu.memref_slice %arg10[%dma_start3A_263, %dma_start3A_264, %dma_start3A_265] : memref<5x40x128xf32, #tpu.memory_space<vmem>> -> memref<1x40x128xf32, #tpu.memory_space<vmem>>
      %dma_start3A_267 = tpu.memref_squeeze %dma_start3A_266 : memref<1x40x128xf32, #tpu.memory_space<vmem>> -> memref<40x128xf32, #tpu.memory_space<vmem>>
      %dma_start3A_268 = arith.constant 0 : i32
      %dma_start3A_269 = arith.constant 0 : i32
      %dma_start3A_270 = tpu.memref_slice %arg12[%dma_start3A_268, %dma_start3A_269] : memref<10000x128xf32, #tpu.memory_space<vmem_shared>> -> memref<10000x128xf32, #tpu.memory_space<vmem_shared>>
      tpu.enqueue_indirect_dma source(%dma_start3A_267 : memref<40x128xf32, #tpu.memory_space<vmem>>) target(%dma_start3A_270 : memref<10000x128xf32, #tpu.memory_space<vmem_shared>>) offsets(%arg8 : memref<40xi32, #tpu.memory_space<vmem>>) semaphore(%arg15 : memref<!tpu.dma_semaphore, #tpu.memory_space<semaphore_mem>>) {add = true}
      %dma_start3A_271 = arith.constant 4 : i32
      %dma_start3A_272 = arith.constant 0 : i32
      %dma_start3A_273 = arith.constant 0 : i32
      %dma_start3A_274 = tpu.memref_slice %arg10[%dma_start3A_271, %dma_start3A_272, %dma_start3A_273] : memref<5x40x128xf32, #tpu.memory_space<vmem>> -> memref<1x40x128xf32, #tpu.memory_space<vmem>>
      %dma_start3A_275 = tpu.memref_squeeze %dma_start3A_274 : memref<1x40x128xf32, #tpu.memory_space<vmem>> -> memref<40x128xf32, #tpu.memory_space<vmem>>
      %dma_start3A_276 = arith.constant 0 : i32
      %dma_start3A_277 = arith.constant 0 : i32
      %dma_start3A_278 = tpu.memref_slice %arg12[%dma_start3A_276, %dma_start3A_277] : memref<10000x128xf32, #tpu.memory_space<vmem_shared>> -> memref<10000x128xf32, #tpu.memory_space<vmem_shared>>
      tpu.enqueue_indirect_dma source(%dma_start3A_275 : memref<40x128xf32, #tpu.memory_space<vmem>>) target(%dma_start3A_278 : memref<10000x128xf32, #tpu.memory_space<vmem_shared>>) offsets(%arg9 : memref<40xi32, #tpu.memory_space<vmem>>) semaphore(%arg15 : memref<!tpu.dma_semaphore, #tpu.memory_space<semaphore_mem>>) {add = true}
      %dma_wait3A_279 = arith.constant 0 : i32
      %dma_wait3A_280 = arith.constant 0 : i32
      %dma_wait3A_281 = arith.constant 0 : i32
      %dma_wait3A_282 = tpu.memref_slice %arg10[%dma_wait3A_279, %dma_wait3A_280, %dma_wait3A_281] : memref<5x40x128xf32, #tpu.memory_space<vmem>> -> memref<1x40x128xf32, #tpu.memory_space<vmem>>
      %dma_wait3A_283 = tpu.memref_squeeze %dma_wait3A_282 : memref<1x40x128xf32, #tpu.memory_space<vmem>> -> memref<40x128xf32, #tpu.memory_space<vmem>>
      %dma_wait3A_284 = arith.constant 0 : i32
      %dma_wait3A_285 = arith.constant 0 : i32
      %dma_wait3A_286 = tpu.memref_slice %arg12[%dma_wait3A_284, %dma_wait3A_285] : memref<10000x128xf32, #tpu.memory_space<vmem_shared>> -> memref<10000x128xf32, #tpu.memory_space<vmem_shared>>
      tpu.wait_indirect_dma semaphore(%arg15 : memref<!tpu.dma_semaphore, #tpu.memory_space<semaphore_mem>>) src(%dma_wait3A_283 : memref<40x128xf32, #tpu.memory_space<vmem>>) dst(%dma_wait3A_286 : memref<10000x128xf32, #tpu.memory_space<vmem_shared>>)
      %dma_wait3A_287 = arith.constant 1 : i32
      %dma_wait3A_288 = arith.constant 0 : i32
      %dma_wait3A_289 = arith.constant 0 : i32
      %dma_wait3A_290 = tpu.memref_slice %arg10[%dma_wait3A_287, %dma_wait3A_288, %dma_wait3A_289] : memref<5x40x128xf32, #tpu.memory_space<vmem>> -> memref<1x40x128xf32, #tpu.memory_space<vmem>>
      %dma_wait3A_291 = tpu.memref_squeeze %dma_wait3A_290 : memref<1x40x128xf32, #tpu.memory_space<vmem>> -> memref<40x128xf32, #tpu.memory_space<vmem>>
      %dma_wait3A_292 = arith.constant 0 : i32
      %dma_wait3A_293 = arith.constant 0 : i32
      %dma_wait3A_294 = tpu.memref_slice %arg12[%dma_wait3A_292, %dma_wait3A_293] : memref<10000x128xf32, #tpu.memory_space<vmem_shared>> -> memref<10000x128xf32, #tpu.memory_space<vmem_shared>>
      tpu.wait_indirect_dma semaphore(%arg15 : memref<!tpu.dma_semaphore, #tpu.memory_space<semaphore_mem>>) src(%dma_wait3A_291 : memref<40x128xf32, #tpu.memory_space<vmem>>) dst(%dma_wait3A_294 : memref<10000x128xf32, #tpu.memory_space<vmem_shared>>)
      %dma_wait3A_295 = arith.constant 2 : i32
      %dma_wait3A_296 = arith.constant 0 : i32
      %dma_wait3A_297 = arith.constant 0 : i32
      %dma_wait3A_298 = tpu.memref_slice %arg10[%dma_wait3A_295, %dma_wait3A_296, %dma_wait3A_297] : memref<5x40x128xf32, #tpu.memory_space<vmem>> -> memref<1x40x128xf32, #tpu.memory_space<vmem>>
      %dma_wait3A_299 = tpu.memref_squeeze %dma_wait3A_298 : memref<1x40x128xf32, #tpu.memory_space<vmem>> -> memref<40x128xf32, #tpu.memory_space<vmem>>
      %dma_wait3A_300 = arith.constant 0 : i32
      %dma_wait3A_301 = arith.constant 0 : i32
      %dma_wait3A_302 = tpu.memref_slice %arg12[%dma_wait3A_300, %dma_wait3A_301] : memref<10000x128xf32, #tpu.memory_space<vmem_shared>> -> memref<10000x128xf32, #tpu.memory_space<vmem_shared>>
      tpu.wait_indirect_dma semaphore(%arg15 : memref<!tpu.dma_semaphore, #tpu.memory_space<semaphore_mem>>) src(%dma_wait3A_299 : memref<40x128xf32, #tpu.memory_space<vmem>>) dst(%dma_wait3A_302 : memref<10000x128xf32, #tpu.memory_space<vmem_shared>>)
      %dma_wait3A_303 = arith.constant 3 : i32
      %dma_wait3A_304 = arith.constant 0 : i32
      %dma_wait3A_305 = arith.constant 0 : i32
      %dma_wait3A_306 = tpu.memref_slice %arg10[%dma_wait3A_303, %dma_wait3A_304, %dma_wait3A_305] : memref<5x40x128xf32, #tpu.memory_space<vmem>> -> memref<1x40x128xf32, #tpu.memory_space<vmem>>
      %dma_wait3A_307 = tpu.memref_squeeze %dma_wait3A_306 : memref<1x40x128xf32, #tpu.memory_space<vmem>> -> memref<40x128xf32, #tpu.memory_space<vmem>>
      %dma_wait3A_308 = arith.constant 0 : i32
      %dma_wait3A_309 = arith.constant 0 : i32
      %dma_wait3A_310 = tpu.memref_slice %arg12[%dma_wait3A_308, %dma_wait3A_309] : memref<10000x128xf32, #tpu.memory_space<vmem_shared>> -> memref<10000x128xf32, #tpu.memory_space<vmem_shared>>
      tpu.wait_indirect_dma semaphore(%arg15 : memref<!tpu.dma_semaphore, #tpu.memory_space<semaphore_mem>>) src(%dma_wait3A_307 : memref<40x128xf32, #tpu.memory_space<vmem>>) dst(%dma_wait3A_310 : memref<10000x128xf32, #tpu.memory_space<vmem_shared>>)
      %dma_wait3A_311 = arith.constant 4 : i32
      %dma_wait3A_312 = arith.constant 0 : i32
      %dma_wait3A_313 = arith.constant 0 : i32
      %dma_wait3A_314 = tpu.memref_slice %arg10[%dma_wait3A_311, %dma_wait3A_312, %dma_wait3A_313] : memref<5x40x128xf32, #tpu.memory_space<vmem>> -> memref<1x40x128xf32, #tpu.memory_space<vmem>>
      %dma_wait3A_315 = tpu.memref_squeeze %dma_wait3A_314 : memref<1x40x128xf32, #tpu.memory_space<vmem>> -> memref<40x128xf32, #tpu.memory_space<vmem>>
      %dma_wait3A_316 = arith.constant 0 : i32
      %dma_wait3A_317 = arith.constant 0 : i32
      %dma_wait3A_318 = tpu.memref_slice %arg12[%dma_wait3A_316, %dma_wait3A_317] : memref<10000x128xf32, #tpu.memory_space<vmem_shared>> -> memref<10000x128xf32, #tpu.memory_space<vmem_shared>>
      tpu.wait_indirect_dma semaphore(%arg15 : memref<!tpu.dma_semaphore, #tpu.memory_space<semaphore_mem>>) src(%dma_wait3A_315 : memref<40x128xf32, #tpu.memory_space<vmem>>) dst(%dma_wait3A_318 : memref<10000x128xf32, #tpu.memory_space<vmem_shared>>)
    }
    %scan3A_20 = arith.constant 25 : i32
    %barrier3A_21 = arith.constant 0 : index
    tpu.barrier barrier_id(%barrier3A_21)
    %scan3A_22 = arith.constant 0 : i32
    %scan3A_23 = arith.constant 0 : i32
    %scan3A_24 = arith.constant 40 : i32
    %scan3A_25 = arith.addi %scan3A_23, %scan3A_24 : i32
    %scan3A_26 = arith.constant 1 : i32
    scf.for %scan3A_28 = %scan3A_23 to %scan3A_25 step %scan3A_26  : i32 {
      %mul3A_29 = arith.constant 16 : i32
      %mul3A_30 = arith.muli %scan3A_28, %mul3A_29 : i32
      %add3A_31 = arith.addi %mul3A_30, %arg1 : i32
      %lt3A = arith.constant 625 : i32
      %lt3A_32 = arith.cmpi slt, %add3A_31, %lt3A : i32
      %convert_element_type3A = arith.extui %lt3A_32 : i1 to i32
      %cond3A = arith.constant 0 : i32
      %cond3A_33 = arith.cmpi ne, %convert_element_type3A, %cond3A : i32
      scf.if %cond3A_33 {
        %mul3A_34 = arith.constant 16 : i32
        %mul3A_35 = arith.muli %add3A_31, %mul3A_34 : i32
        %mul3A_36 = arith.constant 16 : i32
        %mul3A_37 = arith.muli %add3A_31, %mul3A_36 : i32
        "tpu.region"() ({
          %run_scoped3A = tpu.sem_alloc : memref<!tpu.dma_semaphore, #tpu.memory_space<semaphore_mem>>
          %dma_start3A = arith.constant 0 : i32
          %dma_start3A_38 = tpu.memref_slice %arg4[%arg0, %mul3A_37, %dma_start3A] : memref<2x10000x128xf32, #tpu.memory_space<hbm>> -> memref<1x16x128xf32, #tpu.memory_space<hbm>>
          %dma_start3A_39 = tpu.memref_squeeze %dma_start3A_38 : memref<1x16x128xf32, #tpu.memory_space<hbm>> -> memref<16x128xf32, #tpu.memory_space<hbm>>
          %dma_start3A_40 = arith.constant 0 : i32
          %dma_start3A_41 = tpu.memref_slice %arg12[%mul3A_35, %dma_start3A_40] : memref<10000x128xf32, #tpu.memory_space<vmem_shared>> -> memref<16x128xf32, #tpu.memory_space<vmem_shared>>
          tpu.enqueue_dma source(%dma_start3A_41 : memref<16x128xf32, #tpu.memory_space<vmem_shared>>) target(%dma_start3A_39 : memref<16x128xf32, #tpu.memory_space<hbm>>) target_semaphore(%run_scoped3A : memref<!tpu.dma_semaphore, #tpu.memory_space<semaphore_mem>>)
          %dma_wait3A = arith.constant 0 : i32
          %dma_wait3A_42 = tpu.memref_slice %arg4[%arg0, %mul3A_37, %dma_wait3A] : memref<2x10000x128xf32, #tpu.memory_space<hbm>> -> memref<1x16x128xf32, #tpu.memory_space<hbm>>
          %dma_wait3A_43 = tpu.memref_squeeze %dma_wait3A_42 : memref<1x16x128xf32, #tpu.memory_space<hbm>> -> memref<16x128xf32, #tpu.memory_space<hbm>>
          %dma_wait3A_44 = arith.constant 0 : i32
          %dma_wait3A_45 = tpu.memref_slice %arg12[%mul3A_35, %dma_wait3A_44] : memref<10000x128xf32, #tpu.memory_space<vmem_shared>> -> memref<16x128xf32, #tpu.memory_space<vmem_shared>>
          tpu.wait_dma2 semaphore(%run_scoped3A : memref<!tpu.dma_semaphore, #tpu.memory_space<semaphore_mem>>) src(%dma_wait3A_45 : memref<16x128xf32, #tpu.memory_space<vmem_shared>>) dst(%dma_wait3A_43 : memref<16x128xf32, #tpu.memory_space<hbm>>)
          tpu.yield
        }) : () -> ()
      } else {
      }
    }
    %scan3A_27 = arith.constant 40 : i32
    return
  }
}

#map = affine_map<(d0, d1) -> (0, 0)>
#map1 = affine_map<(d0, d1) -> (0)>
module attributes {stable_mosaic.version = 14 : i64} {
  func.func @_gather_rows(%arg0: i32, %arg1: i32, %arg2: memref<10000x128xf32, #tpu.memory_space<hbm>>, %arg3: memref<320000xi32, #tpu.memory_space<hbm>>, %arg4: memref<160000x128xf32, #tpu.memory_space<hbm>>, %arg5: memref<5x40xi32, #tpu.memory_space<vmem>>, %arg6: memref<5x40x128xf32, #tpu.memory_space<vmem>>, %arg7: memref<!tpu.dma_semaphore, #tpu.memory_space<semaphore_mem>>, %arg8: memref<!tpu.dma_semaphore, #tpu.memory_space<semaphore_mem>>, %arg9: memref<!tpu.dma_semaphore, #tpu.memory_space<semaphore_mem>>) attributes {dimension_semantics = [#tpu.dimension_semantics<core_parallel>, #tpu.dimension_semantics<subcore_parallel>], iteration_bounds = array<i64: 2, 16>, scalar_prefetch = 0 : i64, scratch_operands = 5 : i64, tpu.core_type = #tpu.core_type<sc_vector_subcore>, window_params = [{transform_indices = #map}, {transform_indices = #map1}, {transform_indices = #map}]} {
    %mul3A = arith.constant 2 : i32
    %mul3A_0 = arith.muli %arg1, %mul3A : i32
    %add3A = arith.addi %mul3A_0, %arg0 : i32
    %mul3A_1 = arith.constant 5000 : i32
    %mul3A_2 = arith.muli %add3A, %mul3A_1 : i32
    %scan3A = arith.constant 0 : i32
    %scan3A_3 = arith.constant 0 : i32
    %scan3A_4 = arith.constant 25 : i32
    %scan3A_5 = arith.addi %scan3A_3, %scan3A_4 : i32
    %scan3A_6 = arith.constant 1 : i32
    scf.for %scan3A_8 = %scan3A_3 to %scan3A_5 step %scan3A_6  : i32 {
      %mul3A_9 = arith.constant 5 : i32
      %mul3A_10 = arith.muli %scan3A_8, %mul3A_9 : i32
      %add3A_11 = arith.constant 160000 : i32
      %add3A_12 = arith.addi %add3A_11, %mul3A_2 : i32
      %add3A_13 = arith.constant 0 : i32
      %add3A_14 = arith.addi %mul3A_10, %add3A_13 : i32
      %mul3A_15 = arith.constant 40 : i32
      %mul3A_16 = arith.muli %add3A_14, %mul3A_15 : i32
      %add3A_17 = arith.addi %add3A_12, %mul3A_16 : i32
      %dma_start3A = arith.constant 0 : i32
      %dma_start3A_18 = arith.constant 0 : i32
      %dma_start3A_19 = tpu.memref_slice %arg5[%dma_start3A, %dma_start3A_18] : memref<5x40xi32, #tpu.memory_space<vmem>> -> memref<1x40xi32, #tpu.memory_space<vmem>>
      %dma_start3A_20 = tpu.memref_squeeze %dma_start3A_19 : memref<1x40xi32, #tpu.memory_space<vmem>> -> memref<40xi32, #tpu.memory_space<vmem>>
      %dma_start3A_21 = tpu.memref_slice %arg3[%add3A_17] : memref<320000xi32, #tpu.memory_space<hbm>> -> memref<40xi32, #tpu.memory_space<hbm>>
      %dma_start3A_22 = arith.constant 0 : i32
      %dma_start3A_23 = tpu.memref_slice %arg5[%dma_start3A, %dma_start3A_22] : memref<5x40xi32, #tpu.memory_space<vmem>> -> memref<1x40xi32, #tpu.memory_space<vmem>>
      %dma_start3A_24 = tpu.memref_squeeze %dma_start3A_23 : memref<1x40xi32, #tpu.memory_space<vmem>> -> memref<40xi32, #tpu.memory_space<vmem>>
      %dma_start3A_25 = tpu.memref_slice %arg3[%add3A_17] : memref<320000xi32, #tpu.memory_space<hbm>> -> memref<40xi32, #tpu.memory_space<hbm>>
      tpu.enqueue_dma source(%dma_start3A_25 : memref<40xi32, #tpu.memory_space<hbm>>) target(%dma_start3A_24 : memref<40xi32, #tpu.memory_space<vmem>>) target_semaphore(%arg7 : memref<!tpu.dma_semaphore, #tpu.memory_space<semaphore_mem>>)
      %add3A_26 = arith.constant 160000 : i32
      %add3A_27 = arith.addi %add3A_26, %mul3A_2 : i32
      %add3A_28 = arith.constant 1 : i32
      %add3A_29 = arith.addi %mul3A_10, %add3A_28 : i32
      %mul3A_30 = arith.constant 40 : i32
      %mul3A_31 = arith.muli %add3A_29, %mul3A_30 : i32
      %add3A_32 = arith.addi %add3A_27, %mul3A_31 : i32
      %dma_start3A_33 = arith.constant 1 : i32
      %dma_start3A_34 = arith.constant 0 : i32
      %dma_start3A_35 = tpu.memref_slice %arg5[%dma_start3A_33, %dma_start3A_34] : memref<5x40xi32, #tpu.memory_space<vmem>> -> memref<1x40xi32, #tpu.memory_space<vmem>>
      %dma_start3A_36 = tpu.memref_squeeze %dma_start3A_35 : memref<1x40xi32, #tpu.memory_space<vmem>> -> memref<40xi32, #tpu.memory_space<vmem>>
      %dma_start3A_37 = tpu.memref_slice %arg3[%add3A_32] : memref<320000xi32, #tpu.memory_space<hbm>> -> memref<40xi32, #tpu.memory_space<hbm>>
      %dma_start3A_38 = arith.constant 0 : i32
      %dma_start3A_39 = tpu.memref_slice %arg5[%dma_start3A_33, %dma_start3A_38] : memref<5x40xi32, #tpu.memory_space<vmem>> -> memref<1x40xi32, #tpu.memory_space<vmem>>
      %dma_start3A_40 = tpu.memref_squeeze %dma_start3A_39 : memref<1x40xi32, #tpu.memory_space<vmem>> -> memref<40xi32, #tpu.memory_space<vmem>>
      %dma_start3A_41 = tpu.memref_slice %arg3[%add3A_32] : memref<320000xi32, #tpu.memory_space<hbm>> -> memref<40xi32, #tpu.memory_space<hbm>>
      tpu.enqueue_dma source(%dma_start3A_41 : memref<40xi32, #tpu.memory_space<hbm>>) target(%dma_start3A_40 : memref<40xi32, #tpu.memory_space<vmem>>) target_semaphore(%arg7 : memref<!tpu.dma_semaphore, #tpu.memory_space<semaphore_mem>>)
      %add3A_42 = arith.constant 160000 : i32
      %add3A_43 = arith.addi %add3A_42, %mul3A_2 : i32
      %add3A_44 = arith.constant 2 : i32
      %add3A_45 = arith.addi %mul3A_10, %add3A_44 : i32
      %mul3A_46 = arith.constant 40 : i32
      %mul3A_47 = arith.muli %add3A_45, %mul3A_46 : i32
      %add3A_48 = arith.addi %add3A_43, %mul3A_47 : i32
      %dma_start3A_49 = arith.constant 2 : i32
      %dma_start3A_50 = arith.constant 0 : i32
      %dma_start3A_51 = tpu.memref_slice %arg5[%dma_start3A_49, %dma_start3A_50] : memref<5x40xi32, #tpu.memory_space<vmem>> -> memref<1x40xi32, #tpu.memory_space<vmem>>
      %dma_start3A_52 = tpu.memref_squeeze %dma_start3A_51 : memref<1x40xi32, #tpu.memory_space<vmem>> -> memref<40xi32, #tpu.memory_space<vmem>>
      %dma_start3A_53 = tpu.memref_slice %arg3[%add3A_48] : memref<320000xi32, #tpu.memory_space<hbm>> -> memref<40xi32, #tpu.memory_space<hbm>>
      %dma_start3A_54 = arith.constant 0 : i32
      %dma_start3A_55 = tpu.memref_slice %arg5[%dma_start3A_49, %dma_start3A_54] : memref<5x40xi32, #tpu.memory_space<vmem>> -> memref<1x40xi32, #tpu.memory_space<vmem>>
      %dma_start3A_56 = tpu.memref_squeeze %dma_start3A_55 : memref<1x40xi32, #tpu.memory_space<vmem>> -> memref<40xi32, #tpu.memory_space<vmem>>
      %dma_start3A_57 = tpu.memref_slice %arg3[%add3A_48] : memref<320000xi32, #tpu.memory_space<hbm>> -> memref<40xi32, #tpu.memory_space<hbm>>
      tpu.enqueue_dma source(%dma_start3A_57 : memref<40xi32, #tpu.memory_space<hbm>>) target(%dma_start3A_56 : memref<40xi32, #tpu.memory_space<vmem>>) target_semaphore(%arg7 : memref<!tpu.dma_semaphore, #tpu.memory_space<semaphore_mem>>)
      %add3A_58 = arith.constant 160000 : i32
      %add3A_59 = arith.addi %add3A_58, %mul3A_2 : i32
      %add3A_60 = arith.constant 3 : i32
      %add3A_61 = arith.addi %mul3A_10, %add3A_60 : i32
      %mul3A_62 = arith.constant 40 : i32
      %mul3A_63 = arith.muli %add3A_61, %mul3A_62 : i32
      %add3A_64 = arith.addi %add3A_59, %mul3A_63 : i32
      %dma_start3A_65 = arith.constant 3 : i32
      %dma_start3A_66 = arith.constant 0 : i32
      %dma_start3A_67 = tpu.memref_slice %arg5[%dma_start3A_65, %dma_start3A_66] : memref<5x40xi32, #tpu.memory_space<vmem>> -> memref<1x40xi32, #tpu.memory_space<vmem>>
      %dma_start3A_68 = tpu.memref_squeeze %dma_start3A_67 : memref<1x40xi32, #tpu.memory_space<vmem>> -> memref<40xi32, #tpu.memory_space<vmem>>
      %dma_start3A_69 = tpu.memref_slice %arg3[%add3A_64] : memref<320000xi32, #tpu.memory_space<hbm>> -> memref<40xi32, #tpu.memory_space<hbm>>
      %dma_start3A_70 = arith.constant 0 : i32
      %dma_start3A_71 = tpu.memref_slice %arg5[%dma_start3A_65, %dma_start3A_70] : memref<5x40xi32, #tpu.memory_space<vmem>> -> memref<1x40xi32, #tpu.memory_space<vmem>>
      %dma_start3A_72 = tpu.memref_squeeze %dma_start3A_71 : memref<1x40xi32, #tpu.memory_space<vmem>> -> memref<40xi32, #tpu.memory_space<vmem>>
      %dma_start3A_73 = tpu.memref_slice %arg3[%add3A_64] : memref<320000xi32, #tpu.memory_space<hbm>> -> memref<40xi32, #tpu.memory_space<hbm>>
      tpu.enqueue_dma source(%dma_start3A_73 : memref<40xi32, #tpu.memory_space<hbm>>) target(%dma_start3A_72 : memref<40xi32, #tpu.memory_space<vmem>>) target_semaphore(%arg7 : memref<!tpu.dma_semaphore, #tpu.memory_space<semaphore_mem>>)
      %add3A_74 = arith.constant 160000 : i32
      %add3A_75 = arith.addi %add3A_74, %mul3A_2 : i32
      %add3A_76 = arith.constant 4 : i32
      %add3A_77 = arith.addi %mul3A_10, %add3A_76 : i32
      %mul3A_78 = arith.constant 40 : i32
      %mul3A_79 = arith.muli %add3A_77, %mul3A_78 : i32
      %add3A_80 = arith.addi %add3A_75, %mul3A_79 : i32
      %dma_start3A_81 = arith.constant 4 : i32
      %dma_start3A_82 = arith.constant 0 : i32
      %dma_start3A_83 = tpu.memref_slice %arg5[%dma_start3A_81, %dma_start3A_82] : memref<5x40xi32, #tpu.memory_space<vmem>> -> memref<1x40xi32, #tpu.memory_space<vmem>>
      %dma_start3A_84 = tpu.memref_squeeze %dma_start3A_83 : memref<1x40xi32, #tpu.memory_space<vmem>> -> memref<40xi32, #tpu.memory_space<vmem>>
      %dma_start3A_85 = tpu.memref_slice %arg3[%add3A_80] : memref<320000xi32, #tpu.memory_space<hbm>> -> memref<40xi32, #tpu.memory_space<hbm>>
      %dma_start3A_86 = arith.constant 0 : i32
      %dma_start3A_87 = tpu.memref_slice %arg5[%dma_start3A_81, %dma_start3A_86] : memref<5x40xi32, #tpu.memory_space<vmem>> -> memref<1x40xi32, #tpu.memory_space<vmem>>
      %dma_start3A_88 = tpu.memref_squeeze %dma_start3A_87 : memref<1x40xi32, #tpu.memory_space<vmem>> -> memref<40xi32, #tpu.memory_space<vmem>>
      %dma_start3A_89 = tpu.memref_slice %arg3[%add3A_80] : memref<320000xi32, #tpu.memory_space<hbm>> -> memref<40xi32, #tpu.memory_space<hbm>>
      tpu.enqueue_dma source(%dma_start3A_89 : memref<40xi32, #tpu.memory_space<hbm>>) target(%dma_start3A_88 : memref<40xi32, #tpu.memory_space<vmem>>) target_semaphore(%arg7 : memref<!tpu.dma_semaphore, #tpu.memory_space<semaphore_mem>>)
      %dma_wait3A = arith.constant 0 : i32
      %dma_wait3A_90 = arith.constant 0 : i32
      %dma_wait3A_91 = tpu.memref_slice %arg5[%dma_wait3A, %dma_wait3A_90] : memref<5x40xi32, #tpu.memory_space<vmem>> -> memref<1x40xi32, #tpu.memory_space<vmem>>
      %dma_wait3A_92 = tpu.memref_squeeze %dma_wait3A_91 : memref<1x40xi32, #tpu.memory_space<vmem>> -> memref<40xi32, #tpu.memory_space<vmem>>
      %dma_wait3A_93 = tpu.memref_slice %arg3[%add3A_17] : memref<320000xi32, #tpu.memory_space<hbm>> -> memref<40xi32, #tpu.memory_space<hbm>>
      %dma_wait3A_94 = arith.constant 0 : i32
      %dma_wait3A_95 = tpu.memref_slice %arg5[%dma_wait3A, %dma_wait3A_94] : memref<5x40xi32, #tpu.memory_space<vmem>> -> memref<1x40xi32, #tpu.memory_space<vmem>>
      %dma_wait3A_96 = tpu.memref_squeeze %dma_wait3A_95 : memref<1x40xi32, #tpu.memory_space<vmem>> -> memref<40xi32, #tpu.memory_space<vmem>>
      %dma_wait3A_97 = tpu.memref_slice %arg3[%add3A_17] : memref<320000xi32, #tpu.memory_space<hbm>> -> memref<40xi32, #tpu.memory_space<hbm>>
      tpu.wait_dma2 semaphore(%arg7 : memref<!tpu.dma_semaphore, #tpu.memory_space<semaphore_mem>>) src(%dma_wait3A_97 : memref<40xi32, #tpu.memory_space<hbm>>) dst(%dma_wait3A_96 : memref<40xi32, #tpu.memory_space<vmem>>)
      %dma_wait3A_98 = arith.constant 1 : i32
      %dma_wait3A_99 = arith.constant 0 : i32
      %dma_wait3A_100 = tpu.memref_slice %arg5[%dma_wait3A_98, %dma_wait3A_99] : memref<5x40xi32, #tpu.memory_space<vmem>> -> memref<1x40xi32, #tpu.memory_space<vmem>>
      %dma_wait3A_101 = tpu.memref_squeeze %dma_wait3A_100 : memref<1x40xi32, #tpu.memory_space<vmem>> -> memref<40xi32, #tpu.memory_space<vmem>>
      %dma_wait3A_102 = tpu.memref_slice %arg3[%add3A_32] : memref<320000xi32, #tpu.memory_space<hbm>> -> memref<40xi32, #tpu.memory_space<hbm>>
      %dma_wait3A_103 = arith.constant 0 : i32
      %dma_wait3A_104 = tpu.memref_slice %arg5[%dma_wait3A_98, %dma_wait3A_103] : memref<5x40xi32, #tpu.memory_space<vmem>> -> memref<1x40xi32, #tpu.memory_space<vmem>>
      %dma_wait3A_105 = tpu.memref_squeeze %dma_wait3A_104 : memref<1x40xi32, #tpu.memory_space<vmem>> -> memref<40xi32, #tpu.memory_space<vmem>>
      %dma_wait3A_106 = tpu.memref_slice %arg3[%add3A_32] : memref<320000xi32, #tpu.memory_space<hbm>> -> memref<40xi32, #tpu.memory_space<hbm>>
      tpu.wait_dma2 semaphore(%arg7 : memref<!tpu.dma_semaphore, #tpu.memory_space<semaphore_mem>>) src(%dma_wait3A_106 : memref<40xi32, #tpu.memory_space<hbm>>) dst(%dma_wait3A_105 : memref<40xi32, #tpu.memory_space<vmem>>)
      %dma_wait3A_107 = arith.constant 2 : i32
      %dma_wait3A_108 = arith.constant 0 : i32
      %dma_wait3A_109 = tpu.memref_slice %arg5[%dma_wait3A_107, %dma_wait3A_108] : memref<5x40xi32, #tpu.memory_space<vmem>> -> memref<1x40xi32, #tpu.memory_space<vmem>>
      %dma_wait3A_110 = tpu.memref_squeeze %dma_wait3A_109 : memref<1x40xi32, #tpu.memory_space<vmem>> -> memref<40xi32, #tpu.memory_space<vmem>>
      %dma_wait3A_111 = tpu.memref_slice %arg3[%add3A_48] : memref<320000xi32, #tpu.memory_space<hbm>> -> memref<40xi32, #tpu.memory_space<hbm>>
      %dma_wait3A_112 = arith.constant 0 : i32
      %dma_wait3A_113 = tpu.memref_slice %arg5[%dma_wait3A_107, %dma_wait3A_112] : memref<5x40xi32, #tpu.memory_space<vmem>> -> memref<1x40xi32, #tpu.memory_space<vmem>>
      %dma_wait3A_114 = tpu.memref_squeeze %dma_wait3A_113 : memref<1x40xi32, #tpu.memory_space<vmem>> -> memref<40xi32, #tpu.memory_space<vmem>>
      %dma_wait3A_115 = tpu.memref_slice %arg3[%add3A_48] : memref<320000xi32, #tpu.memory_space<hbm>> -> memref<40xi32, #tpu.memory_space<hbm>>
      tpu.wait_dma2 semaphore(%arg7 : memref<!tpu.dma_semaphore, #tpu.memory_space<semaphore_mem>>) src(%dma_wait3A_115 : memref<40xi32, #tpu.memory_space<hbm>>) dst(%dma_wait3A_114 : memref<40xi32, #tpu.memory_space<vmem>>)
      %dma_wait3A_116 = arith.constant 3 : i32
      %dma_wait3A_117 = arith.constant 0 : i32
      %dma_wait3A_118 = tpu.memref_slice %arg5[%dma_wait3A_116, %dma_wait3A_117] : memref<5x40xi32, #tpu.memory_space<vmem>> -> memref<1x40xi32, #tpu.memory_space<vmem>>
      %dma_wait3A_119 = tpu.memref_squeeze %dma_wait3A_118 : memref<1x40xi32, #tpu.memory_space<vmem>> -> memref<40xi32, #tpu.memory_space<vmem>>
      %dma_wait3A_120 = tpu.memref_slice %arg3[%add3A_64] : memref<320000xi32, #tpu.memory_space<hbm>> -> memref<40xi32, #tpu.memory_space<hbm>>
      %dma_wait3A_121 = arith.constant 0 : i32
      %dma_wait3A_122 = tpu.memref_slice %arg5[%dma_wait3A_116, %dma_wait3A_121] : memref<5x40xi32, #tpu.memory_space<vmem>> -> memref<1x40xi32, #tpu.memory_space<vmem>>
      %dma_wait3A_123 = tpu.memref_squeeze %dma_wait3A_122 : memref<1x40xi32, #tpu.memory_space<vmem>> -> memref<40xi32, #tpu.memory_space<vmem>>
      %dma_wait3A_124 = tpu.memref_slice %arg3[%add3A_64] : memref<320000xi32, #tpu.memory_space<hbm>> -> memref<40xi32, #tpu.memory_space<hbm>>
      tpu.wait_dma2 semaphore(%arg7 : memref<!tpu.dma_semaphore, #tpu.memory_space<semaphore_mem>>) src(%dma_wait3A_124 : memref<40xi32, #tpu.memory_space<hbm>>) dst(%dma_wait3A_123 : memref<40xi32, #tpu.memory_space<vmem>>)
      %dma_wait3A_125 = arith.constant 4 : i32
      %dma_wait3A_126 = arith.constant 0 : i32
      %dma_wait3A_127 = tpu.memref_slice %arg5[%dma_wait3A_125, %dma_wait3A_126] : memref<5x40xi32, #tpu.memory_space<vmem>> -> memref<1x40xi32, #tpu.memory_space<vmem>>
      %dma_wait3A_128 = tpu.memref_squeeze %dma_wait3A_127 : memref<1x40xi32, #tpu.memory_space<vmem>> -> memref<40xi32, #tpu.memory_space<vmem>>
      %dma_wait3A_129 = tpu.memref_slice %arg3[%add3A_80] : memref<320000xi32, #tpu.memory_space<hbm>> -> memref<40xi32, #tpu.memory_space<hbm>>
      %dma_wait3A_130 = arith.constant 0 : i32
      %dma_wait3A_131 = tpu.memref_slice %arg5[%dma_wait3A_125, %dma_wait3A_130] : memref<5x40xi32, #tpu.memory_space<vmem>> -> memref<1x40xi32, #tpu.memory_space<vmem>>
      %dma_wait3A_132 = tpu.memref_squeeze %dma_wait3A_131 : memref<1x40xi32, #tpu.memory_space<vmem>> -> memref<40xi32, #tpu.memory_space<vmem>>
      %dma_wait3A_133 = tpu.memref_slice %arg3[%add3A_80] : memref<320000xi32, #tpu.memory_space<hbm>> -> memref<40xi32, #tpu.memory_space<hbm>>
      tpu.wait_dma2 semaphore(%arg7 : memref<!tpu.dma_semaphore, #tpu.memory_space<semaphore_mem>>) src(%dma_wait3A_133 : memref<40xi32, #tpu.memory_space<hbm>>) dst(%dma_wait3A_132 : memref<40xi32, #tpu.memory_space<vmem>>)
      %dma_start3A_134 = arith.constant 0 : i32
      %dma_start3A_135 = arith.constant 0 : i32
      %dma_start3A_136 = arith.constant 0 : i32
      %dma_start3A_137 = arith.constant 0 : i32
      %dma_start3A_138 = tpu.memref_slice %arg6[%dma_start3A_135, %dma_start3A_136, %dma_start3A_137] : memref<5x40x128xf32, #tpu.memory_space<vmem>> -> memref<1x40x128xf32, #tpu.memory_space<vmem>>
      %dma_start3A_139 = tpu.memref_squeeze %dma_start3A_138 : memref<1x40x128xf32, #tpu.memory_space<vmem>> -> memref<40x128xf32, #tpu.memory_space<vmem>>
      %dma_start3A_140 = arith.constant 0 : i32
      %dma_start3A_141 = tpu.memref_slice %arg5[%dma_start3A_134, %dma_start3A_140] : memref<5x40xi32, #tpu.memory_space<vmem>> -> memref<1x40xi32, #tpu.memory_space<vmem>>
      %dma_start3A_142 = tpu.memref_squeeze %dma_start3A_141 : memref<1x40xi32, #tpu.memory_space<vmem>> -> memref<40xi32, #tpu.memory_space<vmem>>
      %dma_start3A_143 = arith.constant 0 : i32
      %dma_start3A_144 = arith.constant 0 : i32
      %dma_start3A_145 = tpu.memref_slice %arg2[%dma_start3A_143, %dma_start3A_144] : memref<10000x128xf32, #tpu.memory_space<hbm>> -> memref<10000x128xf32, #tpu.memory_space<hbm>>
      tpu.enqueue_indirect_dma source(%dma_start3A_145 : memref<10000x128xf32, #tpu.memory_space<hbm>>) target(%dma_start3A_139 : memref<40x128xf32, #tpu.memory_space<vmem>>) offsets(%dma_start3A_142 : memref<40xi32, #tpu.memory_space<vmem>>) semaphore(%arg8 : memref<!tpu.dma_semaphore, #tpu.memory_space<semaphore_mem>>)
      %dma_start3A_146 = arith.constant 1 : i32
      %dma_start3A_147 = arith.constant 1 : i32
      %dma_start3A_148 = arith.constant 0 : i32
      %dma_start3A_149 = arith.constant 0 : i32
      %dma_start3A_150 = tpu.memref_slice %arg6[%dma_start3A_147, %dma_start3A_148, %dma_start3A_149] : memref<5x40x128xf32, #tpu.memory_space<vmem>> -> memref<1x40x128xf32, #tpu.memory_space<vmem>>
      %dma_start3A_151 = tpu.memref_squeeze %dma_start3A_150 : memref<1x40x128xf32, #tpu.memory_space<vmem>> -> memref<40x128xf32, #tpu.memory_space<vmem>>
      %dma_start3A_152 = arith.constant 0 : i32
      %dma_start3A_153 = tpu.memref_slice %arg5[%dma_start3A_146, %dma_start3A_152] : memref<5x40xi32, #tpu.memory_space<vmem>> -> memref<1x40xi32, #tpu.memory_space<vmem>>
      %dma_start3A_154 = tpu.memref_squeeze %dma_start3A_153 : memref<1x40xi32, #tpu.memory_space<vmem>> -> memref<40xi32, #tpu.memory_space<vmem>>
      %dma_start3A_155 = arith.constant 0 : i32
      %dma_start3A_156 = arith.constant 0 : i32
      %dma_start3A_157 = tpu.memref_slice %arg2[%dma_start3A_155, %dma_start3A_156] : memref<10000x128xf32, #tpu.memory_space<hbm>> -> memref<10000x128xf32, #tpu.memory_space<hbm>>
      tpu.enqueue_indirect_dma source(%dma_start3A_157 : memref<10000x128xf32, #tpu.memory_space<hbm>>) target(%dma_start3A_151 : memref<40x128xf32, #tpu.memory_space<vmem>>) offsets(%dma_start3A_154 : memref<40xi32, #tpu.memory_space<vmem>>) semaphore(%arg8 : memref<!tpu.dma_semaphore, #tpu.memory_space<semaphore_mem>>)
      %dma_start3A_158 = arith.constant 2 : i32
      %dma_start3A_159 = arith.constant 2 : i32
      %dma_start3A_160 = arith.constant 0 : i32
      %dma_start3A_161 = arith.constant 0 : i32
      %dma_start3A_162 = tpu.memref_slice %arg6[%dma_start3A_159, %dma_start3A_160, %dma_start3A_161] : memref<5x40x128xf32, #tpu.memory_space<vmem>> -> memref<1x40x128xf32, #tpu.memory_space<vmem>>
      %dma_start3A_163 = tpu.memref_squeeze %dma_start3A_162 : memref<1x40x128xf32, #tpu.memory_space<vmem>> -> memref<40x128xf32, #tpu.memory_space<vmem>>
      %dma_start3A_164 = arith.constant 0 : i32
      %dma_start3A_165 = tpu.memref_slice %arg5[%dma_start3A_158, %dma_start3A_164] : memref<5x40xi32, #tpu.memory_space<vmem>> -> memref<1x40xi32, #tpu.memory_space<vmem>>
      %dma_start3A_166 = tpu.memref_squeeze %dma_start3A_165 : memref<1x40xi32, #tpu.memory_space<vmem>> -> memref<40xi32, #tpu.memory_space<vmem>>
      %dma_start3A_167 = arith.constant 0 : i32
      %dma_start3A_168 = arith.constant 0 : i32
      %dma_start3A_169 = tpu.memref_slice %arg2[%dma_start3A_167, %dma_start3A_168] : memref<10000x128xf32, #tpu.memory_space<hbm>> -> memref<10000x128xf32, #tpu.memory_space<hbm>>
      tpu.enqueue_indirect_dma source(%dma_start3A_169 : memref<10000x128xf32, #tpu.memory_space<hbm>>) target(%dma_start3A_163 : memref<40x128xf32, #tpu.memory_space<vmem>>) offsets(%dma_start3A_166 : memref<40xi32, #tpu.memory_space<vmem>>) semaphore(%arg8 : memref<!tpu.dma_semaphore, #tpu.memory_space<semaphore_mem>>)
      %dma_start3A_170 = arith.constant 3 : i32
      %dma_start3A_171 = arith.constant 3 : i32
      %dma_start3A_172 = arith.constant 0 : i32
      %dma_start3A_173 = arith.constant 0 : i32
      %dma_start3A_174 = tpu.memref_slice %arg6[%dma_start3A_171, %dma_start3A_172, %dma_start3A_173] : memref<5x40x128xf32, #tpu.memory_space<vmem>> -> memref<1x40x128xf32, #tpu.memory_space<vmem>>
      %dma_start3A_175 = tpu.memref_squeeze %dma_start3A_174 : memref<1x40x128xf32, #tpu.memory_space<vmem>> -> memref<40x128xf32, #tpu.memory_space<vmem>>
      %dma_start3A_176 = arith.constant 0 : i32
      %dma_start3A_177 = tpu.memref_slice %arg5[%dma_start3A_170, %dma_start3A_176] : memref<5x40xi32, #tpu.memory_space<vmem>> -> memref<1x40xi32, #tpu.memory_space<vmem>>
      %dma_start3A_178 = tpu.memref_squeeze %dma_start3A_177 : memref<1x40xi32, #tpu.memory_space<vmem>> -> memref<40xi32, #tpu.memory_space<vmem>>
      %dma_start3A_179 = arith.constant 0 : i32
      %dma_start3A_180 = arith.constant 0 : i32
      %dma_start3A_181 = tpu.memref_slice %arg2[%dma_start3A_179, %dma_start3A_180] : memref<10000x128xf32, #tpu.memory_space<hbm>> -> memref<10000x128xf32, #tpu.memory_space<hbm>>
      tpu.enqueue_indirect_dma source(%dma_start3A_181 : memref<10000x128xf32, #tpu.memory_space<hbm>>) target(%dma_start3A_175 : memref<40x128xf32, #tpu.memory_space<vmem>>) offsets(%dma_start3A_178 : memref<40xi32, #tpu.memory_space<vmem>>) semaphore(%arg8 : memref<!tpu.dma_semaphore, #tpu.memory_space<semaphore_mem>>)
      %dma_start3A_182 = arith.constant 4 : i32
      %dma_start3A_183 = arith.constant 4 : i32
      %dma_start3A_184 = arith.constant 0 : i32
      %dma_start3A_185 = arith.constant 0 : i32
      %dma_start3A_186 = tpu.memref_slice %arg6[%dma_start3A_183, %dma_start3A_184, %dma_start3A_185] : memref<5x40x128xf32, #tpu.memory_space<vmem>> -> memref<1x40x128xf32, #tpu.memory_space<vmem>>
      %dma_start3A_187 = tpu.memref_squeeze %dma_start3A_186 : memref<1x40x128xf32, #tpu.memory_space<vmem>> -> memref<40x128xf32, #tpu.memory_space<vmem>>
      %dma_start3A_188 = arith.constant 0 : i32
      %dma_start3A_189 = tpu.memref_slice %arg5[%dma_start3A_182, %dma_start3A_188] : memref<5x40xi32, #tpu.memory_space<vmem>> -> memref<1x40xi32, #tpu.memory_space<vmem>>
      %dma_start3A_190 = tpu.memref_squeeze %dma_start3A_189 : memref<1x40xi32, #tpu.memory_space<vmem>> -> memref<40xi32, #tpu.memory_space<vmem>>
      %dma_start3A_191 = arith.constant 0 : i32
      %dma_start3A_192 = arith.constant 0 : i32
      %dma_start3A_193 = tpu.memref_slice %arg2[%dma_start3A_191, %dma_start3A_192] : memref<10000x128xf32, #tpu.memory_space<hbm>> -> memref<10000x128xf32, #tpu.memory_space<hbm>>
      tpu.enqueue_indirect_dma source(%dma_start3A_193 : memref<10000x128xf32, #tpu.memory_space<hbm>>) target(%dma_start3A_187 : memref<40x128xf32, #tpu.memory_space<vmem>>) offsets(%dma_start3A_190 : memref<40xi32, #tpu.memory_space<vmem>>) semaphore(%arg8 : memref<!tpu.dma_semaphore, #tpu.memory_space<semaphore_mem>>)
      %dma_wait3A_194 = arith.constant 0 : i32
      %dma_wait3A_195 = arith.constant 0 : i32
      %dma_wait3A_196 = arith.constant 0 : i32
      %dma_wait3A_197 = arith.constant 0 : i32
      %dma_wait3A_198 = tpu.memref_slice %arg6[%dma_wait3A_195, %dma_wait3A_196, %dma_wait3A_197] : memref<5x40x128xf32, #tpu.memory_space<vmem>> -> memref<1x40x128xf32, #tpu.memory_space<vmem>>
      %dma_wait3A_199 = tpu.memref_squeeze %dma_wait3A_198 : memref<1x40x128xf32, #tpu.memory_space<vmem>> -> memref<40x128xf32, #tpu.memory_space<vmem>>
      %dma_wait3A_200 = arith.constant 0 : i32
      %dma_wait3A_201 = tpu.memref_slice %arg5[%dma_wait3A_194, %dma_wait3A_200] : memref<5x40xi32, #tpu.memory_space<vmem>> -> memref<1x40xi32, #tpu.memory_space<vmem>>
      %dma_wait3A_202 = tpu.memref_squeeze %dma_wait3A_201 : memref<1x40xi32, #tpu.memory_space<vmem>> -> memref<40xi32, #tpu.memory_space<vmem>>
      %dma_wait3A_203 = arith.constant 0 : i32
      %dma_wait3A_204 = arith.constant 0 : i32
      %dma_wait3A_205 = tpu.memref_slice %arg2[%dma_wait3A_203, %dma_wait3A_204] : memref<10000x128xf32, #tpu.memory_space<hbm>> -> memref<10000x128xf32, #tpu.memory_space<hbm>>
      tpu.wait_indirect_dma semaphore(%arg8 : memref<!tpu.dma_semaphore, #tpu.memory_space<semaphore_mem>>) src(%dma_wait3A_205 : memref<10000x128xf32, #tpu.memory_space<hbm>>) dst(%dma_wait3A_199 : memref<40x128xf32, #tpu.memory_space<vmem>>)
      %dma_wait3A_206 = arith.constant 1 : i32
      %dma_wait3A_207 = arith.constant 1 : i32
      %dma_wait3A_208 = arith.constant 0 : i32
      %dma_wait3A_209 = arith.constant 0 : i32
      %dma_wait3A_210 = tpu.memref_slice %arg6[%dma_wait3A_207, %dma_wait3A_208, %dma_wait3A_209] : memref<5x40x128xf32, #tpu.memory_space<vmem>> -> memref<1x40x128xf32, #tpu.memory_space<vmem>>
      %dma_wait3A_211 = tpu.memref_squeeze %dma_wait3A_210 : memref<1x40x128xf32, #tpu.memory_space<vmem>> -> memref<40x128xf32, #tpu.memory_space<vmem>>
      %dma_wait3A_212 = arith.constant 0 : i32
      %dma_wait3A_213 = tpu.memref_slice %arg5[%dma_wait3A_206, %dma_wait3A_212] : memref<5x40xi32, #tpu.memory_space<vmem>> -> memref<1x40xi32, #tpu.memory_space<vmem>>
      %dma_wait3A_214 = tpu.memref_squeeze %dma_wait3A_213 : memref<1x40xi32, #tpu.memory_space<vmem>> -> memref<40xi32, #tpu.memory_space<vmem>>
      %dma_wait3A_215 = arith.constant 0 : i32
      %dma_wait3A_216 = arith.constant 0 : i32
      %dma_wait3A_217 = tpu.memref_slice %arg2[%dma_wait3A_215, %dma_wait3A_216] : memref<10000x128xf32, #tpu.memory_space<hbm>> -> memref<10000x128xf32, #tpu.memory_space<hbm>>
      tpu.wait_indirect_dma semaphore(%arg8 : memref<!tpu.dma_semaphore, #tpu.memory_space<semaphore_mem>>) src(%dma_wait3A_217 : memref<10000x128xf32, #tpu.memory_space<hbm>>) dst(%dma_wait3A_211 : memref<40x128xf32, #tpu.memory_space<vmem>>)
      %dma_wait3A_218 = arith.constant 2 : i32
      %dma_wait3A_219 = arith.constant 2 : i32
      %dma_wait3A_220 = arith.constant 0 : i32
      %dma_wait3A_221 = arith.constant 0 : i32
      %dma_wait3A_222 = tpu.memref_slice %arg6[%dma_wait3A_219, %dma_wait3A_220, %dma_wait3A_221] : memref<5x40x128xf32, #tpu.memory_space<vmem>> -> memref<1x40x128xf32, #tpu.memory_space<vmem>>
      %dma_wait3A_223 = tpu.memref_squeeze %dma_wait3A_222 : memref<1x40x128xf32, #tpu.memory_space<vmem>> -> memref<40x128xf32, #tpu.memory_space<vmem>>
      %dma_wait3A_224 = arith.constant 0 : i32
      %dma_wait3A_225 = tpu.memref_slice %arg5[%dma_wait3A_218, %dma_wait3A_224] : memref<5x40xi32, #tpu.memory_space<vmem>> -> memref<1x40xi32, #tpu.memory_space<vmem>>
      %dma_wait3A_226 = tpu.memref_squeeze %dma_wait3A_225 : memref<1x40xi32, #tpu.memory_space<vmem>> -> memref<40xi32, #tpu.memory_space<vmem>>
      %dma_wait3A_227 = arith.constant 0 : i32
      %dma_wait3A_228 = arith.constant 0 : i32
      %dma_wait3A_229 = tpu.memref_slice %arg2[%dma_wait3A_227, %dma_wait3A_228] : memref<10000x128xf32, #tpu.memory_space<hbm>> -> memref<10000x128xf32, #tpu.memory_space<hbm>>
      tpu.wait_indirect_dma semaphore(%arg8 : memref<!tpu.dma_semaphore, #tpu.memory_space<semaphore_mem>>) src(%dma_wait3A_229 : memref<10000x128xf32, #tpu.memory_space<hbm>>) dst(%dma_wait3A_223 : memref<40x128xf32, #tpu.memory_space<vmem>>)
      %dma_wait3A_230 = arith.constant 3 : i32
      %dma_wait3A_231 = arith.constant 3 : i32
      %dma_wait3A_232 = arith.constant 0 : i32
      %dma_wait3A_233 = arith.constant 0 : i32
      %dma_wait3A_234 = tpu.memref_slice %arg6[%dma_wait3A_231, %dma_wait3A_232, %dma_wait3A_233] : memref<5x40x128xf32, #tpu.memory_space<vmem>> -> memref<1x40x128xf32, #tpu.memory_space<vmem>>
      %dma_wait3A_235 = tpu.memref_squeeze %dma_wait3A_234 : memref<1x40x128xf32, #tpu.memory_space<vmem>> -> memref<40x128xf32, #tpu.memory_space<vmem>>
      %dma_wait3A_236 = arith.constant 0 : i32
      %dma_wait3A_237 = tpu.memref_slice %arg5[%dma_wait3A_230, %dma_wait3A_236] : memref<5x40xi32, #tpu.memory_space<vmem>> -> memref<1x40xi32, #tpu.memory_space<vmem>>
      %dma_wait3A_238 = tpu.memref_squeeze %dma_wait3A_237 : memref<1x40xi32, #tpu.memory_space<vmem>> -> memref<40xi32, #tpu.memory_space<vmem>>
      %dma_wait3A_239 = arith.constant 0 : i32
      %dma_wait3A_240 = arith.constant 0 : i32
      %dma_wait3A_241 = tpu.memref_slice %arg2[%dma_wait3A_239, %dma_wait3A_240] : memref<10000x128xf32, #tpu.memory_space<hbm>> -> memref<10000x128xf32, #tpu.memory_space<hbm>>
      tpu.wait_indirect_dma semaphore(%arg8 : memref<!tpu.dma_semaphore, #tpu.memory_space<semaphore_mem>>) src(%dma_wait3A_241 : memref<10000x128xf32, #tpu.memory_space<hbm>>) dst(%dma_wait3A_235 : memref<40x128xf32, #tpu.memory_space<vmem>>)
      %dma_wait3A_242 = arith.constant 4 : i32
      %dma_wait3A_243 = arith.constant 4 : i32
      %dma_wait3A_244 = arith.constant 0 : i32
      %dma_wait3A_245 = arith.constant 0 : i32
      %dma_wait3A_246 = tpu.memref_slice %arg6[%dma_wait3A_243, %dma_wait3A_244, %dma_wait3A_245] : memref<5x40x128xf32, #tpu.memory_space<vmem>> -> memref<1x40x128xf32, #tpu.memory_space<vmem>>
      %dma_wait3A_247 = tpu.memref_squeeze %dma_wait3A_246 : memref<1x40x128xf32, #tpu.memory_space<vmem>> -> memref<40x128xf32, #tpu.memory_space<vmem>>
      %dma_wait3A_248 = arith.constant 0 : i32
      %dma_wait3A_249 = tpu.memref_slice %arg5[%dma_wait3A_242, %dma_wait3A_248] : memref<5x40xi32, #tpu.memory_space<vmem>> -> memref<1x40xi32, #tpu.memory_space<vmem>>
      %dma_wait3A_250 = tpu.memref_squeeze %dma_wait3A_249 : memref<1x40xi32, #tpu.memory_space<vmem>> -> memref<40xi32, #tpu.memory_space<vmem>>
      %dma_wait3A_251 = arith.constant 0 : i32
      %dma_wait3A_252 = arith.constant 0 : i32
      %dma_wait3A_253 = tpu.memref_slice %arg2[%dma_wait3A_251, %dma_wait3A_252] : memref<10000x128xf32, #tpu.memory_space<hbm>> -> memref<10000x128xf32, #tpu.memory_space<hbm>>
      tpu.wait_indirect_dma semaphore(%arg8 : memref<!tpu.dma_semaphore, #tpu.memory_space<semaphore_mem>>) src(%dma_wait3A_253 : memref<10000x128xf32, #tpu.memory_space<hbm>>) dst(%dma_wait3A_247 : memref<40x128xf32, #tpu.memory_space<vmem>>)
      %add3A_254 = arith.constant 0 : i32
      %add3A_255 = arith.addi %mul3A_10, %add3A_254 : i32
      %mul3A_256 = arith.constant 40 : i32
      %mul3A_257 = arith.muli %add3A_255, %mul3A_256 : i32
      %add3A_258 = arith.addi %mul3A_2, %mul3A_257 : i32
      %dma_start3A_259 = arith.constant 0 : i32
      %dma_start3A_260 = arith.constant 0 : i32
      %dma_start3A_261 = arith.constant 0 : i32
      %dma_start3A_262 = tpu.memref_slice %arg6[%dma_start3A_259, %dma_start3A_260, %dma_start3A_261] : memref<5x40x128xf32, #tpu.memory_space<vmem>> -> memref<1x40x128xf32, #tpu.memory_space<vmem>>
      %dma_start3A_263 = tpu.memref_squeeze %dma_start3A_262 : memref<1x40x128xf32, #tpu.memory_space<vmem>> -> memref<40x128xf32, #tpu.memory_space<vmem>>
      %dma_start3A_264 = arith.constant 0 : i32
      %dma_start3A_265 = tpu.memref_slice %arg4[%add3A_258, %dma_start3A_264] : memref<160000x128xf32, #tpu.memory_space<hbm>> -> memref<40x128xf32, #tpu.memory_space<hbm>>
      %dma_start3A_266 = arith.constant 0 : i32
      %dma_start3A_267 = tpu.memref_slice %arg4[%add3A_258, %dma_start3A_266] : memref<160000x128xf32, #tpu.memory_space<hbm>> -> memref<40x128xf32, #tpu.memory_space<hbm>>
      %dma_start3A_268 = arith.constant 0 : i32
      %dma_start3A_269 = arith.constant 0 : i32
      %dma_start3A_270 = tpu.memref_slice %arg6[%dma_start3A_259, %dma_start3A_268, %dma_start3A_269] : memref<5x40x128xf32, #tpu.memory_space<vmem>> -> memref<1x40x128xf32, #tpu.memory_space<vmem>>
      %dma_start3A_271 = tpu.memref_squeeze %dma_start3A_270 : memref<1x40x128xf32, #tpu.memory_space<vmem>> -> memref<40x128xf32, #tpu.memory_space<vmem>>
      tpu.enqueue_dma source(%dma_start3A_271 : memref<40x128xf32, #tpu.memory_space<vmem>>) target(%dma_start3A_267 : memref<40x128xf32, #tpu.memory_space<hbm>>) target_semaphore(%arg9 : memref<!tpu.dma_semaphore, #tpu.memory_space<semaphore_mem>>)
      %add3A_272 = arith.constant 1 : i32
      %add3A_273 = arith.addi %mul3A_10, %add3A_272 : i32
      %mul3A_274 = arith.constant 40 : i32
      %mul3A_275 = arith.muli %add3A_273, %mul3A_274 : i32
      %add3A_276 = arith.addi %mul3A_2, %mul3A_275 : i32
      %dma_start3A_277 = arith.constant 1 : i32
      %dma_start3A_278 = arith.constant 0 : i32
      %dma_start3A_279 = arith.constant 0 : i32
      %dma_start3A_280 = tpu.memref_slice %arg6[%dma_start3A_277, %dma_start3A_278, %dma_start3A_279] : memref<5x40x128xf32, #tpu.memory_space<vmem>> -> memref<1x40x128xf32, #tpu.memory_space<vmem>>
      %dma_start3A_281 = tpu.memref_squeeze %dma_start3A_280 : memref<1x40x128xf32, #tpu.memory_space<vmem>> -> memref<40x128xf32, #tpu.memory_space<vmem>>
      %dma_start3A_282 = arith.constant 0 : i32
      %dma_start3A_283 = tpu.memref_slice %arg4[%add3A_276, %dma_start3A_282] : memref<160000x128xf32, #tpu.memory_space<hbm>> -> memref<40x128xf32, #tpu.memory_space<hbm>>
      %dma_start3A_284 = arith.constant 0 : i32
      %dma_start3A_285 = tpu.memref_slice %arg4[%add3A_276, %dma_start3A_284] : memref<160000x128xf32, #tpu.memory_space<hbm>> -> memref<40x128xf32, #tpu.memory_space<hbm>>
      %dma_start3A_286 = arith.constant 0 : i32
      %dma_start3A_287 = arith.constant 0 : i32
      %dma_start3A_288 = tpu.memref_slice %arg6[%dma_start3A_277, %dma_start3A_286, %dma_start3A_287] : memref<5x40x128xf32, #tpu.memory_space<vmem>> -> memref<1x40x128xf32, #tpu.memory_space<vmem>>
      %dma_start3A_289 = tpu.memref_squeeze %dma_start3A_288 : memref<1x40x128xf32, #tpu.memory_space<vmem>> -> memref<40x128xf32, #tpu.memory_space<vmem>>
      tpu.enqueue_dma source(%dma_start3A_289 : memref<40x128xf32, #tpu.memory_space<vmem>>) target(%dma_start3A_285 : memref<40x128xf32, #tpu.memory_space<hbm>>) target_semaphore(%arg9 : memref<!tpu.dma_semaphore, #tpu.memory_space<semaphore_mem>>)
      %add3A_290 = arith.constant 2 : i32
      %add3A_291 = arith.addi %mul3A_10, %add3A_290 : i32
      %mul3A_292 = arith.constant 40 : i32
      %mul3A_293 = arith.muli %add3A_291, %mul3A_292 : i32
      %add3A_294 = arith.addi %mul3A_2, %mul3A_293 : i32
      %dma_start3A_295 = arith.constant 2 : i32
      %dma_start3A_296 = arith.constant 0 : i32
      %dma_start3A_297 = arith.constant 0 : i32
      %dma_start3A_298 = tpu.memref_slice %arg6[%dma_start3A_295, %dma_start3A_296, %dma_start3A_297] : memref<5x40x128xf32, #tpu.memory_space<vmem>> -> memref<1x40x128xf32, #tpu.memory_space<vmem>>
      %dma_start3A_299 = tpu.memref_squeeze %dma_start3A_298 : memref<1x40x128xf32, #tpu.memory_space<vmem>> -> memref<40x128xf32, #tpu.memory_space<vmem>>
      %dma_start3A_300 = arith.constant 0 : i32
      %dma_start3A_301 = tpu.memref_slice %arg4[%add3A_294, %dma_start3A_300] : memref<160000x128xf32, #tpu.memory_space<hbm>> -> memref<40x128xf32, #tpu.memory_space<hbm>>
      %dma_start3A_302 = arith.constant 0 : i32
      %dma_start3A_303 = tpu.memref_slice %arg4[%add3A_294, %dma_start3A_302] : memref<160000x128xf32, #tpu.memory_space<hbm>> -> memref<40x128xf32, #tpu.memory_space<hbm>>
      %dma_start3A_304 = arith.constant 0 : i32
      %dma_start3A_305 = arith.constant 0 : i32
      %dma_start3A_306 = tpu.memref_slice %arg6[%dma_start3A_295, %dma_start3A_304, %dma_start3A_305] : memref<5x40x128xf32, #tpu.memory_space<vmem>> -> memref<1x40x128xf32, #tpu.memory_space<vmem>>
      %dma_start3A_307 = tpu.memref_squeeze %dma_start3A_306 : memref<1x40x128xf32, #tpu.memory_space<vmem>> -> memref<40x128xf32, #tpu.memory_space<vmem>>
      tpu.enqueue_dma source(%dma_start3A_307 : memref<40x128xf32, #tpu.memory_space<vmem>>) target(%dma_start3A_303 : memref<40x128xf32, #tpu.memory_space<hbm>>) target_semaphore(%arg9 : memref<!tpu.dma_semaphore, #tpu.memory_space<semaphore_mem>>)
      %add3A_308 = arith.constant 3 : i32
      %add3A_309 = arith.addi %mul3A_10, %add3A_308 : i32
      %mul3A_310 = arith.constant 40 : i32
      %mul3A_311 = arith.muli %add3A_309, %mul3A_310 : i32
      %add3A_312 = arith.addi %mul3A_2, %mul3A_311 : i32
      %dma_start3A_313 = arith.constant 3 : i32
      %dma_start3A_314 = arith.constant 0 : i32
      %dma_start3A_315 = arith.constant 0 : i32
      %dma_start3A_316 = tpu.memref_slice %arg6[%dma_start3A_313, %dma_start3A_314, %dma_start3A_315] : memref<5x40x128xf32, #tpu.memory_space<vmem>> -> memref<1x40x128xf32, #tpu.memory_space<vmem>>
      %dma_start3A_317 = tpu.memref_squeeze %dma_start3A_316 : memref<1x40x128xf32, #tpu.memory_space<vmem>> -> memref<40x128xf32, #tpu.memory_space<vmem>>
      %dma_start3A_318 = arith.constant 0 : i32
      %dma_start3A_319 = tpu.memref_slice %arg4[%add3A_312, %dma_start3A_318] : memref<160000x128xf32, #tpu.memory_space<hbm>> -> memref<40x128xf32, #tpu.memory_space<hbm>>
      %dma_start3A_320 = arith.constant 0 : i32
      %dma_start3A_321 = tpu.memref_slice %arg4[%add3A_312, %dma_start3A_320] : memref<160000x128xf32, #tpu.memory_space<hbm>> -> memref<40x128xf32, #tpu.memory_space<hbm>>
      %dma_start3A_322 = arith.constant 0 : i32
      %dma_start3A_323 = arith.constant 0 : i32
      %dma_start3A_324 = tpu.memref_slice %arg6[%dma_start3A_313, %dma_start3A_322, %dma_start3A_323] : memref<5x40x128xf32, #tpu.memory_space<vmem>> -> memref<1x40x128xf32, #tpu.memory_space<vmem>>
      %dma_start3A_325 = tpu.memref_squeeze %dma_start3A_324 : memref<1x40x128xf32, #tpu.memory_space<vmem>> -> memref<40x128xf32, #tpu.memory_space<vmem>>
      tpu.enqueue_dma source(%dma_start3A_325 : memref<40x128xf32, #tpu.memory_space<vmem>>) target(%dma_start3A_321 : memref<40x128xf32, #tpu.memory_space<hbm>>) target_semaphore(%arg9 : memref<!tpu.dma_semaphore, #tpu.memory_space<semaphore_mem>>)
      %add3A_326 = arith.constant 4 : i32
      %add3A_327 = arith.addi %mul3A_10, %add3A_326 : i32
      %mul3A_328 = arith.constant 40 : i32
      %mul3A_329 = arith.muli %add3A_327, %mul3A_328 : i32
      %add3A_330 = arith.addi %mul3A_2, %mul3A_329 : i32
      %dma_start3A_331 = arith.constant 4 : i32
      %dma_start3A_332 = arith.constant 0 : i32
      %dma_start3A_333 = arith.constant 0 : i32
      %dma_start3A_334 = tpu.memref_slice %arg6[%dma_start3A_331, %dma_start3A_332, %dma_start3A_333] : memref<5x40x128xf32, #tpu.memory_space<vmem>> -> memref<1x40x128xf32, #tpu.memory_space<vmem>>
      %dma_start3A_335 = tpu.memref_squeeze %dma_start3A_334 : memref<1x40x128xf32, #tpu.memory_space<vmem>> -> memref<40x128xf32, #tpu.memory_space<vmem>>
      %dma_start3A_336 = arith.constant 0 : i32
      %dma_start3A_337 = tpu.memref_slice %arg4[%add3A_330, %dma_start3A_336] : memref<160000x128xf32, #tpu.memory_space<hbm>> -> memref<40x128xf32, #tpu.memory_space<hbm>>
      %dma_start3A_338 = arith.constant 0 : i32
      %dma_start3A_339 = tpu.memref_slice %arg4[%add3A_330, %dma_start3A_338] : memref<160000x128xf32, #tpu.memory_space<hbm>> -> memref<40x128xf32, #tpu.memory_space<hbm>>
      %dma_start3A_340 = arith.constant 0 : i32
      %dma_start3A_341 = arith.constant 0 : i32
      %dma_start3A_342 = tpu.memref_slice %arg6[%dma_start3A_331, %dma_start3A_340, %dma_start3A_341] : memref<5x40x128xf32, #tpu.memory_space<vmem>> -> memref<1x40x128xf32, #tpu.memory_space<vmem>>
      %dma_start3A_343 = tpu.memref_squeeze %dma_start3A_342 : memref<1x40x128xf32, #tpu.memory_space<vmem>> -> memref<40x128xf32, #tpu.memory_space<vmem>>
      tpu.enqueue_dma source(%dma_start3A_343 : memref<40x128xf32, #tpu.memory_space<vmem>>) target(%dma_start3A_339 : memref<40x128xf32, #tpu.memory_space<hbm>>) target_semaphore(%arg9 : memref<!tpu.dma_semaphore, #tpu.memory_space<semaphore_mem>>)
      %dma_wait3A_344 = arith.constant 0 : i32
      %dma_wait3A_345 = arith.constant 0 : i32
      %dma_wait3A_346 = arith.constant 0 : i32
      %dma_wait3A_347 = tpu.memref_slice %arg6[%dma_wait3A_344, %dma_wait3A_345, %dma_wait3A_346] : memref<5x40x128xf32, #tpu.memory_space<vmem>> -> memref<1x40x128xf32, #tpu.memory_space<vmem>>
      %dma_wait3A_348 = tpu.memref_squeeze %dma_wait3A_347 : memref<1x40x128xf32, #tpu.memory_space<vmem>> -> memref<40x128xf32, #tpu.memory_space<vmem>>
      %dma_wait3A_349 = arith.constant 0 : i32
      %dma_wait3A_350 = tpu.memref_slice %arg4[%add3A_258, %dma_wait3A_349] : memref<160000x128xf32, #tpu.memory_space<hbm>> -> memref<40x128xf32, #tpu.memory_space<hbm>>
      %dma_wait3A_351 = arith.constant 0 : i32
      %dma_wait3A_352 = tpu.memref_slice %arg4[%add3A_258, %dma_wait3A_351] : memref<160000x128xf32, #tpu.memory_space<hbm>> -> memref<40x128xf32, #tpu.memory_space<hbm>>
      %dma_wait3A_353 = arith.constant 0 : i32
      %dma_wait3A_354 = arith.constant 0 : i32
      %dma_wait3A_355 = tpu.memref_slice %arg6[%dma_wait3A_344, %dma_wait3A_353, %dma_wait3A_354] : memref<5x40x128xf32, #tpu.memory_space<vmem>> -> memref<1x40x128xf32, #tpu.memory_space<vmem>>
      %dma_wait3A_356 = tpu.memref_squeeze %dma_wait3A_355 : memref<1x40x128xf32, #tpu.memory_space<vmem>> -> memref<40x128xf32, #tpu.memory_space<vmem>>
      tpu.wait_dma2 semaphore(%arg9 : memref<!tpu.dma_semaphore, #tpu.memory_space<semaphore_mem>>) src(%dma_wait3A_356 : memref<40x128xf32, #tpu.memory_space<vmem>>) dst(%dma_wait3A_352 : memref<40x128xf32, #tpu.memory_space<hbm>>)
      %dma_wait3A_357 = arith.constant 1 : i32
      %dma_wait3A_358 = arith.constant 0 : i32
      %dma_wait3A_359 = arith.constant 0 : i32
      %dma_wait3A_360 = tpu.memref_slice %arg6[%dma_wait3A_357, %dma_wait3A_358, %dma_wait3A_359] : memref<5x40x128xf32, #tpu.memory_space<vmem>> -> memref<1x40x128xf32, #tpu.memory_space<vmem>>
      %dma_wait3A_361 = tpu.memref_squeeze %dma_wait3A_360 : memref<1x40x128xf32, #tpu.memory_space<vmem>> -> memref<40x128xf32, #tpu.memory_space<vmem>>
      %dma_wait3A_362 = arith.constant 0 : i32
      %dma_wait3A_363 = tpu.memref_slice %arg4[%add3A_276, %dma_wait3A_362] : memref<160000x128xf32, #tpu.memory_space<hbm>> -> memref<40x128xf32, #tpu.memory_space<hbm>>
      %dma_wait3A_364 = arith.constant 0 : i32
      %dma_wait3A_365 = tpu.memref_slice %arg4[%add3A_276, %dma_wait3A_364] : memref<160000x128xf32, #tpu.memory_space<hbm>> -> memref<40x128xf32, #tpu.memory_space<hbm>>
      %dma_wait3A_366 = arith.constant 0 : i32
      %dma_wait3A_367 = arith.constant 0 : i32
      %dma_wait3A_368 = tpu.memref_slice %arg6[%dma_wait3A_357, %dma_wait3A_366, %dma_wait3A_367] : memref<5x40x128xf32, #tpu.memory_space<vmem>> -> memref<1x40x128xf32, #tpu.memory_space<vmem>>
      %dma_wait3A_369 = tpu.memref_squeeze %dma_wait3A_368 : memref<1x40x128xf32, #tpu.memory_space<vmem>> -> memref<40x128xf32, #tpu.memory_space<vmem>>
      tpu.wait_dma2 semaphore(%arg9 : memref<!tpu.dma_semaphore, #tpu.memory_space<semaphore_mem>>) src(%dma_wait3A_369 : memref<40x128xf32, #tpu.memory_space<vmem>>) dst(%dma_wait3A_365 : memref<40x128xf32, #tpu.memory_space<hbm>>)
      %dma_wait3A_370 = arith.constant 2 : i32
      %dma_wait3A_371 = arith.constant 0 : i32
      %dma_wait3A_372 = arith.constant 0 : i32
      %dma_wait3A_373 = tpu.memref_slice %arg6[%dma_wait3A_370, %dma_wait3A_371, %dma_wait3A_372] : memref<5x40x128xf32, #tpu.memory_space<vmem>> -> memref<1x40x128xf32, #tpu.memory_space<vmem>>
      %dma_wait3A_374 = tpu.memref_squeeze %dma_wait3A_373 : memref<1x40x128xf32, #tpu.memory_space<vmem>> -> memref<40x128xf32, #tpu.memory_space<vmem>>
      %dma_wait3A_375 = arith.constant 0 : i32
      %dma_wait3A_376 = tpu.memref_slice %arg4[%add3A_294, %dma_wait3A_375] : memref<160000x128xf32, #tpu.memory_space<hbm>> -> memref<40x128xf32, #tpu.memory_space<hbm>>
      %dma_wait3A_377 = arith.constant 0 : i32
      %dma_wait3A_378 = tpu.memref_slice %arg4[%add3A_294, %dma_wait3A_377] : memref<160000x128xf32, #tpu.memory_space<hbm>> -> memref<40x128xf32, #tpu.memory_space<hbm>>
      %dma_wait3A_379 = arith.constant 0 : i32
      %dma_wait3A_380 = arith.constant 0 : i32
      %dma_wait3A_381 = tpu.memref_slice %arg6[%dma_wait3A_370, %dma_wait3A_379, %dma_wait3A_380] : memref<5x40x128xf32, #tpu.memory_space<vmem>> -> memref<1x40x128xf32, #tpu.memory_space<vmem>>
      %dma_wait3A_382 = tpu.memref_squeeze %dma_wait3A_381 : memref<1x40x128xf32, #tpu.memory_space<vmem>> -> memref<40x128xf32, #tpu.memory_space<vmem>>
      tpu.wait_dma2 semaphore(%arg9 : memref<!tpu.dma_semaphore, #tpu.memory_space<semaphore_mem>>) src(%dma_wait3A_382 : memref<40x128xf32, #tpu.memory_space<vmem>>) dst(%dma_wait3A_378 : memref<40x128xf32, #tpu.memory_space<hbm>>)
      %dma_wait3A_383 = arith.constant 3 : i32
      %dma_wait3A_384 = arith.constant 0 : i32
      %dma_wait3A_385 = arith.constant 0 : i32
      %dma_wait3A_386 = tpu.memref_slice %arg6[%dma_wait3A_383, %dma_wait3A_384, %dma_wait3A_385] : memref<5x40x128xf32, #tpu.memory_space<vmem>> -> memref<1x40x128xf32, #tpu.memory_space<vmem>>
      %dma_wait3A_387 = tpu.memref_squeeze %dma_wait3A_386 : memref<1x40x128xf32, #tpu.memory_space<vmem>> -> memref<40x128xf32, #tpu.memory_space<vmem>>
      %dma_wait3A_388 = arith.constant 0 : i32
      %dma_wait3A_389 = tpu.memref_slice %arg4[%add3A_312, %dma_wait3A_388] : memref<160000x128xf32, #tpu.memory_space<hbm>> -> memref<40x128xf32, #tpu.memory_space<hbm>>
      %dma_wait3A_390 = arith.constant 0 : i32
      %dma_wait3A_391 = tpu.memref_slice %arg4[%add3A_312, %dma_wait3A_390] : memref<160000x128xf32, #tpu.memory_space<hbm>> -> memref<40x128xf32, #tpu.memory_space<hbm>>
      %dma_wait3A_392 = arith.constant 0 : i32
      %dma_wait3A_393 = arith.constant 0 : i32
      %dma_wait3A_394 = tpu.memref_slice %arg6[%dma_wait3A_383, %dma_wait3A_392, %dma_wait3A_393] : memref<5x40x128xf32, #tpu.memory_space<vmem>> -> memref<1x40x128xf32, #tpu.memory_space<vmem>>
      %dma_wait3A_395 = tpu.memref_squeeze %dma_wait3A_394 : memref<1x40x128xf32, #tpu.memory_space<vmem>> -> memref<40x128xf32, #tpu.memory_space<vmem>>
      tpu.wait_dma2 semaphore(%arg9 : memref<!tpu.dma_semaphore, #tpu.memory_space<semaphore_mem>>) src(%dma_wait3A_395 : memref<40x128xf32, #tpu.memory_space<vmem>>) dst(%dma_wait3A_391 : memref<40x128xf32, #tpu.memory_space<hbm>>)
      %dma_wait3A_396 = arith.constant 4 : i32
      %dma_wait3A_397 = arith.constant 0 : i32
      %dma_wait3A_398 = arith.constant 0 : i32
      %dma_wait3A_399 = tpu.memref_slice %arg6[%dma_wait3A_396, %dma_wait3A_397, %dma_wait3A_398] : memref<5x40x128xf32, #tpu.memory_space<vmem>> -> memref<1x40x128xf32, #tpu.memory_space<vmem>>
      %dma_wait3A_400 = tpu.memref_squeeze %dma_wait3A_399 : memref<1x40x128xf32, #tpu.memory_space<vmem>> -> memref<40x128xf32, #tpu.memory_space<vmem>>
      %dma_wait3A_401 = arith.constant 0 : i32
      %dma_wait3A_402 = tpu.memref_slice %arg4[%add3A_330, %dma_wait3A_401] : memref<160000x128xf32, #tpu.memory_space<hbm>> -> memref<40x128xf32, #tpu.memory_space<hbm>>
      %dma_wait3A_403 = arith.constant 0 : i32
      %dma_wait3A_404 = tpu.memref_slice %arg4[%add3A_330, %dma_wait3A_403] : memref<160000x128xf32, #tpu.memory_space<hbm>> -> memref<40x128xf32, #tpu.memory_space<hbm>>
      %dma_wait3A_405 = arith.constant 0 : i32
      %dma_wait3A_406 = arith.constant 0 : i32
      %dma_wait3A_407 = tpu.memref_slice %arg6[%dma_wait3A_396, %dma_wait3A_405, %dma_wait3A_406] : memref<5x40x128xf32, #tpu.memory_space<vmem>> -> memref<1x40x128xf32, #tpu.memory_space<vmem>>
      %dma_wait3A_408 = tpu.memref_squeeze %dma_wait3A_407 : memref<1x40x128xf32, #tpu.memory_space<vmem>> -> memref<40x128xf32, #tpu.memory_space<vmem>>
      tpu.wait_dma2 semaphore(%arg9 : memref<!tpu.dma_semaphore, #tpu.memory_space<semaphore_mem>>) src(%dma_wait3A_408 : memref<40x128xf32, #tpu.memory_space<vmem>>) dst(%dma_wait3A_404 : memref<40x128xf32, #tpu.memory_space<hbm>>)
    }
    %scan3A_7 = arith.constant 25 : i32
    return
  }
}

#map = affine_map<(d0, d1) -> (0, 0)>
#map1 = affine_map<(d0, d1) -> (0)>
module attributes {stable_mosaic.version = 14 : i64} {
  func.func @_gather_rows(%arg0: i32, %arg1: i32, %arg2: memref<10000x128xf32, #tpu.memory_space<hbm>>, %arg3: memref<320000xi32, #tpu.memory_space<hbm>>, %arg4: memref<160000x128xf32, #tpu.memory_space<hbm>>, %arg5: memref<5x40xi32, #tpu.memory_space<vmem>>, %arg6: memref<5x40x128xf32, #tpu.memory_space<vmem>>, %arg7: memref<!tpu.dma_semaphore, #tpu.memory_space<semaphore_mem>>, %arg8: memref<!tpu.dma_semaphore, #tpu.memory_space<semaphore_mem>>, %arg9: memref<!tpu.dma_semaphore, #tpu.memory_space<semaphore_mem>>) attributes {dimension_semantics = [#tpu.dimension_semantics<core_parallel>, #tpu.dimension_semantics<subcore_parallel>], iteration_bounds = array<i64: 2, 16>, scalar_prefetch = 0 : i64, scratch_operands = 5 : i64, tpu.core_type = #tpu.core_type<sc_vector_subcore>, window_params = [{transform_indices = #map}, {transform_indices = #map1}, {transform_indices = #map}]} {
    %mul3A = arith.constant 2 : i32
    %mul3A_0 = arith.muli %arg1, %mul3A : i32
    %add3A = arith.addi %mul3A_0, %arg0 : i32
    %mul3A_1 = arith.constant 5000 : i32
    %mul3A_2 = arith.muli %add3A, %mul3A_1 : i32
    %scan3A = arith.constant 0 : i32
    %scan3A_3 = arith.constant 0 : i32
    %scan3A_4 = arith.constant 25 : i32
    %scan3A_5 = arith.addi %scan3A_3, %scan3A_4 : i32
    %scan3A_6 = arith.constant 1 : i32
    scf.for %scan3A_8 = %scan3A_3 to %scan3A_5 step %scan3A_6  : i32 {
      %mul3A_9 = arith.constant 5 : i32
      %mul3A_10 = arith.muli %scan3A_8, %mul3A_9 : i32
      %add3A_11 = arith.constant 0 : i32
      %add3A_12 = arith.addi %add3A_11, %mul3A_2 : i32
      %add3A_13 = arith.constant 0 : i32
      %add3A_14 = arith.addi %mul3A_10, %add3A_13 : i32
      %mul3A_15 = arith.constant 40 : i32
      %mul3A_16 = arith.muli %add3A_14, %mul3A_15 : i32
      %add3A_17 = arith.addi %add3A_12, %mul3A_16 : i32
      %dma_start3A = arith.constant 0 : i32
      %dma_start3A_18 = arith.constant 0 : i32
      %dma_start3A_19 = tpu.memref_slice %arg5[%dma_start3A, %dma_start3A_18] : memref<5x40xi32, #tpu.memory_space<vmem>> -> memref<1x40xi32, #tpu.memory_space<vmem>>
      %dma_start3A_20 = tpu.memref_squeeze %dma_start3A_19 : memref<1x40xi32, #tpu.memory_space<vmem>> -> memref<40xi32, #tpu.memory_space<vmem>>
      %dma_start3A_21 = tpu.memref_slice %arg3[%add3A_17] : memref<320000xi32, #tpu.memory_space<hbm>> -> memref<40xi32, #tpu.memory_space<hbm>>
      %dma_start3A_22 = arith.constant 0 : i32
      %dma_start3A_23 = tpu.memref_slice %arg5[%dma_start3A, %dma_start3A_22] : memref<5x40xi32, #tpu.memory_space<vmem>> -> memref<1x40xi32, #tpu.memory_space<vmem>>
      %dma_start3A_24 = tpu.memref_squeeze %dma_start3A_23 : memref<1x40xi32, #tpu.memory_space<vmem>> -> memref<40xi32, #tpu.memory_space<vmem>>
      %dma_start3A_25 = tpu.memref_slice %arg3[%add3A_17] : memref<320000xi32, #tpu.memory_space<hbm>> -> memref<40xi32, #tpu.memory_space<hbm>>
      tpu.enqueue_dma source(%dma_start3A_25 : memref<40xi32, #tpu.memory_space<hbm>>) target(%dma_start3A_24 : memref<40xi32, #tpu.memory_space<vmem>>) target_semaphore(%arg7 : memref<!tpu.dma_semaphore, #tpu.memory_space<semaphore_mem>>)
      %add3A_26 = arith.constant 0 : i32
      %add3A_27 = arith.addi %add3A_26, %mul3A_2 : i32
      %add3A_28 = arith.constant 1 : i32
      %add3A_29 = arith.addi %mul3A_10, %add3A_28 : i32
      %mul3A_30 = arith.constant 40 : i32
      %mul3A_31 = arith.muli %add3A_29, %mul3A_30 : i32
      %add3A_32 = arith.addi %add3A_27, %mul3A_31 : i32
      %dma_start3A_33 = arith.constant 1 : i32
      %dma_start3A_34 = arith.constant 0 : i32
      %dma_start3A_35 = tpu.memref_slice %arg5[%dma_start3A_33, %dma_start3A_34] : memref<5x40xi32, #tpu.memory_space<vmem>> -> memref<1x40xi32, #tpu.memory_space<vmem>>
      %dma_start3A_36 = tpu.memref_squeeze %dma_start3A_35 : memref<1x40xi32, #tpu.memory_space<vmem>> -> memref<40xi32, #tpu.memory_space<vmem>>
      %dma_start3A_37 = tpu.memref_slice %arg3[%add3A_32] : memref<320000xi32, #tpu.memory_space<hbm>> -> memref<40xi32, #tpu.memory_space<hbm>>
      %dma_start3A_38 = arith.constant 0 : i32
      %dma_start3A_39 = tpu.memref_slice %arg5[%dma_start3A_33, %dma_start3A_38] : memref<5x40xi32, #tpu.memory_space<vmem>> -> memref<1x40xi32, #tpu.memory_space<vmem>>
      %dma_start3A_40 = tpu.memref_squeeze %dma_start3A_39 : memref<1x40xi32, #tpu.memory_space<vmem>> -> memref<40xi32, #tpu.memory_space<vmem>>
      %dma_start3A_41 = tpu.memref_slice %arg3[%add3A_32] : memref<320000xi32, #tpu.memory_space<hbm>> -> memref<40xi32, #tpu.memory_space<hbm>>
      tpu.enqueue_dma source(%dma_start3A_41 : memref<40xi32, #tpu.memory_space<hbm>>) target(%dma_start3A_40 : memref<40xi32, #tpu.memory_space<vmem>>) target_semaphore(%arg7 : memref<!tpu.dma_semaphore, #tpu.memory_space<semaphore_mem>>)
      %add3A_42 = arith.constant 0 : i32
      %add3A_43 = arith.addi %add3A_42, %mul3A_2 : i32
      %add3A_44 = arith.constant 2 : i32
      %add3A_45 = arith.addi %mul3A_10, %add3A_44 : i32
      %mul3A_46 = arith.constant 40 : i32
      %mul3A_47 = arith.muli %add3A_45, %mul3A_46 : i32
      %add3A_48 = arith.addi %add3A_43, %mul3A_47 : i32
      %dma_start3A_49 = arith.constant 2 : i32
      %dma_start3A_50 = arith.constant 0 : i32
      %dma_start3A_51 = tpu.memref_slice %arg5[%dma_start3A_49, %dma_start3A_50] : memref<5x40xi32, #tpu.memory_space<vmem>> -> memref<1x40xi32, #tpu.memory_space<vmem>>
      %dma_start3A_52 = tpu.memref_squeeze %dma_start3A_51 : memref<1x40xi32, #tpu.memory_space<vmem>> -> memref<40xi32, #tpu.memory_space<vmem>>
      %dma_start3A_53 = tpu.memref_slice %arg3[%add3A_48] : memref<320000xi32, #tpu.memory_space<hbm>> -> memref<40xi32, #tpu.memory_space<hbm>>
      %dma_start3A_54 = arith.constant 0 : i32
      %dma_start3A_55 = tpu.memref_slice %arg5[%dma_start3A_49, %dma_start3A_54] : memref<5x40xi32, #tpu.memory_space<vmem>> -> memref<1x40xi32, #tpu.memory_space<vmem>>
      %dma_start3A_56 = tpu.memref_squeeze %dma_start3A_55 : memref<1x40xi32, #tpu.memory_space<vmem>> -> memref<40xi32, #tpu.memory_space<vmem>>
      %dma_start3A_57 = tpu.memref_slice %arg3[%add3A_48] : memref<320000xi32, #tpu.memory_space<hbm>> -> memref<40xi32, #tpu.memory_space<hbm>>
      tpu.enqueue_dma source(%dma_start3A_57 : memref<40xi32, #tpu.memory_space<hbm>>) target(%dma_start3A_56 : memref<40xi32, #tpu.memory_space<vmem>>) target_semaphore(%arg7 : memref<!tpu.dma_semaphore, #tpu.memory_space<semaphore_mem>>)
      %add3A_58 = arith.constant 0 : i32
      %add3A_59 = arith.addi %add3A_58, %mul3A_2 : i32
      %add3A_60 = arith.constant 3 : i32
      %add3A_61 = arith.addi %mul3A_10, %add3A_60 : i32
      %mul3A_62 = arith.constant 40 : i32
      %mul3A_63 = arith.muli %add3A_61, %mul3A_62 : i32
      %add3A_64 = arith.addi %add3A_59, %mul3A_63 : i32
      %dma_start3A_65 = arith.constant 3 : i32
      %dma_start3A_66 = arith.constant 0 : i32
      %dma_start3A_67 = tpu.memref_slice %arg5[%dma_start3A_65, %dma_start3A_66] : memref<5x40xi32, #tpu.memory_space<vmem>> -> memref<1x40xi32, #tpu.memory_space<vmem>>
      %dma_start3A_68 = tpu.memref_squeeze %dma_start3A_67 : memref<1x40xi32, #tpu.memory_space<vmem>> -> memref<40xi32, #tpu.memory_space<vmem>>
      %dma_start3A_69 = tpu.memref_slice %arg3[%add3A_64] : memref<320000xi32, #tpu.memory_space<hbm>> -> memref<40xi32, #tpu.memory_space<hbm>>
      %dma_start3A_70 = arith.constant 0 : i32
      %dma_start3A_71 = tpu.memref_slice %arg5[%dma_start3A_65, %dma_start3A_70] : memref<5x40xi32, #tpu.memory_space<vmem>> -> memref<1x40xi32, #tpu.memory_space<vmem>>
      %dma_start3A_72 = tpu.memref_squeeze %dma_start3A_71 : memref<1x40xi32, #tpu.memory_space<vmem>> -> memref<40xi32, #tpu.memory_space<vmem>>
      %dma_start3A_73 = tpu.memref_slice %arg3[%add3A_64] : memref<320000xi32, #tpu.memory_space<hbm>> -> memref<40xi32, #tpu.memory_space<hbm>>
      tpu.enqueue_dma source(%dma_start3A_73 : memref<40xi32, #tpu.memory_space<hbm>>) target(%dma_start3A_72 : memref<40xi32, #tpu.memory_space<vmem>>) target_semaphore(%arg7 : memref<!tpu.dma_semaphore, #tpu.memory_space<semaphore_mem>>)
      %add3A_74 = arith.constant 0 : i32
      %add3A_75 = arith.addi %add3A_74, %mul3A_2 : i32
      %add3A_76 = arith.constant 4 : i32
      %add3A_77 = arith.addi %mul3A_10, %add3A_76 : i32
      %mul3A_78 = arith.constant 40 : i32
      %mul3A_79 = arith.muli %add3A_77, %mul3A_78 : i32
      %add3A_80 = arith.addi %add3A_75, %mul3A_79 : i32
      %dma_start3A_81 = arith.constant 4 : i32
      %dma_start3A_82 = arith.constant 0 : i32
      %dma_start3A_83 = tpu.memref_slice %arg5[%dma_start3A_81, %dma_start3A_82] : memref<5x40xi32, #tpu.memory_space<vmem>> -> memref<1x40xi32, #tpu.memory_space<vmem>>
      %dma_start3A_84 = tpu.memref_squeeze %dma_start3A_83 : memref<1x40xi32, #tpu.memory_space<vmem>> -> memref<40xi32, #tpu.memory_space<vmem>>
      %dma_start3A_85 = tpu.memref_slice %arg3[%add3A_80] : memref<320000xi32, #tpu.memory_space<hbm>> -> memref<40xi32, #tpu.memory_space<hbm>>
      %dma_start3A_86 = arith.constant 0 : i32
      %dma_start3A_87 = tpu.memref_slice %arg5[%dma_start3A_81, %dma_start3A_86] : memref<5x40xi32, #tpu.memory_space<vmem>> -> memref<1x40xi32, #tpu.memory_space<vmem>>
      %dma_start3A_88 = tpu.memref_squeeze %dma_start3A_87 : memref<1x40xi32, #tpu.memory_space<vmem>> -> memref<40xi32, #tpu.memory_space<vmem>>
      %dma_start3A_89 = tpu.memref_slice %arg3[%add3A_80] : memref<320000xi32, #tpu.memory_space<hbm>> -> memref<40xi32, #tpu.memory_space<hbm>>
      tpu.enqueue_dma source(%dma_start3A_89 : memref<40xi32, #tpu.memory_space<hbm>>) target(%dma_start3A_88 : memref<40xi32, #tpu.memory_space<vmem>>) target_semaphore(%arg7 : memref<!tpu.dma_semaphore, #tpu.memory_space<semaphore_mem>>)
      %dma_wait3A = arith.constant 0 : i32
      %dma_wait3A_90 = arith.constant 0 : i32
      %dma_wait3A_91 = tpu.memref_slice %arg5[%dma_wait3A, %dma_wait3A_90] : memref<5x40xi32, #tpu.memory_space<vmem>> -> memref<1x40xi32, #tpu.memory_space<vmem>>
      %dma_wait3A_92 = tpu.memref_squeeze %dma_wait3A_91 : memref<1x40xi32, #tpu.memory_space<vmem>> -> memref<40xi32, #tpu.memory_space<vmem>>
      %dma_wait3A_93 = tpu.memref_slice %arg3[%add3A_17] : memref<320000xi32, #tpu.memory_space<hbm>> -> memref<40xi32, #tpu.memory_space<hbm>>
      %dma_wait3A_94 = arith.constant 0 : i32
      %dma_wait3A_95 = tpu.memref_slice %arg5[%dma_wait3A, %dma_wait3A_94] : memref<5x40xi32, #tpu.memory_space<vmem>> -> memref<1x40xi32, #tpu.memory_space<vmem>>
      %dma_wait3A_96 = tpu.memref_squeeze %dma_wait3A_95 : memref<1x40xi32, #tpu.memory_space<vmem>> -> memref<40xi32, #tpu.memory_space<vmem>>
      %dma_wait3A_97 = tpu.memref_slice %arg3[%add3A_17] : memref<320000xi32, #tpu.memory_space<hbm>> -> memref<40xi32, #tpu.memory_space<hbm>>
      tpu.wait_dma2 semaphore(%arg7 : memref<!tpu.dma_semaphore, #tpu.memory_space<semaphore_mem>>) src(%dma_wait3A_97 : memref<40xi32, #tpu.memory_space<hbm>>) dst(%dma_wait3A_96 : memref<40xi32, #tpu.memory_space<vmem>>)
      %dma_wait3A_98 = arith.constant 1 : i32
      %dma_wait3A_99 = arith.constant 0 : i32
      %dma_wait3A_100 = tpu.memref_slice %arg5[%dma_wait3A_98, %dma_wait3A_99] : memref<5x40xi32, #tpu.memory_space<vmem>> -> memref<1x40xi32, #tpu.memory_space<vmem>>
      %dma_wait3A_101 = tpu.memref_squeeze %dma_wait3A_100 : memref<1x40xi32, #tpu.memory_space<vmem>> -> memref<40xi32, #tpu.memory_space<vmem>>
      %dma_wait3A_102 = tpu.memref_slice %arg3[%add3A_32] : memref<320000xi32, #tpu.memory_space<hbm>> -> memref<40xi32, #tpu.memory_space<hbm>>
      %dma_wait3A_103 = arith.constant 0 : i32
      %dma_wait3A_104 = tpu.memref_slice %arg5[%dma_wait3A_98, %dma_wait3A_103] : memref<5x40xi32, #tpu.memory_space<vmem>> -> memref<1x40xi32, #tpu.memory_space<vmem>>
      %dma_wait3A_105 = tpu.memref_squeeze %dma_wait3A_104 : memref<1x40xi32, #tpu.memory_space<vmem>> -> memref<40xi32, #tpu.memory_space<vmem>>
      %dma_wait3A_106 = tpu.memref_slice %arg3[%add3A_32] : memref<320000xi32, #tpu.memory_space<hbm>> -> memref<40xi32, #tpu.memory_space<hbm>>
      tpu.wait_dma2 semaphore(%arg7 : memref<!tpu.dma_semaphore, #tpu.memory_space<semaphore_mem>>) src(%dma_wait3A_106 : memref<40xi32, #tpu.memory_space<hbm>>) dst(%dma_wait3A_105 : memref<40xi32, #tpu.memory_space<vmem>>)
      %dma_wait3A_107 = arith.constant 2 : i32
      %dma_wait3A_108 = arith.constant 0 : i32
      %dma_wait3A_109 = tpu.memref_slice %arg5[%dma_wait3A_107, %dma_wait3A_108] : memref<5x40xi32, #tpu.memory_space<vmem>> -> memref<1x40xi32, #tpu.memory_space<vmem>>
      %dma_wait3A_110 = tpu.memref_squeeze %dma_wait3A_109 : memref<1x40xi32, #tpu.memory_space<vmem>> -> memref<40xi32, #tpu.memory_space<vmem>>
      %dma_wait3A_111 = tpu.memref_slice %arg3[%add3A_48] : memref<320000xi32, #tpu.memory_space<hbm>> -> memref<40xi32, #tpu.memory_space<hbm>>
      %dma_wait3A_112 = arith.constant 0 : i32
      %dma_wait3A_113 = tpu.memref_slice %arg5[%dma_wait3A_107, %dma_wait3A_112] : memref<5x40xi32, #tpu.memory_space<vmem>> -> memref<1x40xi32, #tpu.memory_space<vmem>>
      %dma_wait3A_114 = tpu.memref_squeeze %dma_wait3A_113 : memref<1x40xi32, #tpu.memory_space<vmem>> -> memref<40xi32, #tpu.memory_space<vmem>>
      %dma_wait3A_115 = tpu.memref_slice %arg3[%add3A_48] : memref<320000xi32, #tpu.memory_space<hbm>> -> memref<40xi32, #tpu.memory_space<hbm>>
      tpu.wait_dma2 semaphore(%arg7 : memref<!tpu.dma_semaphore, #tpu.memory_space<semaphore_mem>>) src(%dma_wait3A_115 : memref<40xi32, #tpu.memory_space<hbm>>) dst(%dma_wait3A_114 : memref<40xi32, #tpu.memory_space<vmem>>)
      %dma_wait3A_116 = arith.constant 3 : i32
      %dma_wait3A_117 = arith.constant 0 : i32
      %dma_wait3A_118 = tpu.memref_slice %arg5[%dma_wait3A_116, %dma_wait3A_117] : memref<5x40xi32, #tpu.memory_space<vmem>> -> memref<1x40xi32, #tpu.memory_space<vmem>>
      %dma_wait3A_119 = tpu.memref_squeeze %dma_wait3A_118 : memref<1x40xi32, #tpu.memory_space<vmem>> -> memref<40xi32, #tpu.memory_space<vmem>>
      %dma_wait3A_120 = tpu.memref_slice %arg3[%add3A_64] : memref<320000xi32, #tpu.memory_space<hbm>> -> memref<40xi32, #tpu.memory_space<hbm>>
      %dma_wait3A_121 = arith.constant 0 : i32
      %dma_wait3A_122 = tpu.memref_slice %arg5[%dma_wait3A_116, %dma_wait3A_121] : memref<5x40xi32, #tpu.memory_space<vmem>> -> memref<1x40xi32, #tpu.memory_space<vmem>>
      %dma_wait3A_123 = tpu.memref_squeeze %dma_wait3A_122 : memref<1x40xi32, #tpu.memory_space<vmem>> -> memref<40xi32, #tpu.memory_space<vmem>>
      %dma_wait3A_124 = tpu.memref_slice %arg3[%add3A_64] : memref<320000xi32, #tpu.memory_space<hbm>> -> memref<40xi32, #tpu.memory_space<hbm>>
      tpu.wait_dma2 semaphore(%arg7 : memref<!tpu.dma_semaphore, #tpu.memory_space<semaphore_mem>>) src(%dma_wait3A_124 : memref<40xi32, #tpu.memory_space<hbm>>) dst(%dma_wait3A_123 : memref<40xi32, #tpu.memory_space<vmem>>)
      %dma_wait3A_125 = arith.constant 4 : i32
      %dma_wait3A_126 = arith.constant 0 : i32
      %dma_wait3A_127 = tpu.memref_slice %arg5[%dma_wait3A_125, %dma_wait3A_126] : memref<5x40xi32, #tpu.memory_space<vmem>> -> memref<1x40xi32, #tpu.memory_space<vmem>>
      %dma_wait3A_128 = tpu.memref_squeeze %dma_wait3A_127 : memref<1x40xi32, #tpu.memory_space<vmem>> -> memref<40xi32, #tpu.memory_space<vmem>>
      %dma_wait3A_129 = tpu.memref_slice %arg3[%add3A_80] : memref<320000xi32, #tpu.memory_space<hbm>> -> memref<40xi32, #tpu.memory_space<hbm>>
      %dma_wait3A_130 = arith.constant 0 : i32
      %dma_wait3A_131 = tpu.memref_slice %arg5[%dma_wait3A_125, %dma_wait3A_130] : memref<5x40xi32, #tpu.memory_space<vmem>> -> memref<1x40xi32, #tpu.memory_space<vmem>>
      %dma_wait3A_132 = tpu.memref_squeeze %dma_wait3A_131 : memref<1x40xi32, #tpu.memory_space<vmem>> -> memref<40xi32, #tpu.memory_space<vmem>>
      %dma_wait3A_133 = tpu.memref_slice %arg3[%add3A_80] : memref<320000xi32, #tpu.memory_space<hbm>> -> memref<40xi32, #tpu.memory_space<hbm>>
      tpu.wait_dma2 semaphore(%arg7 : memref<!tpu.dma_semaphore, #tpu.memory_space<semaphore_mem>>) src(%dma_wait3A_133 : memref<40xi32, #tpu.memory_space<hbm>>) dst(%dma_wait3A_132 : memref<40xi32, #tpu.memory_space<vmem>>)
      %dma_start3A_134 = arith.constant 0 : i32
      %dma_start3A_135 = arith.constant 0 : i32
      %dma_start3A_136 = arith.constant 0 : i32
      %dma_start3A_137 = arith.constant 0 : i32
      %dma_start3A_138 = tpu.memref_slice %arg6[%dma_start3A_135, %dma_start3A_136, %dma_start3A_137] : memref<5x40x128xf32, #tpu.memory_space<vmem>> -> memref<1x40x128xf32, #tpu.memory_space<vmem>>
      %dma_start3A_139 = tpu.memref_squeeze %dma_start3A_138 : memref<1x40x128xf32, #tpu.memory_space<vmem>> -> memref<40x128xf32, #tpu.memory_space<vmem>>
      %dma_start3A_140 = arith.constant 0 : i32
      %dma_start3A_141 = tpu.memref_slice %arg5[%dma_start3A_134, %dma_start3A_140] : memref<5x40xi32, #tpu.memory_space<vmem>> -> memref<1x40xi32, #tpu.memory_space<vmem>>
      %dma_start3A_142 = tpu.memref_squeeze %dma_start3A_141 : memref<1x40xi32, #tpu.memory_space<vmem>> -> memref<40xi32, #tpu.memory_space<vmem>>
      %dma_start3A_143 = arith.constant 0 : i32
      %dma_start3A_144 = arith.constant 0 : i32
      %dma_start3A_145 = tpu.memref_slice %arg2[%dma_start3A_143, %dma_start3A_144] : memref<10000x128xf32, #tpu.memory_space<hbm>> -> memref<10000x128xf32, #tpu.memory_space<hbm>>
      tpu.enqueue_indirect_dma source(%dma_start3A_145 : memref<10000x128xf32, #tpu.memory_space<hbm>>) target(%dma_start3A_139 : memref<40x128xf32, #tpu.memory_space<vmem>>) offsets(%dma_start3A_142 : memref<40xi32, #tpu.memory_space<vmem>>) semaphore(%arg8 : memref<!tpu.dma_semaphore, #tpu.memory_space<semaphore_mem>>)
      %dma_start3A_146 = arith.constant 1 : i32
      %dma_start3A_147 = arith.constant 1 : i32
      %dma_start3A_148 = arith.constant 0 : i32
      %dma_start3A_149 = arith.constant 0 : i32
      %dma_start3A_150 = tpu.memref_slice %arg6[%dma_start3A_147, %dma_start3A_148, %dma_start3A_149] : memref<5x40x128xf32, #tpu.memory_space<vmem>> -> memref<1x40x128xf32, #tpu.memory_space<vmem>>
      %dma_start3A_151 = tpu.memref_squeeze %dma_start3A_150 : memref<1x40x128xf32, #tpu.memory_space<vmem>> -> memref<40x128xf32, #tpu.memory_space<vmem>>
      %dma_start3A_152 = arith.constant 0 : i32
      %dma_start3A_153 = tpu.memref_slice %arg5[%dma_start3A_146, %dma_start3A_152] : memref<5x40xi32, #tpu.memory_space<vmem>> -> memref<1x40xi32, #tpu.memory_space<vmem>>
      %dma_start3A_154 = tpu.memref_squeeze %dma_start3A_153 : memref<1x40xi32, #tpu.memory_space<vmem>> -> memref<40xi32, #tpu.memory_space<vmem>>
      %dma_start3A_155 = arith.constant 0 : i32
      %dma_start3A_156 = arith.constant 0 : i32
      %dma_start3A_157 = tpu.memref_slice %arg2[%dma_start3A_155, %dma_start3A_156] : memref<10000x128xf32, #tpu.memory_space<hbm>> -> memref<10000x128xf32, #tpu.memory_space<hbm>>
      tpu.enqueue_indirect_dma source(%dma_start3A_157 : memref<10000x128xf32, #tpu.memory_space<hbm>>) target(%dma_start3A_151 : memref<40x128xf32, #tpu.memory_space<vmem>>) offsets(%dma_start3A_154 : memref<40xi32, #tpu.memory_space<vmem>>) semaphore(%arg8 : memref<!tpu.dma_semaphore, #tpu.memory_space<semaphore_mem>>)
      %dma_start3A_158 = arith.constant 2 : i32
      %dma_start3A_159 = arith.constant 2 : i32
      %dma_start3A_160 = arith.constant 0 : i32
      %dma_start3A_161 = arith.constant 0 : i32
      %dma_start3A_162 = tpu.memref_slice %arg6[%dma_start3A_159, %dma_start3A_160, %dma_start3A_161] : memref<5x40x128xf32, #tpu.memory_space<vmem>> -> memref<1x40x128xf32, #tpu.memory_space<vmem>>
      %dma_start3A_163 = tpu.memref_squeeze %dma_start3A_162 : memref<1x40x128xf32, #tpu.memory_space<vmem>> -> memref<40x128xf32, #tpu.memory_space<vmem>>
      %dma_start3A_164 = arith.constant 0 : i32
      %dma_start3A_165 = tpu.memref_slice %arg5[%dma_start3A_158, %dma_start3A_164] : memref<5x40xi32, #tpu.memory_space<vmem>> -> memref<1x40xi32, #tpu.memory_space<vmem>>
      %dma_start3A_166 = tpu.memref_squeeze %dma_start3A_165 : memref<1x40xi32, #tpu.memory_space<vmem>> -> memref<40xi32, #tpu.memory_space<vmem>>
      %dma_start3A_167 = arith.constant 0 : i32
      %dma_start3A_168 = arith.constant 0 : i32
      %dma_start3A_169 = tpu.memref_slice %arg2[%dma_start3A_167, %dma_start3A_168] : memref<10000x128xf32, #tpu.memory_space<hbm>> -> memref<10000x128xf32, #tpu.memory_space<hbm>>
      tpu.enqueue_indirect_dma source(%dma_start3A_169 : memref<10000x128xf32, #tpu.memory_space<hbm>>) target(%dma_start3A_163 : memref<40x128xf32, #tpu.memory_space<vmem>>) offsets(%dma_start3A_166 : memref<40xi32, #tpu.memory_space<vmem>>) semaphore(%arg8 : memref<!tpu.dma_semaphore, #tpu.memory_space<semaphore_mem>>)
      %dma_start3A_170 = arith.constant 3 : i32
      %dma_start3A_171 = arith.constant 3 : i32
      %dma_start3A_172 = arith.constant 0 : i32
      %dma_start3A_173 = arith.constant 0 : i32
      %dma_start3A_174 = tpu.memref_slice %arg6[%dma_start3A_171, %dma_start3A_172, %dma_start3A_173] : memref<5x40x128xf32, #tpu.memory_space<vmem>> -> memref<1x40x128xf32, #tpu.memory_space<vmem>>
      %dma_start3A_175 = tpu.memref_squeeze %dma_start3A_174 : memref<1x40x128xf32, #tpu.memory_space<vmem>> -> memref<40x128xf32, #tpu.memory_space<vmem>>
      %dma_start3A_176 = arith.constant 0 : i32
      %dma_start3A_177 = tpu.memref_slice %arg5[%dma_start3A_170, %dma_start3A_176] : memref<5x40xi32, #tpu.memory_space<vmem>> -> memref<1x40xi32, #tpu.memory_space<vmem>>
      %dma_start3A_178 = tpu.memref_squeeze %dma_start3A_177 : memref<1x40xi32, #tpu.memory_space<vmem>> -> memref<40xi32, #tpu.memory_space<vmem>>
      %dma_start3A_179 = arith.constant 0 : i32
      %dma_start3A_180 = arith.constant 0 : i32
      %dma_start3A_181 = tpu.memref_slice %arg2[%dma_start3A_179, %dma_start3A_180] : memref<10000x128xf32, #tpu.memory_space<hbm>> -> memref<10000x128xf32, #tpu.memory_space<hbm>>
      tpu.enqueue_indirect_dma source(%dma_start3A_181 : memref<10000x128xf32, #tpu.memory_space<hbm>>) target(%dma_start3A_175 : memref<40x128xf32, #tpu.memory_space<vmem>>) offsets(%dma_start3A_178 : memref<40xi32, #tpu.memory_space<vmem>>) semaphore(%arg8 : memref<!tpu.dma_semaphore, #tpu.memory_space<semaphore_mem>>)
      %dma_start3A_182 = arith.constant 4 : i32
      %dma_start3A_183 = arith.constant 4 : i32
      %dma_start3A_184 = arith.constant 0 : i32
      %dma_start3A_185 = arith.constant 0 : i32
      %dma_start3A_186 = tpu.memref_slice %arg6[%dma_start3A_183, %dma_start3A_184, %dma_start3A_185] : memref<5x40x128xf32, #tpu.memory_space<vmem>> -> memref<1x40x128xf32, #tpu.memory_space<vmem>>
      %dma_start3A_187 = tpu.memref_squeeze %dma_start3A_186 : memref<1x40x128xf32, #tpu.memory_space<vmem>> -> memref<40x128xf32, #tpu.memory_space<vmem>>
      %dma_start3A_188 = arith.constant 0 : i32
      %dma_start3A_189 = tpu.memref_slice %arg5[%dma_start3A_182, %dma_start3A_188] : memref<5x40xi32, #tpu.memory_space<vmem>> -> memref<1x40xi32, #tpu.memory_space<vmem>>
      %dma_start3A_190 = tpu.memref_squeeze %dma_start3A_189 : memref<1x40xi32, #tpu.memory_space<vmem>> -> memref<40xi32, #tpu.memory_space<vmem>>
      %dma_start3A_191 = arith.constant 0 : i32
      %dma_start3A_192 = arith.constant 0 : i32
      %dma_start3A_193 = tpu.memref_slice %arg2[%dma_start3A_191, %dma_start3A_192] : memref<10000x128xf32, #tpu.memory_space<hbm>> -> memref<10000x128xf32, #tpu.memory_space<hbm>>
      tpu.enqueue_indirect_dma source(%dma_start3A_193 : memref<10000x128xf32, #tpu.memory_space<hbm>>) target(%dma_start3A_187 : memref<40x128xf32, #tpu.memory_space<vmem>>) offsets(%dma_start3A_190 : memref<40xi32, #tpu.memory_space<vmem>>) semaphore(%arg8 : memref<!tpu.dma_semaphore, #tpu.memory_space<semaphore_mem>>)
      %dma_wait3A_194 = arith.constant 0 : i32
      %dma_wait3A_195 = arith.constant 0 : i32
      %dma_wait3A_196 = arith.constant 0 : i32
      %dma_wait3A_197 = arith.constant 0 : i32
      %dma_wait3A_198 = tpu.memref_slice %arg6[%dma_wait3A_195, %dma_wait3A_196, %dma_wait3A_197] : memref<5x40x128xf32, #tpu.memory_space<vmem>> -> memref<1x40x128xf32, #tpu.memory_space<vmem>>
      %dma_wait3A_199 = tpu.memref_squeeze %dma_wait3A_198 : memref<1x40x128xf32, #tpu.memory_space<vmem>> -> memref<40x128xf32, #tpu.memory_space<vmem>>
      %dma_wait3A_200 = arith.constant 0 : i32
      %dma_wait3A_201 = tpu.memref_slice %arg5[%dma_wait3A_194, %dma_wait3A_200] : memref<5x40xi32, #tpu.memory_space<vmem>> -> memref<1x40xi32, #tpu.memory_space<vmem>>
      %dma_wait3A_202 = tpu.memref_squeeze %dma_wait3A_201 : memref<1x40xi32, #tpu.memory_space<vmem>> -> memref<40xi32, #tpu.memory_space<vmem>>
      %dma_wait3A_203 = arith.constant 0 : i32
      %dma_wait3A_204 = arith.constant 0 : i32
      %dma_wait3A_205 = tpu.memref_slice %arg2[%dma_wait3A_203, %dma_wait3A_204] : memref<10000x128xf32, #tpu.memory_space<hbm>> -> memref<10000x128xf32, #tpu.memory_space<hbm>>
      tpu.wait_indirect_dma semaphore(%arg8 : memref<!tpu.dma_semaphore, #tpu.memory_space<semaphore_mem>>) src(%dma_wait3A_205 : memref<10000x128xf32, #tpu.memory_space<hbm>>) dst(%dma_wait3A_199 : memref<40x128xf32, #tpu.memory_space<vmem>>)
      %dma_wait3A_206 = arith.constant 1 : i32
      %dma_wait3A_207 = arith.constant 1 : i32
      %dma_wait3A_208 = arith.constant 0 : i32
      %dma_wait3A_209 = arith.constant 0 : i32
      %dma_wait3A_210 = tpu.memref_slice %arg6[%dma_wait3A_207, %dma_wait3A_208, %dma_wait3A_209] : memref<5x40x128xf32, #tpu.memory_space<vmem>> -> memref<1x40x128xf32, #tpu.memory_space<vmem>>
      %dma_wait3A_211 = tpu.memref_squeeze %dma_wait3A_210 : memref<1x40x128xf32, #tpu.memory_space<vmem>> -> memref<40x128xf32, #tpu.memory_space<vmem>>
      %dma_wait3A_212 = arith.constant 0 : i32
      %dma_wait3A_213 = tpu.memref_slice %arg5[%dma_wait3A_206, %dma_wait3A_212] : memref<5x40xi32, #tpu.memory_space<vmem>> -> memref<1x40xi32, #tpu.memory_space<vmem>>
      %dma_wait3A_214 = tpu.memref_squeeze %dma_wait3A_213 : memref<1x40xi32, #tpu.memory_space<vmem>> -> memref<40xi32, #tpu.memory_space<vmem>>
      %dma_wait3A_215 = arith.constant 0 : i32
      %dma_wait3A_216 = arith.constant 0 : i32
      %dma_wait3A_217 = tpu.memref_slice %arg2[%dma_wait3A_215, %dma_wait3A_216] : memref<10000x128xf32, #tpu.memory_space<hbm>> -> memref<10000x128xf32, #tpu.memory_space<hbm>>
      tpu.wait_indirect_dma semaphore(%arg8 : memref<!tpu.dma_semaphore, #tpu.memory_space<semaphore_mem>>) src(%dma_wait3A_217 : memref<10000x128xf32, #tpu.memory_space<hbm>>) dst(%dma_wait3A_211 : memref<40x128xf32, #tpu.memory_space<vmem>>)
      %dma_wait3A_218 = arith.constant 2 : i32
      %dma_wait3A_219 = arith.constant 2 : i32
      %dma_wait3A_220 = arith.constant 0 : i32
      %dma_wait3A_221 = arith.constant 0 : i32
      %dma_wait3A_222 = tpu.memref_slice %arg6[%dma_wait3A_219, %dma_wait3A_220, %dma_wait3A_221] : memref<5x40x128xf32, #tpu.memory_space<vmem>> -> memref<1x40x128xf32, #tpu.memory_space<vmem>>
      %dma_wait3A_223 = tpu.memref_squeeze %dma_wait3A_222 : memref<1x40x128xf32, #tpu.memory_space<vmem>> -> memref<40x128xf32, #tpu.memory_space<vmem>>
      %dma_wait3A_224 = arith.constant 0 : i32
      %dma_wait3A_225 = tpu.memref_slice %arg5[%dma_wait3A_218, %dma_wait3A_224] : memref<5x40xi32, #tpu.memory_space<vmem>> -> memref<1x40xi32, #tpu.memory_space<vmem>>
      %dma_wait3A_226 = tpu.memref_squeeze %dma_wait3A_225 : memref<1x40xi32, #tpu.memory_space<vmem>> -> memref<40xi32, #tpu.memory_space<vmem>>
      %dma_wait3A_227 = arith.constant 0 : i32
      %dma_wait3A_228 = arith.constant 0 : i32
      %dma_wait3A_229 = tpu.memref_slice %arg2[%dma_wait3A_227, %dma_wait3A_228] : memref<10000x128xf32, #tpu.memory_space<hbm>> -> memref<10000x128xf32, #tpu.memory_space<hbm>>
      tpu.wait_indirect_dma semaphore(%arg8 : memref<!tpu.dma_semaphore, #tpu.memory_space<semaphore_mem>>) src(%dma_wait3A_229 : memref<10000x128xf32, #tpu.memory_space<hbm>>) dst(%dma_wait3A_223 : memref<40x128xf32, #tpu.memory_space<vmem>>)
      %dma_wait3A_230 = arith.constant 3 : i32
      %dma_wait3A_231 = arith.constant 3 : i32
      %dma_wait3A_232 = arith.constant 0 : i32
      %dma_wait3A_233 = arith.constant 0 : i32
      %dma_wait3A_234 = tpu.memref_slice %arg6[%dma_wait3A_231, %dma_wait3A_232, %dma_wait3A_233] : memref<5x40x128xf32, #tpu.memory_space<vmem>> -> memref<1x40x128xf32, #tpu.memory_space<vmem>>
      %dma_wait3A_235 = tpu.memref_squeeze %dma_wait3A_234 : memref<1x40x128xf32, #tpu.memory_space<vmem>> -> memref<40x128xf32, #tpu.memory_space<vmem>>
      %dma_wait3A_236 = arith.constant 0 : i32
      %dma_wait3A_237 = tpu.memref_slice %arg5[%dma_wait3A_230, %dma_wait3A_236] : memref<5x40xi32, #tpu.memory_space<vmem>> -> memref<1x40xi32, #tpu.memory_space<vmem>>
      %dma_wait3A_238 = tpu.memref_squeeze %dma_wait3A_237 : memref<1x40xi32, #tpu.memory_space<vmem>> -> memref<40xi32, #tpu.memory_space<vmem>>
      %dma_wait3A_239 = arith.constant 0 : i32
      %dma_wait3A_240 = arith.constant 0 : i32
      %dma_wait3A_241 = tpu.memref_slice %arg2[%dma_wait3A_239, %dma_wait3A_240] : memref<10000x128xf32, #tpu.memory_space<hbm>> -> memref<10000x128xf32, #tpu.memory_space<hbm>>
      tpu.wait_indirect_dma semaphore(%arg8 : memref<!tpu.dma_semaphore, #tpu.memory_space<semaphore_mem>>) src(%dma_wait3A_241 : memref<10000x128xf32, #tpu.memory_space<hbm>>) dst(%dma_wait3A_235 : memref<40x128xf32, #tpu.memory_space<vmem>>)
      %dma_wait3A_242 = arith.constant 4 : i32
      %dma_wait3A_243 = arith.constant 4 : i32
      %dma_wait3A_244 = arith.constant 0 : i32
      %dma_wait3A_245 = arith.constant 0 : i32
      %dma_wait3A_246 = tpu.memref_slice %arg6[%dma_wait3A_243, %dma_wait3A_244, %dma_wait3A_245] : memref<5x40x128xf32, #tpu.memory_space<vmem>> -> memref<1x40x128xf32, #tpu.memory_space<vmem>>
      %dma_wait3A_247 = tpu.memref_squeeze %dma_wait3A_246 : memref<1x40x128xf32, #tpu.memory_space<vmem>> -> memref<40x128xf32, #tpu.memory_space<vmem>>
      %dma_wait3A_248 = arith.constant 0 : i32
      %dma_wait3A_249 = tpu.memref_slice %arg5[%dma_wait3A_242, %dma_wait3A_248] : memref<5x40xi32, #tpu.memory_space<vmem>> -> memref<1x40xi32, #tpu.memory_space<vmem>>
      %dma_wait3A_250 = tpu.memref_squeeze %dma_wait3A_249 : memref<1x40xi32, #tpu.memory_space<vmem>> -> memref<40xi32, #tpu.memory_space<vmem>>
      %dma_wait3A_251 = arith.constant 0 : i32
      %dma_wait3A_252 = arith.constant 0 : i32
      %dma_wait3A_253 = tpu.memref_slice %arg2[%dma_wait3A_251, %dma_wait3A_252] : memref<10000x128xf32, #tpu.memory_space<hbm>> -> memref<10000x128xf32, #tpu.memory_space<hbm>>
      tpu.wait_indirect_dma semaphore(%arg8 : memref<!tpu.dma_semaphore, #tpu.memory_space<semaphore_mem>>) src(%dma_wait3A_253 : memref<10000x128xf32, #tpu.memory_space<hbm>>) dst(%dma_wait3A_247 : memref<40x128xf32, #tpu.memory_space<vmem>>)
      %add3A_254 = arith.constant 0 : i32
      %add3A_255 = arith.addi %mul3A_10, %add3A_254 : i32
      %mul3A_256 = arith.constant 40 : i32
      %mul3A_257 = arith.muli %add3A_255, %mul3A_256 : i32
      %add3A_258 = arith.addi %mul3A_2, %mul3A_257 : i32
      %dma_start3A_259 = arith.constant 0 : i32
      %dma_start3A_260 = arith.constant 0 : i32
      %dma_start3A_261 = arith.constant 0 : i32
      %dma_start3A_262 = tpu.memref_slice %arg6[%dma_start3A_259, %dma_start3A_260, %dma_start3A_261] : memref<5x40x128xf32, #tpu.memory_space<vmem>> -> memref<1x40x128xf32, #tpu.memory_space<vmem>>
      %dma_start3A_263 = tpu.memref_squeeze %dma_start3A_262 : memref<1x40x128xf32, #tpu.memory_space<vmem>> -> memref<40x128xf32, #tpu.memory_space<vmem>>
      %dma_start3A_264 = arith.constant 0 : i32
      %dma_start3A_265 = tpu.memref_slice %arg4[%add3A_258, %dma_start3A_264] : memref<160000x128xf32, #tpu.memory_space<hbm>> -> memref<40x128xf32, #tpu.memory_space<hbm>>
      %dma_start3A_266 = arith.constant 0 : i32
      %dma_start3A_267 = tpu.memref_slice %arg4[%add3A_258, %dma_start3A_266] : memref<160000x128xf32, #tpu.memory_space<hbm>> -> memref<40x128xf32, #tpu.memory_space<hbm>>
      %dma_start3A_268 = arith.constant 0 : i32
      %dma_start3A_269 = arith.constant 0 : i32
      %dma_start3A_270 = tpu.memref_slice %arg6[%dma_start3A_259, %dma_start3A_268, %dma_start3A_269] : memref<5x40x128xf32, #tpu.memory_space<vmem>> -> memref<1x40x128xf32, #tpu.memory_space<vmem>>
      %dma_start3A_271 = tpu.memref_squeeze %dma_start3A_270 : memref<1x40x128xf32, #tpu.memory_space<vmem>> -> memref<40x128xf32, #tpu.memory_space<vmem>>
      tpu.enqueue_dma source(%dma_start3A_271 : memref<40x128xf32, #tpu.memory_space<vmem>>) target(%dma_start3A_267 : memref<40x128xf32, #tpu.memory_space<hbm>>) target_semaphore(%arg9 : memref<!tpu.dma_semaphore, #tpu.memory_space<semaphore_mem>>)
      %add3A_272 = arith.constant 1 : i32
      %add3A_273 = arith.addi %mul3A_10, %add3A_272 : i32
      %mul3A_274 = arith.constant 40 : i32
      %mul3A_275 = arith.muli %add3A_273, %mul3A_274 : i32
      %add3A_276 = arith.addi %mul3A_2, %mul3A_275 : i32
      %dma_start3A_277 = arith.constant 1 : i32
      %dma_start3A_278 = arith.constant 0 : i32
      %dma_start3A_279 = arith.constant 0 : i32
      %dma_start3A_280 = tpu.memref_slice %arg6[%dma_start3A_277, %dma_start3A_278, %dma_start3A_279] : memref<5x40x128xf32, #tpu.memory_space<vmem>> -> memref<1x40x128xf32, #tpu.memory_space<vmem>>
      %dma_start3A_281 = tpu.memref_squeeze %dma_start3A_280 : memref<1x40x128xf32, #tpu.memory_space<vmem>> -> memref<40x128xf32, #tpu.memory_space<vmem>>
      %dma_start3A_282 = arith.constant 0 : i32
      %dma_start3A_283 = tpu.memref_slice %arg4[%add3A_276, %dma_start3A_282] : memref<160000x128xf32, #tpu.memory_space<hbm>> -> memref<40x128xf32, #tpu.memory_space<hbm>>
      %dma_start3A_284 = arith.constant 0 : i32
      %dma_start3A_285 = tpu.memref_slice %arg4[%add3A_276, %dma_start3A_284] : memref<160000x128xf32, #tpu.memory_space<hbm>> -> memref<40x128xf32, #tpu.memory_space<hbm>>
      %dma_start3A_286 = arith.constant 0 : i32
      %dma_start3A_287 = arith.constant 0 : i32
      %dma_start3A_288 = tpu.memref_slice %arg6[%dma_start3A_277, %dma_start3A_286, %dma_start3A_287] : memref<5x40x128xf32, #tpu.memory_space<vmem>> -> memref<1x40x128xf32, #tpu.memory_space<vmem>>
      %dma_start3A_289 = tpu.memref_squeeze %dma_start3A_288 : memref<1x40x128xf32, #tpu.memory_space<vmem>> -> memref<40x128xf32, #tpu.memory_space<vmem>>
      tpu.enqueue_dma source(%dma_start3A_289 : memref<40x128xf32, #tpu.memory_space<vmem>>) target(%dma_start3A_285 : memref<40x128xf32, #tpu.memory_space<hbm>>) target_semaphore(%arg9 : memref<!tpu.dma_semaphore, #tpu.memory_space<semaphore_mem>>)
      %add3A_290 = arith.constant 2 : i32
      %add3A_291 = arith.addi %mul3A_10, %add3A_290 : i32
      %mul3A_292 = arith.constant 40 : i32
      %mul3A_293 = arith.muli %add3A_291, %mul3A_292 : i32
      %add3A_294 = arith.addi %mul3A_2, %mul3A_293 : i32
      %dma_start3A_295 = arith.constant 2 : i32
      %dma_start3A_296 = arith.constant 0 : i32
      %dma_start3A_297 = arith.constant 0 : i32
      %dma_start3A_298 = tpu.memref_slice %arg6[%dma_start3A_295, %dma_start3A_296, %dma_start3A_297] : memref<5x40x128xf32, #tpu.memory_space<vmem>> -> memref<1x40x128xf32, #tpu.memory_space<vmem>>
      %dma_start3A_299 = tpu.memref_squeeze %dma_start3A_298 : memref<1x40x128xf32, #tpu.memory_space<vmem>> -> memref<40x128xf32, #tpu.memory_space<vmem>>
      %dma_start3A_300 = arith.constant 0 : i32
      %dma_start3A_301 = tpu.memref_slice %arg4[%add3A_294, %dma_start3A_300] : memref<160000x128xf32, #tpu.memory_space<hbm>> -> memref<40x128xf32, #tpu.memory_space<hbm>>
      %dma_start3A_302 = arith.constant 0 : i32
      %dma_start3A_303 = tpu.memref_slice %arg4[%add3A_294, %dma_start3A_302] : memref<160000x128xf32, #tpu.memory_space<hbm>> -> memref<40x128xf32, #tpu.memory_space<hbm>>
      %dma_start3A_304 = arith.constant 0 : i32
      %dma_start3A_305 = arith.constant 0 : i32
      %dma_start3A_306 = tpu.memref_slice %arg6[%dma_start3A_295, %dma_start3A_304, %dma_start3A_305] : memref<5x40x128xf32, #tpu.memory_space<vmem>> -> memref<1x40x128xf32, #tpu.memory_space<vmem>>
      %dma_start3A_307 = tpu.memref_squeeze %dma_start3A_306 : memref<1x40x128xf32, #tpu.memory_space<vmem>> -> memref<40x128xf32, #tpu.memory_space<vmem>>
      tpu.enqueue_dma source(%dma_start3A_307 : memref<40x128xf32, #tpu.memory_space<vmem>>) target(%dma_start3A_303 : memref<40x128xf32, #tpu.memory_space<hbm>>) target_semaphore(%arg9 : memref<!tpu.dma_semaphore, #tpu.memory_space<semaphore_mem>>)
      %add3A_308 = arith.constant 3 : i32
      %add3A_309 = arith.addi %mul3A_10, %add3A_308 : i32
      %mul3A_310 = arith.constant 40 : i32
      %mul3A_311 = arith.muli %add3A_309, %mul3A_310 : i32
      %add3A_312 = arith.addi %mul3A_2, %mul3A_311 : i32
      %dma_start3A_313 = arith.constant 3 : i32
      %dma_start3A_314 = arith.constant 0 : i32
      %dma_start3A_315 = arith.constant 0 : i32
      %dma_start3A_316 = tpu.memref_slice %arg6[%dma_start3A_313, %dma_start3A_314, %dma_start3A_315] : memref<5x40x128xf32, #tpu.memory_space<vmem>> -> memref<1x40x128xf32, #tpu.memory_space<vmem>>
      %dma_start3A_317 = tpu.memref_squeeze %dma_start3A_316 : memref<1x40x128xf32, #tpu.memory_space<vmem>> -> memref<40x128xf32, #tpu.memory_space<vmem>>
      %dma_start3A_318 = arith.constant 0 : i32
      %dma_start3A_319 = tpu.memref_slice %arg4[%add3A_312, %dma_start3A_318] : memref<160000x128xf32, #tpu.memory_space<hbm>> -> memref<40x128xf32, #tpu.memory_space<hbm>>
      %dma_start3A_320 = arith.constant 0 : i32
      %dma_start3A_321 = tpu.memref_slice %arg4[%add3A_312, %dma_start3A_320] : memref<160000x128xf32, #tpu.memory_space<hbm>> -> memref<40x128xf32, #tpu.memory_space<hbm>>
      %dma_start3A_322 = arith.constant 0 : i32
      %dma_start3A_323 = arith.constant 0 : i32
      %dma_start3A_324 = tpu.memref_slice %arg6[%dma_start3A_313, %dma_start3A_322, %dma_start3A_323] : memref<5x40x128xf32, #tpu.memory_space<vmem>> -> memref<1x40x128xf32, #tpu.memory_space<vmem>>
      %dma_start3A_325 = tpu.memref_squeeze %dma_start3A_324 : memref<1x40x128xf32, #tpu.memory_space<vmem>> -> memref<40x128xf32, #tpu.memory_space<vmem>>
      tpu.enqueue_dma source(%dma_start3A_325 : memref<40x128xf32, #tpu.memory_space<vmem>>) target(%dma_start3A_321 : memref<40x128xf32, #tpu.memory_space<hbm>>) target_semaphore(%arg9 : memref<!tpu.dma_semaphore, #tpu.memory_space<semaphore_mem>>)
      %add3A_326 = arith.constant 4 : i32
      %add3A_327 = arith.addi %mul3A_10, %add3A_326 : i32
      %mul3A_328 = arith.constant 40 : i32
      %mul3A_329 = arith.muli %add3A_327, %mul3A_328 : i32
      %add3A_330 = arith.addi %mul3A_2, %mul3A_329 : i32
      %dma_start3A_331 = arith.constant 4 : i32
      %dma_start3A_332 = arith.constant 0 : i32
      %dma_start3A_333 = arith.constant 0 : i32
      %dma_start3A_334 = tpu.memref_slice %arg6[%dma_start3A_331, %dma_start3A_332, %dma_start3A_333] : memref<5x40x128xf32, #tpu.memory_space<vmem>> -> memref<1x40x128xf32, #tpu.memory_space<vmem>>
      %dma_start3A_335 = tpu.memref_squeeze %dma_start3A_334 : memref<1x40x128xf32, #tpu.memory_space<vmem>> -> memref<40x128xf32, #tpu.memory_space<vmem>>
      %dma_start3A_336 = arith.constant 0 : i32
      %dma_start3A_337 = tpu.memref_slice %arg4[%add3A_330, %dma_start3A_336] : memref<160000x128xf32, #tpu.memory_space<hbm>> -> memref<40x128xf32, #tpu.memory_space<hbm>>
      %dma_start3A_338 = arith.constant 0 : i32
      %dma_start3A_339 = tpu.memref_slice %arg4[%add3A_330, %dma_start3A_338] : memref<160000x128xf32, #tpu.memory_space<hbm>> -> memref<40x128xf32, #tpu.memory_space<hbm>>
      %dma_start3A_340 = arith.constant 0 : i32
      %dma_start3A_341 = arith.constant 0 : i32
      %dma_start3A_342 = tpu.memref_slice %arg6[%dma_start3A_331, %dma_start3A_340, %dma_start3A_341] : memref<5x40x128xf32, #tpu.memory_space<vmem>> -> memref<1x40x128xf32, #tpu.memory_space<vmem>>
      %dma_start3A_343 = tpu.memref_squeeze %dma_start3A_342 : memref<1x40x128xf32, #tpu.memory_space<vmem>> -> memref<40x128xf32, #tpu.memory_space<vmem>>
      tpu.enqueue_dma source(%dma_start3A_343 : memref<40x128xf32, #tpu.memory_space<vmem>>) target(%dma_start3A_339 : memref<40x128xf32, #tpu.memory_space<hbm>>) target_semaphore(%arg9 : memref<!tpu.dma_semaphore, #tpu.memory_space<semaphore_mem>>)
      %dma_wait3A_344 = arith.constant 0 : i32
      %dma_wait3A_345 = arith.constant 0 : i32
      %dma_wait3A_346 = arith.constant 0 : i32
      %dma_wait3A_347 = tpu.memref_slice %arg6[%dma_wait3A_344, %dma_wait3A_345, %dma_wait3A_346] : memref<5x40x128xf32, #tpu.memory_space<vmem>> -> memref<1x40x128xf32, #tpu.memory_space<vmem>>
      %dma_wait3A_348 = tpu.memref_squeeze %dma_wait3A_347 : memref<1x40x128xf32, #tpu.memory_space<vmem>> -> memref<40x128xf32, #tpu.memory_space<vmem>>
      %dma_wait3A_349 = arith.constant 0 : i32
      %dma_wait3A_350 = tpu.memref_slice %arg4[%add3A_258, %dma_wait3A_349] : memref<160000x128xf32, #tpu.memory_space<hbm>> -> memref<40x128xf32, #tpu.memory_space<hbm>>
      %dma_wait3A_351 = arith.constant 0 : i32
      %dma_wait3A_352 = tpu.memref_slice %arg4[%add3A_258, %dma_wait3A_351] : memref<160000x128xf32, #tpu.memory_space<hbm>> -> memref<40x128xf32, #tpu.memory_space<hbm>>
      %dma_wait3A_353 = arith.constant 0 : i32
      %dma_wait3A_354 = arith.constant 0 : i32
      %dma_wait3A_355 = tpu.memref_slice %arg6[%dma_wait3A_344, %dma_wait3A_353, %dma_wait3A_354] : memref<5x40x128xf32, #tpu.memory_space<vmem>> -> memref<1x40x128xf32, #tpu.memory_space<vmem>>
      %dma_wait3A_356 = tpu.memref_squeeze %dma_wait3A_355 : memref<1x40x128xf32, #tpu.memory_space<vmem>> -> memref<40x128xf32, #tpu.memory_space<vmem>>
      tpu.wait_dma2 semaphore(%arg9 : memref<!tpu.dma_semaphore, #tpu.memory_space<semaphore_mem>>) src(%dma_wait3A_356 : memref<40x128xf32, #tpu.memory_space<vmem>>) dst(%dma_wait3A_352 : memref<40x128xf32, #tpu.memory_space<hbm>>)
      %dma_wait3A_357 = arith.constant 1 : i32
      %dma_wait3A_358 = arith.constant 0 : i32
      %dma_wait3A_359 = arith.constant 0 : i32
      %dma_wait3A_360 = tpu.memref_slice %arg6[%dma_wait3A_357, %dma_wait3A_358, %dma_wait3A_359] : memref<5x40x128xf32, #tpu.memory_space<vmem>> -> memref<1x40x128xf32, #tpu.memory_space<vmem>>
      %dma_wait3A_361 = tpu.memref_squeeze %dma_wait3A_360 : memref<1x40x128xf32, #tpu.memory_space<vmem>> -> memref<40x128xf32, #tpu.memory_space<vmem>>
      %dma_wait3A_362 = arith.constant 0 : i32
      %dma_wait3A_363 = tpu.memref_slice %arg4[%add3A_276, %dma_wait3A_362] : memref<160000x128xf32, #tpu.memory_space<hbm>> -> memref<40x128xf32, #tpu.memory_space<hbm>>
      %dma_wait3A_364 = arith.constant 0 : i32
      %dma_wait3A_365 = tpu.memref_slice %arg4[%add3A_276, %dma_wait3A_364] : memref<160000x128xf32, #tpu.memory_space<hbm>> -> memref<40x128xf32, #tpu.memory_space<hbm>>
      %dma_wait3A_366 = arith.constant 0 : i32
      %dma_wait3A_367 = arith.constant 0 : i32
      %dma_wait3A_368 = tpu.memref_slice %arg6[%dma_wait3A_357, %dma_wait3A_366, %dma_wait3A_367] : memref<5x40x128xf32, #tpu.memory_space<vmem>> -> memref<1x40x128xf32, #tpu.memory_space<vmem>>
      %dma_wait3A_369 = tpu.memref_squeeze %dma_wait3A_368 : memref<1x40x128xf32, #tpu.memory_space<vmem>> -> memref<40x128xf32, #tpu.memory_space<vmem>>
      tpu.wait_dma2 semaphore(%arg9 : memref<!tpu.dma_semaphore, #tpu.memory_space<semaphore_mem>>) src(%dma_wait3A_369 : memref<40x128xf32, #tpu.memory_space<vmem>>) dst(%dma_wait3A_365 : memref<40x128xf32, #tpu.memory_space<hbm>>)
      %dma_wait3A_370 = arith.constant 2 : i32
      %dma_wait3A_371 = arith.constant 0 : i32
      %dma_wait3A_372 = arith.constant 0 : i32
      %dma_wait3A_373 = tpu.memref_slice %arg6[%dma_wait3A_370, %dma_wait3A_371, %dma_wait3A_372] : memref<5x40x128xf32, #tpu.memory_space<vmem>> -> memref<1x40x128xf32, #tpu.memory_space<vmem>>
      %dma_wait3A_374 = tpu.memref_squeeze %dma_wait3A_373 : memref<1x40x128xf32, #tpu.memory_space<vmem>> -> memref<40x128xf32, #tpu.memory_space<vmem>>
      %dma_wait3A_375 = arith.constant 0 : i32
      %dma_wait3A_376 = tpu.memref_slice %arg4[%add3A_294, %dma_wait3A_375] : memref<160000x128xf32, #tpu.memory_space<hbm>> -> memref<40x128xf32, #tpu.memory_space<hbm>>
      %dma_wait3A_377 = arith.constant 0 : i32
      %dma_wait3A_378 = tpu.memref_slice %arg4[%add3A_294, %dma_wait3A_377] : memref<160000x128xf32, #tpu.memory_space<hbm>> -> memref<40x128xf32, #tpu.memory_space<hbm>>
      %dma_wait3A_379 = arith.constant 0 : i32
      %dma_wait3A_380 = arith.constant 0 : i32
      %dma_wait3A_381 = tpu.memref_slice %arg6[%dma_wait3A_370, %dma_wait3A_379, %dma_wait3A_380] : memref<5x40x128xf32, #tpu.memory_space<vmem>> -> memref<1x40x128xf32, #tpu.memory_space<vmem>>
      %dma_wait3A_382 = tpu.memref_squeeze %dma_wait3A_381 : memref<1x40x128xf32, #tpu.memory_space<vmem>> -> memref<40x128xf32, #tpu.memory_space<vmem>>
      tpu.wait_dma2 semaphore(%arg9 : memref<!tpu.dma_semaphore, #tpu.memory_space<semaphore_mem>>) src(%dma_wait3A_382 : memref<40x128xf32, #tpu.memory_space<vmem>>) dst(%dma_wait3A_378 : memref<40x128xf32, #tpu.memory_space<hbm>>)
      %dma_wait3A_383 = arith.constant 3 : i32
      %dma_wait3A_384 = arith.constant 0 : i32
      %dma_wait3A_385 = arith.constant 0 : i32
      %dma_wait3A_386 = tpu.memref_slice %arg6[%dma_wait3A_383, %dma_wait3A_384, %dma_wait3A_385] : memref<5x40x128xf32, #tpu.memory_space<vmem>> -> memref<1x40x128xf32, #tpu.memory_space<vmem>>
      %dma_wait3A_387 = tpu.memref_squeeze %dma_wait3A_386 : memref<1x40x128xf32, #tpu.memory_space<vmem>> -> memref<40x128xf32, #tpu.memory_space<vmem>>
      %dma_wait3A_388 = arith.constant 0 : i32
      %dma_wait3A_389 = tpu.memref_slice %arg4[%add3A_312, %dma_wait3A_388] : memref<160000x128xf32, #tpu.memory_space<hbm>> -> memref<40x128xf32, #tpu.memory_space<hbm>>
      %dma_wait3A_390 = arith.constant 0 : i32
      %dma_wait3A_391 = tpu.memref_slice %arg4[%add3A_312, %dma_wait3A_390] : memref<160000x128xf32, #tpu.memory_space<hbm>> -> memref<40x128xf32, #tpu.memory_space<hbm>>
      %dma_wait3A_392 = arith.constant 0 : i32
      %dma_wait3A_393 = arith.constant 0 : i32
      %dma_wait3A_394 = tpu.memref_slice %arg6[%dma_wait3A_383, %dma_wait3A_392, %dma_wait3A_393] : memref<5x40x128xf32, #tpu.memory_space<vmem>> -> memref<1x40x128xf32, #tpu.memory_space<vmem>>
      %dma_wait3A_395 = tpu.memref_squeeze %dma_wait3A_394 : memref<1x40x128xf32, #tpu.memory_space<vmem>> -> memref<40x128xf32, #tpu.memory_space<vmem>>
      tpu.wait_dma2 semaphore(%arg9 : memref<!tpu.dma_semaphore, #tpu.memory_space<semaphore_mem>>) src(%dma_wait3A_395 : memref<40x128xf32, #tpu.memory_space<vmem>>) dst(%dma_wait3A_391 : memref<40x128xf32, #tpu.memory_space<hbm>>)
      %dma_wait3A_396 = arith.constant 4 : i32
      %dma_wait3A_397 = arith.constant 0 : i32
      %dma_wait3A_398 = arith.constant 0 : i32
      %dma_wait3A_399 = tpu.memref_slice %arg6[%dma_wait3A_396, %dma_wait3A_397, %dma_wait3A_398] : memref<5x40x128xf32, #tpu.memory_space<vmem>> -> memref<1x40x128xf32, #tpu.memory_space<vmem>>
      %dma_wait3A_400 = tpu.memref_squeeze %dma_wait3A_399 : memref<1x40x128xf32, #tpu.memory_space<vmem>> -> memref<40x128xf32, #tpu.memory_space<vmem>>
      %dma_wait3A_401 = arith.constant 0 : i32
      %dma_wait3A_402 = tpu.memref_slice %arg4[%add3A_330, %dma_wait3A_401] : memref<160000x128xf32, #tpu.memory_space<hbm>> -> memref<40x128xf32, #tpu.memory_space<hbm>>
      %dma_wait3A_403 = arith.constant 0 : i32
      %dma_wait3A_404 = tpu.memref_slice %arg4[%add3A_330, %dma_wait3A_403] : memref<160000x128xf32, #tpu.memory_space<hbm>> -> memref<40x128xf32, #tpu.memory_space<hbm>>
      %dma_wait3A_405 = arith.constant 0 : i32
      %dma_wait3A_406 = arith.constant 0 : i32
      %dma_wait3A_407 = tpu.memref_slice %arg6[%dma_wait3A_396, %dma_wait3A_405, %dma_wait3A_406] : memref<5x40x128xf32, #tpu.memory_space<vmem>> -> memref<1x40x128xf32, #tpu.memory_space<vmem>>
      %dma_wait3A_408 = tpu.memref_squeeze %dma_wait3A_407 : memref<1x40x128xf32, #tpu.memory_space<vmem>> -> memref<40x128xf32, #tpu.memory_space<vmem>>
      tpu.wait_dma2 semaphore(%arg9 : memref<!tpu.dma_semaphore, #tpu.memory_space<semaphore_mem>>) src(%dma_wait3A_408 : memref<40x128xf32, #tpu.memory_space<vmem>>) dst(%dma_wait3A_404 : memref<40x128xf32, #tpu.memory_space<hbm>>)
    }
    %scan3A_7 = arith.constant 25 : i32
    return
  }
}

module attributes {stable_mosaic.version = 14 : i64} {
  func.func @_msg_body(%arg0: i32, %arg1: memref<16x1280xf32, #tpu.memory_space<vmem>>, %arg2: memref<1280x128xf32, #tpu.memory_space<vmem>>, %arg3: memref<2176x128xbf16, #tpu.memory_space<vmem>>, %arg4: memref<128x128xbf16, #tpu.memory_space<vmem>>, %arg5: memref<1280x128xf32, #tpu.memory_space<vmem>>) attributes {dimension_semantics = [#tpu.dimension_semantics<arbitrary>], iteration_bounds = array<i64: 125>, scalar_prefetch = 0 : i64, scratch_operands = 0 : i64, tpu.core_type = #tpu.core_type<tc>, window_params = [{transform_indices = @transform_0, window_bounds = array<i64: 16, 1280>}, {transform_indices = @transform_1, window_bounds = array<i64: 1280, 128>}, {pipeline_mode = #tpu.pipeline_mode<synchronous>, transform_indices = @transform_2, window_bounds = array<i64: 2176, 128>}, {pipeline_mode = #tpu.pipeline_mode<synchronous>, transform_indices = @transform_3, window_bounds = array<i64: 128, 128>}, {transform_indices = @transform_4, window_bounds = array<i64: 1280, 128>}]} {
    %get3A = arith.constant 0 : index
    %get3A_0 = arith.constant 0 : index
    %get3A_1 = vector.load %arg2[%get3A, %get3A_0] : memref<1280x128xf32, #tpu.memory_space<vmem>>, vector<1280x128xf32>
    %convert_element_type3A = arith.truncf %get3A_1 : vector<1280x128xf32> to vector<1280x128xbf16>
    %get3A_2 = arith.constant 0 : index
    %get3A_3 = arith.constant 0 : index
    %get3A_4 = vector.load %arg4[%get3A_2, %get3A_3] : memref<128x128xbf16, #tpu.memory_space<vmem>>, vector<128x128xbf16>
    %dot_general3A = arith.constant dense<0.000000e+00> : vector<128x1280xf32>
    %dot_general3A_5 = tpu.matmul %get3A_4, %convert_element_type3A, %dot_general3A {dimension_numbers = #tpu.dot_dimension_numbers<[1], [1], [0], [0], [0, 0, 1, 0], [], []>, transpose_lhs_hint = false} : vector<128x128xbf16>, vector<1280x128xbf16>, vector<128x1280xf32> -> vector<128x1280xf32>
    %convert_element_type3A_6 = arith.truncf %dot_general3A_5 : vector<128x1280xf32> to vector<128x1280xbf16>
    %get3A_7 = arith.constant 0 : index
    %get3A_8 = arith.constant 0 : index
    %get3A_9 = vector.load %arg1[%get3A_7, %get3A_8] : memref<16x1280xf32, #tpu.memory_space<vmem>>, vector<16x1280xf32>
    %convert_element_type3A_10 = arith.truncf %get3A_9 : vector<16x1280xf32> to vector<16x1280xbf16>
    %get3A_11 = arith.constant 2048 : index
    %get3A_12 = arith.constant 0 : index
    %get3A_13 = vector.load %arg3[%get3A_11, %get3A_12] : memref<2176x128xbf16, #tpu.memory_space<vmem>>, vector<128x128xbf16>
    %dot_general3A_14 = arith.constant dense<0.000000e+00> : vector<1280x128xf32>
    %dot_general3A_15 = tpu.matmul %convert_element_type3A_6, %get3A_13, %dot_general3A_14 {dimension_numbers = #tpu.dot_dimension_numbers<[0], [0], [1], [1], [0, 1, 1, 1], [], []>, transpose_lhs_hint = false} : vector<128x1280xbf16>, vector<128x128xbf16>, vector<1280x128xf32> -> vector<1280x128xf32>
    %slice3A = vector.extract_strided_slice %convert_element_type3A_10 {offsets = [0, 0], sizes = [1, 1280], strides = [1, 1]} : vector<16x1280xbf16> to vector<1x1280xbf16>
    %squeeze3A = vector.shape_cast %slice3A : vector<1x1280xbf16> to vector<1280xbf16>
    %broadcast_in_dim3A = vector.shape_cast %squeeze3A : vector<1280xbf16> to vector<1x1280xbf16>
    %mul3A = vector.broadcast %broadcast_in_dim3A : vector<1x1280xbf16> to vector<128x1280xbf16>
    %mul3A_16 = arith.mulf %convert_element_type3A_6, %mul3A : vector<128x1280xbf16>
    %slice3A_17 = vector.extract_strided_slice %convert_element_type3A_10 {offsets = [1, 0], sizes = [1, 1280], strides = [1, 1]} : vector<16x1280xbf16> to vector<1x1280xbf16>
    %squeeze3A_18 = vector.shape_cast %slice3A_17 : vector<1x1280xbf16> to vector<1280xbf16>
    %broadcast_in_dim3A_19 = vector.shape_cast %squeeze3A_18 : vector<1280xbf16> to vector<1x1280xbf16>
    %mul3A_20 = vector.broadcast %broadcast_in_dim3A_19 : vector<1x1280xbf16> to vector<128x1280xbf16>
    %mul3A_21 = arith.mulf %convert_element_type3A_6, %mul3A_20 : vector<128x1280xbf16>
    %slice3A_22 = vector.extract_strided_slice %convert_element_type3A_10 {offsets = [2, 0], sizes = [1, 1280], strides = [1, 1]} : vector<16x1280xbf16> to vector<1x1280xbf16>
    %squeeze3A_23 = vector.shape_cast %slice3A_22 : vector<1x1280xbf16> to vector<1280xbf16>
    %broadcast_in_dim3A_24 = vector.shape_cast %squeeze3A_23 : vector<1280xbf16> to vector<1x1280xbf16>
    %mul3A_25 = vector.broadcast %broadcast_in_dim3A_24 : vector<1x1280xbf16> to vector<128x1280xbf16>
    %mul3A_26 = arith.mulf %convert_element_type3A_6, %mul3A_25 : vector<128x1280xbf16>
    %slice3A_27 = vector.extract_strided_slice %convert_element_type3A_10 {offsets = [3, 0], sizes = [1, 1280], strides = [1, 1]} : vector<16x1280xbf16> to vector<1x1280xbf16>
    %squeeze3A_28 = vector.shape_cast %slice3A_27 : vector<1x1280xbf16> to vector<1280xbf16>
    %broadcast_in_dim3A_29 = vector.shape_cast %squeeze3A_28 : vector<1280xbf16> to vector<1x1280xbf16>
    %mul3A_30 = vector.broadcast %broadcast_in_dim3A_29 : vector<1x1280xbf16> to vector<128x1280xbf16>
    %mul3A_31 = arith.mulf %convert_element_type3A_6, %mul3A_30 : vector<128x1280xbf16>
    %slice3A_32 = vector.extract_strided_slice %convert_element_type3A_10 {offsets = [4, 0], sizes = [1, 1280], strides = [1, 1]} : vector<16x1280xbf16> to vector<1x1280xbf16>
    %squeeze3A_33 = vector.shape_cast %slice3A_32 : vector<1x1280xbf16> to vector<1280xbf16>
    %broadcast_in_dim3A_34 = vector.shape_cast %squeeze3A_33 : vector<1280xbf16> to vector<1x1280xbf16>
    %mul3A_35 = vector.broadcast %broadcast_in_dim3A_34 : vector<1x1280xbf16> to vector<128x1280xbf16>
    %mul3A_36 = arith.mulf %convert_element_type3A_6, %mul3A_35 : vector<128x1280xbf16>
    %slice3A_37 = vector.extract_strided_slice %convert_element_type3A_10 {offsets = [5, 0], sizes = [1, 1280], strides = [1, 1]} : vector<16x1280xbf16> to vector<1x1280xbf16>
    %squeeze3A_38 = vector.shape_cast %slice3A_37 : vector<1x1280xbf16> to vector<1280xbf16>
    %broadcast_in_dim3A_39 = vector.shape_cast %squeeze3A_38 : vector<1280xbf16> to vector<1x1280xbf16>
    %mul3A_40 = vector.broadcast %broadcast_in_dim3A_39 : vector<1x1280xbf16> to vector<128x1280xbf16>
    %mul3A_41 = arith.mulf %convert_element_type3A_6, %mul3A_40 : vector<128x1280xbf16>
    %slice3A_42 = vector.extract_strided_slice %convert_element_type3A_10 {offsets = [6, 0], sizes = [1, 1280], strides = [1, 1]} : vector<16x1280xbf16> to vector<1x1280xbf16>
    %squeeze3A_43 = vector.shape_cast %slice3A_42 : vector<1x1280xbf16> to vector<1280xbf16>
    %broadcast_in_dim3A_44 = vector.shape_cast %squeeze3A_43 : vector<1280xbf16> to vector<1x1280xbf16>
    %mul3A_45 = vector.broadcast %broadcast_in_dim3A_44 : vector<1x1280xbf16> to vector<128x1280xbf16>
    %mul3A_46 = arith.mulf %convert_element_type3A_6, %mul3A_45 : vector<128x1280xbf16>
    %slice3A_47 = vector.extract_strided_slice %convert_element_type3A_10 {offsets = [7, 0], sizes = [1, 1280], strides = [1, 1]} : vector<16x1280xbf16> to vector<1x1280xbf16>
    %squeeze3A_48 = vector.shape_cast %slice3A_47 : vector<1x1280xbf16> to vector<1280xbf16>
    %broadcast_in_dim3A_49 = vector.shape_cast %squeeze3A_48 : vector<1280xbf16> to vector<1x1280xbf16>
    %mul3A_50 = vector.broadcast %broadcast_in_dim3A_49 : vector<1x1280xbf16> to vector<128x1280xbf16>
    %mul3A_51 = arith.mulf %convert_element_type3A_6, %mul3A_50 : vector<128x1280xbf16>
    %concatenate3A = tpu.concatenate %mul3A_16, %mul3A_21, %mul3A_26, %mul3A_31, %mul3A_36, %mul3A_41, %mul3A_46, %mul3A_51 in 0 : vector<128x1280xbf16>, vector<128x1280xbf16>, vector<128x1280xbf16>, vector<128x1280xbf16>, vector<128x1280xbf16>, vector<128x1280xbf16>, vector<128x1280xbf16>, vector<128x1280xbf16> -> vector<1024x1280xbf16>
    %get3A_52 = arith.constant 0 : index
    %get3A_53 = arith.constant 0 : index
    %get3A_54 = vector.load %arg3[%get3A_52, %get3A_53] : memref<2176x128xbf16, #tpu.memory_space<vmem>>, vector<1024x128xbf16>
    %dot_general3A_55 = arith.constant dense<0.000000e+00> : vector<1280x128xf32>
    %dot_general3A_56 = tpu.matmul %concatenate3A, %get3A_54, %dot_general3A_55 {dimension_numbers = #tpu.dot_dimension_numbers<[0], [0], [1], [1], [0, 1, 1, 1], [], []>, transpose_lhs_hint = false} : vector<1024x1280xbf16>, vector<1024x128xbf16>, vector<1280x128xf32> -> vector<1280x128xf32>
    %add3A = arith.addf %dot_general3A_15, %dot_general3A_56 : vector<1280x128xf32>
    %slice3A_57 = vector.extract_strided_slice %convert_element_type3A_10 {offsets = [8, 0], sizes = [1, 1280], strides = [1, 1]} : vector<16x1280xbf16> to vector<1x1280xbf16>
    %squeeze3A_58 = vector.shape_cast %slice3A_57 : vector<1x1280xbf16> to vector<1280xbf16>
    %broadcast_in_dim3A_59 = vector.shape_cast %squeeze3A_58 : vector<1280xbf16> to vector<1x1280xbf16>
    %mul3A_60 = vector.broadcast %broadcast_in_dim3A_59 : vector<1x1280xbf16> to vector<128x1280xbf16>
    %mul3A_61 = arith.mulf %convert_element_type3A_6, %mul3A_60 : vector<128x1280xbf16>
    %slice3A_62 = vector.extract_strided_slice %convert_element_type3A_10 {offsets = [9, 0], sizes = [1, 1280], strides = [1, 1]} : vector<16x1280xbf16> to vector<1x1280xbf16>
    %squeeze3A_63 = vector.shape_cast %slice3A_62 : vector<1x1280xbf16> to vector<1280xbf16>
    %broadcast_in_dim3A_64 = vector.shape_cast %squeeze3A_63 : vector<1280xbf16> to vector<1x1280xbf16>
    %mul3A_65 = vector.broadcast %broadcast_in_dim3A_64 : vector<1x1280xbf16> to vector<128x1280xbf16>
    %mul3A_66 = arith.mulf %convert_element_type3A_6, %mul3A_65 : vector<128x1280xbf16>
    %slice3A_67 = vector.extract_strided_slice %convert_element_type3A_10 {offsets = [10, 0], sizes = [1, 1280], strides = [1, 1]} : vector<16x1280xbf16> to vector<1x1280xbf16>
    %squeeze3A_68 = vector.shape_cast %slice3A_67 : vector<1x1280xbf16> to vector<1280xbf16>
    %broadcast_in_dim3A_69 = vector.shape_cast %squeeze3A_68 : vector<1280xbf16> to vector<1x1280xbf16>
    %mul3A_70 = vector.broadcast %broadcast_in_dim3A_69 : vector<1x1280xbf16> to vector<128x1280xbf16>
    %mul3A_71 = arith.mulf %convert_element_type3A_6, %mul3A_70 : vector<128x1280xbf16>
    %slice3A_72 = vector.extract_strided_slice %convert_element_type3A_10 {offsets = [11, 0], sizes = [1, 1280], strides = [1, 1]} : vector<16x1280xbf16> to vector<1x1280xbf16>
    %squeeze3A_73 = vector.shape_cast %slice3A_72 : vector<1x1280xbf16> to vector<1280xbf16>
    %broadcast_in_dim3A_74 = vector.shape_cast %squeeze3A_73 : vector<1280xbf16> to vector<1x1280xbf16>
    %mul3A_75 = vector.broadcast %broadcast_in_dim3A_74 : vector<1x1280xbf16> to vector<128x1280xbf16>
    %mul3A_76 = arith.mulf %convert_element_type3A_6, %mul3A_75 : vector<128x1280xbf16>
    %slice3A_77 = vector.extract_strided_slice %convert_element_type3A_10 {offsets = [12, 0], sizes = [1, 1280], strides = [1, 1]} : vector<16x1280xbf16> to vector<1x1280xbf16>
    %squeeze3A_78 = vector.shape_cast %slice3A_77 : vector<1x1280xbf16> to vector<1280xbf16>
    %broadcast_in_dim3A_79 = vector.shape_cast %squeeze3A_78 : vector<1280xbf16> to vector<1x1280xbf16>
    %mul3A_80 = vector.broadcast %broadcast_in_dim3A_79 : vector<1x1280xbf16> to vector<128x1280xbf16>
    %mul3A_81 = arith.mulf %convert_element_type3A_6, %mul3A_80 : vector<128x1280xbf16>
    %slice3A_82 = vector.extract_strided_slice %convert_element_type3A_10 {offsets = [13, 0], sizes = [1, 1280], strides = [1, 1]} : vector<16x1280xbf16> to vector<1x1280xbf16>
    %squeeze3A_83 = vector.shape_cast %slice3A_82 : vector<1x1280xbf16> to vector<1280xbf16>
    %broadcast_in_dim3A_84 = vector.shape_cast %squeeze3A_83 : vector<1280xbf16> to vector<1x1280xbf16>
    %mul3A_85 = vector.broadcast %broadcast_in_dim3A_84 : vector<1x1280xbf16> to vector<128x1280xbf16>
    %mul3A_86 = arith.mulf %convert_element_type3A_6, %mul3A_85 : vector<128x1280xbf16>
    %slice3A_87 = vector.extract_strided_slice %convert_element_type3A_10 {offsets = [14, 0], sizes = [1, 1280], strides = [1, 1]} : vector<16x1280xbf16> to vector<1x1280xbf16>
    %squeeze3A_88 = vector.shape_cast %slice3A_87 : vector<1x1280xbf16> to vector<1280xbf16>
    %broadcast_in_dim3A_89 = vector.shape_cast %squeeze3A_88 : vector<1280xbf16> to vector<1x1280xbf16>
    %mul3A_90 = vector.broadcast %broadcast_in_dim3A_89 : vector<1x1280xbf16> to vector<128x1280xbf16>
    %mul3A_91 = arith.mulf %convert_element_type3A_6, %mul3A_90 : vector<128x1280xbf16>
    %slice3A_92 = vector.extract_strided_slice %convert_element_type3A_10 {offsets = [15, 0], sizes = [1, 1280], strides = [1, 1]} : vector<16x1280xbf16> to vector<1x1280xbf16>
    %squeeze3A_93 = vector.shape_cast %slice3A_92 : vector<1x1280xbf16> to vector<1280xbf16>
    %broadcast_in_dim3A_94 = vector.shape_cast %squeeze3A_93 : vector<1280xbf16> to vector<1x1280xbf16>
    %mul3A_95 = vector.broadcast %broadcast_in_dim3A_94 : vector<1x1280xbf16> to vector<128x1280xbf16>
    %mul3A_96 = arith.mulf %convert_element_type3A_6, %mul3A_95 : vector<128x1280xbf16>
    %concatenate3A_97 = tpu.concatenate %mul3A_61, %mul3A_66, %mul3A_71, %mul3A_76, %mul3A_81, %mul3A_86, %mul3A_91, %mul3A_96 in 0 : vector<128x1280xbf16>, vector<128x1280xbf16>, vector<128x1280xbf16>, vector<128x1280xbf16>, vector<128x1280xbf16>, vector<128x1280xbf16>, vector<128x1280xbf16>, vector<128x1280xbf16> -> vector<1024x1280xbf16>
    %get3A_98 = arith.constant 1024 : index
    %get3A_99 = arith.constant 0 : index
    %get3A_100 = vector.load %arg3[%get3A_98, %get3A_99] : memref<2176x128xbf16, #tpu.memory_space<vmem>>, vector<1024x128xbf16>
    %dot_general3A_101 = arith.constant dense<0.000000e+00> : vector<1280x128xf32>
    %dot_general3A_102 = tpu.matmul %concatenate3A_97, %get3A_100, %dot_general3A_101 {dimension_numbers = #tpu.dot_dimension_numbers<[0], [0], [1], [1], [0, 1, 1, 1], [], []>, transpose_lhs_hint = false} : vector<1024x1280xbf16>, vector<1024x128xbf16>, vector<1280x128xf32> -> vector<1280x128xf32>
    %add3A_103 = arith.addf %add3A, %dot_general3A_102 : vector<1280x128xf32>
    %swap3A = arith.constant 0 : index
    %swap3A_104 = arith.constant 0 : index
    %swap3A_105 = vector.load %arg5[%swap3A, %swap3A_104] : memref<1280x128xf32, #tpu.memory_space<vmem>>, vector<1280x128xf32>
    tpu.vector_store %arg5[%swap3A, %swap3A_104], %add3A_103 {strides = array<i32>} : memref<1280x128xf32, #tpu.memory_space<vmem>>, vector<1280x128xf32>,
    return
  }
  func.func @transform_0(%arg0: i32) -> (i32, i32) {
    %add3A = arith.constant 125 : i32
    %add3A_0 = arith.addi %arg0, %add3A : i32
    %c0_i32 = arith.constant 0 : i32
    %c0_i32_1 = arith.constant 0 : i32
    return %c0_i32, %add3A_0 : i32, i32
  }
  func.func @transform_1(%arg0: i32) -> (i32, i32) {
    %c0_i32 = arith.constant 0 : i32
    %c0_i32_0 = arith.constant 0 : i32
    return %arg0, %c0_i32 : i32, i32
  }
  func.func @transform_2(%arg0: i32) -> (i32, i32) {
    %c0_i32 = arith.constant 0 : i32
    %c0_i32_0 = arith.constant 0 : i32
    %c0_i32_1 = arith.constant 0 : i32
    return %c0_i32, %c0_i32_0 : i32, i32
  }
  func.func @transform_3(%arg0: i32) -> (i32, i32) {
    %c0_i32 = arith.constant 0 : i32
    %c0_i32_0 = arith.constant 0 : i32
    %c0_i32_1 = arith.constant 0 : i32
    return %c0_i32, %c0_i32_0 : i32, i32
  }
  func.func @transform_4(%arg0: i32) -> (i32, i32) {
    %c0_i32 = arith.constant 0 : i32
    %c0_i32_0 = arith.constant 0 : i32
    return %arg0, %c0_i32 : i32, i32
  }
}

module attributes {stable_mosaic.version = 14 : i64} {
  func.func @_msg_body(%arg0: i32, %arg1: memref<16x1280xf32, #tpu.memory_space<vmem>>, %arg2: memref<1280x128xf32, #tpu.memory_space<vmem>>, %arg3: memref<2176x128xbf16, #tpu.memory_space<vmem>>, %arg4: memref<128x128xbf16, #tpu.memory_space<vmem>>, %arg5: memref<1280x128xf32, #tpu.memory_space<vmem>>) attributes {dimension_semantics = [#tpu.dimension_semantics<arbitrary>], iteration_bounds = array<i64: 125>, scalar_prefetch = 0 : i64, scratch_operands = 0 : i64, tpu.core_type = #tpu.core_type<tc>, window_params = [{transform_indices = @transform_0, window_bounds = array<i64: 16, 1280>}, {transform_indices = @transform_1, window_bounds = array<i64: 1280, 128>}, {pipeline_mode = #tpu.pipeline_mode<synchronous>, transform_indices = @transform_2, window_bounds = array<i64: 2176, 128>}, {pipeline_mode = #tpu.pipeline_mode<synchronous>, transform_indices = @transform_3, window_bounds = array<i64: 128, 128>}, {transform_indices = @transform_4, window_bounds = array<i64: 1280, 128>}]} {
    %get3A = arith.constant 0 : index
    %get3A_0 = arith.constant 0 : index
    %get3A_1 = vector.load %arg2[%get3A, %get3A_0] : memref<1280x128xf32, #tpu.memory_space<vmem>>, vector<1280x128xf32>
    %convert_element_type3A = arith.truncf %get3A_1 : vector<1280x128xf32> to vector<1280x128xbf16>
    %get3A_2 = arith.constant 0 : index
    %get3A_3 = arith.constant 0 : index
    %get3A_4 = vector.load %arg4[%get3A_2, %get3A_3] : memref<128x128xbf16, #tpu.memory_space<vmem>>, vector<128x128xbf16>
    %dot_general3A = arith.constant dense<0.000000e+00> : vector<128x1280xf32>
    %dot_general3A_5 = tpu.matmul %get3A_4, %convert_element_type3A, %dot_general3A {dimension_numbers = #tpu.dot_dimension_numbers<[1], [1], [0], [0], [0, 0, 1, 0], [], []>, transpose_lhs_hint = false} : vector<128x128xbf16>, vector<1280x128xbf16>, vector<128x1280xf32> -> vector<128x1280xf32>
    %convert_element_type3A_6 = arith.truncf %dot_general3A_5 : vector<128x1280xf32> to vector<128x1280xbf16>
    %get3A_7 = arith.constant 0 : index
    %get3A_8 = arith.constant 0 : index
    %get3A_9 = vector.load %arg1[%get3A_7, %get3A_8] : memref<16x1280xf32, #tpu.memory_space<vmem>>, vector<16x1280xf32>
    %convert_element_type3A_10 = arith.truncf %get3A_9 : vector<16x1280xf32> to vector<16x1280xbf16>
    %get3A_11 = arith.constant 2048 : index
    %get3A_12 = arith.constant 0 : index
    %get3A_13 = vector.load %arg3[%get3A_11, %get3A_12] : memref<2176x128xbf16, #tpu.memory_space<vmem>>, vector<128x128xbf16>
    %dot_general3A_14 = arith.constant dense<0.000000e+00> : vector<1280x128xf32>
    %dot_general3A_15 = tpu.matmul %convert_element_type3A_6, %get3A_13, %dot_general3A_14 {dimension_numbers = #tpu.dot_dimension_numbers<[0], [0], [1], [1], [0, 1, 1, 1], [], []>, transpose_lhs_hint = false} : vector<128x1280xbf16>, vector<128x128xbf16>, vector<1280x128xf32> -> vector<1280x128xf32>
    %slice3A = vector.extract_strided_slice %convert_element_type3A_10 {offsets = [0, 0], sizes = [1, 1280], strides = [1, 1]} : vector<16x1280xbf16> to vector<1x1280xbf16>
    %squeeze3A = vector.shape_cast %slice3A : vector<1x1280xbf16> to vector<1280xbf16>
    %broadcast_in_dim3A = vector.shape_cast %squeeze3A : vector<1280xbf16> to vector<1x1280xbf16>
    %mul3A = vector.broadcast %broadcast_in_dim3A : vector<1x1280xbf16> to vector<128x1280xbf16>
    %mul3A_16 = arith.mulf %convert_element_type3A_6, %mul3A : vector<128x1280xbf16>
    %slice3A_17 = vector.extract_strided_slice %convert_element_type3A_10 {offsets = [1, 0], sizes = [1, 1280], strides = [1, 1]} : vector<16x1280xbf16> to vector<1x1280xbf16>
    %squeeze3A_18 = vector.shape_cast %slice3A_17 : vector<1x1280xbf16> to vector<1280xbf16>
    %broadcast_in_dim3A_19 = vector.shape_cast %squeeze3A_18 : vector<1280xbf16> to vector<1x1280xbf16>
    %mul3A_20 = vector.broadcast %broadcast_in_dim3A_19 : vector<1x1280xbf16> to vector<128x1280xbf16>
    %mul3A_21 = arith.mulf %convert_element_type3A_6, %mul3A_20 : vector<128x1280xbf16>
    %slice3A_22 = vector.extract_strided_slice %convert_element_type3A_10 {offsets = [2, 0], sizes = [1, 1280], strides = [1, 1]} : vector<16x1280xbf16> to vector<1x1280xbf16>
    %squeeze3A_23 = vector.shape_cast %slice3A_22 : vector<1x1280xbf16> to vector<1280xbf16>
    %broadcast_in_dim3A_24 = vector.shape_cast %squeeze3A_23 : vector<1280xbf16> to vector<1x1280xbf16>
    %mul3A_25 = vector.broadcast %broadcast_in_dim3A_24 : vector<1x1280xbf16> to vector<128x1280xbf16>
    %mul3A_26 = arith.mulf %convert_element_type3A_6, %mul3A_25 : vector<128x1280xbf16>
    %slice3A_27 = vector.extract_strided_slice %convert_element_type3A_10 {offsets = [3, 0], sizes = [1, 1280], strides = [1, 1]} : vector<16x1280xbf16> to vector<1x1280xbf16>
    %squeeze3A_28 = vector.shape_cast %slice3A_27 : vector<1x1280xbf16> to vector<1280xbf16>
    %broadcast_in_dim3A_29 = vector.shape_cast %squeeze3A_28 : vector<1280xbf16> to vector<1x1280xbf16>
    %mul3A_30 = vector.broadcast %broadcast_in_dim3A_29 : vector<1x1280xbf16> to vector<128x1280xbf16>
    %mul3A_31 = arith.mulf %convert_element_type3A_6, %mul3A_30 : vector<128x1280xbf16>
    %slice3A_32 = vector.extract_strided_slice %convert_element_type3A_10 {offsets = [4, 0], sizes = [1, 1280], strides = [1, 1]} : vector<16x1280xbf16> to vector<1x1280xbf16>
    %squeeze3A_33 = vector.shape_cast %slice3A_32 : vector<1x1280xbf16> to vector<1280xbf16>
    %broadcast_in_dim3A_34 = vector.shape_cast %squeeze3A_33 : vector<1280xbf16> to vector<1x1280xbf16>
    %mul3A_35 = vector.broadcast %broadcast_in_dim3A_34 : vector<1x1280xbf16> to vector<128x1280xbf16>
    %mul3A_36 = arith.mulf %convert_element_type3A_6, %mul3A_35 : vector<128x1280xbf16>
    %slice3A_37 = vector.extract_strided_slice %convert_element_type3A_10 {offsets = [5, 0], sizes = [1, 1280], strides = [1, 1]} : vector<16x1280xbf16> to vector<1x1280xbf16>
    %squeeze3A_38 = vector.shape_cast %slice3A_37 : vector<1x1280xbf16> to vector<1280xbf16>
    %broadcast_in_dim3A_39 = vector.shape_cast %squeeze3A_38 : vector<1280xbf16> to vector<1x1280xbf16>
    %mul3A_40 = vector.broadcast %broadcast_in_dim3A_39 : vector<1x1280xbf16> to vector<128x1280xbf16>
    %mul3A_41 = arith.mulf %convert_element_type3A_6, %mul3A_40 : vector<128x1280xbf16>
    %slice3A_42 = vector.extract_strided_slice %convert_element_type3A_10 {offsets = [6, 0], sizes = [1, 1280], strides = [1, 1]} : vector<16x1280xbf16> to vector<1x1280xbf16>
    %squeeze3A_43 = vector.shape_cast %slice3A_42 : vector<1x1280xbf16> to vector<1280xbf16>
    %broadcast_in_dim3A_44 = vector.shape_cast %squeeze3A_43 : vector<1280xbf16> to vector<1x1280xbf16>
    %mul3A_45 = vector.broadcast %broadcast_in_dim3A_44 : vector<1x1280xbf16> to vector<128x1280xbf16>
    %mul3A_46 = arith.mulf %convert_element_type3A_6, %mul3A_45 : vector<128x1280xbf16>
    %slice3A_47 = vector.extract_strided_slice %convert_element_type3A_10 {offsets = [7, 0], sizes = [1, 1280], strides = [1, 1]} : vector<16x1280xbf16> to vector<1x1280xbf16>
    %squeeze3A_48 = vector.shape_cast %slice3A_47 : vector<1x1280xbf16> to vector<1280xbf16>
    %broadcast_in_dim3A_49 = vector.shape_cast %squeeze3A_48 : vector<1280xbf16> to vector<1x1280xbf16>
    %mul3A_50 = vector.broadcast %broadcast_in_dim3A_49 : vector<1x1280xbf16> to vector<128x1280xbf16>
    %mul3A_51 = arith.mulf %convert_element_type3A_6, %mul3A_50 : vector<128x1280xbf16>
    %concatenate3A = tpu.concatenate %mul3A_16, %mul3A_21, %mul3A_26, %mul3A_31, %mul3A_36, %mul3A_41, %mul3A_46, %mul3A_51 in 0 : vector<128x1280xbf16>, vector<128x1280xbf16>, vector<128x1280xbf16>, vector<128x1280xbf16>, vector<128x1280xbf16>, vector<128x1280xbf16>, vector<128x1280xbf16>, vector<128x1280xbf16> -> vector<1024x1280xbf16>
    %get3A_52 = arith.constant 0 : index
    %get3A_53 = arith.constant 0 : index
    %get3A_54 = vector.load %arg3[%get3A_52, %get3A_53] : memref<2176x128xbf16, #tpu.memory_space<vmem>>, vector<1024x128xbf16>
    %dot_general3A_55 = arith.constant dense<0.000000e+00> : vector<1280x128xf32>
    %dot_general3A_56 = tpu.matmul %concatenate3A, %get3A_54, %dot_general3A_55 {dimension_numbers = #tpu.dot_dimension_numbers<[0], [0], [1], [1], [0, 1, 1, 1], [], []>, transpose_lhs_hint = false} : vector<1024x1280xbf16>, vector<1024x128xbf16>, vector<1280x128xf32> -> vector<1280x128xf32>
    %add3A = arith.addf %dot_general3A_15, %dot_general3A_56 : vector<1280x128xf32>
    %slice3A_57 = vector.extract_strided_slice %convert_element_type3A_10 {offsets = [8, 0], sizes = [1, 1280], strides = [1, 1]} : vector<16x1280xbf16> to vector<1x1280xbf16>
    %squeeze3A_58 = vector.shape_cast %slice3A_57 : vector<1x1280xbf16> to vector<1280xbf16>
    %broadcast_in_dim3A_59 = vector.shape_cast %squeeze3A_58 : vector<1280xbf16> to vector<1x1280xbf16>
    %mul3A_60 = vector.broadcast %broadcast_in_dim3A_59 : vector<1x1280xbf16> to vector<128x1280xbf16>
    %mul3A_61 = arith.mulf %convert_element_type3A_6, %mul3A_60 : vector<128x1280xbf16>
    %slice3A_62 = vector.extract_strided_slice %convert_element_type3A_10 {offsets = [9, 0], sizes = [1, 1280], strides = [1, 1]} : vector<16x1280xbf16> to vector<1x1280xbf16>
    %squeeze3A_63 = vector.shape_cast %slice3A_62 : vector<1x1280xbf16> to vector<1280xbf16>
    %broadcast_in_dim3A_64 = vector.shape_cast %squeeze3A_63 : vector<1280xbf16> to vector<1x1280xbf16>
    %mul3A_65 = vector.broadcast %broadcast_in_dim3A_64 : vector<1x1280xbf16> to vector<128x1280xbf16>
    %mul3A_66 = arith.mulf %convert_element_type3A_6, %mul3A_65 : vector<128x1280xbf16>
    %slice3A_67 = vector.extract_strided_slice %convert_element_type3A_10 {offsets = [10, 0], sizes = [1, 1280], strides = [1, 1]} : vector<16x1280xbf16> to vector<1x1280xbf16>
    %squeeze3A_68 = vector.shape_cast %slice3A_67 : vector<1x1280xbf16> to vector<1280xbf16>
    %broadcast_in_dim3A_69 = vector.shape_cast %squeeze3A_68 : vector<1280xbf16> to vector<1x1280xbf16>
    %mul3A_70 = vector.broadcast %broadcast_in_dim3A_69 : vector<1x1280xbf16> to vector<128x1280xbf16>
    %mul3A_71 = arith.mulf %convert_element_type3A_6, %mul3A_70 : vector<128x1280xbf16>
    %slice3A_72 = vector.extract_strided_slice %convert_element_type3A_10 {offsets = [11, 0], sizes = [1, 1280], strides = [1, 1]} : vector<16x1280xbf16> to vector<1x1280xbf16>
    %squeeze3A_73 = vector.shape_cast %slice3A_72 : vector<1x1280xbf16> to vector<1280xbf16>
    %broadcast_in_dim3A_74 = vector.shape_cast %squeeze3A_73 : vector<1280xbf16> to vector<1x1280xbf16>
    %mul3A_75 = vector.broadcast %broadcast_in_dim3A_74 : vector<1x1280xbf16> to vector<128x1280xbf16>
    %mul3A_76 = arith.mulf %convert_element_type3A_6, %mul3A_75 : vector<128x1280xbf16>
    %slice3A_77 = vector.extract_strided_slice %convert_element_type3A_10 {offsets = [12, 0], sizes = [1, 1280], strides = [1, 1]} : vector<16x1280xbf16> to vector<1x1280xbf16>
    %squeeze3A_78 = vector.shape_cast %slice3A_77 : vector<1x1280xbf16> to vector<1280xbf16>
    %broadcast_in_dim3A_79 = vector.shape_cast %squeeze3A_78 : vector<1280xbf16> to vector<1x1280xbf16>
    %mul3A_80 = vector.broadcast %broadcast_in_dim3A_79 : vector<1x1280xbf16> to vector<128x1280xbf16>
    %mul3A_81 = arith.mulf %convert_element_type3A_6, %mul3A_80 : vector<128x1280xbf16>
    %slice3A_82 = vector.extract_strided_slice %convert_element_type3A_10 {offsets = [13, 0], sizes = [1, 1280], strides = [1, 1]} : vector<16x1280xbf16> to vector<1x1280xbf16>
    %squeeze3A_83 = vector.shape_cast %slice3A_82 : vector<1x1280xbf16> to vector<1280xbf16>
    %broadcast_in_dim3A_84 = vector.shape_cast %squeeze3A_83 : vector<1280xbf16> to vector<1x1280xbf16>
    %mul3A_85 = vector.broadcast %broadcast_in_dim3A_84 : vector<1x1280xbf16> to vector<128x1280xbf16>
    %mul3A_86 = arith.mulf %convert_element_type3A_6, %mul3A_85 : vector<128x1280xbf16>
    %slice3A_87 = vector.extract_strided_slice %convert_element_type3A_10 {offsets = [14, 0], sizes = [1, 1280], strides = [1, 1]} : vector<16x1280xbf16> to vector<1x1280xbf16>
    %squeeze3A_88 = vector.shape_cast %slice3A_87 : vector<1x1280xbf16> to vector<1280xbf16>
    %broadcast_in_dim3A_89 = vector.shape_cast %squeeze3A_88 : vector<1280xbf16> to vector<1x1280xbf16>
    %mul3A_90 = vector.broadcast %broadcast_in_dim3A_89 : vector<1x1280xbf16> to vector<128x1280xbf16>
    %mul3A_91 = arith.mulf %convert_element_type3A_6, %mul3A_90 : vector<128x1280xbf16>
    %slice3A_92 = vector.extract_strided_slice %convert_element_type3A_10 {offsets = [15, 0], sizes = [1, 1280], strides = [1, 1]} : vector<16x1280xbf16> to vector<1x1280xbf16>
    %squeeze3A_93 = vector.shape_cast %slice3A_92 : vector<1x1280xbf16> to vector<1280xbf16>
    %broadcast_in_dim3A_94 = vector.shape_cast %squeeze3A_93 : vector<1280xbf16> to vector<1x1280xbf16>
    %mul3A_95 = vector.broadcast %broadcast_in_dim3A_94 : vector<1x1280xbf16> to vector<128x1280xbf16>
    %mul3A_96 = arith.mulf %convert_element_type3A_6, %mul3A_95 : vector<128x1280xbf16>
    %concatenate3A_97 = tpu.concatenate %mul3A_61, %mul3A_66, %mul3A_71, %mul3A_76, %mul3A_81, %mul3A_86, %mul3A_91, %mul3A_96 in 0 : vector<128x1280xbf16>, vector<128x1280xbf16>, vector<128x1280xbf16>, vector<128x1280xbf16>, vector<128x1280xbf16>, vector<128x1280xbf16>, vector<128x1280xbf16>, vector<128x1280xbf16> -> vector<1024x1280xbf16>
    %get3A_98 = arith.constant 1024 : index
    %get3A_99 = arith.constant 0 : index
    %get3A_100 = vector.load %arg3[%get3A_98, %get3A_99] : memref<2176x128xbf16, #tpu.memory_space<vmem>>, vector<1024x128xbf16>
    %dot_general3A_101 = arith.constant dense<0.000000e+00> : vector<1280x128xf32>
    %dot_general3A_102 = tpu.matmul %concatenate3A_97, %get3A_100, %dot_general3A_101 {dimension_numbers = #tpu.dot_dimension_numbers<[0], [0], [1], [1], [0, 1, 1, 1], [], []>, transpose_lhs_hint = false} : vector<1024x1280xbf16>, vector<1024x128xbf16>, vector<1280x128xf32> -> vector<1280x128xf32>
    %add3A_103 = arith.addf %add3A, %dot_general3A_102 : vector<1280x128xf32>
    %swap3A = arith.constant 0 : index
    %swap3A_104 = arith.constant 0 : index
    %swap3A_105 = vector.load %arg5[%swap3A, %swap3A_104] : memref<1280x128xf32, #tpu.memory_space<vmem>>, vector<1280x128xf32>
    tpu.vector_store %arg5[%swap3A, %swap3A_104], %add3A_103 {strides = array<i32>} : memref<1280x128xf32, #tpu.memory_space<vmem>>, vector<1280x128xf32>,
    return
  }
  func.func @transform_0(%arg0: i32) -> (i32, i32) {
    %add3A = arith.constant 0 : i32
    %add3A_0 = arith.addi %arg0, %add3A : i32
    %c0_i32 = arith.constant 0 : i32
    %c0_i32_1 = arith.constant 0 : i32
    return %c0_i32, %add3A_0 : i32, i32
  }
  func.func @transform_1(%arg0: i32) -> (i32, i32) {
    %c0_i32 = arith.constant 0 : i32
    %c0_i32_0 = arith.constant 0 : i32
    return %arg0, %c0_i32 : i32, i32
  }
  func.func @transform_2(%arg0: i32) -> (i32, i32) {
    %c0_i32 = arith.constant 0 : i32
    %c0_i32_0 = arith.constant 0 : i32
    %c0_i32_1 = arith.constant 0 : i32
    return %c0_i32, %c0_i32_0 : i32, i32
  }
  func.func @transform_3(%arg0: i32) -> (i32, i32) {
    %c0_i32 = arith.constant 0 : i32
    %c0_i32_0 = arith.constant 0 : i32
    %c0_i32_1 = arith.constant 0 : i32
    return %c0_i32, %c0_i32_0 : i32, i32
  }
  func.func @transform_4(%arg0: i32) -> (i32, i32) {
    %c0_i32 = arith.constant 0 : i32
    %c0_i32_0 = arith.constant 0 : i32
    return %arg0, %c0_i32 : i32, i32
  }
}

module attributes {stable_mosaic.version = 14 : i64} {
  func.func @_final_body(%arg0: i32, %arg1: memref<2x2000x128xf32, #tpu.memory_space<vmem>>, %arg2: memref<2x2000x128xf32, #tpu.memory_space<vmem>>, %arg3: memref<2000x128xf32, #tpu.memory_space<vmem>>, %arg4: memref<128x128xf32, #tpu.memory_space<vmem>>, %arg5: memref<1x128xf32, #tpu.memory_space<vmem>>, %arg6: memref<2000x128xf32, #tpu.memory_space<vmem>>) attributes {dimension_semantics = [#tpu.dimension_semantics<arbitrary>], iteration_bounds = array<i64: 5>, scalar_prefetch = 0 : i64, scratch_operands = 0 : i64, tpu.core_type = #tpu.core_type<tc>, window_params = [{transform_indices = @transform_0, window_bounds = array<i64: 2, 2000, 128>}, {transform_indices = @transform_1, window_bounds = array<i64: 2, 2000, 128>}, {transform_indices = @transform_2, window_bounds = array<i64: 2000, 128>}, {pipeline_mode = #tpu.pipeline_mode<synchronous>, transform_indices = @transform_3, window_bounds = array<i64: 128, 128>}, {pipeline_mode = #tpu.pipeline_mode<synchronous>, transform_indices = @transform_4, window_bounds = array<i64: 1, 128>}, {transform_indices = @transform_5, window_bounds = array<i64: 2000, 128>}]} {
    %get3A = arith.constant 0 : index
    %get3A_0 = arith.constant 0 : index
    %get3A_1 = vector.load %arg3[%get3A, %get3A_0] : memref<2000x128xf32, #tpu.memory_space<vmem>>, vector<2000x128xf32>
    %get3A_2 = arith.constant 0 : index
    %get3A_3 = arith.constant 0 : index
    %get3A_4 = vector.load %arg4[%get3A_2, %get3A_3] : memref<128x128xf32, #tpu.memory_space<vmem>>, vector<128x128xf32>
    %dot_general3A = arith.constant dense<0.000000e+00> : vector<2000x128xf32>
    %dot_general3A_5 = tpu.matmul %get3A_1, %get3A_4, %dot_general3A {dimension_numbers = #tpu.dot_dimension_numbers<[1], [0], [0], [1], [0, 0, 1, 1], [], []>, transpose_lhs_hint = false} : vector<2000x128xf32>, vector<128x128xf32>, vector<2000x128xf32> -> vector<2000x128xf32>
    %get3A_6 = arith.constant 0 : index
    %get3A_7 = arith.constant 0 : index
    %get3A_8 = arith.constant 0 : index
    %get3A_9 = vector.load %arg1[%get3A_6, %get3A_7, %get3A_8] : memref<2x2000x128xf32, #tpu.memory_space<vmem>>, vector<1x2000x128xf32>
    %get3A_10 = vector.shape_cast %get3A_9 : vector<1x2000x128xf32> to vector<2000x128xf32>
    %get3A_11 = arith.constant 1 : index
    %get3A_12 = arith.constant 0 : index
    %get3A_13 = arith.constant 0 : index
    %get3A_14 = vector.load %arg1[%get3A_11, %get3A_12, %get3A_13] : memref<2x2000x128xf32, #tpu.memory_space<vmem>>, vector<1x2000x128xf32>
    %get3A_15 = vector.shape_cast %get3A_14 : vector<1x2000x128xf32> to vector<2000x128xf32>
    %add3A = arith.addf %get3A_10, %get3A_15 : vector<2000x128xf32>
    %get3A_16 = arith.constant 0 : index
    %get3A_17 = arith.constant 0 : index
    %get3A_18 = arith.constant 0 : index
    %get3A_19 = vector.load %arg2[%get3A_16, %get3A_17, %get3A_18] : memref<2x2000x128xf32, #tpu.memory_space<vmem>>, vector<1x2000x128xf32>
    %get3A_20 = vector.shape_cast %get3A_19 : vector<1x2000x128xf32> to vector<2000x128xf32>
    %add3A_21 = arith.addf %add3A, %get3A_20 : vector<2000x128xf32>
    %get3A_22 = arith.constant 1 : index
    %get3A_23 = arith.constant 0 : index
    %get3A_24 = arith.constant 0 : index
    %get3A_25 = vector.load %arg2[%get3A_22, %get3A_23, %get3A_24] : memref<2x2000x128xf32, #tpu.memory_space<vmem>>, vector<1x2000x128xf32>
    %get3A_26 = vector.shape_cast %get3A_25 : vector<1x2000x128xf32> to vector<2000x128xf32>
    %add3A_27 = arith.addf %add3A_21, %get3A_26 : vector<2000x128xf32>
    %add3A_28 = arith.addf %add3A_27, %dot_general3A_5 : vector<2000x128xf32>
    %get3A_29 = arith.constant 0 : index
    %get3A_30 = arith.constant 0 : index
    %get3A_31 = vector.load %arg5[%get3A_29, %get3A_30] : memref<1x128xf32, #tpu.memory_space<vmem>>, vector<1x128xf32>
    %add3A_32 = vector.broadcast %get3A_31 : vector<1x128xf32> to vector<2000x128xf32>
    %add3A_33 = arith.addf %add3A_28, %add3A_32 : vector<2000x128xf32>
    %swap3A = arith.constant 0 : index
    %swap3A_34 = arith.constant 0 : index
    %swap3A_35 = vector.load %arg6[%swap3A, %swap3A_34] : memref<2000x128xf32, #tpu.memory_space<vmem>>, vector<2000x128xf32>
    tpu.vector_store %arg6[%swap3A, %swap3A_34], %add3A_33 {strides = array<i32>} : memref<2000x128xf32, #tpu.memory_space<vmem>>, vector<2000x128xf32>,
    return
  }
  func.func @transform_0(%arg0: i32) -> (i32, i32, i32) {
    %c0_i32 = arith.constant 0 : i32
    %c0_i32_0 = arith.constant 0 : i32
    %c0_i32_1 = arith.constant 0 : i32
    return %c0_i32, %arg0, %c0_i32_0 : i32, i32, i32
  }
  func.func @transform_1(%arg0: i32) -> (i32, i32, i32) {
    %c0_i32 = arith.constant 0 : i32
    %c0_i32_0 = arith.constant 0 : i32
    %c0_i32_1 = arith.constant 0 : i32
    return %c0_i32, %arg0, %c0_i32_0 : i32, i32, i32
  }
  func.func @transform_2(%arg0: i32) -> (i32, i32) {
    %c0_i32 = arith.constant 0 : i32
    %c0_i32_0 = arith.constant 0 : i32
    return %arg0, %c0_i32 : i32, i32
  }
  func.func @transform_3(%arg0: i32) -> (i32, i32) {
    %c0_i32 = arith.constant 0 : i32
    %c0_i32_0 = arith.constant 0 : i32
    %c0_i32_1 = arith.constant 0 : i32
    return %c0_i32, %c0_i32_0 : i32, i32
  }
  func.func @transform_4(%arg0: i32) -> (i32, i32) {
    %c0_i32 = arith.constant 0 : i32
    %c0_i32_0 = arith.constant 0 : i32
    %c0_i32_1 = arith.constant 0 : i32
    return %c0_i32, %c0_i32_0 : i32, i32
  }
  func.func @transform_5(%arg0: i32) -> (i32, i32) {
    %c0_i32 = arith.constant 0 : i32
    %c0_i32_0 = arith.constant 0 : i32
    return %arg0, %c0_i32 : i32, i32
  }
}

</mosaic_0001>

<sc_bundles>
// kernel: kernel.12.cloned.1.call-start
scs
__scs_entry_jumppad:
0x0: {  	(pc) =	sbr.rel $0x88, $3  }
0x1: {  	(tag) =	ssettag $0x0;
	lr =	simm.s32 $0x1  }
0x2: {  	[smem:$0x3F9A] =	sst lr;
	_ =	strace $0xD0000000  }
0x3: {  	_ = 	snop  }
0x4: {  	_ = 	snop  }
0x5: {  	_ = 	snop  }
0x6: {  	_ = 	snop  }
0x7: {  	_ = 	snop  }
__scs_overlays_trampoline_lowered:
0x8: {  	[smem:$0x3FA9] =	sst s0  }
0x9: {  	[smem:$0x3FAA] =	sst s1  }
0xa: {  	[smem:$0x3FAB] =	sst s2  }
0xb: {  	[smem:$0x3FAC] =	sst s3  }
0xc: {  	[smem:$0x3FAD] =	sst s4  }
0xd: {  	[smem:$0x3FAE] =	sst s5  }
0xe: {  	[smem:$0x3FAF] =	sst s6  }
0xf: {  	[smem:$0x3FB0] =	sst s7  }
0x10: {  	[smem:$0x3FB1] =	sst s8  }
0x11: {  	[smem:$0x3FB2] =	sst s9;
	s0 =	simm.s32 @!p0 $0x0  }
0x12: {  	s1 =	sld [smem:$0x3F98];
	s0 =	simm.s32 @p0 $0x1  }
0x13: {  	[smem:$0x3FB3] =	sst s0;
	s0 =	simm.s32 @!p1 $0x0  }
0x14: {  	s2 =	sld [smem:$0x3F97];
	s0 =	simm.s32 @p1 $0x1  }
0x15: {  	[smem:$0x3FB4] =	sst s0;
	s0 =	simm.s32 @!p2 $0x0  }
0x16: {  	s3 =	sld [smem:$0x3FDB];
	s0 =	simm.s32 @p2 $0x1  }
0x17: {  	s4 =	simm.s32 $0x1BF5;
	[smem:$0x3FB6] =	sst s0  }
0x18: {  	s0 =	sld [smem:$0x3F99];
	_ =	swait.ge [sflag:s4], $0x0  }
0x19: {  	s7 =	sld [smem:$0x3F9A]  }
0x1a: {  	s8 =	sadd.s32 $0xFFFFE003, lr  }
0x1b: {  	s9 =	sadd.s32 $0xFFFFFEF7, lr;
	s5 =	simm.s32 $0xFFFFFFFF;
	p2 =	slt.u32 s8, $0xFFFFF086  }
0x1c: {  	p1 =	slt.u32 s9, $0xF7A;
	s5 =	simm.s32 @!p2 $0x0  }
0x1d: {  	s5 =	simm.s32 @p1 $0x1;
	p0 =	seq.s32 s7, s2  }
0x1e: {  	s7 =	smul.u32 @!p0 $0xF7A, s2;
	p2 =	seq.s32 @!p0 s5, $0x0  }
0x1f: {  	s9 =	smul.u32 $0xF7A, s1;
	s8 =	simm.s32 @!p0 $0x1BF5;
	p2 =	por !p2, p0  }
0x20: {  	[sflag:s8] =	ssyncset.s32 @!p0 $0xFFFFF086;
	s6 =	sadd.s32 @!p0 s3, s7;
	s7 =	simm.s32 @!p0 $0x108  }
0x21: {  	s3 =	sadd.s32 s3, s9;
	s6 =	sadd.s32 @!p0 $0x88, s6;
	s7 =	simm.s32 @p2 $0x1082  }
0x22: {  	[simem:s7], [sflag:s8] =	dma.local @!p0 [hbm:s6], $0xF7A  }
0x23: {  	s9 =	sor.u32 $0xD0000000, s2;
	s6 =	simm.s32 $0x108;
	_ =	swait.ge @!p0 [sflag:s8], $0x0  }
0x24: {  	s3 =	sadd.s32 $0x88, s3;
	s6 =	simm.s32 @!p1 $0x1082;
	[sflag:s4] =	ssyncset.s32 $0xFFFFF086  }
0x25: {  	[simem:s6], [sflag:s4] =	dma.local [hbm:s3], $0xF7A  }
0x26: {  	[smem:$0x3F9A] =	sst s1;
	(tag) =	ssettag s2;
	_ =	strace s9  }
0x27: {  	s1 =	sld [smem:$0x3FAA]  }
0x28: {  	s2 =	sld [smem:$0x3FAB]  }
0x29: {  	s4 =	sld [smem:$0x3FAD]  }
0x2a: {  	p0 =	seq.s32 s5, $0x0;
	s5 =	sld [smem:$0x3FAE]  }
0x2b: {  	s6 =	sld [smem:$0x3FAF]  }
0x2c: {  	s7 =	sld [smem:$0x3FB0]  }
0x2d: {  	s3 =	simm.s32 $0x108;
	s8 =	sld [smem:$0x3FB1]  }
0x2e: {  	s3 =	simm.s32 @!p0 $0x1082;
	s9 =	sld [smem:$0x3FB2]  }
0x2f: {  	lr =	sadd.s32 s0, s3;
	s0 =	sld [smem:$0x3FA9]  }
0x30: {  	s3 =	sld [smem:$0x3FAC]  }
0x31: {  	[smem:$0x3FB5] =	sst s10  }
0x32: {  	s10 =	sld [smem:$0x3FB3];
	_ =	sdelay $0x3  }
0x33: {  	p0 =	seq.s32 s10, $0x1;
	s10 =	sld [smem:$0x3FB5];
	_ =	sdelay $0x3  }
0x34: {  	[smem:$0x3FB5] =	sst s10  }
0x35: {  	s10 =	sld [smem:$0x3FB4];
	_ =	sdelay $0x3  }
0x36: {  	p1 =	seq.s32 s10, $0x1;
	s10 =	sld [smem:$0x3FB5];
	_ =	sdelay $0x3  }
0x37: {  	[smem:$0x3FB5] =	sst s10  }
0x38: {  	s10 =	sld [smem:$0x3FB6]  }
0x39: {  	_ = 	snop;
	(pc) =	sbr.ind lr, $3  }
0x3a: {  	_ = 	snop  }
0x3b: {  	_ = 	snop  }
0x3c: {  	p2 =	seq.s32 s10, $0x1;
	s10 =	sld [smem:$0x3FB5]  }
0x3d: {  	_ =	shalt  }
0x3e: {  	_ =	shalt  }
0x3f: {  	_ =	shalt  }
0x40: {  	_ =	shalt  }
0x41: {  	_ =	shalt  }
0x42: {  	_ =	shalt  }
0x43: {  	_ =	shalt  }
0x44: {  	_ =	shalt  }
0x45: {  	_ =	shalt  }
0x46: {  	_ =	shalt  }
0x47: {  	_ =	shalt  }
0x48: {  	_ =	shalt  }
0x49: {  	_ =	shalt  }
0x4a: {  	_ =	shalt  }
0x4b: {  	_ =	shalt  }
0x4c: {  	_ =	shalt  }
0x4d: {  	_ =	shalt  }
0x4e: {  	_ =	shalt  }
0x4f: {  	_ =	shalt  }
0x50: {  	_ =	shalt  }
0x51: {  	_ =	shalt  }
0x52: {  	_ =	shalt  }
0x53: {  	_ =	shalt  }
0x54: {  	_ =	shalt  }
0x55: {  	_ =	shalt  }
0x56: {  	_ =	shalt  }
0x57: {  	_ =	shalt  }
0x58: {  	_ =	shalt  }
0x59: {  	_ =	shalt  }
0x5a: {  	_ =	shalt  }
0x5b: {  	_ =	shalt  }
0x5c: {  	_ =	shalt  }
0x5d: {  	_ =	shalt  }
0x5e: {  	_ =	shalt  }
0x5f: {  	_ =	shalt  }
0x60: {  	_ =	shalt  }
0x61: {  	_ =	shalt  }
0x62: {  	_ =	shalt  }
0x63: {  	_ =	shalt  }
0x64: {  	_ =	shalt  }
0x65: {  	_ =	shalt  }
0x66: {  	_ =	shalt  }
0x67: {  	_ =	shalt  }
0x68: {  	_ =	shalt  }
0x69: {  	_ =	shalt  }
0x6a: {  	_ =	shalt  }
0x6b: {  	_ =	shalt  }
0x6c: {  	_ =	shalt  }
0x6d: {  	_ =	shalt  }
0x6e: {  	_ =	shalt  }
0x6f: {  	_ =	shalt  }
0x70: {  	_ =	shalt  }
0x71: {  	_ =	shalt  }
0x72: {  	_ =	shalt  }
0x73: {  	_ =	shalt  }
0x74: {  	_ =	shalt  }
0x75: {  	_ =	shalt  }
0x76: {  	_ =	shalt  }
0x77: {  	_ =	shalt  }
0x78: {  	_ =	shalt  }
0x79: {  	_ =	shalt  }
0x7a: {  	_ =	shalt  }
0x7b: {  	_ =	shalt  }
0x7c: {  	_ =	shalt  }
0x7d: {  	_ =	shalt  }
0x7e: {  	_ =	shalt  }
0x7f: {  	_ =	shalt  }
0x80: {  	_ =	shalt  }
0x81: {  	_ =	shalt  }
0x82: {  	_ =	shalt  }
0x83: {  	_ =	shalt  }
0x84: {  	_ =	shalt  }
0x85: {  	_ =	shalt  }
0x86: {  	_ =	shalt  }
0x87: {  	_ =	shalt  }
.Lfunc_end0:
.L_simem_size_0:
called_computation.1_lowered:
.L_overlay_start_0:
0x88: {  	s2 =	sld [smem:$0x3FD9]  }
0x89: {  	s3 =	sld [smem:$0x3FFE];
	_ =	sdelay $0x1  }
0x8a: {  	s1 =	srdreg.scid  }
0x8b: {  	s0 =	sand.u32 $0x1, s1  }
0x8c: {  	s17 =	sshll.u32 s0, $0xA;
	s2 =	sadd.s32 s3, s2  }
0x8d: {  	s2 =	sadd.s32 s2, s17  }
0x8e: {  	[smem:$0x3FC1] =	sst s2  }
0x8f: {  	_ = 	snop  }
0x90: {  	s18 =	sld [smem:$0x3FD0];
	(tm) =	ssettm $0x1  }
0x91: {  	s19 =	sld [smem:$0x3FFB];
	_ =	sdelay $0x3  }
0x92: {  	_ =	strace s19  }
0x93: {  	s2 =	sld [smem:$0x3FFC];
	_ =	sdelay $0x3  }
0x94: {  	_ =	strace s2  }
0x95: {  	s2 =	sld [smem:$0x3FFD];
	_ =	sdelay $0x3  }
0x96: {  	_ =	strace s2  }
0x97: {  	_ =	strace $0x8FFFFFFF  }
0x98: {  	s20 =	sld [smem:$0x3FDB];
	_ =	sdelay $0x1  }
0x99: {  	s4 =	simm.s32 $_scs_section_size  }
0x9a: {  	s5 =	simm.s32 $_size__tile_overlayer_lowered;
	s6 =	simm.s32 $_tile_overlayer_lowered  }
0x9b: {  	s7 =	simm.s32 $0x1BFF;
	s21 =	sshll.u32 s6, $0x1;
	s4 =	sadd.s32 s4, s20  }
0x9c: {  	s22 =	simm.s32 $0x0;
	s5 =	sshll.u32 s5, $0x1;
	s6 =	sadd.s32 s21, s4  }
0x9d: {  	[timem:s22], [sflag:s7] =	dma.local [hbm:s6], s5  }
0x9e: {  	_ =	swait.ge [sflag:s7], s5  }
0x9f: {  	s5 =	ssub.s32 $0x0, s5;
	[sflag:s7] =	ssyncset.done $0x0  }
0xa0: {  	[sflag:s7] =	ssyncadd.s32 s5;
	_ =	sdelay $0x1  }
0xa1: {  	s23 =	simm.s32 $0x1B8B  }
0xa2: {  	_ =	swait.ge [sflag:s23], $0x1  }
0xa3: {  	[sflag:s23] =	ssyncset.done $0x0  }
0xa4: {  	[sflag:s23] =	ssyncadd.s32 $0xFFFFFFFF  }
0xa5: {  	s5 =	sld [smem:$0x0]  }
0xa6: {  	s6 =	sand.u32 $0xFFFFFFFE, s1  }
0xa7: {  	p0 =	sne.s32 s1, s6  }
0xa8: {  	s6 =	sshll.u32 @p0 s6, $0xE  }
0xa9: {  	s6 =	sadd.s32 @p0 $0x11B8D, s6;
	s7 =	sshll.u32 @p0 s5, $0x11  }
0xaa: {  	s6 =	sor.u32 @p0 s7, s6  }
0xab: {  	[sflag:s6] =	ssyncadd.remote.s32 @p0 $0x1;
	_ =	sdelay $0x1  }
0xac: {  	s6 =	simm.s32 @p0 $0x1B8D  }
0xad: {  	_ =	swait.eq @p0 [sflag:s6], $0x1  }
0xae: {  	[sflag:s6] =	ssyncadd.s32 @p0 $0xFFFFFFFF  }
0xaf: {  	s7 =	sshll.u32 @!p0 s1, $0xE  }
0xb0: {  	s7 =	sor.u32 @!p0 $0x4000, s7;
	s6 =	simm.s32 @!p0 $0x1B8D  }
0xb1: {  	s5 =	sshll.u32 @!p0 s5, $0x11;
	s7 =	sadd.s32 @!p0 $0x11B8D, s7;
	_ =	swait.eq @!p0 [sflag:s6], $0x1  }
0xb2: {  	s5 =	sor.u32 @!p0 s5, s7;
	[sflag:s6] =	ssyncadd.s32 @!p0 $0xFFFFFFFF  }
0xb3: {  	s25 =	simm.s32 $0x1B8E;
	s24 =	sld [smem:$0x3FFE];
	[sflag:s5] =	ssyncadd.remote.s32 @!p0 $0x1  }
0xb4: {  	s26 =	simm.s32 $execute0_lowered;
	[smem:$0x3FD2] =	sst s25  }
0xb5: {  	s6 =	sshll.u32 s26, $0x1;
	_ =	strace $0x8000004F;
	[dreg:$0x1] =	wrdreg $0xFFFFFFFF  }
0xb6: {  	s28 =	simm.s32 $_size_execute0_lowered;
	s4 =	sadd.s32 s4, s6;
	[dreg:$0x0] =	wrdreg $0x0  }
0xb7: {  	s6 =	sshll.u32 s28, $0x1;
	[dreg:$0x2] =	wrdreg s4  }
0xb8: {  	[dreg:$0x3] =	wrdreg s6  }
0xb9: {  	[dreg:$0x4] =	wrdreg $0xC0  }
0xba: {  	_ =	task [dreg:s22], $0x5FFFF  }
0xbb: {  	[dreg:$0x1] =	wrdreg $0xFFFFFFFF  }
0xbc: {  	[dreg:$0x0] =	wrdreg $0x60  }
0xbd: {  	[dreg:$0x2] =	wrdreg s24  }
0xbe: {  	[dreg:$0x3] =	wrdreg s18  }
0xbf: {  	[dreg:$0x4] =	wrdreg $0x6E800  }
0xc0: {  	[dreg:$0x5] =	wrdreg $0x9  }
0xc1: {  	_ =	task.clear_ibuf [dreg:s22], $0x6FFFF;
	_ =	strace $0x9000004F  }
0xc2: {  	s29 =	simm.s32 $0x9;
	_ =	strace $0x80000051  }
0xc3: {  	_ =	swait.ge [sflag:s29], $0x1  }
0xc4: {  	[sflag:s29] =	ssyncadd.s32 $0xFFFFFFFF  }
0xc5: {  	_ =	strace $0x90000051  }
0xc6: {  	_ =	sfence  }
0xc7: {  	s30 =	sld [smem:$0x0];
	_ =	sdelay $0x2  }
0xc8: {  	s31 =	sshll.u32 s1, $0xD;
	s1 =	sshrl.u32 s1, $0x2  }
0xc9: {  	s4 =	sand.u32 $0x4000, s31;
	s1 =	sadd.s32 s1, s30  }
0xca: {  	s0 =	sor.u32 s4, s0;
	s1 =	sshll.u32 s1, $0x11  }
0xcb: {  	s0 =	sor.u32 s1, s0  }
0xcc: {  	s0 =	sadd.s32 $0x8F2B, s0  }
0xcd: {  	[sflag:s0] =	ssyncadd.remote.s32 $0x1  }
0xce: {  	_ =	sfence.sel $0xFFFF  }
0xcf: {  	[dreg:$0x0] =	wrdreg $0xFFFFFFFF;
	(pc) =	sbr.abs _section_cstart, $3  }
0xd0: {  	[dreg:$0x1] =	wrdreg $0xFFFFFFFF  }
0xd1: {  	_ =	task.clear_ibuf [dreg:s22], $0x2FFFF;
	_ =	strace $0x9FFFFFFF  }
0xd2: {  	(tm) =	ssettm $0x7FFFFFFF  }
0xd3: {  	_ =	shalt  }
tec
execute0_lowered:
.L_overlay_start_1:
0x0: {  	(tag) =	ssettag $0x1  }
0x1: {  	s0 =	rddreg [dreg:$0x0]  }
0x2: {  	s7 =	rddreg [dreg:$0x1]  }
0x3: {  	s2 =	rddreg [dreg:$0x2];
	s1 =	stileid.u32;
	s3 =	simm.s32 $0x0  }
0x4: {  	s5 =	srdreg.scid;
	s14 =	simm.s32 $0x180;
	s15 =	simm.s32 $0x200  }
0x5: {  	s16 =	simm.s32 $0x280;
	s17 =	simm.s32 $0x1680;
	s4 =	smul.u32 $0x27100, s1  }
0x6: {  	s18 =	simm.s32 $0x2A80;
	s5 =	sand.u32 $0x1, s5;
	s10 =	smul.u32 $0x2710, s1  }
0x7: {  	s19 =	simm.s32 $0x3E80;
	[smem:$0x7FF] =	sst s3;
	s20 =	smul.u32 $0x138800, s5  }
0x8: {  	s8 =	sshll.u32 s1, $0xB;
	_ =	strace $0x80000050;
	s12 =	smul.u32 $0x1388, s5  }
0x9: {  	s9 =	ssub.s32 $0x2, s5;
	s21 =	smul.u32 $0x13880, s5;
	s5 =	sadd.s32 s8, s2  }
0xa: {  	s6 =	sadd.s32 s4, s0;
	s11 =	sshrl.u32 s9, $0x1;
	s4 =	sadd.s32 s8, s20  }
0xb: {  	s9 =	ssub.s32 s9, s11;
	s23 =	sadd.s32 s12, s10;
	s24 =	sadd.s32 s21, s6  }
0xc: {  	s12 =	simm.s32 $0x80;
	s20 =	simm.s32 $0x5280;
	s21 =	simm.s32 $0x1  }
0xd: {  	s4 =	sshrl.u32 s4, $0x3;
	s22 =	smax.u32 s9, $0x1;
	s25 =	sadd.s32 $0xA0, s23  }
0xe: {  	s26 =	sadd.s32 $0x78, s23;
	s30 =	sadd.s32 $0x50, s23;
	s10 =	sadd.s32 $0x28, s23  }
0xf: {  	s31 =	sshrl.u32 s23, $0x3;
	s23 =	simm.s32 $0x28;
	s13 =	sadd.s32 s4, s0  }
0x10: {  	[dreg:$0x5] =	wrdreg s22;
	s0 =	sadd.s32 $0x75FC00, s24;
	s6 =	sshrl.u32 s25, $0x3  }
0x11: {  	s29 =	sshrl.u32 s26, $0x3;
	s8 =	sshrl.u32 s30, $0x3;
	s10 =	sshrl.u32 s10, $0x3  }
0x12: {  	s22 =	simm.s32 $0x2;
	s24 =	simm.s32 $0x3;
	s25 =	simm.s32 $0x0  }
0x13: {  	[dreg:$0x4] =	wrdreg s0;
	s28 =	sadd.s32 s6, s7;
	s0 =	sadd.s32 s29, s7  }
0x14: {  	s8 =	sadd.s32 s8, s7;
	s9 =	sadd.s32 s10, s7;
	s10 =	sadd.s32 s31, s7  }
0x15: {  	v0 =	vimm.f32 $0.0e+00;
	s11 =	sadd.s32 $0x5AE00, s13;
	s13 =	simm.s32 $0x100;
	[dreg:$0x6] =	wrdreg s28  }
.LBB2_1:
0x16: {  	s7 =	simm.s32 $0x0;
	s26 =	simm.s32 $0x0  }
.LBB2_2:
0x17: {  	p0 =	sne.s32 s26, $0x1FC0  }
.Ltmp0:
0x18: {  	_ = 	snop;
	(pc) =	sbr.rel @p0 .LBB2_2-.Ltmp0, $4  }
0x19: {  	s28 =	sand.u32 $0x1E00, s26  }
0x1a: {  	s29 =	sand.u32 $0x70, s7;
	s28 =	sshrl.u32 s28, $0x2  }
0x1b: {  	s28 =	sor.u32 s29, s28  }
0x1c: {  	s7 =	sadd.s32 $0x10, s7;
	s26 =	sadd.s32 $0x40, s26;
	[tilespmem:s28+$0x6680] =	vst v0  }
0x1d: {  	s7 =	sadd.s32 $0x0, s1  }
0x1e: {  	p0 =	sgt.u32 s7, $0x270  }
0x1f: {  	s7 =	simm.s32 @!p0 $0x6680;
	s29 =	simm.s32 @!p0 $0x4  }
0x20: {  	[spmem:s5] =	stream.linear.scatter @!p0 [tilespmem:s7], [sflag:$0x4], $0x800, $0x38;
	[tilespmem:$0x1A700] =	vst v63  }
0x21: {  	s26 =	simm.s32 $0x10;
	_ =	swait.ge @!p0 [sflag:s29], $0x800  }
0x22: {  	s28 =	simm.s32 $0x20;
	s7 =	sadd.s32 $0x8000, s5;
	[sflag:s29] =	ssyncset.done @!p0 $0x0  }
.LBB2_4:
0x23: {  	s30 =	sadd.s32 s26, s1;
	s26 =	smov.u32 s28;
	s28 =	sadd.s32 $0x10, s28  }
0x24: {  	[sflag:s29] =	ssyncadd.s32 @!p0 $0xFFFFF800;
	p1 =	sne.s32 s28, $0x280  }
.Ltmp1:
0x25: {  	p0 =	sgt.u32 s30, $0x270;
	(pc) =	sbr.rel @p1 .LBB2_4-.Ltmp1, $4  }
0x26: {  	s30 =	simm.s32 @!p0 $0x6680;
	s29 =	simm.s32 @!p0 $0x4  }
0x27: {  	[spmem:s7] =	stream.linear.scatter @!p0 [tilespmem:s30], [sflag:$0x4], $0x800, $0x38;
	[tilespmem:$0x1A700] =	vst v63  }
0x28: {  	_ =	swait.ge @!p0 [sflag:s29], $0x800  }
0x29: {  	s7 =	sadd.s32 $0x8000, s7;
	[sflag:s29] =	ssyncset.done @!p0 $0x0  }
0x2a: {  	s26 =	sadd.s32 s26, s1  }
0x2b: {  	p1 =	sgt.u32 s26, $0x270  }
0x2c: {  	[sflag:s29] =	ssyncadd.s32 @!p0 $0xFFFFF800;
	s26 =	simm.s32 @!p1 $0x6680;
	s28 =	simm.s32 @!p1 $0x4  }
0x2d: {  	[spmem:s7] =	stream.linear.scatter @!p1 [tilespmem:s26], [sflag:$0x4], $0x800, $0x38;
	[tilespmem:$0x1A700] =	vst v63  }
0x2e: {  	_ =	swait.ge @!p1 [sflag:s28], $0x800  }
0x2f: {  	[sflag:s28] =	ssyncset.done @!p1 $0x0  }
0x30: {  	[sflag:s28] =	ssyncadd.s32 @!p1 $0xFFFFF800  }
0x31: {  	[bflag:$0x0] =	sbarrier.arrive $0xFFFF  }
0x32: {  	[tilespmem:s3], [sflag:$0x1] =	stream.linear.gather [hbm4b:s10+s3], $0x28, $0x38;
	[tilespmem:$0x1A700] =	vst v63  }
0x33: {  	_ = 	snop  }
0x34: {  	[tilespmem:s12], [sflag:$0x1] =	stream.linear.gather [hbm4b:s9+s3], $0x28, $0x38;
	[tilespmem:$0x1A700] =	vst v63  }
0x35: {  	_ = 	snop  }
0x36: {  	[tilespmem:s13], [sflag:$0x1] =	stream.linear.gather [hbm4b:s8+s3], $0x28, $0x38;
	[tilespmem:$0x1A700] =	vst v63  }
0x37: {  	s4 =	rddreg [dreg:$0x4]  }
0x38: {  	[tilespmem:s14], [sflag:$0x1] =	stream.linear.gather [hbm4b:s0+s3], $0x28, $0x38;
	[tilespmem:$0x1A700] =	vst v63  }
0x39: {  	s31 =	rddreg [dreg:$0x6]  }
0x3a: {  	[tilespmem:s15], [sflag:$0x1] =	stream.linear.gather [hbm4b:s31+s3], $0x28, $0x38;
	[tilespmem:$0x1A700] =	vst v63  }
0x3b: {  	s7 =	sadd.s32 $0x0, s4  }
0x3c: {  	[tilespmem:s16], [sflag:$0x2] =	stream.linear.gather [hbm4b:s7+s3], $0x1400, $0x38;
	[tilespmem:$0x1A700] =	vst v63  }
0x3d: {  	s6 =	sadd.s32 $0x280, s7  }
0x3e: {  	[tilespmem:s17], [sflag:$0x2] =	stream.linear.gather [hbm4b:s6+s3], $0x1400, $0x38;
	[tilespmem:$0x1A700] =	vst v63  }
0x3f: {  	s4 =	sadd.s32 $0x500, s7  }
0x40: {  	[tilespmem:s18], [sflag:$0x2] =	stream.linear.gather [hbm4b:s4+s3], $0x1400, $0x38;
	[tilespmem:$0x1A700] =	vst v63  }
0x41: {  	s6 =	sadd.s32 $0x780, s7  }
0x42: {  	[tilespmem:s19], [sflag:$0x2] =	stream.linear.gather [hbm4b:s6+s3], $0x1400, $0x38;
	[tilespmem:$0x1A700] =	vst v63  }
0x43: {  	s7 =	sadd.s32 $0xA00, s7  }
0x44: {  	[tilespmem:s20], [sflag:$0x2] =	stream.linear.gather [hbm4b:s7+s3], $0x1400, $0x38;
	[tilespmem:$0x1A700] =	vst v63  }
0x45: {  	_ =	swait.ge [sflag:s21], $0x28  }
0x46: {  	[sflag:s21] =	ssyncset.done $0x0  }
0x47: {  	[sflag:s21] =	ssyncadd.s32 $0xFFFFFFD8  }
0x48: {  	_ =	swait.ge [sflag:s22], $0x1400  }
0x49: {  	[sflag:s22] =	ssyncset.done $0x0  }
0x4a: {  	[sflag:s22] =	ssyncadd.s32 $0xFFFFEC00  }
0x4b: {  	_ =	swait.ge [sflag:s21], $0x28  }
0x4c: {  	[sflag:s21] =	ssyncset.done $0x0  }
0x4d: {  	[sflag:s21] =	ssyncadd.s32 $0xFFFFFFD8  }
0x4e: {  	_ =	swait.ge [sflag:s22], $0x1400  }
0x4f: {  	[sflag:s22] =	ssyncset.done $0x0  }
0x50: {  	[sflag:s22] =	ssyncadd.s32 $0xFFFFEC00  }
0x51: {  	_ =	swait.ge [sflag:s21], $0x28  }
0x52: {  	[sflag:s21] =	ssyncset.done $0x0  }
0x53: {  	[sflag:s21] =	ssyncadd.s32 $0xFFFFFFD8  }
0x54: {  	_ =	swait.ge [sflag:s22], $0x1400  }
0x55: {  	[sflag:s22] =	ssyncset.done $0x0  }
0x56: {  	[sflag:s22] =	ssyncadd.s32 $0xFFFFEC00  }
0x57: {  	_ =	swait.ge [sflag:s21], $0x28  }
0x58: {  	[sflag:s21] =	ssyncset.done $0x0  }
0x59: {  	[sflag:s21] =	ssyncadd.s32 $0xFFFFFFD8  }
0x5a: {  	_ =	swait.ge [sflag:s22], $0x1400  }
0x5b: {  	[sflag:s22] =	ssyncset.done $0x0  }
0x5c: {  	[sflag:s22] =	ssyncadd.s32 $0xFFFFEC00  }
0x5d: {  	_ =	swait.ge [sflag:s21], $0x28  }
0x5e: {  	[sflag:s21] =	ssyncset.done $0x0  }
0x5f: {  	[sflag:s21] =	ssyncadd.s32 $0xFFFFFFD8  }
0x60: {  	_ =	swait.ge [sflag:s22], $0x1400  }
0x61: {  	[sflag:s22] =	ssyncset.done $0x0  }
0x62: {  	[sflag:s22] =	ssyncadd.s32 $0xFFFFEC00  }
0x63: {  	[spmem:s2] =	stream.indirect.scatter.add.f32 [tilespmem:s16], [sflag:$0x3], $0x80, s3, s23, $0xb8;
	[tilespmem:$0x1A700] =	vst v63  }
0x64: {  	_ = 	snop  }
0x65: {  	[spmem:s2] =	stream.indirect.scatter.add.f32 [tilespmem:s17], [sflag:$0x3], $0x80, s12, s23, $0xb8;
	[tilespmem:$0x1A700] =	vst v63  }
0x66: {  	_ = 	snop  }
0x67: {  	[spmem:s2] =	stream.indirect.scatter.add.f32 [tilespmem:s18], [sflag:$0x3], $0x80, s13, s23, $0xb8;
	[tilespmem:$0x1A700] =	vst v63  }
0x68: {  	_ = 	snop  }
0x69: {  	[spmem:s2] =	stream.indirect.scatter.add.f32 [tilespmem:s19], [sflag:$0x3], $0x80, s14, s23, $0xb8;
	[tilespmem:$0x1A700] =	vst v63  }
0x6a: {  	_ = 	snop  }
0x6b: {  	[spmem:s2] =	stream.indirect.scatter.add.f32 [tilespmem:s20], [sflag:$0x3], $0x80, s15, s23, $0xb8;
	[tilespmem:$0x1A700] =	vst v63  }
0x6c: {  	_ =	swait.ge [sflag:s24], $0x1400  }
0x6d: {  	[sflag:s24] =	ssyncset.done $0x0  }
0x6e: {  	[sflag:s24] =	ssyncadd.s32 $0xFFFFEC00  }
0x6f: {  	_ =	swait.ge [sflag:s24], $0x1400  }
0x70: {  	[sflag:s24] =	ssyncset.done $0x0  }
0x71: {  	[sflag:s24] =	ssyncadd.s32 $0xFFFFEC00  }
0x72: {  	_ =	swait.ge [sflag:s24], $0x1400  }
0x73: {  	[sflag:s24] =	ssyncset.done $0x0  }
0x74: {  	[sflag:s24] =	ssyncadd.s32 $0xFFFFEC00  }
0x75: {  	_ =	swait.ge [sflag:s24], $0x1400  }
0x76: {  	[sflag:s24] =	ssyncset.done $0x0  }
0x77: {  	s29 =	sadd.s32 $0x19, s8;
	[sflag:s24] =	ssyncadd.s32 $0xFFFFEC00  }
0x78: {  	s30 =	sadd.s32 $0x19, s9;
	s26 =	simm.s32 $0xC80;
	_ =	swait.ge [sflag:s24], $0x1400  }
0x79: {  	s28 =	sadd.s32 $0x19, s10;
	s7 =	smov.u32 s0;
	[sflag:s24] =	ssyncset.done $0x0  }
.LBB2_6:
0x7a: {  	[sflag:s24] =	ssyncadd.s32 $0xFFFFEC00  }
0x7b: {  	[tilespmem:s3], [sflag:$0x1] =	stream.linear.gather [hbm4b:s28+s3], $0x28, $0x38;
	[tilespmem:$0x1A700] =	vst v63  }
0x7c: {  	_ = 	snop  }
0x7d: {  	[tilespmem:s12], [sflag:$0x1] =	stream.linear.gather [hbm4b:s30+s3], $0x28, $0x38;
	[tilespmem:$0x1A700] =	vst v63  }
0x7e: {  	_ = 	snop  }
0x7f: {  	[tilespmem:s13], [sflag:$0x1] =	stream.linear.gather [hbm4b:s29+s3], $0x28, $0x38;
	[tilespmem:$0x1A700] =	vst v63  }
0x80: {  	s7 =	sadd.s32 $0x19, s7  }
0x81: {  	[tilespmem:s14], [sflag:$0x1] =	stream.linear.gather [hbm4b:s7+s3], $0x28, $0x38;
	[tilespmem:$0x1A700] =	vst v63  }
0x82: {  	s31 =	sadd.s32 $0x19, s31;
	s4 =	smov.u32 s26;
	s6 =	rddreg [dreg:$0x4]  }
0x83: {  	[tilespmem:s15], [sflag:$0x1] =	stream.linear.gather [hbm4b:s31+s3], $0x28, $0x38;
	[tilespmem:$0x1A700] =	vst v63  }
0x84: {  	s4 =	sadd.s32 s4, s6  }
0x85: {  	[tilespmem:s16], [sflag:$0x2] =	stream.linear.gather [hbm4b:s4+s3], $0x1400, $0x38;
	[tilespmem:$0x1A700] =	vst v63  }
0x86: {  	s6 =	sadd.s32 $0x280, s4  }
0x87: {  	[tilespmem:s17], [sflag:$0x2] =	stream.linear.gather [hbm4b:s6+s3], $0x1400, $0x38;
	[tilespmem:$0x1A700] =	vst v63  }
0x88: {  	s6 =	sadd.s32 $0x500, s4  }
0x89: {  	[tilespmem:s18], [sflag:$0x2] =	stream.linear.gather [hbm4b:s6+s3], $0x1400, $0x38;
	[tilespmem:$0x1A700] =	vst v63  }
0x8a: {  	s6 =	sadd.s32 $0x780, s4  }
0x8b: {  	[tilespmem:s19], [sflag:$0x2] =	stream.linear.gather [hbm4b:s6+s3], $0x1400, $0x38;
	[tilespmem:$0x1A700] =	vst v63  }
0x8c: {  	s4 =	sadd.s32 $0xA00, s4  }
0x8d: {  	[tilespmem:s20], [sflag:$0x2] =	stream.linear.gather [hbm4b:s4+s3], $0x1400, $0x38;
	[tilespmem:$0x1A700] =	vst v63  }
0x8e: {  	_ =	swait.ge [sflag:s21], $0x28  }
0x8f: {  	[sflag:s21] =	ssyncset.done $0x0  }
0x90: {  	[sflag:s21] =	ssyncadd.s32 $0xFFFFFFD8  }
0x91: {  	_ =	swait.ge [sflag:s22], $0x1400  }
0x92: {  	[sflag:s22] =	ssyncset.done $0x0  }
0x93: {  	[sflag:s22] =	ssyncadd.s32 $0xFFFFEC00  }
0x94: {  	_ =	swait.ge [sflag:s21], $0x28  }
0x95: {  	[sflag:s21] =	ssyncset.done $0x0  }
0x96: {  	[sflag:s21] =	ssyncadd.s32 $0xFFFFFFD8  }
0x97: {  	_ =	swait.ge [sflag:s22], $0x1400  }
0x98: {  	[sflag:s22] =	ssyncset.done $0x0  }
0x99: {  	[sflag:s22] =	ssyncadd.s32 $0xFFFFEC00  }
0x9a: {  	_ =	swait.ge [sflag:s21], $0x28  }
0x9b: {  	[sflag:s21] =	ssyncset.done $0x0  }
0x9c: {  	[sflag:s21] =	ssyncadd.s32 $0xFFFFFFD8  }
0x9d: {  	_ =	swait.ge [sflag:s22], $0x1400  }
0x9e: {  	[sflag:s22] =	ssyncset.done $0x0  }
0x9f: {  	[sflag:s22] =	ssyncadd.s32 $0xFFFFEC00  }
0xa0: {  	_ =	swait.ge [sflag:s21], $0x28  }
0xa1: {  	[sflag:s21] =	ssyncset.done $0x0  }
0xa2: {  	[sflag:s21] =	ssyncadd.s32 $0xFFFFFFD8  }
0xa3: {  	_ =	swait.ge [sflag:s22], $0x1400  }
0xa4: {  	[sflag:s22] =	ssyncset.done $0x0  }
0xa5: {  	[sflag:s22] =	ssyncadd.s32 $0xFFFFEC00  }
0xa6: {  	_ =	swait.ge [sflag:s21], $0x28  }
0xa7: {  	[sflag:s21] =	ssyncset.done $0x0  }
0xa8: {  	[sflag:s21] =	ssyncadd.s32 $0xFFFFFFD8  }
0xa9: {  	_ =	swait.ge [sflag:s22], $0x1400  }
0xaa: {  	[sflag:s22] =	ssyncset.done $0x0  }
0xab: {  	[sflag:s22] =	ssyncadd.s32 $0xFFFFEC00  }
0xac: {  	[spmem:s2] =	stream.indirect.scatter.add.f32 [tilespmem:s16], [sflag:$0x3], $0x80, s3, s23, $0xb8;
	[tilespmem:$0x1A700] =	vst v63  }
0xad: {  	_ = 	snop  }
0xae: {  	[spmem:s2] =	stream.indirect.scatter.add.f32 [tilespmem:s17], [sflag:$0x3], $0x80, s12, s23, $0xb8;
	[tilespmem:$0x1A700] =	vst v63  }
0xaf: {  	_ = 	snop  }
0xb0: {  	[spmem:s2] =	stream.indirect.scatter.add.f32 [tilespmem:s18], [sflag:$0x3], $0x80, s13, s23, $0xb8;
	[tilespmem:$0x1A700] =	vst v63  }
0xb1: {  	_ = 	snop  }
0xb2: {  	[spmem:s2] =	stream.indirect.scatter.add.f32 [tilespmem:s19], [sflag:$0x3], $0x80, s14, s23, $0xb8;
	[tilespmem:$0x1A700] =	vst v63  }
0xb3: {  	_ = 	snop  }
0xb4: {  	[spmem:s2] =	stream.indirect.scatter.add.f32 [tilespmem:s20], [sflag:$0x3], $0x80, s15, s23, $0xb8;
	[tilespmem:$0x1A700] =	vst v63  }
0xb5: {  	_ =	swait.ge [sflag:s24], $0x1400  }
0xb6: {  	[sflag:s24] =	ssyncset.done $0x0  }
0xb7: {  	[sflag:s24] =	ssyncadd.s32 $0xFFFFEC00  }
0xb8: {  	_ =	swait.ge [sflag:s24], $0x1400  }
0xb9: {  	[sflag:s24] =	ssyncset.done $0x0  }
0xba: {  	[sflag:s24] =	ssyncadd.s32 $0xFFFFEC00  }
0xbb: {  	_ =	swait.ge [sflag:s24], $0x1400  }
0xbc: {  	[sflag:s24] =	ssyncset.done $0x0  }
0xbd: {  	p0 =	sne.s32 s26, $0x12C00;
	[sflag:s24] =	ssyncadd.s32 $0xFFFFEC00  }
.Ltmp2:
0xbe: {  	_ =	swait.ge [sflag:s24], $0x1400;
	(pc) =	sbr.rel @p0 .LBB2_6-.Ltmp2, $4  }
0xbf: {  	[sflag:s24] =	ssyncset.done $0x0  }
0xc0: {  	[sflag:s24] =	ssyncadd.s32 $0xFFFFEC00  }
0xc1: {  	s26 =	sadd.s32 $0xC80, s26;
	s28 =	sadd.s32 $0x19, s28;
	_ =	swait.ge [sflag:s24], $0x1400  }
0xc2: {  	s30 =	sadd.s32 $0x19, s30;
	s29 =	sadd.s32 $0x19, s29;
	[sflag:s24] =	ssyncset.done $0x0  }
0xc3: {  	s4 =	sadd.s32 $0x0, s1  }
0xc4: {  	[sflag:s24] =	ssyncadd.s32 $0xFFFFEC00;
	p0 =	sgt.u32 s4, $0x270  }
0xc5: {  	[bflag:$0x0] =	sbarrier.arrive $0xFFFF;
	s4 =	sshll.u32 @!p0 s1, $0x6  }
0xc6: {  	s6 =	sshrl.u32 @!p0 s5, $0x3;
	s29 =	simm.s32 @!p0 $0x4;
	s4 =	sor.u32 @!p0 $0x1C04, s4  }
0xc7: {  	[hbm:s11], [sflag:s4] =	dma.local @!p0 [spmem:s6], $0x100  }
0xc8: {  	s28 =	simm.s32 $0x20;
	s7 =	sadd.s32 $0x8000, s5;
	_ =	swait.ge @!p0 [sflag:s29], $0x100  }
0xc9: {  	s30 =	sadd.s32 $0x10, s1;
	s26 =	sadd.s32 $0x1000, s11;
	[sflag:s29] =	ssyncset.done @!p0 $0x0  }
.LBB2_8:
0xca: {  	s4 =	smov.u32 s28;
	s28 =	sadd.s32 $0x10, s28  }
0xcb: {  	[sflag:s29] =	ssyncadd.s32 @!p0 $0xFFFFFF00;
	p0 =	sgt.u32 s30, $0x270;
	p1 =	sne.s32 s28, $0x280  }
.Ltmp3:
0xcc: {  	s6 =	sshll.u32 @!p0 s1, $0x6;
	s30 =	sshrl.u32 @!p0 s7, $0x3;
	(pc) =	sbr.rel @p1 .LBB2_8-.Ltmp3, $4  }
0xcd: {  	s29 =	simm.s32 @!p0 $0x4;
	s6 =	sor.u32 @!p0 $0x1C04, s6  }
0xce: {  	[hbm:s26], [sflag:s6] =	dma.local @!p0 [spmem:s30], $0x100  }
0xcf: {  	s7 =	sadd.s32 $0x8000, s7;
	_ =	swait.ge @!p0 [sflag:s29], $0x100  }
0xd0: {  	s30 =	sadd.s32 s4, s1;
	s26 =	sadd.s32 $0x1000, s26;
	[sflag:s29] =	ssyncset.done @!p0 $0x0  }
0xd1: {  	p1 =	sgt.u32 s30, $0x270  }
0xd2: {  	[sflag:s29] =	ssyncadd.s32 @!p0 $0xFFFFFF00;
	s4 =	sshll.u32 @!p1 s1, $0x6  }
0xd3: {  	s6 =	sshrl.u32 @!p1 s7, $0x3;
	s7 =	simm.s32 @!p1 $0x4;
	s4 =	sor.u32 @!p1 $0x1C04, s4  }
0xd4: {  	[hbm:s26], [sflag:s4] =	dma.local @!p1 [spmem:s6], $0x100  }
0xd5: {  	_ =	swait.ge @!p1 [sflag:s7], $0x100  }
0xd6: {  	s25 =	sadd.s32 $0x1, s25;
	s31 =	rddreg [dreg:$0x5]  }
0xd7: {  	p0 =	sne.s32 s25, s31  }
.Ltmp4:
0xd8: {  	_ = 	snop;
	(pc) =	sbr.rel @p0 .LBB2_1-.Ltmp4, $3  }
0xd9: {  	_ =	sdelay $0x1  }
0xda: {  	[sflag:s7] =	ssyncset.done @!p1 $0x0  }
0xdb: {  	[sflag:s7] =	ssyncadd.s32 @!p1 $0xFFFFFF00  }
0xdc: {  	_ =	sfence.sel $0x180000  }
0xdd: {  	[bflag:$0x0] =	sbarrier.arrive $0xFFFF  }
0xde: {  	_ =	strace $0x90000050  }
0xdf: {  	[bflag:$0x2] =	sbarrier.arrive $0xFFFF  }
0xe0: {  	p0 =	sne.s32 s1, $0x0;
	s0 =	rddreg [dreg:$0x3]  }
0xe1: {  	s0 =	sadd.s32 @!p0 $0x100000, s0  }
0xe2: {  	[sflag:s0] =	ssyncadd.tile.s32 @!p0 $0x1;
	_ =	shalt  }
.Lfunc_end2:
_tile_overlayer_lowered:
.L_overlay_start_2:
0xe3: {  	(tag) =	ssettag $0x2  }
0xe4: {  	s0 =	rddreg [dreg:$0x0];
	s2 =	stileid.u32  }
0xe5: {  	s1 =	rddreg [dreg:$0x1];
	p0 =	sne.s32 s2, $0x0  }
0xe6: {  	s3 =	rddreg [dreg:$0x2];
	[bflag:$0x3] =	sbarrier.arrive $0xFFFF;
	s2 =	simm.s32 @!p0 $0x1C04  }
0xe7: {  	[timem:s3], [sflag:s2] =	dma.local @!p0 [hbm:s0], s1  }
0xe8: {  	s0 =	simm.s32 @!p0 $0x4  }
0xe9: {  	_ =	swait.ge @!p0 [sflag:s0], s1  }
0xea: {  	s1 =	ssub.s32 @!p0 $0x0, s1;
	[sflag:s0] =	ssyncset.done @!p0 $0x0  }
0xeb: {  	[sflag:s0] =	ssyncadd.s32 @!p0 s1  }
0xec: {  	[bflag:$0x3] =	sbarrier.arrive $0xFFFF  }
0xed: {  	_ =	shalt  }

// kernel: kernel.15.cloned.1.call-start
scs
__scs_entry_jumppad:
0x0: {  	(pc) =	sbr.rel $0x88, $3  }
0x1: {  	(tag) =	ssettag $0x0;
	lr =	simm.s32 $0x1  }
0x2: {  	[smem:$0x3F9A] =	sst lr;
	_ =	strace $0xD0000000  }
0x3: {  	_ = 	snop  }
0x4: {  	_ = 	snop  }
0x5: {  	_ = 	snop  }
0x6: {  	_ = 	snop  }
0x7: {  	_ = 	snop  }
__scs_overlays_trampoline_lowered:
0x8: {  	[smem:$0x3FA9] =	sst s0  }
0x9: {  	[smem:$0x3FAA] =	sst s1  }
0xa: {  	[smem:$0x3FAB] =	sst s2  }
0xb: {  	[smem:$0x3FAC] =	sst s3  }
0xc: {  	[smem:$0x3FAD] =	sst s4  }
0xd: {  	[smem:$0x3FAE] =	sst s5  }
0xe: {  	[smem:$0x3FAF] =	sst s6  }
0xf: {  	[smem:$0x3FB0] =	sst s7  }
0x10: {  	[smem:$0x3FB1] =	sst s8  }
0x11: {  	[smem:$0x3FB2] =	sst s9;
	s0 =	simm.s32 @!p0 $0x0  }
0x12: {  	s1 =	sld [smem:$0x3F98];
	s0 =	simm.s32 @p0 $0x1  }
0x13: {  	[smem:$0x3FB3] =	sst s0;
	s0 =	simm.s32 @!p1 $0x0  }
0x14: {  	s2 =	sld [smem:$0x3F97];
	s0 =	simm.s32 @p1 $0x1  }
0x15: {  	[smem:$0x3FB4] =	sst s0;
	s0 =	simm.s32 @!p2 $0x0  }
0x16: {  	s3 =	sld [smem:$0x3FDB];
	s0 =	simm.s32 @p2 $0x1  }
0x17: {  	s4 =	simm.s32 $0x1BF5;
	[smem:$0x3FB6] =	sst s0  }
0x18: {  	s0 =	sld [smem:$0x3F99];
	_ =	swait.ge [sflag:s4], $0x0  }
0x19: {  	s7 =	sld [smem:$0x3F9A]  }
0x1a: {  	s8 =	sadd.s32 $0xFFFFE003, lr  }
0x1b: {  	s9 =	sadd.s32 $0xFFFFFEF7, lr;
	s5 =	simm.s32 $0xFFFFFFFF;
	p2 =	slt.u32 s8, $0xFFFFF086  }
0x1c: {  	p1 =	slt.u32 s9, $0xF7A;
	s5 =	simm.s32 @!p2 $0x0  }
0x1d: {  	s5 =	simm.s32 @p1 $0x1;
	p0 =	seq.s32 s7, s2  }
0x1e: {  	s7 =	smul.u32 @!p0 $0xF7A, s2;
	p2 =	seq.s32 @!p0 s5, $0x0  }
0x1f: {  	s9 =	smul.u32 $0xF7A, s1;
	s8 =	simm.s32 @!p0 $0x1BF5;
	p2 =	por !p2, p0  }
0x20: {  	[sflag:s8] =	ssyncset.s32 @!p0 $0xFFFFF086;
	s6 =	sadd.s32 @!p0 s3, s7;
	s7 =	simm.s32 @!p0 $0x108  }
0x21: {  	s3 =	sadd.s32 s3, s9;
	s6 =	sadd.s32 @!p0 $0x88, s6;
	s7 =	simm.s32 @p2 $0x1082  }
0x22: {  	[simem:s7], [sflag:s8] =	dma.local @!p0 [hbm:s6], $0xF7A  }
0x23: {  	s9 =	sor.u32 $0xD0000000, s2;
	s6 =	simm.s32 $0x108;
	_ =	swait.ge @!p0 [sflag:s8], $0x0  }
0x24: {  	s3 =	sadd.s32 $0x88, s3;
	s6 =	simm.s32 @!p1 $0x1082;
	[sflag:s4] =	ssyncset.s32 $0xFFFFF086  }
0x25: {  	[simem:s6], [sflag:s4] =	dma.local [hbm:s3], $0xF7A  }
0x26: {  	[smem:$0x3F9A] =	sst s1;
	(tag) =	ssettag s2;
	_ =	strace s9  }
0x27: {  	s1 =	sld [smem:$0x3FAA]  }
0x28: {  	s2 =	sld [smem:$0x3FAB]  }
0x29: {  	s4 =	sld [smem:$0x3FAD]  }
0x2a: {  	p0 =	seq.s32 s5, $0x0;
	s5 =	sld [smem:$0x3FAE]  }
0x2b: {  	s6 =	sld [smem:$0x3FAF]  }
0x2c: {  	s7 =	sld [smem:$0x3FB0]  }
0x2d: {  	s3 =	simm.s32 $0x108;
	s8 =	sld [smem:$0x3FB1]  }
0x2e: {  	s3 =	simm.s32 @!p0 $0x1082;
	s9 =	sld [smem:$0x3FB2]  }
0x2f: {  	lr =	sadd.s32 s0, s3;
	s0 =	sld [smem:$0x3FA9]  }
0x30: {  	s3 =	sld [smem:$0x3FAC]  }
0x31: {  	[smem:$0x3FB5] =	sst s10  }
0x32: {  	s10 =	sld [smem:$0x3FB3];
	_ =	sdelay $0x3  }
0x33: {  	p0 =	seq.s32 s10, $0x1;
	s10 =	sld [smem:$0x3FB5];
	_ =	sdelay $0x3  }
0x34: {  	[smem:$0x3FB5] =	sst s10  }
0x35: {  	s10 =	sld [smem:$0x3FB4];
	_ =	sdelay $0x3  }
0x36: {  	p1 =	seq.s32 s10, $0x1;
	s10 =	sld [smem:$0x3FB5];
	_ =	sdelay $0x3  }
0x37: {  	[smem:$0x3FB5] =	sst s10  }
0x38: {  	s10 =	sld [smem:$0x3FB6]  }
0x39: {  	_ = 	snop;
	(pc) =	sbr.ind lr, $3  }
0x3a: {  	_ = 	snop  }
0x3b: {  	_ = 	snop  }
0x3c: {  	p2 =	seq.s32 s10, $0x1;
	s10 =	sld [smem:$0x3FB5]  }
0x3d: {  	_ =	shalt  }
0x3e: {  	_ =	shalt  }
0x3f: {  	_ =	shalt  }
0x40: {  	_ =	shalt  }
0x41: {  	_ =	shalt  }
0x42: {  	_ =	shalt  }
0x43: {  	_ =	shalt  }
0x44: {  	_ =	shalt  }
0x45: {  	_ =	shalt  }
0x46: {  	_ =	shalt  }
0x47: {  	_ =	shalt  }
0x48: {  	_ =	shalt  }
0x49: {  	_ =	shalt  }
0x4a: {  	_ =	shalt  }
0x4b: {  	_ =	shalt  }
0x4c: {  	_ =	shalt  }
0x4d: {  	_ =	shalt  }
0x4e: {  	_ =	shalt  }
0x4f: {  	_ =	shalt  }
0x50: {  	_ =	shalt  }
0x51: {  	_ =	shalt  }
0x52: {  	_ =	shalt  }
0x53: {  	_ =	shalt  }
0x54: {  	_ =	shalt  }
0x55: {  	_ =	shalt  }
0x56: {  	_ =	shalt  }
0x57: {  	_ =	shalt  }
0x58: {  	_ =	shalt  }
0x59: {  	_ =	shalt  }
0x5a: {  	_ =	shalt  }
0x5b: {  	_ =	shalt  }
0x5c: {  	_ =	shalt  }
0x5d: {  	_ =	shalt  }
0x5e: {  	_ =	shalt  }
0x5f: {  	_ =	shalt  }
0x60: {  	_ =	shalt  }
0x61: {  	_ =	shalt  }
0x62: {  	_ =	shalt  }
0x63: {  	_ =	shalt  }
0x64: {  	_ =	shalt  }
0x65: {  	_ =	shalt  }
0x66: {  	_ =	shalt  }
0x67: {  	_ =	shalt  }
0x68: {  	_ =	shalt  }
0x69: {  	_ =	shalt  }
0x6a: {  	_ =	shalt  }
0x6b: {  	_ =	shalt  }
0x6c: {  	_ =	shalt  }
0x6d: {  	_ =	shalt  }
0x6e: {  	_ =	shalt  }
0x6f: {  	_ =	shalt  }
0x70: {  	_ =	shalt  }
0x71: {  	_ =	shalt  }
0x72: {  	_ =	shalt  }
0x73: {  	_ =	shalt  }
0x74: {  	_ =	shalt  }
0x75: {  	_ =	shalt  }
0x76: {  	_ =	shalt  }
0x77: {  	_ =	shalt  }
0x78: {  	_ =	shalt  }
0x79: {  	_ =	shalt  }
0x7a: {  	_ =	shalt  }
0x7b: {  	_ =	shalt  }
0x7c: {  	_ =	shalt  }
0x7d: {  	_ =	shalt  }
0x7e: {  	_ =	shalt  }
0x7f: {  	_ =	shalt  }
0x80: {  	_ =	shalt  }
0x81: {  	_ =	shalt  }
0x82: {  	_ =	shalt  }
0x83: {  	_ =	shalt  }
0x84: {  	_ =	shalt  }
0x85: {  	_ =	shalt  }
0x86: {  	_ =	shalt  }
0x87: {  	_ =	shalt  }
.Lfunc_end0:
.L_simem_size_0:
called_computation.2_lowered:
.L_overlay_start_0:
0x88: {  	s2 =	sld [smem:$0x3FD9]  }
0x89: {  	s3 =	sld [smem:$0x3FFE];
	_ =	sdelay $0x1  }
0x8a: {  	s1 =	srdreg.scid  }
0x8b: {  	s0 =	sand.u32 $0x1, s1  }
0x8c: {  	s17 =	sshll.u32 s0, $0xA;
	s2 =	sadd.s32 s3, s2  }
0x8d: {  	s2 =	sadd.s32 s2, s17  }
0x8e: {  	[smem:$0x3FC1] =	sst s2  }
0x8f: {  	_ = 	snop  }
0x90: {  	s2 =	sld [smem:$0x3FC9];
	(tm) =	ssettm $0x1  }
0x91: {  	s18 =	sld [smem:$0x3FFB];
	_ =	sdelay $0x3  }
0x92: {  	_ =	strace s18  }
0x93: {  	s3 =	sld [smem:$0x3FFC];
	_ =	sdelay $0x3  }
0x94: {  	_ =	strace s3  }
0x95: {  	s3 =	sld [smem:$0x3FFD];
	_ =	sdelay $0x3  }
0x96: {  	_ =	strace s3  }
0x97: {  	_ =	strace $0x8FFFFFFF  }
0x98: {  	s19 =	sld [smem:$0x3FDB];
	_ =	sdelay $0x1  }
0x99: {  	s4 =	simm.s32 $_scs_section_size  }
0x9a: {  	s5 =	simm.s32 $_size__tile_overlayer_lowered;
	s6 =	simm.s32 $_tile_overlayer_lowered  }
0x9b: {  	s22 =	simm.s32 $0x1BFF;
	s21 =	sshll.u32 s6, $0x1;
	s3 =	sadd.s32 s4, s19  }
0x9c: {  	s7 =	simm.s32 $0x0;
	s20 =	sshll.u32 s5, $0x1;
	s5 =	sadd.s32 s21, s3  }
0x9d: {  	[timem:s7], [sflag:s22] =	dma.local [hbm:s5], s20  }
0x9e: {  	_ =	swait.ge [sflag:s22], s20  }
0x9f: {  	s4 =	ssub.s32 $0x0, s20;
	[sflag:s22] =	ssyncset.done $0x0  }
0xa0: {  	[sflag:s22] =	ssyncadd.s32 s4;
	_ =	sdelay $0x1  }
0xa1: {  	s23 =	simm.s32 $0x1B8B  }
0xa2: {  	_ =	swait.ge [sflag:s23], $0x1  }
0xa3: {  	[sflag:s23] =	ssyncset.done $0x0  }
0xa4: {  	s25 =	simm.s32 $0x1B8E;
	s24 =	sld [smem:$0x3FFE];
	[sflag:s23] =	ssyncadd.s32 $0xFFFFFFFF  }
0xa5: {  	s26 =	simm.s32 $execute0_lowered;
	[smem:$0x3FD2] =	sst s25  }
0xa6: {  	s5 =	sshll.u32 s26, $0x1;
	_ =	strace $0x80000046;
	[dreg:$0x1] =	wrdreg $0xFFFFFFFF  }
0xa7: {  	s28 =	simm.s32 $_size_execute0_lowered;
	s3 =	sadd.s32 s3, s5;
	[dreg:$0x0] =	wrdreg $0x0  }
0xa8: {  	s5 =	sshll.u32 s28, $0x1;
	[dreg:$0x2] =	wrdreg s3  }
0xa9: {  	[dreg:$0x3] =	wrdreg s5  }
0xaa: {  	[dreg:$0x4] =	wrdreg $0xC0  }
0xab: {  	_ =	task [dreg:s7], $0x5FFFF  }
0xac: {  	[dreg:$0x1] =	wrdreg $0xFFFFFFFF  }
0xad: {  	[dreg:$0x0] =	wrdreg $0x60  }
0xae: {  	[dreg:$0x2] =	wrdreg s2  }
0xaf: {  	[dreg:$0x3] =	wrdreg s24  }
0xb0: {  	[dreg:$0x4] =	wrdreg $0xA  }
0xb1: {  	_ =	task.clear_ibuf [dreg:s7], $0x5FFFF;
	_ =	strace $0x90000046  }
0xb2: {  	s29 =	simm.s32 $0xA;
	_ =	strace $0x80000048  }
0xb3: {  	_ =	swait.ge [sflag:s29], $0x1  }
0xb4: {  	[sflag:s29] =	ssyncadd.s32 $0xFFFFFFFF  }
0xb5: {  	_ =	strace $0x90000048  }
0xb6: {  	_ =	sfence  }
0xb7: {  	s30 =	sld [smem:$0x0];
	_ =	sdelay $0x2  }
0xb8: {  	s31 =	sshll.u32 s1, $0xD;
	s1 =	sshrl.u32 s1, $0x2  }
0xb9: {  	s3 =	sand.u32 $0x4000, s31;
	s1 =	sadd.s32 s1, s30  }
0xba: {  	s0 =	sor.u32 s3, s0;
	s1 =	sshll.u32 s1, $0x11  }
0xbb: {  	s0 =	sor.u32 s1, s0  }
0xbc: {  	s0 =	sadd.s32 $0x8F2B, s0  }
0xbd: {  	[sflag:s0] =	ssyncadd.remote.s32 $0x1  }
0xbe: {  	_ =	sfence.sel $0xFFFF  }
0xbf: {  	[dreg:$0x0] =	wrdreg $0xFFFFFFFF;
	(pc) =	sbr.abs _section_cstart, $3  }
0xc0: {  	[dreg:$0x1] =	wrdreg $0xFFFFFFFF  }
0xc1: {  	_ =	task.clear_ibuf [dreg:s7], $0x2FFFF;
	_ =	strace $0x9FFFFFFF  }
0xc2: {  	(tm) =	ssettm $0x7FFFFFFF  }
0xc3: {  	_ =	shalt  }
tec
execute0_lowered:
.L_overlay_start_1:
0x0: {  	(tag) =	ssettag $0x1  }
0x1: {  	s2 =	rddreg [dreg:$0x0]  }
0x2: {  	s4 =	rddreg [dreg:$0x1]  }
0x3: {  	s0 =	rddreg [dreg:$0x2];
	s1 =	stileid.u32  }
0x4: {  	s5 =	srdreg.scid;
	s3 =	simm.s32 $0x0;
	s12 =	simm.s32 $0x180  }
0x5: {  	s13 =	simm.s32 $0x200;
	s14 =	simm.s32 $0x1;
	s15 =	simm.s32 $0x28  }
0x6: {  	s16 =	simm.s32 $0x400;
	s17 =	simm.s32 $0x1800;
	s18 =	simm.s32 $0x2C00  }
0x7: {  	s19 =	simm.s32 $0x4000;
	s20 =	simm.s32 $0x5400;
	s6 =	smul.u32 $0x2710, s1  }
0x8: {  	s21 =	simm.s32 $0x2;
	s5 =	sand.u32 $0x1, s5;
	s10 =	smul.u32 $0x27100, s1  }
0x9: {  	[smem:$0x7FF] =	sst s3;
	s9 =	sadd.s32 $0x2E00, s4;
	s7 =	smul.u32 $0x1388, s5  }
0xa: {  	_ =	strace $0x80000047;
	s8 =	ssub.s32 $0x2, s5;
	s5 =	smul.u32 $0x13880, s5  }
0xb: {  	s11 =	sshrl.u32 s8, $0x1;
	s10 =	sadd.s32 s10, s4;
	s7 =	sadd.s32 s7, s6  }
0xc: {  	s22 =	ssub.s32 s8, s11;
	s5 =	sadd.s32 s5, s10;
	s11 =	simm.s32 $0x100  }
0xd: {  	s23 =	sadd.s32 $0x271A0, s7;
	s4 =	smax.u32 s22, $0x1;
	s25 =	sadd.s32 $0x27178, s7  }
0xe: {  	s5 =	sadd.s32 $0xD600, s5;
	s28 =	sadd.s32 $0x27150, s7;
	s29 =	sadd.s32 $0x27128, s7  }
0xf: {  	s30 =	sadd.s32 $0x27100, s7;
	s22 =	simm.s32 $0x3;
	s24 =	sshrl.u32 s23, $0x3  }
0x10: {  	s26 =	sshrl.u32 s25, $0x3;
	s8 =	sshrl.u32 s28, $0x3;
	s10 =	sshrl.u32 s29, $0x3  }
0x11: {  	s31 =	sshrl.u32 s30, $0x3;
	s23 =	simm.s32 $0x0;
	s6 =	sadd.s32 s24, s9  }
0x12: {  	s7 =	sadd.s32 s8, s9;
	s8 =	sadd.s32 s10, s9;
	s10 =	simm.s32 $0x80  }
0x13: {  	[dreg:$0x3] =	wrdreg s6;
	s6 =	sadd.s32 s26, s9;
	s9 =	sadd.s32 s31, s9  }
.LBB2_1:
0x14: {  	s24 =	sadd.s32 $0x0, s9  }
0x15: {  	[tilespmem:s3], [sflag:$0x1] =	stream.linear.gather [hbm4b:s24+s3], $0x28, $0x38;
	[tilespmem:$0x6800] =	vst v63  }
0x16: {  	s29 =	sadd.s32 $0x0, s8  }
0x17: {  	[tilespmem:s10], [sflag:$0x1] =	stream.linear.gather [hbm4b:s29+s3], $0x28, $0x38;
	[tilespmem:$0x6800] =	vst v63  }
0x18: {  	s30 =	sadd.s32 $0x0, s7  }
0x19: {  	[tilespmem:s11], [sflag:$0x1] =	stream.linear.gather [hbm4b:s30+s3], $0x28, $0x38;
	[tilespmem:$0x6800] =	vst v63  }
0x1a: {  	s25 =	rddreg [dreg:$0x3];
	s31 =	sadd.s32 $0x0, s6  }
0x1b: {  	[tilespmem:s12], [sflag:$0x1] =	stream.linear.gather [hbm4b:s31+s3], $0x28, $0x38;
	[tilespmem:$0x6800] =	vst v63  }
0x1c: {  	s25 =	sadd.s32 $0x0, s25  }
0x1d: {  	[tilespmem:s13], [sflag:$0x1] =	stream.linear.gather [hbm4b:s25+s3], $0x28, $0x38;
	[tilespmem:$0x6800] =	vst v63  }
0x1e: {  	_ =	swait.ge [sflag:s14], $0x28  }
0x1f: {  	[sflag:s14] =	ssyncset.done $0x0  }
0x20: {  	[sflag:s14] =	ssyncadd.s32 $0xFFFFFFD8  }
0x21: {  	_ =	swait.ge [sflag:s14], $0x28  }
0x22: {  	[sflag:s14] =	ssyncset.done $0x0  }
0x23: {  	[sflag:s14] =	ssyncadd.s32 $0xFFFFFFD8  }
0x24: {  	_ =	swait.ge [sflag:s14], $0x28  }
0x25: {  	[sflag:s14] =	ssyncset.done $0x0  }
0x26: {  	[sflag:s14] =	ssyncadd.s32 $0xFFFFFFD8  }
0x27: {  	_ =	swait.ge [sflag:s14], $0x28  }
0x28: {  	[sflag:s14] =	ssyncset.done $0x0  }
0x29: {  	[sflag:s14] =	ssyncadd.s32 $0xFFFFFFD8  }
0x2a: {  	_ =	swait.ge [sflag:s14], $0x28  }
0x2b: {  	[sflag:s14] =	ssyncset.done $0x0  }
0x2c: {  	[sflag:s14] =	ssyncadd.s32 $0xFFFFFFD8  }
0x2d: {  	[tilespmem:s16], [sflag:$0x2] =	stream.indirect.gather [hbm4b:s2+s15], $0x80, s3, s15, $0xb8;
	[tilespmem:$0x6800] =	vst v63  }
0x2e: {  	_ = 	snop  }
0x2f: {  	[tilespmem:s17], [sflag:$0x2] =	stream.indirect.gather [hbm4b:s2+s15], $0x80, s10, s15, $0xb8;
	[tilespmem:$0x6800] =	vst v63  }
0x30: {  	_ = 	snop  }
0x31: {  	[tilespmem:s18], [sflag:$0x2] =	stream.indirect.gather [hbm4b:s2+s15], $0x80, s11, s15, $0xb8;
	[tilespmem:$0x6800] =	vst v63  }
0x32: {  	_ = 	snop  }
0x33: {  	[tilespmem:s19], [sflag:$0x2] =	stream.indirect.gather [hbm4b:s2+s15], $0x80, s12, s15, $0xb8;
	[tilespmem:$0x6800] =	vst v63  }
0x34: {  	_ = 	snop  }
0x35: {  	[tilespmem:s20], [sflag:$0x2] =	stream.indirect.gather [hbm4b:s2+s15], $0x80, s13, s15, $0xb8;
	[tilespmem:$0x6800] =	vst v63  }
0x36: {  	_ =	swait.ge [sflag:s21], $0x1400  }
0x37: {  	[sflag:s21] =	ssyncset.done $0x0  }
0x38: {  	[sflag:s21] =	ssyncadd.s32 $0xFFFFEC00  }
0x39: {  	_ =	swait.ge [sflag:s21], $0x1400  }
0x3a: {  	[sflag:s21] =	ssyncset.done $0x0  }
0x3b: {  	[sflag:s21] =	ssyncadd.s32 $0xFFFFEC00  }
0x3c: {  	_ =	swait.ge [sflag:s21], $0x1400  }
0x3d: {  	[sflag:s21] =	ssyncset.done $0x0  }
0x3e: {  	[sflag:s21] =	ssyncadd.s32 $0xFFFFEC00  }
0x3f: {  	_ =	swait.ge [sflag:s21], $0x1400  }
0x40: {  	[sflag:s21] =	ssyncset.done $0x0  }
0x41: {  	[sflag:s21] =	ssyncadd.s32 $0xFFFFEC00  }
0x42: {  	_ =	swait.ge [sflag:s21], $0x1400  }
0x43: {  	[sflag:s21] =	ssyncset.done $0x0  }
0x44: {  	s26 =	sadd.s32 $0xFFFFF600, s5;
	[sflag:s21] =	ssyncadd.s32 $0xFFFFEC00  }
0x45: {  	[hbm4b:s26+s3] =	stream.linear.scatter [tilespmem:s16], [sflag:$0x3], $0x1400, $0x38;
	[tilespmem:$0x6800] =	vst v63  }
0x46: {  	s29 =	sadd.s32 $0xFFFFF880, s5  }
0x47: {  	[hbm4b:s29+s3] =	stream.linear.scatter [tilespmem:s17], [sflag:$0x3], $0x1400, $0x38;
	[tilespmem:$0x6800] =	vst v63  }
0x48: {  	s30 =	sadd.s32 $0xFFFFFB00, s5  }
0x49: {  	[hbm4b:s30+s3] =	stream.linear.scatter [tilespmem:s18], [sflag:$0x3], $0x1400, $0x38;
	[tilespmem:$0x6800] =	vst v63  }
0x4a: {  	s31 =	sadd.s32 $0xFFFFFD80, s5  }
0x4b: {  	[hbm4b:s31+s3] =	stream.linear.scatter [tilespmem:s19], [sflag:$0x3], $0x1400, $0x38;
	[tilespmem:$0x6800] =	vst v63  }
0x4c: {  	_ = 	snop  }
0x4d: {  	[hbm4b:s5+s3] =	stream.linear.scatter [tilespmem:s20], [sflag:$0x3], $0x1400, $0x38;
	[tilespmem:$0x6800] =	vst v63  }
0x4e: {  	_ =	swait.ge [sflag:s22], $0x1400  }
0x4f: {  	[sflag:s22] =	ssyncset.done $0x0  }
0x50: {  	[sflag:s22] =	ssyncadd.s32 $0xFFFFEC00  }
0x51: {  	_ =	swait.ge [sflag:s22], $0x1400  }
0x52: {  	[sflag:s22] =	ssyncset.done $0x0  }
0x53: {  	[sflag:s22] =	ssyncadd.s32 $0xFFFFEC00  }
0x54: {  	_ =	swait.ge [sflag:s22], $0x1400  }
0x55: {  	[sflag:s22] =	ssyncset.done $0x0  }
0x56: {  	[sflag:s22] =	ssyncadd.s32 $0xFFFFEC00  }
0x57: {  	_ =	swait.ge [sflag:s22], $0x1400  }
0x58: {  	[sflag:s22] =	ssyncset.done $0x0  }
0x59: {  	[sflag:s22] =	ssyncadd.s32 $0xFFFFEC00  }
0x5a: {  	s28 =	simm.s32 $0x32;
	_ =	swait.ge [sflag:s22], $0x1400  }
0x5b: {  	s24 =	sadd.s32 $0xC80, s5;
	s25 =	simm.s32 $0x19;
	[sflag:s22] =	ssyncset.done $0x0  }
.LBB2_2:
0x5c: {  	s29 =	sadd.s32 s25, s9;
	[sflag:s22] =	ssyncadd.s32 $0xFFFFEC00;
	s30 =	smov.u32 s28  }
0x5d: {  	[tilespmem:s3], [sflag:$0x1] =	stream.linear.gather [hbm4b:s29+s3], $0x28, $0x38;
	[tilespmem:$0x6800] =	vst v63  }
0x5e: {  	s26 =	sadd.s32 $0x19, s28;
	p0 =	sne.s32 s28, $0x258;
	s28 =	sadd.s32 s25, s8  }
0x5f: {  	[tilespmem:s10], [sflag:$0x1] =	stream.linear.gather [hbm4b:s28+s3], $0x28, $0x38;
	[tilespmem:$0x6800] =	vst v63  }
0x60: {  	s28 =	sadd.s32 s25, s7  }
0x61: {  	[tilespmem:s11], [sflag:$0x1] =	stream.linear.gather [hbm4b:s28+s3], $0x28, $0x38;
	[tilespmem:$0x6800] =	vst v63  }
0x62: {  	s31 =	rddreg [dreg:$0x3];
	s28 =	sadd.s32 s25, s6  }
0x63: {  	[tilespmem:s12], [sflag:$0x1] =	stream.linear.gather [hbm4b:s28+s3], $0x28, $0x38;
	[tilespmem:$0x6800] =	vst v63  }
0x64: {  	s28 =	sadd.s32 s25, s31  }
0x65: {  	[tilespmem:s13], [sflag:$0x1] =	stream.linear.gather [hbm4b:s28+s3], $0x28, $0x38;
	[tilespmem:$0x6800] =	vst v63  }
0x66: {  	_ =	swait.ge [sflag:s14], $0x28  }
0x67: {  	[sflag:s14] =	ssyncset.done $0x0  }
0x68: {  	[sflag:s14] =	ssyncadd.s32 $0xFFFFFFD8  }
0x69: {  	_ =	swait.ge [sflag:s14], $0x28  }
0x6a: {  	[sflag:s14] =	ssyncset.done $0x0  }
0x6b: {  	[sflag:s14] =	ssyncadd.s32 $0xFFFFFFD8  }
0x6c: {  	_ =	swait.ge [sflag:s14], $0x28  }
0x6d: {  	[sflag:s14] =	ssyncset.done $0x0  }
0x6e: {  	[sflag:s14] =	ssyncadd.s32 $0xFFFFFFD8  }
0x6f: {  	_ =	swait.ge [sflag:s14], $0x28  }
0x70: {  	[sflag:s14] =	ssyncset.done $0x0  }
0x71: {  	[sflag:s14] =	ssyncadd.s32 $0xFFFFFFD8  }
0x72: {  	_ =	swait.ge [sflag:s14], $0x28  }
0x73: {  	[sflag:s14] =	ssyncset.done $0x0  }
0x74: {  	[sflag:s14] =	ssyncadd.s32 $0xFFFFFFD8  }
0x75: {  	[tilespmem:s16], [sflag:$0x2] =	stream.indirect.gather [hbm4b:s2+s15], $0x80, s3, s15, $0xb8;
	[tilespmem:$0x6800] =	vst v63  }
0x76: {  	_ = 	snop  }
0x77: {  	[tilespmem:s17], [sflag:$0x2] =	stream.indirect.gather [hbm4b:s2+s15], $0x80, s10, s15, $0xb8;
	[tilespmem:$0x6800] =	vst v63  }
0x78: {  	_ = 	snop  }
0x79: {  	[tilespmem:s18], [sflag:$0x2] =	stream.indirect.gather [hbm4b:s2+s15], $0x80, s11, s15, $0xb8;
	[tilespmem:$0x6800] =	vst v63  }
0x7a: {  	_ = 	snop  }
0x7b: {  	[tilespmem:s19], [sflag:$0x2] =	stream.indirect.gather [hbm4b:s2+s15], $0x80, s12, s15, $0xb8;
	[tilespmem:$0x6800] =	vst v63  }
0x7c: {  	_ = 	snop  }
0x7d: {  	[tilespmem:s20], [sflag:$0x2] =	stream.indirect.gather [hbm4b:s2+s15], $0x80, s13, s15, $0xb8;
	[tilespmem:$0x6800] =	vst v63  }
0x7e: {  	_ =	swait.ge [sflag:s21], $0x1400  }
0x7f: {  	[sflag:s21] =	ssyncset.done $0x0  }
0x80: {  	[sflag:s21] =	ssyncadd.s32 $0xFFFFEC00  }
0x81: {  	_ =	swait.ge [sflag:s21], $0x1400  }
0x82: {  	[sflag:s21] =	ssyncset.done $0x0  }
0x83: {  	[sflag:s21] =	ssyncadd.s32 $0xFFFFEC00  }
0x84: {  	_ =	swait.ge [sflag:s21], $0x1400  }
0x85: {  	[sflag:s21] =	ssyncset.done $0x0  }
0x86: {  	[sflag:s21] =	ssyncadd.s32 $0xFFFFEC00  }
0x87: {  	_ =	swait.ge [sflag:s21], $0x1400  }
0x88: {  	[sflag:s21] =	ssyncset.done $0x0  }
0x89: {  	[sflag:s21] =	ssyncadd.s32 $0xFFFFEC00  }
0x8a: {  	_ =	swait.ge [sflag:s21], $0x1400  }
0x8b: {  	[sflag:s21] =	ssyncset.done $0x0  }
0x8c: {  	s28 =	sadd.s32 $0xFFFFF600, s24;
	[sflag:s21] =	ssyncadd.s32 $0xFFFFEC00  }
0x8d: {  	[hbm4b:s28+s3] =	stream.linear.scatter [tilespmem:s16], [sflag:$0x3], $0x1400, $0x38;
	[tilespmem:$0x6800] =	vst v63  }
0x8e: {  	s28 =	sadd.s32 $0xFFFFF880, s24  }
0x8f: {  	[hbm4b:s28+s3] =	stream.linear.scatter [tilespmem:s17], [sflag:$0x3], $0x1400, $0x38;
	[tilespmem:$0x6800] =	vst v63  }
0x90: {  	s28 =	sadd.s32 $0xFFFFFB00, s24  }
0x91: {  	[hbm4b:s28+s3] =	stream.linear.scatter [tilespmem:s18], [sflag:$0x3], $0x1400, $0x38;
	[tilespmem:$0x6800] =	vst v63  }
0x92: {  	s28 =	sadd.s32 $0xFFFFFD80, s24  }
0x93: {  	[hbm4b:s28+s3] =	stream.linear.scatter [tilespmem:s19], [sflag:$0x3], $0x1400, $0x38;
	[tilespmem:$0x6800] =	vst v63  }
0x94: {  	_ = 	snop  }
0x95: {  	[hbm4b:s24+s3] =	stream.linear.scatter [tilespmem:s20], [sflag:$0x3], $0x1400, $0x38;
	[tilespmem:$0x6800] =	vst v63  }
0x96: {  	_ =	swait.ge [sflag:s22], $0x1400  }
0x97: {  	[sflag:s22] =	ssyncset.done $0x0  }
0x98: {  	[sflag:s22] =	ssyncadd.s32 $0xFFFFEC00  }
0x99: {  	_ =	swait.ge [sflag:s22], $0x1400  }
0x9a: {  	[sflag:s22] =	ssyncset.done $0x0  }
0x9b: {  	[sflag:s22] =	ssyncadd.s32 $0xFFFFEC00  }
0x9c: {  	_ =	swait.ge [sflag:s22], $0x1400  }
0x9d: {  	[sflag:s22] =	ssyncset.done $0x0  }
0x9e: {  	[sflag:s22] =	ssyncadd.s32 $0xFFFFEC00  }
.Ltmp0:
0x9f: {  	_ =	swait.ge [sflag:s22], $0x1400;
	(pc) =	sbr.rel @p0 .LBB2_2-.Ltmp0, $4  }
0xa0: {  	[sflag:s22] =	ssyncset.done $0x0  }
0xa1: {  	[sflag:s22] =	ssyncadd.s32 $0xFFFFEC00  }
0xa2: {  	s25 =	smov.u32 s30;
	_ =	swait.ge [sflag:s22], $0x1400  }
0xa3: {  	s28 =	smov.u32 s26;
	s24 =	sadd.s32 $0xC80, s24;
	[sflag:s22] =	ssyncset.done $0x0  }
0xa4: {  	s26 =	sadd.s32 s25, s9;
	[sflag:s22] =	ssyncadd.s32 $0xFFFFEC00  }
0xa5: {  	[tilespmem:s3], [sflag:$0x1] =	stream.linear.gather [hbm4b:s26+s3], $0x28, $0x38;
	[tilespmem:$0x6800] =	vst v63  }
0xa6: {  	s29 =	sadd.s32 s25, s8  }
0xa7: {  	[tilespmem:s10], [sflag:$0x1] =	stream.linear.gather [hbm4b:s29+s3], $0x28, $0x38;
	[tilespmem:$0x6800] =	vst v63  }
0xa8: {  	s30 =	sadd.s32 s25, s7  }
0xa9: {  	[tilespmem:s11], [sflag:$0x1] =	stream.linear.gather [hbm4b:s30+s3], $0x28, $0x38;
	[tilespmem:$0x6800] =	vst v63  }
0xaa: {  	s28 =	rddreg [dreg:$0x3];
	s31 =	sadd.s32 s25, s6  }
0xab: {  	[tilespmem:s12], [sflag:$0x1] =	stream.linear.gather [hbm4b:s31+s3], $0x28, $0x38;
	[tilespmem:$0x6800] =	vst v63  }
0xac: {  	s26 =	sadd.s32 s25, s28  }
0xad: {  	[tilespmem:s13], [sflag:$0x1] =	stream.linear.gather [hbm4b:s26+s3], $0x28, $0x38;
	[tilespmem:$0x6800] =	vst v63  }
0xae: {  	_ =	swait.ge [sflag:s14], $0x28  }
0xaf: {  	[sflag:s14] =	ssyncset.done $0x0  }
0xb0: {  	[sflag:s14] =	ssyncadd.s32 $0xFFFFFFD8  }
0xb1: {  	_ =	swait.ge [sflag:s14], $0x28  }
0xb2: {  	[sflag:s14] =	ssyncset.done $0x0  }
0xb3: {  	[sflag:s14] =	ssyncadd.s32 $0xFFFFFFD8  }
0xb4: {  	_ =	swait.ge [sflag:s14], $0x28  }
0xb5: {  	[sflag:s14] =	ssyncset.done $0x0  }
0xb6: {  	[sflag:s14] =	ssyncadd.s32 $0xFFFFFFD8  }
0xb7: {  	_ =	swait.ge [sflag:s14], $0x28  }
0xb8: {  	[sflag:s14] =	ssyncset.done $0x0  }
0xb9: {  	[sflag:s14] =	ssyncadd.s32 $0xFFFFFFD8  }
0xba: {  	_ =	swait.ge [sflag:s14], $0x28  }
0xbb: {  	[sflag:s14] =	ssyncset.done $0x0  }
0xbc: {  	[sflag:s14] =	ssyncadd.s32 $0xFFFFFFD8  }
0xbd: {  	[tilespmem:s16], [sflag:$0x2] =	stream.indirect.gather [hbm4b:s2+s15], $0x80, s3, s15, $0xb8;
	[tilespmem:$0x6800] =	vst v63  }
0xbe: {  	_ = 	snop  }
0xbf: {  	[tilespmem:s17], [sflag:$0x2] =	stream.indirect.gather [hbm4b:s2+s15], $0x80, s10, s15, $0xb8;
	[tilespmem:$0x6800] =	vst v63  }
0xc0: {  	_ = 	snop  }
0xc1: {  	[tilespmem:s18], [sflag:$0x2] =	stream.indirect.gather [hbm4b:s2+s15], $0x80, s11, s15, $0xb8;
	[tilespmem:$0x6800] =	vst v63  }
0xc2: {  	_ = 	snop  }
0xc3: {  	[tilespmem:s19], [sflag:$0x2] =	stream.indirect.gather [hbm4b:s2+s15], $0x80, s12, s15, $0xb8;
	[tilespmem:$0x6800] =	vst v63  }
0xc4: {  	_ = 	snop  }
0xc5: {  	[tilespmem:s20], [sflag:$0x2] =	stream.indirect.gather [hbm4b:s2+s15], $0x80, s13, s15, $0xb8;
	[tilespmem:$0x6800] =	vst v63  }
0xc6: {  	_ =	swait.ge [sflag:s21], $0x1400  }
0xc7: {  	[sflag:s21] =	ssyncset.done $0x0  }
0xc8: {  	[sflag:s21] =	ssyncadd.s32 $0xFFFFEC00  }
0xc9: {  	_ =	swait.ge [sflag:s21], $0x1400  }
0xca: {  	[sflag:s21] =	ssyncset.done $0x0  }
0xcb: {  	[sflag:s21] =	ssyncadd.s32 $0xFFFFEC00  }
0xcc: {  	_ =	swait.ge [sflag:s21], $0x1400  }
0xcd: {  	[sflag:s21] =	ssyncset.done $0x0  }
0xce: {  	[sflag:s21] =	ssyncadd.s32 $0xFFFFEC00  }
0xcf: {  	_ =	swait.ge [sflag:s21], $0x1400  }
0xd0: {  	[sflag:s21] =	ssyncset.done $0x0  }
0xd1: {  	[sflag:s21] =	ssyncadd.s32 $0xFFFFEC00  }
0xd2: {  	_ =	swait.ge [sflag:s21], $0x1400  }
0xd3: {  	[sflag:s21] =	ssyncset.done $0x0  }
0xd4: {  	s28 =	sadd.s32 $0xFFFFF600, s24;
	[sflag:s21] =	ssyncadd.s32 $0xFFFFEC00  }
0xd5: {  	[hbm4b:s28+s3] =	stream.linear.scatter [tilespmem:s16], [sflag:$0x3], $0x1400, $0x38;
	[tilespmem:$0x6800] =	vst v63  }
0xd6: {  	s29 =	sadd.s32 $0xFFFFF880, s24  }
0xd7: {  	[hbm4b:s29+s3] =	stream.linear.scatter [tilespmem:s17], [sflag:$0x3], $0x1400, $0x38;
	[tilespmem:$0x6800] =	vst v63  }
0xd8: {  	s30 =	sadd.s32 $0xFFFFFB00, s24  }
0xd9: {  	[hbm4b:s30+s3] =	stream.linear.scatter [tilespmem:s18], [sflag:$0x3], $0x1400, $0x38;
	[tilespmem:$0x6800] =	vst v63  }
0xda: {  	s31 =	sadd.s32 $0xFFFFFD80, s24  }
0xdb: {  	[hbm4b:s31+s3] =	stream.linear.scatter [tilespmem:s19], [sflag:$0x3], $0x1400, $0x38;
	[tilespmem:$0x6800] =	vst v63  }
0xdc: {  	_ = 	snop  }
0xdd: {  	[hbm4b:s24+s3] =	stream.linear.scatter [tilespmem:s20], [sflag:$0x3], $0x1400, $0x38;
	[tilespmem:$0x6800] =	vst v63  }
0xde: {  	_ =	swait.ge [sflag:s22], $0x1400  }
0xdf: {  	[sflag:s22] =	ssyncset.done $0x0  }
0xe0: {  	[sflag:s22] =	ssyncadd.s32 $0xFFFFEC00  }
0xe1: {  	_ =	swait.ge [sflag:s22], $0x1400  }
0xe2: {  	[sflag:s22] =	ssyncset.done $0x0  }
0xe3: {  	[sflag:s22] =	ssyncadd.s32 $0xFFFFEC00  }
0xe4: {  	_ =	swait.ge [sflag:s22], $0x1400  }
0xe5: {  	[sflag:s22] =	ssyncset.done $0x0  }
0xe6: {  	s23 =	sadd.s32 $0x1, s23;
	[sflag:s22] =	ssyncadd.s32 $0xFFFFEC00  }
0xe7: {  	p0 =	sne.s32 s23, s4;
	_ =	swait.ge [sflag:s22], $0x1400  }
.Ltmp1:
0xe8: {  	[sflag:s22] =	ssyncset.done $0x0;
	(pc) =	sbr.rel @p0 .LBB2_1-.Ltmp1, $4  }
0xe9: {  	[sflag:s22] =	ssyncadd.s32 $0xFFFFEC00  }
0xea: {  	_ =	swait.ge [sflag:s22], $0x1400  }
0xeb: {  	[sflag:s22] =	ssyncset.done $0x0  }
0xec: {  	[sflag:s22] =	ssyncadd.s32 $0xFFFFEC00  }
0xed: {  	_ =	sfence.sel $0x180000  }
0xee: {  	[bflag:$0x0] =	sbarrier.arrive $0xFFFF  }
0xef: {  	p0 =	sne.s32 s1, $0x0;
	_ =	strace $0x90000047  }
0xf0: {  	s0 =	sadd.s32 @!p0 $0x100000, s0;
	[bflag:$0x2] =	sbarrier.arrive $0xFFFF  }
0xf1: {  	[sflag:s0] =	ssyncadd.tile.s32 @!p0 $0x1;
	_ =	shalt  }
.Lfunc_end2:
_tile_overlayer_lowered:
.L_overlay_start_2:
0xf2: {  	(tag) =	ssettag $0x2  }
0xf3: {  	s0 =	rddreg [dreg:$0x0];
	s2 =	stileid.u32  }
0xf4: {  	s1 =	rddreg [dreg:$0x1];
	p0 =	sne.s32 s2, $0x0  }
0xf5: {  	s3 =	rddreg [dreg:$0x2];
	[bflag:$0x3] =	sbarrier.arrive $0xFFFF;
	s2 =	simm.s32 @!p0 $0x1C04  }
0xf6: {  	[timem:s3], [sflag:s2] =	dma.local @!p0 [hbm:s0], s1  }
0xf7: {  	s0 =	simm.s32 @!p0 $0x4  }
0xf8: {  	_ =	swait.ge @!p0 [sflag:s0], s1  }
0xf9: {  	s1 =	ssub.s32 @!p0 $0x0, s1;
	[sflag:s0] =	ssyncset.done @!p0 $0x0  }
0xfa: {  	[sflag:s0] =	ssyncadd.s32 @!p0 s1  }
0xfb: {  	[bflag:$0x3] =	sbarrier.arrive $0xFFFF  }
0xfc: {  	_ =	shalt  }

// kernel: kernel.18.cloned.1.call-start
scs
__scs_entry_jumppad:
0x0: {  	(pc) =	sbr.rel $0x88, $3  }
0x1: {  	(tag) =	ssettag $0x0;
	lr =	simm.s32 $0x1  }
0x2: {  	[smem:$0x3F9A] =	sst lr;
	_ =	strace $0xD0000000  }
0x3: {  	_ = 	snop  }
0x4: {  	_ = 	snop  }
0x5: {  	_ = 	snop  }
0x6: {  	_ = 	snop  }
0x7: {  	_ = 	snop  }
__scs_overlays_trampoline_lowered:
0x8: {  	[smem:$0x3FA9] =	sst s0  }
0x9: {  	[smem:$0x3FAA] =	sst s1  }
0xa: {  	[smem:$0x3FAB] =	sst s2  }
0xb: {  	[smem:$0x3FAC] =	sst s3  }
0xc: {  	[smem:$0x3FAD] =	sst s4  }
0xd: {  	[smem:$0x3FAE] =	sst s5  }
0xe: {  	[smem:$0x3FAF] =	sst s6  }
0xf: {  	[smem:$0x3FB0] =	sst s7  }
0x10: {  	[smem:$0x3FB1] =	sst s8  }
0x11: {  	[smem:$0x3FB2] =	sst s9;
	s0 =	simm.s32 @!p0 $0x0  }
0x12: {  	s1 =	sld [smem:$0x3F98];
	s0 =	simm.s32 @p0 $0x1  }
0x13: {  	[smem:$0x3FB3] =	sst s0;
	s0 =	simm.s32 @!p1 $0x0  }
0x14: {  	s2 =	sld [smem:$0x3F97];
	s0 =	simm.s32 @p1 $0x1  }
0x15: {  	[smem:$0x3FB4] =	sst s0;
	s0 =	simm.s32 @!p2 $0x0  }
0x16: {  	s3 =	sld [smem:$0x3FDB];
	s0 =	simm.s32 @p2 $0x1  }
0x17: {  	s4 =	simm.s32 $0x1BF5;
	[smem:$0x3FB6] =	sst s0  }
0x18: {  	s0 =	sld [smem:$0x3F99];
	_ =	swait.ge [sflag:s4], $0x0  }
0x19: {  	s7 =	sld [smem:$0x3F9A]  }
0x1a: {  	s8 =	sadd.s32 $0xFFFFE003, lr  }
0x1b: {  	s9 =	sadd.s32 $0xFFFFFEF7, lr;
	s5 =	simm.s32 $0xFFFFFFFF;
	p2 =	slt.u32 s8, $0xFFFFF086  }
0x1c: {  	p1 =	slt.u32 s9, $0xF7A;
	s5 =	simm.s32 @!p2 $0x0  }
0x1d: {  	s5 =	simm.s32 @p1 $0x1;
	p0 =	seq.s32 s7, s2  }
0x1e: {  	s7 =	smul.u32 @!p0 $0xF7A, s2;
	p2 =	seq.s32 @!p0 s5, $0x0  }
0x1f: {  	s9 =	smul.u32 $0xF7A, s1;
	s8 =	simm.s32 @!p0 $0x1BF5;
	p2 =	por !p2, p0  }
0x20: {  	[sflag:s8] =	ssyncset.s32 @!p0 $0xFFFFF086;
	s6 =	sadd.s32 @!p0 s3, s7;
	s7 =	simm.s32 @!p0 $0x108  }
0x21: {  	s3 =	sadd.s32 s3, s9;
	s6 =	sadd.s32 @!p0 $0x88, s6;
	s7 =	simm.s32 @p2 $0x1082  }
0x22: {  	[simem:s7], [sflag:s8] =	dma.local @!p0 [hbm:s6], $0xF7A  }
0x23: {  	s9 =	sor.u32 $0xD0000000, s2;
	s6 =	simm.s32 $0x108;
	_ =	swait.ge @!p0 [sflag:s8], $0x0  }
0x24: {  	s3 =	sadd.s32 $0x88, s3;
	s6 =	simm.s32 @!p1 $0x1082;
	[sflag:s4] =	ssyncset.s32 $0xFFFFF086  }
0x25: {  	[simem:s6], [sflag:s4] =	dma.local [hbm:s3], $0xF7A  }
0x26: {  	[smem:$0x3F9A] =	sst s1;
	(tag) =	ssettag s2;
	_ =	strace s9  }
0x27: {  	s1 =	sld [smem:$0x3FAA]  }
0x28: {  	s2 =	sld [smem:$0x3FAB]  }
0x29: {  	s4 =	sld [smem:$0x3FAD]  }
0x2a: {  	p0 =	seq.s32 s5, $0x0;
	s5 =	sld [smem:$0x3FAE]  }
0x2b: {  	s6 =	sld [smem:$0x3FAF]  }
0x2c: {  	s7 =	sld [smem:$0x3FB0]  }
0x2d: {  	s3 =	simm.s32 $0x108;
	s8 =	sld [smem:$0x3FB1]  }
0x2e: {  	s3 =	simm.s32 @!p0 $0x1082;
	s9 =	sld [smem:$0x3FB2]  }
0x2f: {  	lr =	sadd.s32 s0, s3;
	s0 =	sld [smem:$0x3FA9]  }
0x30: {  	s3 =	sld [smem:$0x3FAC]  }
0x31: {  	[smem:$0x3FB5] =	sst s10  }
0x32: {  	s10 =	sld [smem:$0x3FB3];
	_ =	sdelay $0x3  }
0x33: {  	p0 =	seq.s32 s10, $0x1;
	s10 =	sld [smem:$0x3FB5];
	_ =	sdelay $0x3  }
0x34: {  	[smem:$0x3FB5] =	sst s10  }
0x35: {  	s10 =	sld [smem:$0x3FB4];
	_ =	sdelay $0x3  }
0x36: {  	p1 =	seq.s32 s10, $0x1;
	s10 =	sld [smem:$0x3FB5];
	_ =	sdelay $0x3  }
0x37: {  	[smem:$0x3FB5] =	sst s10  }
0x38: {  	s10 =	sld [smem:$0x3FB6]  }
0x39: {  	_ = 	snop;
	(pc) =	sbr.ind lr, $3  }
0x3a: {  	_ = 	snop  }
0x3b: {  	_ = 	snop  }
0x3c: {  	p2 =	seq.s32 s10, $0x1;
	s10 =	sld [smem:$0x3FB5]  }
0x3d: {  	_ =	shalt  }
0x3e: {  	_ =	shalt  }
0x3f: {  	_ =	shalt  }
0x40: {  	_ =	shalt  }
0x41: {  	_ =	shalt  }
0x42: {  	_ =	shalt  }
0x43: {  	_ =	shalt  }
0x44: {  	_ =	shalt  }
0x45: {  	_ =	shalt  }
0x46: {  	_ =	shalt  }
0x47: {  	_ =	shalt  }
0x48: {  	_ =	shalt  }
0x49: {  	_ =	shalt  }
0x4a: {  	_ =	shalt  }
0x4b: {  	_ =	shalt  }
0x4c: {  	_ =	shalt  }
0x4d: {  	_ =	shalt  }
0x4e: {  	_ =	shalt  }
0x4f: {  	_ =	shalt  }
0x50: {  	_ =	shalt  }
0x51: {  	_ =	shalt  }
0x52: {  	_ =	shalt  }
0x53: {  	_ =	shalt  }
0x54: {  	_ =	shalt  }
0x55: {  	_ =	shalt  }
0x56: {  	_ =	shalt  }
0x57: {  	_ =	shalt  }
0x58: {  	_ =	shalt  }
0x59: {  	_ =	shalt  }
0x5a: {  	_ =	shalt  }
0x5b: {  	_ =	shalt  }
0x5c: {  	_ =	shalt  }
0x5d: {  	_ =	shalt  }
0x5e: {  	_ =	shalt  }
0x5f: {  	_ =	shalt  }
0x60: {  	_ =	shalt  }
0x61: {  	_ =	shalt  }
0x62: {  	_ =	shalt  }
0x63: {  	_ =	shalt  }
0x64: {  	_ =	shalt  }
0x65: {  	_ =	shalt  }
0x66: {  	_ =	shalt  }
0x67: {  	_ =	shalt  }
0x68: {  	_ =	shalt  }
0x69: {  	_ =	shalt  }
0x6a: {  	_ =	shalt  }
0x6b: {  	_ =	shalt  }
0x6c: {  	_ =	shalt  }
0x6d: {  	_ =	shalt  }
0x6e: {  	_ =	shalt  }
0x6f: {  	_ =	shalt  }
0x70: {  	_ =	shalt  }
0x71: {  	_ =	shalt  }
0x72: {  	_ =	shalt  }
0x73: {  	_ =	shalt  }
0x74: {  	_ =	shalt  }
0x75: {  	_ =	shalt  }
0x76: {  	_ =	shalt  }
0x77: {  	_ =	shalt  }
0x78: {  	_ =	shalt  }
0x79: {  	_ =	shalt  }
0x7a: {  	_ =	shalt  }
0x7b: {  	_ =	shalt  }
0x7c: {  	_ =	shalt  }
0x7d: {  	_ =	shalt  }
0x7e: {  	_ =	shalt  }
0x7f: {  	_ =	shalt  }
0x80: {  	_ =	shalt  }
0x81: {  	_ =	shalt  }
0x82: {  	_ =	shalt  }
0x83: {  	_ =	shalt  }
0x84: {  	_ =	shalt  }
0x85: {  	_ =	shalt  }
0x86: {  	_ =	shalt  }
0x87: {  	_ =	shalt  }
.Lfunc_end0:
.L_simem_size_0:
called_computation.3_lowered:
.L_overlay_start_0:
0x88: {  	s2 =	sld [smem:$0x3FD9]  }
0x89: {  	s3 =	sld [smem:$0x3FFE];
	_ =	sdelay $0x1  }
0x8a: {  	s1 =	srdreg.scid  }
0x8b: {  	s0 =	sand.u32 $0x1, s1  }
0x8c: {  	s17 =	sshll.u32 s0, $0xA;
	s2 =	sadd.s32 s3, s2  }
0x8d: {  	s2 =	sadd.s32 s2, s17  }
0x8e: {  	[smem:$0x3FC1] =	sst s2  }
0x8f: {  	_ = 	snop  }
0x90: {  	s18 =	sld [smem:$0x3FD0];
	(tm) =	ssettm $0x1  }
0x91: {  	s19 =	sld [smem:$0x3FFB];
	_ =	sdelay $0x3  }
0x92: {  	_ =	strace s19  }
0x93: {  	s2 =	sld [smem:$0x3FFC];
	_ =	sdelay $0x3  }
0x94: {  	_ =	strace s2  }
0x95: {  	s2 =	sld [smem:$0x3FFD];
	_ =	sdelay $0x3  }
0x96: {  	_ =	strace s2  }
0x97: {  	_ =	strace $0x8FFFFFFF  }
0x98: {  	s20 =	sld [smem:$0x3FDB];
	_ =	sdelay $0x1  }
0x99: {  	s4 =	simm.s32 $_scs_section_size  }
0x9a: {  	s5 =	simm.s32 $_size__tile_overlayer_lowered;
	s6 =	simm.s32 $_tile_overlayer_lowered  }
0x9b: {  	s7 =	simm.s32 $0x1BFF;
	s21 =	sshll.u32 s6, $0x1;
	s4 =	sadd.s32 s4, s20  }
0x9c: {  	s22 =	simm.s32 $0x0;
	s5 =	sshll.u32 s5, $0x1;
	s6 =	sadd.s32 s21, s4  }
0x9d: {  	[timem:s22], [sflag:s7] =	dma.local [hbm:s6], s5  }
0x9e: {  	_ =	swait.ge [sflag:s7], s5  }
0x9f: {  	s5 =	ssub.s32 $0x0, s5;
	[sflag:s7] =	ssyncset.done $0x0  }
0xa0: {  	[sflag:s7] =	ssyncadd.s32 s5;
	_ =	sdelay $0x1  }
0xa1: {  	s23 =	simm.s32 $0x1B8B  }
0xa2: {  	_ =	swait.ge [sflag:s23], $0x1  }
0xa3: {  	[sflag:s23] =	ssyncset.done $0x0  }
0xa4: {  	[sflag:s23] =	ssyncadd.s32 $0xFFFFFFFF  }
0xa5: {  	s5 =	sld [smem:$0x0]  }
0xa6: {  	s6 =	sand.u32 $0xFFFFFFFE, s1  }
0xa7: {  	p0 =	sne.s32 s1, s6  }
0xa8: {  	s6 =	sshll.u32 @p0 s6, $0xE  }
0xa9: {  	s6 =	sadd.s32 @p0 $0x11B8D, s6;
	s7 =	sshll.u32 @p0 s5, $0x11  }
0xaa: {  	s6 =	sor.u32 @p0 s7, s6  }
0xab: {  	[sflag:s6] =	ssyncadd.remote.s32 @p0 $0x1;
	_ =	sdelay $0x1  }
0xac: {  	s6 =	simm.s32 @p0 $0x1B8D  }
0xad: {  	_ =	swait.eq @p0 [sflag:s6], $0x1  }
0xae: {  	[sflag:s6] =	ssyncadd.s32 @p0 $0xFFFFFFFF  }
0xaf: {  	s7 =	sshll.u32 @!p0 s1, $0xE  }
0xb0: {  	s7 =	sor.u32 @!p0 $0x4000, s7;
	s6 =	simm.s32 @!p0 $0x1B8D  }
0xb1: {  	s5 =	sshll.u32 @!p0 s5, $0x11;
	s7 =	sadd.s32 @!p0 $0x11B8D, s7;
	_ =	swait.eq @!p0 [sflag:s6], $0x1  }
0xb2: {  	s5 =	sor.u32 @!p0 s5, s7;
	[sflag:s6] =	ssyncadd.s32 @!p0 $0xFFFFFFFF  }
0xb3: {  	s25 =	simm.s32 $0x1B8E;
	s24 =	sld [smem:$0x3FFE];
	[sflag:s5] =	ssyncadd.remote.s32 @!p0 $0x1  }
0xb4: {  	s26 =	simm.s32 $execute0_lowered;
	[smem:$0x3FD2] =	sst s25  }
0xb5: {  	s6 =	sshll.u32 s26, $0x1;
	_ =	strace $0x8000004C;
	[dreg:$0x1] =	wrdreg $0xFFFFFFFF  }
0xb6: {  	s28 =	simm.s32 $_size_execute0_lowered;
	s4 =	sadd.s32 s4, s6;
	[dreg:$0x0] =	wrdreg $0x0  }
0xb7: {  	s6 =	sshll.u32 s28, $0x1;
	[dreg:$0x2] =	wrdreg s4  }
0xb8: {  	[dreg:$0x3] =	wrdreg s6  }
0xb9: {  	[dreg:$0x4] =	wrdreg $0xC0  }
0xba: {  	_ =	task [dreg:s22], $0x5FFFF  }
0xbb: {  	[dreg:$0x1] =	wrdreg $0xFFFFFFFF  }
0xbc: {  	[dreg:$0x0] =	wrdreg $0x60  }
0xbd: {  	[dreg:$0x2] =	wrdreg s24  }
0xbe: {  	[dreg:$0x3] =	wrdreg s18  }
0xbf: {  	[dreg:$0x4] =	wrdreg $0x6E800  }
0xc0: {  	[dreg:$0x5] =	wrdreg $0xA  }
0xc1: {  	_ =	task.clear_ibuf [dreg:s22], $0x6FFFF;
	_ =	strace $0x9000004C  }
0xc2: {  	s29 =	simm.s32 $0xA;
	_ =	strace $0x8000004E  }
0xc3: {  	_ =	swait.ge [sflag:s29], $0x1  }
0xc4: {  	[sflag:s29] =	ssyncadd.s32 $0xFFFFFFFF  }
0xc5: {  	_ =	strace $0x9000004E  }
0xc6: {  	_ =	sfence  }
0xc7: {  	s30 =	sld [smem:$0x0];
	_ =	sdelay $0x2  }
0xc8: {  	s31 =	sshll.u32 s1, $0xD;
	s1 =	sshrl.u32 s1, $0x2  }
0xc9: {  	s4 =	sand.u32 $0x4000, s31;
	s1 =	sadd.s32 s1, s30  }
0xca: {  	s0 =	sor.u32 s4, s0;
	s1 =	sshll.u32 s1, $0x11  }
0xcb: {  	s0 =	sor.u32 s1, s0  }
0xcc: {  	s0 =	sadd.s32 $0x8F2B, s0  }
0xcd: {  	[sflag:s0] =	ssyncadd.remote.s32 $0x1  }
0xce: {  	_ =	sfence.sel $0xFFFF  }
0xcf: {  	[dreg:$0x0] =	wrdreg $0xFFFFFFFF;
	(pc) =	sbr.abs _section_cstart, $3  }
0xd0: {  	[dreg:$0x1] =	wrdreg $0xFFFFFFFF  }
0xd1: {  	_ =	task.clear_ibuf [dreg:s22], $0x2FFFF;
	_ =	strace $0x9FFFFFFF  }
0xd2: {  	(tm) =	ssettm $0x7FFFFFFF  }
0xd3: {  	_ =	shalt  }
tec
execute0_lowered:
.L_overlay_start_1:
0x0: {  	(tag) =	ssettag $0x1  }
0x1: {  	s4 =	rddreg [dreg:$0x0]  }
0x2: {  	s10 =	rddreg [dreg:$0x1]  }
0x3: {  	s2 =	rddreg [dreg:$0x2]  }
0x4: {  	s1 =	stileid.u32;
	s5 =	srdreg.scid  }
0x5: {  	s3 =	simm.s32 $0x0;
	s15 =	simm.s32 $0x200;
	s16 =	simm.s32 $0x280  }
0x6: {  	s17 =	simm.s32 $0x1680;
	s18 =	simm.s32 $0x2A80;
	s19 =	simm.s32 $0x3E80  }
0x7: {  	s20 =	simm.s32 $0x5280;
	s21 =	simm.s32 $0x1;
	s6 =	smul.u32 $0x27100, s1  }
0x8: {  	s22 =	simm.s32 $0x2;
	s5 =	sand.u32 $0x1, s5;
	s9 =	smul.u32 $0x2710, s1  }
0x9: {  	s23 =	simm.s32 $0x28;
	[smem:$0x7FF] =	sst s3;
	s7 =	smul.u32 $0x138800, s5  }
0xa: {  	s8 =	sshll.u32 s1, $0xB;
	_ =	strace $0x8000004D;
	s12 =	smul.u32 $0x1388, s5  }
0xb: {  	s11 =	ssub.s32 $0x2, s5;
	s26 =	smul.u32 $0x13880, s5;
	s5 =	sadd.s32 s8, s2  }
0xc: {  	s6 =	sadd.s32 s6, s4;
	s13 =	sshrl.u32 s11, $0x1;
	s7 =	sadd.s32 s8, s7  }
0xd: {  	s24 =	ssub.s32 s11, s13;
	s9 =	sadd.s32 s12, s9;
	s6 =	sadd.s32 s26, s6  }
0xe: {  	s12 =	simm.s32 $0x80;
	s13 =	simm.s32 $0x100;
	s7 =	sshrl.u32 s7, $0x3  }
0xf: {  	s0 =	smax.u32 s24, $0x1;
	s25 =	sadd.s32 $0x271A0, s9;
	s28 =	sadd.s32 $0x27178, s9  }
0x10: {  	s6 =	sadd.s32 $0x4EF600, s6;
	s29 =	sadd.s32 $0x27150, s9;
	s30 =	sadd.s32 $0x27128, s9  }
0x11: {  	s9 =	sadd.s32 $0x27100, s9;
	s24 =	simm.s32 $0x3;
	s14 =	sadd.s32 s7, s4  }
0x12: {  	[dreg:$0x5] =	wrdreg s0;
	s7 =	sshrl.u32 s25, $0x3;
	s8 =	sshrl.u32 s28, $0x3  }
0x13: {  	s11 =	sshrl.u32 s30, $0x3;
	s31 =	sshrl.u32 s9, $0x3;
	s25 =	simm.s32 $0x0  }
0x14: {  	s7 =	sadd.s32 s7, s10;
	s9 =	sadd.s32 s11, s10;
	s11 =	sadd.s32 $0xCC00, s14  }
0x15: {  	[dreg:$0x4] =	wrdreg s7;
	s7 =	sadd.s32 s8, s10;
	s8 =	sshrl.u32 s29, $0x3  }
0x16: {  	v0 =	vimm.f32 $0.0e+00;
	s14 =	simm.s32 $0x180;
	s8 =	sadd.s32 s8, s10;
	s10 =	sadd.s32 s31, s10  }
.LBB2_1:
0x17: {  	s26 =	simm.s32 $0x0;
	s28 =	simm.s32 $0x0  }
.LBB2_2:
0x18: {  	p0 =	sne.s32 s28, $0x1FC0  }
.Ltmp0:
0x19: {  	_ = 	snop;
	(pc) =	sbr.rel @p0 .LBB2_2-.Ltmp0, $4  }
0x1a: {  	s29 =	sand.u32 $0x1E00, s28  }
0x1b: {  	s30 =	sand.u32 $0x70, s26;
	s29 =	sshrl.u32 s29, $0x2  }
0x1c: {  	s29 =	sor.u32 s30, s29  }
0x1d: {  	s26 =	sadd.s32 $0x10, s26;
	s28 =	sadd.s32 $0x40, s28;
	[tilespmem:s29+$0x6680] =	vst v0  }
0x1e: {  	s26 =	sadd.s32 $0x0, s1  }
0x1f: {  	p0 =	sgt.u32 s26, $0x270  }
0x20: {  	s26 =	simm.s32 @!p0 $0x6680;
	s30 =	simm.s32 @!p0 $0x4  }
0x21: {  	[spmem:s5] =	stream.linear.scatter @!p0 [tilespmem:s26], [sflag:$0x4], $0x800, $0x38;
	[tilespmem:$0x1A700] =	vst v63  }
0x22: {  	s28 =	simm.s32 $0x10;
	_ =	swait.ge @!p0 [sflag:s30], $0x800  }
0x23: {  	s29 =	simm.s32 $0x20;
	s26 =	sadd.s32 $0x8000, s5;
	[sflag:s30] =	ssyncset.done @!p0 $0x0  }
.LBB2_4:
0x24: {  	s31 =	sadd.s32 s28, s1;
	s28 =	smov.u32 s29;
	s29 =	sadd.s32 $0x10, s29  }
0x25: {  	[sflag:s30] =	ssyncadd.s32 @!p0 $0xFFFFF800;
	p1 =	sne.s32 s29, $0x280  }
.Ltmp1:
0x26: {  	p0 =	sgt.u32 s31, $0x270;
	(pc) =	sbr.rel @p1 .LBB2_4-.Ltmp1, $4  }
0x27: {  	s31 =	simm.s32 @!p0 $0x6680;
	s30 =	simm.s32 @!p0 $0x4  }
0x28: {  	[spmem:s26] =	stream.linear.scatter @!p0 [tilespmem:s31], [sflag:$0x4], $0x800, $0x38;
	[tilespmem:$0x1A700] =	vst v63  }
0x29: {  	_ =	swait.ge @!p0 [sflag:s30], $0x800  }
0x2a: {  	s26 =	sadd.s32 $0x8000, s26;
	[sflag:s30] =	ssyncset.done @!p0 $0x0  }
0x2b: {  	s28 =	sadd.s32 s28, s1  }
0x2c: {  	p1 =	sgt.u32 s28, $0x270  }
0x2d: {  	[sflag:s30] =	ssyncadd.s32 @!p0 $0xFFFFF800;
	s28 =	simm.s32 @!p1 $0x6680;
	s29 =	simm.s32 @!p1 $0x4  }
0x2e: {  	[spmem:s26] =	stream.linear.scatter @!p1 [tilespmem:s28], [sflag:$0x4], $0x800, $0x38;
	[tilespmem:$0x1A700] =	vst v63  }
0x2f: {  	_ =	swait.ge @!p1 [sflag:s29], $0x800  }
0x30: {  	[sflag:s29] =	ssyncset.done @!p1 $0x0  }
0x31: {  	[sflag:s29] =	ssyncadd.s32 @!p1 $0xFFFFF800  }
0x32: {  	s31 =	sadd.s32 $0x0, s10;
	[bflag:$0x0] =	sbarrier.arrive $0xFFFF  }
0x33: {  	[tilespmem:s3], [sflag:$0x1] =	stream.linear.gather [hbm4b:s31+s3], $0x28, $0x38;
	[tilespmem:$0x1A700] =	vst v63  }
0x34: {  	s0 =	sadd.s32 $0x0, s9  }
0x35: {  	[tilespmem:s12], [sflag:$0x1] =	stream.linear.gather [hbm4b:s0+s3], $0x28, $0x38;
	[tilespmem:$0x1A700] =	vst v63  }
0x36: {  	s4 =	sadd.s32 $0x0, s8  }
0x37: {  	[tilespmem:s13], [sflag:$0x1] =	stream.linear.gather [hbm4b:s4+s3], $0x28, $0x38;
	[tilespmem:$0x1A700] =	vst v63  }
0x38: {  	s29 =	sadd.s32 $0x0, s7;
	s28 =	rddreg [dreg:$0x4]  }
0x39: {  	[tilespmem:s14], [sflag:$0x1] =	stream.linear.gather [hbm4b:s29+s3], $0x28, $0x38;
	[tilespmem:$0x1A700] =	vst v63  }
0x3a: {  	s31 =	sadd.s32 $0x0, s28  }
0x3b: {  	[tilespmem:s15], [sflag:$0x1] =	stream.linear.gather [hbm4b:s31+s3], $0x28, $0x38;
	[tilespmem:$0x1A700] =	vst v63  }
0x3c: {  	s0 =	sadd.s32 $0xFFFFF600, s6  }
0x3d: {  	[tilespmem:s16], [sflag:$0x2] =	stream.linear.gather [hbm4b:s0+s3], $0x1400, $0x38;
	[tilespmem:$0x1A700] =	vst v63  }
0x3e: {  	s4 =	sadd.s32 $0xFFFFF880, s6  }
0x3f: {  	[tilespmem:s17], [sflag:$0x2] =	stream.linear.gather [hbm4b:s4+s3], $0x1400, $0x38;
	[tilespmem:$0x1A700] =	vst v63  }
0x40: {  	s29 =	sadd.s32 $0xFFFFFB00, s6  }
0x41: {  	[tilespmem:s18], [sflag:$0x2] =	stream.linear.gather [hbm4b:s29+s3], $0x1400, $0x38;
	[tilespmem:$0x1A700] =	vst v63  }
0x42: {  	s31 =	sadd.s32 $0xFFFFFD80, s6  }
0x43: {  	[tilespmem:s19], [sflag:$0x2] =	stream.linear.gather [hbm4b:s31+s3], $0x1400, $0x38;
	[tilespmem:$0x1A700] =	vst v63  }
0x44: {  	_ = 	snop  }
0x45: {  	[tilespmem:s20], [sflag:$0x2] =	stream.linear.gather [hbm4b:s6+s3], $0x1400, $0x38;
	[tilespmem:$0x1A700] =	vst v63  }
0x46: {  	_ =	swait.ge [sflag:s21], $0x28  }
0x47: {  	[sflag:s21] =	ssyncset.done $0x0  }
0x48: {  	[sflag:s21] =	ssyncadd.s32 $0xFFFFFFD8  }
0x49: {  	_ =	swait.ge [sflag:s22], $0x1400  }
0x4a: {  	[sflag:s22] =	ssyncset.done $0x0  }
0x4b: {  	[sflag:s22] =	ssyncadd.s32 $0xFFFFEC00  }
0x4c: {  	_ =	swait.ge [sflag:s21], $0x28  }
0x4d: {  	[sflag:s21] =	ssyncset.done $0x0  }
0x4e: {  	[sflag:s21] =	ssyncadd.s32 $0xFFFFFFD8  }
0x4f: {  	_ =	swait.ge [sflag:s22], $0x1400  }
0x50: {  	[sflag:s22] =	ssyncset.done $0x0  }
0x51: {  	[sflag:s22] =	ssyncadd.s32 $0xFFFFEC00  }
0x52: {  	_ =	swait.ge [sflag:s21], $0x28  }
0x53: {  	[sflag:s21] =	ssyncset.done $0x0  }
0x54: {  	[sflag:s21] =	ssyncadd.s32 $0xFFFFFFD8  }
0x55: {  	_ =	swait.ge [sflag:s22], $0x1400  }
0x56: {  	[sflag:s22] =	ssyncset.done $0x0  }
0x57: {  	[sflag:s22] =	ssyncadd.s32 $0xFFFFEC00  }
0x58: {  	_ =	swait.ge [sflag:s21], $0x28  }
0x59: {  	[sflag:s21] =	ssyncset.done $0x0  }
0x5a: {  	[sflag:s21] =	ssyncadd.s32 $0xFFFFFFD8  }
0x5b: {  	_ =	swait.ge [sflag:s22], $0x1400  }
0x5c: {  	[sflag:s22] =	ssyncset.done $0x0  }
0x5d: {  	[sflag:s22] =	ssyncadd.s32 $0xFFFFEC00  }
0x5e: {  	_ =	swait.ge [sflag:s21], $0x28  }
0x5f: {  	[sflag:s21] =	ssyncset.done $0x0  }
0x60: {  	[sflag:s21] =	ssyncadd.s32 $0xFFFFFFD8  }
0x61: {  	_ =	swait.ge [sflag:s22], $0x1400  }
0x62: {  	[sflag:s22] =	ssyncset.done $0x0  }
0x63: {  	[sflag:s22] =	ssyncadd.s32 $0xFFFFEC00  }
0x64: {  	[spmem:s2] =	stream.indirect.scatter.add.f32 [tilespmem:s16], [sflag:$0x3], $0x80, s3, s23, $0xb8;
	[tilespmem:$0x1A700] =	vst v63  }
0x65: {  	_ = 	snop  }
0x66: {  	[spmem:s2] =	stream.indirect.scatter.add.f32 [tilespmem:s17], [sflag:$0x3], $0x80, s12, s23, $0xb8;
	[tilespmem:$0x1A700] =	vst v63  }
0x67: {  	_ = 	snop  }
0x68: {  	[spmem:s2] =	stream.indirect.scatter.add.f32 [tilespmem:s18], [sflag:$0x3], $0x80, s13, s23, $0xb8;
	[tilespmem:$0x1A700] =	vst v63  }
0x69: {  	_ = 	snop  }
0x6a: {  	[spmem:s2] =	stream.indirect.scatter.add.f32 [tilespmem:s19], [sflag:$0x3], $0x80, s14, s23, $0xb8;
	[tilespmem:$0x1A700] =	vst v63  }
0x6b: {  	_ = 	snop  }
0x6c: {  	[spmem:s2] =	stream.indirect.scatter.add.f32 [tilespmem:s20], [sflag:$0x3], $0x80, s15, s23, $0xb8;
	[tilespmem:$0x1A700] =	vst v63  }
0x6d: {  	_ =	swait.ge [sflag:s24], $0x1400  }
0x6e: {  	[sflag:s24] =	ssyncset.done $0x0  }
0x6f: {  	[sflag:s24] =	ssyncadd.s32 $0xFFFFEC00  }
0x70: {  	_ =	swait.ge [sflag:s24], $0x1400  }
0x71: {  	[sflag:s24] =	ssyncset.done $0x0  }
0x72: {  	[sflag:s24] =	ssyncadd.s32 $0xFFFFEC00  }
0x73: {  	_ =	swait.ge [sflag:s24], $0x1400  }
0x74: {  	[sflag:s24] =	ssyncset.done $0x0  }
0x75: {  	[sflag:s24] =	ssyncadd.s32 $0xFFFFEC00  }
0x76: {  	_ =	swait.ge [sflag:s24], $0x1400  }
0x77: {  	[sflag:s24] =	ssyncset.done $0x0  }
0x78: {  	[sflag:s24] =	ssyncadd.s32 $0xFFFFEC00  }
0x79: {  	s30 =	simm.s32 $0x32;
	_ =	swait.ge [sflag:s24], $0x1400  }
0x7a: {  	s26 =	sadd.s32 $0xC80, s6;
	s28 =	simm.s32 $0x19;
	[sflag:s24] =	ssyncset.done $0x0  }
.LBB2_6:
0x7b: {  	s31 =	sadd.s32 s28, s10;
	[sflag:s24] =	ssyncadd.s32 $0xFFFFEC00;
	s0 =	smov.u32 s30  }
0x7c: {  	[tilespmem:s3], [sflag:$0x1] =	stream.linear.gather [hbm4b:s31+s3], $0x28, $0x38;
	[tilespmem:$0x1A700] =	vst v63  }
0x7d: {  	s29 =	sadd.s32 $0x19, s30;
	p0 =	sne.s32 s30, $0x258;
	s30 =	sadd.s32 s28, s9  }
0x7e: {  	[tilespmem:s12], [sflag:$0x1] =	stream.linear.gather [hbm4b:s30+s3], $0x28, $0x38;
	[tilespmem:$0x1A700] =	vst v63  }
0x7f: {  	s30 =	sadd.s32 s28, s8  }
0x80: {  	[tilespmem:s13], [sflag:$0x1] =	stream.linear.gather [hbm4b:s30+s3], $0x28, $0x38;
	[tilespmem:$0x1A700] =	vst v63  }
0x81: {  	s4 =	rddreg [dreg:$0x4];
	s30 =	sadd.s32 s28, s7  }
0x82: {  	[tilespmem:s14], [sflag:$0x1] =	stream.linear.gather [hbm4b:s30+s3], $0x28, $0x38;
	[tilespmem:$0x1A700] =	vst v63  }
0x83: {  	s30 =	sadd.s32 s28, s4  }
0x84: {  	[tilespmem:s15], [sflag:$0x1] =	stream.linear.gather [hbm4b:s30+s3], $0x28, $0x38;
	[tilespmem:$0x1A700] =	vst v63  }
0x85: {  	s4 =	sadd.s32 $0xFFFFF600, s26  }
0x86: {  	[tilespmem:s16], [sflag:$0x2] =	stream.linear.gather [hbm4b:s4+s3], $0x1400, $0x38;
	[tilespmem:$0x1A700] =	vst v63  }
0x87: {  	s31 =	sadd.s32 $0xFFFFF880, s26  }
0x88: {  	[tilespmem:s17], [sflag:$0x2] =	stream.linear.gather [hbm4b:s31+s3], $0x1400, $0x38;
	[tilespmem:$0x1A700] =	vst v63  }
0x89: {  	s4 =	sadd.s32 $0xFFFFFB00, s26  }
0x8a: {  	[tilespmem:s18], [sflag:$0x2] =	stream.linear.gather [hbm4b:s4+s3], $0x1400, $0x38;
	[tilespmem:$0x1A700] =	vst v63  }
0x8b: {  	s31 =	sadd.s32 $0xFFFFFD80, s26  }
0x8c: {  	[tilespmem:s19], [sflag:$0x2] =	stream.linear.gather [hbm4b:s31+s3], $0x1400, $0x38;
	[tilespmem:$0x1A700] =	vst v63  }
0x8d: {  	_ = 	snop  }
0x8e: {  	[tilespmem:s20], [sflag:$0x2] =	stream.linear.gather [hbm4b:s26+s3], $0x1400, $0x38;
	[tilespmem:$0x1A700] =	vst v63  }
0x8f: {  	_ =	swait.ge [sflag:s21], $0x28  }
0x90: {  	[sflag:s21] =	ssyncset.done $0x0  }
0x91: {  	[sflag:s21] =	ssyncadd.s32 $0xFFFFFFD8  }
0x92: {  	_ =	swait.ge [sflag:s22], $0x1400  }
0x93: {  	[sflag:s22] =	ssyncset.done $0x0  }
0x94: {  	[sflag:s22] =	ssyncadd.s32 $0xFFFFEC00  }
0x95: {  	_ =	swait.ge [sflag:s21], $0x28  }
0x96: {  	[sflag:s21] =	ssyncset.done $0x0  }
0x97: {  	[sflag:s21] =	ssyncadd.s32 $0xFFFFFFD8  }
0x98: {  	_ =	swait.ge [sflag:s22], $0x1400  }
0x99: {  	[sflag:s22] =	ssyncset.done $0x0  }
0x9a: {  	[sflag:s22] =	ssyncadd.s32 $0xFFFFEC00  }
0x9b: {  	_ =	swait.ge [sflag:s21], $0x28  }
0x9c: {  	[sflag:s21] =	ssyncset.done $0x0  }
0x9d: {  	[sflag:s21] =	ssyncadd.s32 $0xFFFFFFD8  }
0x9e: {  	_ =	swait.ge [sflag:s22], $0x1400  }
0x9f: {  	[sflag:s22] =	ssyncset.done $0x0  }
0xa0: {  	[sflag:s22] =	ssyncadd.s32 $0xFFFFEC00  }
0xa1: {  	_ =	swait.ge [sflag:s21], $0x28  }
0xa2: {  	[sflag:s21] =	ssyncset.done $0x0  }
0xa3: {  	[sflag:s21] =	ssyncadd.s32 $0xFFFFFFD8  }
0xa4: {  	_ =	swait.ge [sflag:s22], $0x1400  }
0xa5: {  	[sflag:s22] =	ssyncset.done $0x0  }
0xa6: {  	[sflag:s22] =	ssyncadd.s32 $0xFFFFEC00  }
0xa7: {  	_ =	swait.ge [sflag:s21], $0x28  }
0xa8: {  	[sflag:s21] =	ssyncset.done $0x0  }
0xa9: {  	[sflag:s21] =	ssyncadd.s32 $0xFFFFFFD8  }
0xaa: {  	_ =	swait.ge [sflag:s22], $0x1400  }
0xab: {  	[sflag:s22] =	ssyncset.done $0x0  }
0xac: {  	[sflag:s22] =	ssyncadd.s32 $0xFFFFEC00  }
0xad: {  	[spmem:s2] =	stream.indirect.scatter.add.f32 [tilespmem:s16], [sflag:$0x3], $0x80, s3, s23, $0xb8;
	[tilespmem:$0x1A700] =	vst v63  }
0xae: {  	_ = 	snop  }
0xaf: {  	[spmem:s2] =	stream.indirect.scatter.add.f32 [tilespmem:s17], [sflag:$0x3], $0x80, s12, s23, $0xb8;
	[tilespmem:$0x1A700] =	vst v63  }
0xb0: {  	_ = 	snop  }
0xb1: {  	[spmem:s2] =	stream.indirect.scatter.add.f32 [tilespmem:s18], [sflag:$0x3], $0x80, s13, s23, $0xb8;
	[tilespmem:$0x1A700] =	vst v63  }
0xb2: {  	_ = 	snop  }
0xb3: {  	[spmem:s2] =	stream.indirect.scatter.add.f32 [tilespmem:s19], [sflag:$0x3], $0x80, s14, s23, $0xb8;
	[tilespmem:$0x1A700] =	vst v63  }
0xb4: {  	_ = 	snop  }
0xb5: {  	[spmem:s2] =	stream.indirect.scatter.add.f32 [tilespmem:s20], [sflag:$0x3], $0x80, s15, s23, $0xb8;
	[tilespmem:$0x1A700] =	vst v63  }
0xb6: {  	_ =	swait.ge [sflag:s24], $0x1400  }
0xb7: {  	[sflag:s24] =	ssyncset.done $0x0  }
0xb8: {  	[sflag:s24] =	ssyncadd.s32 $0xFFFFEC00  }
0xb9: {  	_ =	swait.ge [sflag:s24], $0x1400  }
0xba: {  	[sflag:s24] =	ssyncset.done $0x0  }
0xbb: {  	[sflag:s24] =	ssyncadd.s32 $0xFFFFEC00  }
0xbc: {  	_ =	swait.ge [sflag:s24], $0x1400  }
0xbd: {  	[sflag:s24] =	ssyncset.done $0x0  }
0xbe: {  	[sflag:s24] =	ssyncadd.s32 $0xFFFFEC00  }
.Ltmp2:
0xbf: {  	_ =	swait.ge [sflag:s24], $0x1400;
	(pc) =	sbr.rel @p0 .LBB2_6-.Ltmp2, $4  }
0xc0: {  	[sflag:s24] =	ssyncset.done $0x0  }
0xc1: {  	[sflag:s24] =	ssyncadd.s32 $0xFFFFEC00  }
0xc2: {  	s28 =	smov.u32 s0;
	_ =	swait.ge [sflag:s24], $0x1400  }
0xc3: {  	s30 =	smov.u32 s29;
	s26 =	sadd.s32 $0xC80, s26;
	[sflag:s24] =	ssyncset.done $0x0  }
0xc4: {  	s0 =	sadd.s32 s28, s10;
	[sflag:s24] =	ssyncadd.s32 $0xFFFFEC00  }
0xc5: {  	[tilespmem:s3], [sflag:$0x1] =	stream.linear.gather [hbm4b:s0+s3], $0x28, $0x38;
	[tilespmem:$0x1A700] =	vst v63  }
0xc6: {  	s4 =	sadd.s32 s28, s9  }
0xc7: {  	[tilespmem:s12], [sflag:$0x1] =	stream.linear.gather [hbm4b:s4+s3], $0x28, $0x38;
	[tilespmem:$0x1A700] =	vst v63  }
0xc8: {  	s4 =	sadd.s32 s28, s8  }
0xc9: {  	[tilespmem:s13], [sflag:$0x1] =	stream.linear.gather [hbm4b:s4+s3], $0x28, $0x38;
	[tilespmem:$0x1A700] =	vst v63  }
0xca: {  	s29 =	rddreg [dreg:$0x4];
	s4 =	sadd.s32 s28, s7  }
0xcb: {  	[tilespmem:s14], [sflag:$0x1] =	stream.linear.gather [hbm4b:s4+s3], $0x28, $0x38;
	[tilespmem:$0x1A700] =	vst v63  }
0xcc: {  	s4 =	sadd.s32 s28, s29  }
0xcd: {  	[tilespmem:s15], [sflag:$0x1] =	stream.linear.gather [hbm4b:s4+s3], $0x28, $0x38;
	[tilespmem:$0x1A700] =	vst v63  }
0xce: {  	s4 =	sadd.s32 $0xFFFFF600, s26  }
0xcf: {  	[tilespmem:s16], [sflag:$0x2] =	stream.linear.gather [hbm4b:s4+s3], $0x1400, $0x38;
	[tilespmem:$0x1A700] =	vst v63  }
0xd0: {  	s4 =	sadd.s32 $0xFFFFF880, s26  }
0xd1: {  	[tilespmem:s17], [sflag:$0x2] =	stream.linear.gather [hbm4b:s4+s3], $0x1400, $0x38;
	[tilespmem:$0x1A700] =	vst v63  }
0xd2: {  	s4 =	sadd.s32 $0xFFFFFB00, s26  }
0xd3: {  	[tilespmem:s18], [sflag:$0x2] =	stream.linear.gather [hbm4b:s4+s3], $0x1400, $0x38;
	[tilespmem:$0x1A700] =	vst v63  }
0xd4: {  	s4 =	sadd.s32 $0xFFFFFD80, s26  }
0xd5: {  	[tilespmem:s19], [sflag:$0x2] =	stream.linear.gather [hbm4b:s4+s3], $0x1400, $0x38;
	[tilespmem:$0x1A700] =	vst v63  }
0xd6: {  	_ = 	snop  }
0xd7: {  	[tilespmem:s20], [sflag:$0x2] =	stream.linear.gather [hbm4b:s26+s3], $0x1400, $0x38;
	[tilespmem:$0x1A700] =	vst v63  }
0xd8: {  	_ =	swait.ge [sflag:s21], $0x28  }
0xd9: {  	[sflag:s21] =	ssyncset.done $0x0  }
0xda: {  	[sflag:s21] =	ssyncadd.s32 $0xFFFFFFD8  }
0xdb: {  	_ =	swait.ge [sflag:s22], $0x1400  }
0xdc: {  	[sflag:s22] =	ssyncset.done $0x0  }
0xdd: {  	[sflag:s22] =	ssyncadd.s32 $0xFFFFEC00  }
0xde: {  	_ =	swait.ge [sflag:s21], $0x28  }
0xdf: {  	[sflag:s21] =	ssyncset.done $0x0  }
0xe0: {  	[sflag:s21] =	ssyncadd.s32 $0xFFFFFFD8  }
0xe1: {  	_ =	swait.ge [sflag:s22], $0x1400  }
0xe2: {  	[sflag:s22] =	ssyncset.done $0x0  }
0xe3: {  	[sflag:s22] =	ssyncadd.s32 $0xFFFFEC00  }
0xe4: {  	_ =	swait.ge [sflag:s21], $0x28  }
0xe5: {  	[sflag:s21] =	ssyncset.done $0x0  }
0xe6: {  	[sflag:s21] =	ssyncadd.s32 $0xFFFFFFD8  }
0xe7: {  	_ =	swait.ge [sflag:s22], $0x1400  }
0xe8: {  	[sflag:s22] =	ssyncset.done $0x0  }
0xe9: {  	[sflag:s22] =	ssyncadd.s32 $0xFFFFEC00  }
0xea: {  	_ =	swait.ge [sflag:s21], $0x28  }
0xeb: {  	[sflag:s21] =	ssyncset.done $0x0  }
0xec: {  	[sflag:s21] =	ssyncadd.s32 $0xFFFFFFD8  }
0xed: {  	_ =	swait.ge [sflag:s22], $0x1400  }
0xee: {  	[sflag:s22] =	ssyncset.done $0x0  }
0xef: {  	[sflag:s22] =	ssyncadd.s32 $0xFFFFEC00  }
0xf0: {  	_ =	swait.ge [sflag:s21], $0x28  }
0xf1: {  	[sflag:s21] =	ssyncset.done $0x0  }
0xf2: {  	[sflag:s21] =	ssyncadd.s32 $0xFFFFFFD8  }
0xf3: {  	_ =	swait.ge [sflag:s22], $0x1400  }
0xf4: {  	[sflag:s22] =	ssyncset.done $0x0  }
0xf5: {  	[sflag:s22] =	ssyncadd.s32 $0xFFFFEC00  }
0xf6: {  	[spmem:s2] =	stream.indirect.scatter.add.f32 [tilespmem:s16], [sflag:$0x3], $0x80, s3, s23, $0xb8;
	[tilespmem:$0x1A700] =	vst v63  }
0xf7: {  	_ = 	snop  }
0xf8: {  	[spmem:s2] =	stream.indirect.scatter.add.f32 [tilespmem:s17], [sflag:$0x3], $0x80, s12, s23, $0xb8;
	[tilespmem:$0x1A700] =	vst v63  }
0xf9: {  	_ = 	snop  }
0xfa: {  	[spmem:s2] =	stream.indirect.scatter.add.f32 [tilespmem:s18], [sflag:$0x3], $0x80, s13, s23, $0xb8;
	[tilespmem:$0x1A700] =	vst v63  }
0xfb: {  	_ = 	snop  }
0xfc: {  	[spmem:s2] =	stream.indirect.scatter.add.f32 [tilespmem:s19], [sflag:$0x3], $0x80, s14, s23, $0xb8;
	[tilespmem:$0x1A700] =	vst v63  }
0xfd: {  	_ = 	snop  }
0xfe: {  	[spmem:s2] =	stream.indirect.scatter.add.f32 [tilespmem:s20], [sflag:$0x3], $0x80, s15, s23, $0xb8;
	[tilespmem:$0x1A700] =	vst v63  }
0xff: {  	_ =	swait.ge [sflag:s24], $0x1400  }
0x100: {  	[sflag:s24] =	ssyncset.done $0x0  }
0x101: {  	[sflag:s24] =	ssyncadd.s32 $0xFFFFEC00  }
0x102: {  	_ =	swait.ge [sflag:s24], $0x1400  }
0x103: {  	[sflag:s24] =	ssyncset.done $0x0  }
0x104: {  	[sflag:s24] =	ssyncadd.s32 $0xFFFFEC00  }
0x105: {  	_ =	swait.ge [sflag:s24], $0x1400  }
0x106: {  	[sflag:s24] =	ssyncset.done $0x0  }
0x107: {  	[sflag:s24] =	ssyncadd.s32 $0xFFFFEC00  }
0x108: {  	_ =	swait.ge [sflag:s24], $0x1400  }
0x109: {  	[sflag:s24] =	ssyncset.done $0x0  }
0x10a: {  	[sflag:s24] =	ssyncadd.s32 $0xFFFFEC00  }
0x10b: {  	s26 =	sadd.s32 $0x0, s1;
	_ =	swait.ge [sflag:s24], $0x1400  }
0x10c: {  	p0 =	sgt.u32 s26, $0x270;
	[sflag:s24] =	ssyncset.done $0x0  }
0x10d: {  	s0 =	sshll.u32 @!p0 s1, $0x6;
	s26 =	sshrl.u32 @!p0 s5, $0x3;
	[sflag:s24] =	ssyncadd.s32 $0xFFFFEC00  }
0x10e: {  	s30 =	simm.s32 @!p0 $0x4;
	s0 =	sor.u32 @!p0 $0x1C04, s0;
	[bflag:$0x0] =	sbarrier.arrive $0xFFFF  }
0x10f: {  	[hbm:s11], [sflag:s0] =	dma.local @!p0 [spmem:s26], $0x100  }
0x110: {  	s31 =	sadd.s32 $0x10, s1;
	s29 =	simm.s32 $0x20;
	_ =	swait.ge @!p0 [sflag:s30], $0x100  }
0x111: {  	s28 =	sadd.s32 $0x1000, s11;
	s26 =	sadd.s32 $0x8000, s5;
	[sflag:s30] =	ssyncset.done @!p0 $0x0  }
.LBB2_8:
0x112: {  	s0 =	smov.u32 s29;
	s29 =	sadd.s32 $0x10, s29  }
0x113: {  	[sflag:s30] =	ssyncadd.s32 @!p0 $0xFFFFFF00;
	p0 =	sgt.u32 s31, $0x270;
	p1 =	sne.s32 s29, $0x280  }
.Ltmp3:
0x114: {  	s30 =	sshll.u32 @!p0 s1, $0x6;
	s31 =	sshrl.u32 @!p0 s26, $0x3;
	(pc) =	sbr.rel @p1 .LBB2_8-.Ltmp3, $4  }
0x115: {  	s4 =	sor.u32 @!p0 $0x1C04, s30;
	s30 =	simm.s32 @!p0 $0x4  }
0x116: {  	[hbm:s28], [sflag:s4] =	dma.local @!p0 [spmem:s31], $0x100  }
0x117: {  	s26 =	sadd.s32 $0x8000, s26;
	_ =	swait.ge @!p0 [sflag:s30], $0x100  }
0x118: {  	s31 =	sadd.s32 s0, s1;
	s28 =	sadd.s32 $0x1000, s28;
	[sflag:s30] =	ssyncset.done @!p0 $0x0  }
0x119: {  	p1 =	sgt.u32 s31, $0x270  }
0x11a: {  	[sflag:s30] =	ssyncadd.s32 @!p0 $0xFFFFFF00;
	s0 =	sshll.u32 @!p1 s1, $0x6  }
0x11b: {  	s4 =	sshrl.u32 @!p1 s26, $0x3;
	s26 =	simm.s32 @!p1 $0x4;
	s0 =	sor.u32 @!p1 $0x1C04, s0  }
0x11c: {  	[hbm:s28], [sflag:s0] =	dma.local @!p1 [spmem:s4], $0x100  }
0x11d: {  	_ =	swait.ge @!p1 [sflag:s26], $0x100  }
0x11e: {  	s25 =	sadd.s32 $0x1, s25;
	s31 =	rddreg [dreg:$0x5]  }
0x11f: {  	p0 =	sne.s32 s25, s31  }
.Ltmp4:
0x120: {  	_ = 	snop;
	(pc) =	sbr.rel @p0 .LBB2_1-.Ltmp4, $3  }
0x121: {  	_ =	sdelay $0x1  }
0x122: {  	[sflag:s26] =	ssyncset.done @!p1 $0x0  }
0x123: {  	[sflag:s26] =	ssyncadd.s32 @!p1 $0xFFFFFF00  }
0x124: {  	_ =	sfence.sel $0x180000  }
0x125: {  	[bflag:$0x0] =	sbarrier.arrive $0xFFFF  }
0x126: {  	_ =	strace $0x9000004D  }
0x127: {  	[bflag:$0x2] =	sbarrier.arrive $0xFFFF  }
0x128: {  	p0 =	sne.s32 s1, $0x0;
	s0 =	rddreg [dreg:$0x3]  }
0x129: {  	s0 =	sadd.s32 @!p0 $0x100000, s0  }
0x12a: {  	[sflag:s0] =	ssyncadd.tile.s32 @!p0 $0x1;
	_ =	shalt  }
.Lfunc_end2:
_tile_overlayer_lowered:
.L_overlay_start_2:
0x12b: {  	(tag) =	ssettag $0x2  }
0x12c: {  	s0 =	rddreg [dreg:$0x0];
	s2 =	stileid.u32  }
0x12d: {  	s1 =	rddreg [dreg:$0x1];
	p0 =	sne.s32 s2, $0x0  }
0x12e: {  	s3 =	rddreg [dreg:$0x2];
	[bflag:$0x3] =	sbarrier.arrive $0xFFFF;
	s2 =	simm.s32 @!p0 $0x1C04  }
0x12f: {  	[timem:s3], [sflag:s2] =	dma.local @!p0 [hbm:s0], s1  }
0x130: {  	s0 =	simm.s32 @!p0 $0x4  }
0x131: {  	_ =	swait.ge @!p0 [sflag:s0], s1  }
0x132: {  	s1 =	ssub.s32 @!p0 $0x0, s1;
	[sflag:s0] =	ssyncset.done @!p0 $0x0  }
0x133: {  	[sflag:s0] =	ssyncadd.s32 @!p0 s1  }
0x134: {  	[bflag:$0x3] =	sbarrier.arrive $0xFFFF  }
0x135: {  	_ =	shalt  }

// kernel: kernel.9.cloned.1.call-start
scs
__scs_entry_jumppad:
0x0: {  	(pc) =	sbr.rel $0x88, $3  }
0x1: {  	(tag) =	ssettag $0x0;
	lr =	simm.s32 $0x1  }
0x2: {  	[smem:$0x3F9A] =	sst lr;
	_ =	strace $0xD0000000  }
0x3: {  	_ = 	snop  }
0x4: {  	_ = 	snop  }
0x5: {  	_ = 	snop  }
0x6: {  	_ = 	snop  }
0x7: {  	_ = 	snop  }
__scs_overlays_trampoline_lowered:
0x8: {  	[smem:$0x3FA9] =	sst s0  }
0x9: {  	[smem:$0x3FAA] =	sst s1  }
0xa: {  	[smem:$0x3FAB] =	sst s2  }
0xb: {  	[smem:$0x3FAC] =	sst s3  }
0xc: {  	[smem:$0x3FAD] =	sst s4  }
0xd: {  	[smem:$0x3FAE] =	sst s5  }
0xe: {  	[smem:$0x3FAF] =	sst s6  }
0xf: {  	[smem:$0x3FB0] =	sst s7  }
0x10: {  	[smem:$0x3FB1] =	sst s8  }
0x11: {  	[smem:$0x3FB2] =	sst s9;
	s0 =	simm.s32 @!p0 $0x0  }
0x12: {  	s1 =	sld [smem:$0x3F98];
	s0 =	simm.s32 @p0 $0x1  }
0x13: {  	[smem:$0x3FB3] =	sst s0;
	s0 =	simm.s32 @!p1 $0x0  }
0x14: {  	s2 =	sld [smem:$0x3F97];
	s0 =	simm.s32 @p1 $0x1  }
0x15: {  	[smem:$0x3FB4] =	sst s0;
	s0 =	simm.s32 @!p2 $0x0  }
0x16: {  	s3 =	sld [smem:$0x3FDB];
	s0 =	simm.s32 @p2 $0x1  }
0x17: {  	s4 =	simm.s32 $0x1BF5;
	[smem:$0x3FB6] =	sst s0  }
0x18: {  	s0 =	sld [smem:$0x3F99];
	_ =	swait.ge [sflag:s4], $0x0  }
0x19: {  	s7 =	sld [smem:$0x3F9A]  }
0x1a: {  	s8 =	sadd.s32 $0xFFFFE003, lr  }
0x1b: {  	s9 =	sadd.s32 $0xFFFFFEF7, lr;
	s5 =	simm.s32 $0xFFFFFFFF;
	p2 =	slt.u32 s8, $0xFFFFF086  }
0x1c: {  	p1 =	slt.u32 s9, $0xF7A;
	s5 =	simm.s32 @!p2 $0x0  }
0x1d: {  	s5 =	simm.s32 @p1 $0x1;
	p0 =	seq.s32 s7, s2  }
0x1e: {  	s7 =	smul.u32 @!p0 $0xF7A, s2;
	p2 =	seq.s32 @!p0 s5, $0x0  }
0x1f: {  	s9 =	smul.u32 $0xF7A, s1;
	s8 =	simm.s32 @!p0 $0x1BF5;
	p2 =	por !p2, p0  }
0x20: {  	[sflag:s8] =	ssyncset.s32 @!p0 $0xFFFFF086;
	s6 =	sadd.s32 @!p0 s3, s7;
	s7 =	simm.s32 @!p0 $0x108  }
0x21: {  	s3 =	sadd.s32 s3, s9;
	s6 =	sadd.s32 @!p0 $0x88, s6;
	s7 =	simm.s32 @p2 $0x1082  }
0x22: {  	[simem:s7], [sflag:s8] =	dma.local @!p0 [hbm:s6], $0xF7A  }
0x23: {  	s9 =	sor.u32 $0xD0000000, s2;
	s6 =	simm.s32 $0x108;
	_ =	swait.ge @!p0 [sflag:s8], $0x0  }
0x24: {  	s3 =	sadd.s32 $0x88, s3;
	s6 =	simm.s32 @!p1 $0x1082;
	[sflag:s4] =	ssyncset.s32 $0xFFFFF086  }
0x25: {  	[simem:s6], [sflag:s4] =	dma.local [hbm:s3], $0xF7A  }
0x26: {  	[smem:$0x3F9A] =	sst s1;
	(tag) =	ssettag s2;
	_ =	strace s9  }
0x27: {  	s1 =	sld [smem:$0x3FAA]  }
0x28: {  	s2 =	sld [smem:$0x3FAB]  }
0x29: {  	s4 =	sld [smem:$0x3FAD]  }
0x2a: {  	p0 =	seq.s32 s5, $0x0;
	s5 =	sld [smem:$0x3FAE]  }
0x2b: {  	s6 =	sld [smem:$0x3FAF]  }
0x2c: {  	s7 =	sld [smem:$0x3FB0]  }
0x2d: {  	s3 =	simm.s32 $0x108;
	s8 =	sld [smem:$0x3FB1]  }
0x2e: {  	s3 =	simm.s32 @!p0 $0x1082;
	s9 =	sld [smem:$0x3FB2]  }
0x2f: {  	lr =	sadd.s32 s0, s3;
	s0 =	sld [smem:$0x3FA9]  }
0x30: {  	s3 =	sld [smem:$0x3FAC]  }
0x31: {  	[smem:$0x3FB5] =	sst s10  }
0x32: {  	s10 =	sld [smem:$0x3FB3];
	_ =	sdelay $0x3  }
0x33: {  	p0 =	seq.s32 s10, $0x1;
	s10 =	sld [smem:$0x3FB5];
	_ =	sdelay $0x3  }
0x34: {  	[smem:$0x3FB5] =	sst s10  }
0x35: {  	s10 =	sld [smem:$0x3FB4];
	_ =	sdelay $0x3  }
0x36: {  	p1 =	seq.s32 s10, $0x1;
	s10 =	sld [smem:$0x3FB5];
	_ =	sdelay $0x3  }
0x37: {  	[smem:$0x3FB5] =	sst s10  }
0x38: {  	s10 =	sld [smem:$0x3FB6]  }
0x39: {  	_ = 	snop;
	(pc) =	sbr.ind lr, $3  }
0x3a: {  	_ = 	snop  }
0x3b: {  	_ = 	snop  }
0x3c: {  	p2 =	seq.s32 s10, $0x1;
	s10 =	sld [smem:$0x3FB5]  }
0x3d: {  	_ =	shalt  }
0x3e: {  	_ =	shalt  }
0x3f: {  	_ =	shalt  }
0x40: {  	_ =	shalt  }
0x41: {  	_ =	shalt  }
0x42: {  	_ =	shalt  }
0x43: {  	_ =	shalt  }
0x44: {  	_ =	shalt  }
0x45: {  	_ =	shalt  }
0x46: {  	_ =	shalt  }
0x47: {  	_ =	shalt  }
0x48: {  	_ =	shalt  }
0x49: {  	_ =	shalt  }
0x4a: {  	_ =	shalt  }
0x4b: {  	_ =	shalt  }
0x4c: {  	_ =	shalt  }
0x4d: {  	_ =	shalt  }
0x4e: {  	_ =	shalt  }
0x4f: {  	_ =	shalt  }
0x50: {  	_ =	shalt  }
0x51: {  	_ =	shalt  }
0x52: {  	_ =	shalt  }
0x53: {  	_ =	shalt  }
0x54: {  	_ =	shalt  }
0x55: {  	_ =	shalt  }
0x56: {  	_ =	shalt  }
0x57: {  	_ =	shalt  }
0x58: {  	_ =	shalt  }
0x59: {  	_ =	shalt  }
0x5a: {  	_ =	shalt  }
0x5b: {  	_ =	shalt  }
0x5c: {  	_ =	shalt  }
0x5d: {  	_ =	shalt  }
0x5e: {  	_ =	shalt  }
0x5f: {  	_ =	shalt  }
0x60: {  	_ =	shalt  }
0x61: {  	_ =	shalt  }
0x62: {  	_ =	shalt  }
0x63: {  	_ =	shalt  }
0x64: {  	_ =	shalt  }
0x65: {  	_ =	shalt  }
0x66: {  	_ =	shalt  }
0x67: {  	_ =	shalt  }
0x68: {  	_ =	shalt  }
0x69: {  	_ =	shalt  }
0x6a: {  	_ =	shalt  }
0x6b: {  	_ =	shalt  }
0x6c: {  	_ =	shalt  }
0x6d: {  	_ =	shalt  }
0x6e: {  	_ =	shalt  }
0x6f: {  	_ =	shalt  }
0x70: {  	_ =	shalt  }
0x71: {  	_ =	shalt  }
0x72: {  	_ =	shalt  }
0x73: {  	_ =	shalt  }
0x74: {  	_ =	shalt  }
0x75: {  	_ =	shalt  }
0x76: {  	_ =	shalt  }
0x77: {  	_ =	shalt  }
0x78: {  	_ =	shalt  }
0x79: {  	_ =	shalt  }
0x7a: {  	_ =	shalt  }
0x7b: {  	_ =	shalt  }
0x7c: {  	_ =	shalt  }
0x7d: {  	_ =	shalt  }
0x7e: {  	_ =	shalt  }
0x7f: {  	_ =	shalt  }
0x80: {  	_ =	shalt  }
0x81: {  	_ =	shalt  }
0x82: {  	_ =	shalt  }
0x83: {  	_ =	shalt  }
0x84: {  	_ =	shalt  }
0x85: {  	_ =	shalt  }
0x86: {  	_ =	shalt  }
0x87: {  	_ =	shalt  }
.Lfunc_end0:
.L_simem_size_0:
called_computation_lowered:
.L_overlay_start_0:
0x88: {  	s2 =	sld [smem:$0x3FD9]  }
0x89: {  	s3 =	sld [smem:$0x3FFE];
	_ =	sdelay $0x1  }
0x8a: {  	s1 =	srdreg.scid  }
0x8b: {  	s0 =	sand.u32 $0x1, s1  }
0x8c: {  	s17 =	sshll.u32 s0, $0xA;
	s2 =	sadd.s32 s3, s2  }
0x8d: {  	s2 =	sadd.s32 s2, s17  }
0x8e: {  	[smem:$0x3FC1] =	sst s2  }
0x8f: {  	_ = 	snop  }
0x90: {  	s18 =	sld [smem:$0x3FC9];
	(tm) =	ssettm $0x1  }
0x91: {  	s19 =	sld [smem:$0x3FFB];
	_ =	sdelay $0x3  }
0x92: {  	_ =	strace s19  }
0x93: {  	s2 =	sld [smem:$0x3FFC];
	_ =	sdelay $0x3  }
0x94: {  	_ =	strace s2  }
0x95: {  	s2 =	sld [smem:$0x3FFD];
	_ =	sdelay $0x3  }
0x96: {  	_ =	strace s2  }
0x97: {  	_ =	strace $0x8FFFFFFF  }
0x98: {  	s20 =	sld [smem:$0x3FDB];
	_ =	sdelay $0x1  }
0x99: {  	s4 =	simm.s32 $_scs_section_size  }
0x9a: {  	s5 =	simm.s32 $_size__tile_overlayer_lowered;
	s6 =	simm.s32 $_tile_overlayer_lowered  }
0x9b: {  	s7 =	simm.s32 $0x1BFF;
	s21 =	sshll.u32 s6, $0x1;
	s4 =	sadd.s32 s4, s20  }
0x9c: {  	s22 =	simm.s32 $0x0;
	s5 =	sshll.u32 s5, $0x1;
	s6 =	sadd.s32 s21, s4  }
0x9d: {  	[timem:s22], [sflag:s7] =	dma.local [hbm:s6], s5  }
0x9e: {  	_ =	swait.ge [sflag:s7], s5  }
0x9f: {  	s5 =	ssub.s32 $0x0, s5;
	[sflag:s7] =	ssyncset.done $0x0  }
0xa0: {  	[sflag:s7] =	ssyncadd.s32 s5;
	_ =	sdelay $0x1  }
0xa1: {  	s23 =	simm.s32 $0x1B8B  }
0xa2: {  	_ =	swait.ge [sflag:s23], $0x1  }
0xa3: {  	[sflag:s23] =	ssyncset.done $0x0  }
0xa4: {  	[sflag:s23] =	ssyncadd.s32 $0xFFFFFFFF  }
0xa5: {  	s5 =	sld [smem:$0x0]  }
0xa6: {  	s6 =	sand.u32 $0xFFFFFFFE, s1  }
0xa7: {  	p0 =	sne.s32 s1, s6  }
0xa8: {  	s6 =	sshll.u32 @p0 s6, $0xE  }
0xa9: {  	s6 =	sadd.s32 @p0 $0x11B8D, s6;
	s7 =	sshll.u32 @p0 s5, $0x11  }
0xaa: {  	s6 =	sor.u32 @p0 s7, s6  }
0xab: {  	[sflag:s6] =	ssyncadd.remote.s32 @p0 $0x1;
	_ =	sdelay $0x1  }
0xac: {  	s6 =	simm.s32 @p0 $0x1B8D  }
0xad: {  	_ =	swait.eq @p0 [sflag:s6], $0x1  }
0xae: {  	[sflag:s6] =	ssyncadd.s32 @p0 $0xFFFFFFFF  }
0xaf: {  	s7 =	sshll.u32 @!p0 s1, $0xE  }
0xb0: {  	s7 =	sor.u32 @!p0 $0x4000, s7;
	s6 =	simm.s32 @!p0 $0x1B8D  }
0xb1: {  	s5 =	sshll.u32 @!p0 s5, $0x11;
	s7 =	sadd.s32 @!p0 $0x11B8D, s7;
	_ =	swait.eq @!p0 [sflag:s6], $0x1  }
0xb2: {  	s5 =	sor.u32 @!p0 s5, s7;
	[sflag:s6] =	ssyncadd.s32 @!p0 $0xFFFFFFFF  }
0xb3: {  	s25 =	simm.s32 $0x1B8E;
	s24 =	sld [smem:$0x3FFE];
	[sflag:s5] =	ssyncadd.remote.s32 @!p0 $0x1  }
0xb4: {  	s26 =	simm.s32 $execute0_lowered;
	[smem:$0x3FD2] =	sst s25  }
0xb5: {  	s6 =	sshll.u32 s26, $0x1;
	_ =	strace $0x80000049;
	[dreg:$0x1] =	wrdreg $0xFFFFFFFF  }
0xb6: {  	s28 =	simm.s32 $_size_execute0_lowered;
	s4 =	sadd.s32 s4, s6;
	[dreg:$0x0] =	wrdreg $0x0  }
0xb7: {  	s6 =	sshll.u32 s28, $0x1;
	[dreg:$0x2] =	wrdreg s4  }
0xb8: {  	[dreg:$0x3] =	wrdreg s6  }
0xb9: {  	[dreg:$0x4] =	wrdreg $0xC0  }
0xba: {  	_ =	task [dreg:s22], $0x5FFFF  }
0xbb: {  	[dreg:$0x1] =	wrdreg $0xFFFFFFFF  }
0xbc: {  	[dreg:$0x0] =	wrdreg $0x60  }
0xbd: {  	[dreg:$0x2] =	wrdreg s18  }
0xbe: {  	[dreg:$0x3] =	wrdreg s24  }
0xbf: {  	[dreg:$0x4] =	wrdreg $0x9  }
0xc0: {  	_ =	task.clear_ibuf [dreg:s22], $0x5FFFF;
	_ =	strace $0x90000049  }
0xc1: {  	s29 =	simm.s32 $0x9;
	_ =	strace $0x8000004B  }
0xc2: {  	_ =	swait.ge [sflag:s29], $0x1  }
0xc3: {  	[sflag:s29] =	ssyncadd.s32 $0xFFFFFFFF  }
0xc4: {  	_ =	strace $0x9000004B  }
0xc5: {  	_ =	sfence  }
0xc6: {  	s30 =	sld [smem:$0x0];
	_ =	sdelay $0x2  }
0xc7: {  	s31 =	sshll.u32 s1, $0xD;
	s1 =	sshrl.u32 s1, $0x2  }
0xc8: {  	s4 =	sand.u32 $0x4000, s31;
	s1 =	sadd.s32 s1, s30  }
0xc9: {  	s0 =	sor.u32 s4, s0;
	s1 =	sshll.u32 s1, $0x11  }
0xca: {  	s0 =	sor.u32 s1, s0  }
0xcb: {  	s0 =	sadd.s32 $0x8F2B, s0  }
0xcc: {  	[sflag:s0] =	ssyncadd.remote.s32 $0x1  }
0xcd: {  	_ =	sfence.sel $0xFFFF  }
0xce: {  	[dreg:$0x0] =	wrdreg $0xFFFFFFFF;
	(pc) =	sbr.abs _section_cstart, $3  }
0xcf: {  	[dreg:$0x1] =	wrdreg $0xFFFFFFFF  }
0xd0: {  	_ =	task.clear_ibuf [dreg:s22], $0x2FFFF;
	_ =	strace $0x9FFFFFFF  }
0xd1: {  	(tm) =	ssettm $0x7FFFFFFF  }
tec
execute0_lowered:
.L_overlay_start_1:
0x0: {  	(tag) =	ssettag $0x1  }
0x1: {  	s2 =	rddreg [dreg:$0x0]  }
0x2: {  	s4 =	rddreg [dreg:$0x1]  }
0x3: {  	s1 =	stileid.u32;
	s3 =	simm.s32 $0x0;
	s6 =	srdreg.scid  }
0x4: {  	s12 =	simm.s32 $0x180;
	s13 =	simm.s32 $0x200;
	s14 =	simm.s32 $0x1  }
0x5: {  	s15 =	simm.s32 $0x28;
	s16 =	simm.s32 $0x400;
	s17 =	simm.s32 $0x1800  }
0x6: {  	s18 =	simm.s32 $0x2C00;
	s19 =	simm.s32 $0x4000;
	s20 =	simm.s32 $0x5400  }
0x7: {  	s21 =	simm.s32 $0x2;
	s22 =	simm.s32 $0x3;
	s5 =	smul.u32 $0x27100, s1  }
0x8: {  	s23 =	simm.s32 $0x0;
	s6 =	sand.u32 $0x1, s6;
	s7 =	smul.u32 $0x2710, s1  }
0x9: {  	[smem:$0x7FF] =	sst s3;
	s9 =	sadd.s32 $0x2E00, s4;
	s8 =	smul.u32 $0x1388, s6  }
0xa: {  	_ =	strace $0x8000004A;
	s10 =	ssub.s32 $0x2, s6;
	s6 =	smul.u32 $0x13880, s6  }
0xb: {  	s4 =	sadd.s32 s5, s4;
	s25 =	sshrl.u32 s10, $0x1;
	s11 =	sadd.s32 s8, s7  }
0xc: {  	s5 =	ssub.s32 s10, s25;
	s6 =	sadd.s32 s6, s4;
	s10 =	simm.s32 $0x80  }
0xd: {  	s7 =	sadd.s32 $0xA0, s11;
	s4 =	smax.u32 s5, $0x1;
	s26 =	sadd.s32 $0x27DC00, s6  }
0xe: {  	s29 =	sadd.s32 $0x78, s11;
	s30 =	sadd.s32 $0x50, s11;
	s8 =	sadd.s32 $0x28, s11  }
0xf: {  	s31 =	sshrl.u32 s11, $0x3;
	s11 =	simm.s32 $0x100;
	s28 =	sshrl.u32 s7, $0x3  }
0x10: {  	[dreg:$0x3] =	wrdreg s26;
	s6 =	sshrl.u32 s29, $0x3;
	s7 =	sshrl.u32 s30, $0x3  }
0x11: {  	s8 =	sshrl.u32 s8, $0x3;
	s5 =	sadd.s32 s28, s9;
	s6 =	sadd.s32 s6, s9  }
0x12: {  	s7 =	sadd.s32 s7, s9;
	s8 =	sadd.s32 s8, s9;
	s9 =	sadd.s32 s31, s9  }
.LBB2_1:
0x13: {  	[tilespmem:s3], [sflag:$0x1] =	stream.linear.gather [hbm4b:s9+s3], $0x28, $0x38;
	[tilespmem:$0x6800] =	vst v63  }
0x14: {  	_ = 	snop  }
0x15: {  	[tilespmem:s10], [sflag:$0x1] =	stream.linear.gather [hbm4b:s8+s3], $0x28, $0x38;
	[tilespmem:$0x6800] =	vst v63  }
0x16: {  	_ = 	snop  }
0x17: {  	[tilespmem:s11], [sflag:$0x1] =	stream.linear.gather [hbm4b:s7+s3], $0x28, $0x38;
	[tilespmem:$0x6800] =	vst v63  }
0x18: {  	_ = 	snop  }
0x19: {  	[tilespmem:s12], [sflag:$0x1] =	stream.linear.gather [hbm4b:s6+s3], $0x28, $0x38;
	[tilespmem:$0x6800] =	vst v63  }
0x1a: {  	_ = 	snop  }
0x1b: {  	[tilespmem:s13], [sflag:$0x1] =	stream.linear.gather [hbm4b:s5+s3], $0x28, $0x38;
	[tilespmem:$0x6800] =	vst v63  }
0x1c: {  	_ =	swait.ge [sflag:s14], $0x28  }
0x1d: {  	[sflag:s14] =	ssyncset.done $0x0  }
0x1e: {  	[sflag:s14] =	ssyncadd.s32 $0xFFFFFFD8  }
0x1f: {  	_ =	swait.ge [sflag:s14], $0x28  }
0x20: {  	[sflag:s14] =	ssyncset.done $0x0  }
0x21: {  	[sflag:s14] =	ssyncadd.s32 $0xFFFFFFD8  }
0x22: {  	_ =	swait.ge [sflag:s14], $0x28  }
0x23: {  	[sflag:s14] =	ssyncset.done $0x0  }
0x24: {  	[sflag:s14] =	ssyncadd.s32 $0xFFFFFFD8  }
0x25: {  	_ =	swait.ge [sflag:s14], $0x28  }
0x26: {  	[sflag:s14] =	ssyncset.done $0x0  }
0x27: {  	[sflag:s14] =	ssyncadd.s32 $0xFFFFFFD8  }
0x28: {  	_ =	swait.ge [sflag:s14], $0x28  }
0x29: {  	[sflag:s14] =	ssyncset.done $0x0  }
0x2a: {  	[sflag:s14] =	ssyncadd.s32 $0xFFFFFFD8  }
0x2b: {  	[tilespmem:s16], [sflag:$0x2] =	stream.indirect.gather [hbm4b:s2+s15], $0x80, s3, s15, $0xb8;
	[tilespmem:$0x6800] =	vst v63  }
0x2c: {  	_ = 	snop  }
0x2d: {  	[tilespmem:s17], [sflag:$0x2] =	stream.indirect.gather [hbm4b:s2+s15], $0x80, s10, s15, $0xb8;
	[tilespmem:$0x6800] =	vst v63  }
0x2e: {  	_ = 	snop  }
0x2f: {  	[tilespmem:s18], [sflag:$0x2] =	stream.indirect.gather [hbm4b:s2+s15], $0x80, s11, s15, $0xb8;
	[tilespmem:$0x6800] =	vst v63  }
0x30: {  	_ = 	snop  }
0x31: {  	[tilespmem:s19], [sflag:$0x2] =	stream.indirect.gather [hbm4b:s2+s15], $0x80, s12, s15, $0xb8;
	[tilespmem:$0x6800] =	vst v63  }
0x32: {  	_ = 	snop  }
0x33: {  	[tilespmem:s20], [sflag:$0x2] =	stream.indirect.gather [hbm4b:s2+s15], $0x80, s13, s15, $0xb8;
	[tilespmem:$0x6800] =	vst v63  }
0x34: {  	_ =	swait.ge [sflag:s21], $0x1400  }
0x35: {  	[sflag:s21] =	ssyncset.done $0x0  }
0x36: {  	[sflag:s21] =	ssyncadd.s32 $0xFFFFEC00  }
0x37: {  	_ =	swait.ge [sflag:s21], $0x1400  }
0x38: {  	[sflag:s21] =	ssyncset.done $0x0  }
0x39: {  	[sflag:s21] =	ssyncadd.s32 $0xFFFFEC00  }
0x3a: {  	_ =	swait.ge [sflag:s21], $0x1400  }
0x3b: {  	[sflag:s21] =	ssyncset.done $0x0  }
0x3c: {  	[sflag:s21] =	ssyncadd.s32 $0xFFFFEC00  }
0x3d: {  	_ =	swait.ge [sflag:s21], $0x1400  }
0x3e: {  	[sflag:s21] =	ssyncset.done $0x0  }
0x3f: {  	[sflag:s21] =	ssyncadd.s32 $0xFFFFEC00  }
0x40: {  	_ =	swait.ge [sflag:s21], $0x1400  }
0x41: {  	s24 =	rddreg [dreg:$0x3];
	[sflag:s21] =	ssyncset.done $0x0  }
0x42: {  	[sflag:s21] =	ssyncadd.s32 $0xFFFFEC00;
	s24 =	sadd.s32 $0x0, s24  }
0x43: {  	[hbm4b:s24+s3] =	stream.linear.scatter [tilespmem:s16], [sflag:$0x3], $0x1400, $0x38;
	[tilespmem:$0x6800] =	vst v63  }
0x44: {  	s25 =	sadd.s32 $0x280, s24  }
0x45: {  	[hbm4b:s25+s3] =	stream.linear.scatter [tilespmem:s17], [sflag:$0x3], $0x1400, $0x38;
	[tilespmem:$0x6800] =	vst v63  }
0x46: {  	s26 =	sadd.s32 $0x500, s24  }
0x47: {  	[hbm4b:s26+s3] =	stream.linear.scatter [tilespmem:s18], [sflag:$0x3], $0x1400, $0x38;
	[tilespmem:$0x6800] =	vst v63  }
0x48: {  	s31 =	sadd.s32 $0x780, s24  }
0x49: {  	[hbm4b:s31+s3] =	stream.linear.scatter [tilespmem:s19], [sflag:$0x3], $0x1400, $0x38;
	[tilespmem:$0x6800] =	vst v63  }
0x4a: {  	s24 =	sadd.s32 $0xA00, s24  }
0x4b: {  	[hbm4b:s24+s3] =	stream.linear.scatter [tilespmem:s20], [sflag:$0x3], $0x1400, $0x38;
	[tilespmem:$0x6800] =	vst v63  }
0x4c: {  	_ =	swait.ge [sflag:s22], $0x1400  }
0x4d: {  	[sflag:s22] =	ssyncset.done $0x0  }
0x4e: {  	[sflag:s22] =	ssyncadd.s32 $0xFFFFEC00  }
0x4f: {  	_ =	swait.ge [sflag:s22], $0x1400  }
0x50: {  	[sflag:s22] =	ssyncset.done $0x0  }
0x51: {  	[sflag:s22] =	ssyncadd.s32 $0xFFFFEC00  }
0x52: {  	_ =	swait.ge [sflag:s22], $0x1400  }
0x53: {  	[sflag:s22] =	ssyncset.done $0x0  }
0x54: {  	[sflag:s22] =	ssyncadd.s32 $0xFFFFEC00  }
0x55: {  	_ =	swait.ge [sflag:s22], $0x1400  }
0x56: {  	[sflag:s22] =	ssyncset.done $0x0  }
0x57: {  	s28 =	sadd.s32 $0x19, s8;
	s29 =	smov.u32 s5;
	[sflag:s22] =	ssyncadd.s32 $0xFFFFEC00  }
0x58: {  	s30 =	smov.u32 s6;
	s25 =	sadd.s32 $0x19, s9;
	_ =	swait.ge [sflag:s22], $0x1400  }
0x59: {  	s26 =	sadd.s32 $0x19, s7;
	s24 =	simm.s32 $0xC80;
	[sflag:s22] =	ssyncset.done $0x0  }
.LBB2_2:
0x5a: {  	[sflag:s22] =	ssyncadd.s32 $0xFFFFEC00  }
0x5b: {  	[tilespmem:s3], [sflag:$0x1] =	stream.linear.gather [hbm4b:s25+s3], $0x28, $0x38;
	[tilespmem:$0x6800] =	vst v63  }
0x5c: {  	_ = 	snop  }
0x5d: {  	[tilespmem:s10], [sflag:$0x1] =	stream.linear.gather [hbm4b:s28+s3], $0x28, $0x38;
	[tilespmem:$0x6800] =	vst v63  }
0x5e: {  	_ = 	snop  }
0x5f: {  	[tilespmem:s11], [sflag:$0x1] =	stream.linear.gather [hbm4b:s26+s3], $0x28, $0x38;
	[tilespmem:$0x6800] =	vst v63  }
0x60: {  	s30 =	sadd.s32 $0x19, s30  }
0x61: {  	[tilespmem:s12], [sflag:$0x1] =	stream.linear.gather [hbm4b:s30+s3], $0x28, $0x38;
	[tilespmem:$0x6800] =	vst v63  }
0x62: {  	s29 =	sadd.s32 $0x19, s29  }
0x63: {  	[tilespmem:s13], [sflag:$0x1] =	stream.linear.gather [hbm4b:s29+s3], $0x28, $0x38;
	[tilespmem:$0x6800] =	vst v63  }
0x64: {  	_ =	swait.ge [sflag:s14], $0x28  }
0x65: {  	[sflag:s14] =	ssyncset.done $0x0  }
0x66: {  	[sflag:s14] =	ssyncadd.s32 $0xFFFFFFD8  }
0x67: {  	_ =	swait.ge [sflag:s14], $0x28  }
0x68: {  	[sflag:s14] =	ssyncset.done $0x0  }
0x69: {  	[sflag:s14] =	ssyncadd.s32 $0xFFFFFFD8  }
0x6a: {  	_ =	swait.ge [sflag:s14], $0x28  }
0x6b: {  	[sflag:s14] =	ssyncset.done $0x0  }
0x6c: {  	[sflag:s14] =	ssyncadd.s32 $0xFFFFFFD8  }
0x6d: {  	_ =	swait.ge [sflag:s14], $0x28  }
0x6e: {  	[sflag:s14] =	ssyncset.done $0x0  }
0x6f: {  	[sflag:s14] =	ssyncadd.s32 $0xFFFFFFD8  }
0x70: {  	_ =	swait.ge [sflag:s14], $0x28  }
0x71: {  	[sflag:s14] =	ssyncset.done $0x0  }
0x72: {  	[sflag:s14] =	ssyncadd.s32 $0xFFFFFFD8  }
0x73: {  	[tilespmem:s16], [sflag:$0x2] =	stream.indirect.gather [hbm4b:s2+s15], $0x80, s3, s15, $0xb8;
	[tilespmem:$0x6800] =	vst v63  }
0x74: {  	_ = 	snop  }
0x75: {  	[tilespmem:s17], [sflag:$0x2] =	stream.indirect.gather [hbm4b:s2+s15], $0x80, s10, s15, $0xb8;
	[tilespmem:$0x6800] =	vst v63  }
0x76: {  	_ = 	snop  }
0x77: {  	[tilespmem:s18], [sflag:$0x2] =	stream.indirect.gather [hbm4b:s2+s15], $0x80, s11, s15, $0xb8;
	[tilespmem:$0x6800] =	vst v63  }
0x78: {  	_ = 	snop  }
0x79: {  	[tilespmem:s19], [sflag:$0x2] =	stream.indirect.gather [hbm4b:s2+s15], $0x80, s12, s15, $0xb8;
	[tilespmem:$0x6800] =	vst v63  }
0x7a: {  	_ = 	snop  }
0x7b: {  	[tilespmem:s20], [sflag:$0x2] =	stream.indirect.gather [hbm4b:s2+s15], $0x80, s13, s15, $0xb8;
	[tilespmem:$0x6800] =	vst v63  }
0x7c: {  	_ =	swait.ge [sflag:s21], $0x1400  }
0x7d: {  	[sflag:s21] =	ssyncset.done $0x0  }
0x7e: {  	[sflag:s21] =	ssyncadd.s32 $0xFFFFEC00  }
0x7f: {  	_ =	swait.ge [sflag:s21], $0x1400  }
0x80: {  	[sflag:s21] =	ssyncset.done $0x0  }
0x81: {  	[sflag:s21] =	ssyncadd.s32 $0xFFFFEC00  }
0x82: {  	_ =	swait.ge [sflag:s21], $0x1400  }
0x83: {  	[sflag:s21] =	ssyncset.done $0x0  }
0x84: {  	[sflag:s21] =	ssyncadd.s32 $0xFFFFEC00  }
0x85: {  	_ =	swait.ge [sflag:s21], $0x1400  }
0x86: {  	[sflag:s21] =	ssyncset.done $0x0  }
0x87: {  	[sflag:s21] =	ssyncadd.s32 $0xFFFFEC00  }
0x88: {  	_ =	swait.ge [sflag:s21], $0x1400  }
0x89: {  	s31 =	smov.u32 s24;
	s0 =	rddreg [dreg:$0x3];
	[sflag:s21] =	ssyncset.done $0x0  }
0x8a: {  	[sflag:s21] =	ssyncadd.s32 $0xFFFFEC00;
	s0 =	sadd.s32 s31, s0  }
0x8b: {  	[hbm4b:s0+s3] =	stream.linear.scatter [tilespmem:s16], [sflag:$0x3], $0x1400, $0x38;
	[tilespmem:$0x6800] =	vst v63  }
0x8c: {  	s31 =	sadd.s32 $0x280, s0  }
0x8d: {  	[hbm4b:s31+s3] =	stream.linear.scatter [tilespmem:s17], [sflag:$0x3], $0x1400, $0x38;
	[tilespmem:$0x6800] =	vst v63  }
0x8e: {  	s31 =	sadd.s32 $0x500, s0  }
0x8f: {  	[hbm4b:s31+s3] =	stream.linear.scatter [tilespmem:s18], [sflag:$0x3], $0x1400, $0x38;
	[tilespmem:$0x6800] =	vst v63  }
0x90: {  	s31 =	sadd.s32 $0x780, s0  }
0x91: {  	[hbm4b:s31+s3] =	stream.linear.scatter [tilespmem:s19], [sflag:$0x3], $0x1400, $0x38;
	[tilespmem:$0x6800] =	vst v63  }
0x92: {  	s0 =	sadd.s32 $0xA00, s0  }
0x93: {  	[hbm4b:s0+s3] =	stream.linear.scatter [tilespmem:s20], [sflag:$0x3], $0x1400, $0x38;
	[tilespmem:$0x6800] =	vst v63  }
0x94: {  	_ =	swait.ge [sflag:s22], $0x1400  }
0x95: {  	[sflag:s22] =	ssyncset.done $0x0  }
0x96: {  	[sflag:s22] =	ssyncadd.s32 $0xFFFFEC00  }
0x97: {  	_ =	swait.ge [sflag:s22], $0x1400  }
0x98: {  	[sflag:s22] =	ssyncset.done $0x0  }
0x99: {  	[sflag:s22] =	ssyncadd.s32 $0xFFFFEC00  }
0x9a: {  	_ =	swait.ge [sflag:s22], $0x1400  }
0x9b: {  	[sflag:s22] =	ssyncset.done $0x0  }
0x9c: {  	p0 =	sne.s32 s24, $0x12C00;
	[sflag:s22] =	ssyncadd.s32 $0xFFFFEC00  }
.Ltmp0:
0x9d: {  	_ =	swait.ge [sflag:s22], $0x1400;
	(pc) =	sbr.rel @p0 .LBB2_2-.Ltmp0, $4  }
0x9e: {  	[sflag:s22] =	ssyncset.done $0x0  }
0x9f: {  	[sflag:s22] =	ssyncadd.s32 $0xFFFFEC00  }
0xa0: {  	s24 =	sadd.s32 $0xC80, s24;
	s25 =	sadd.s32 $0x19, s25;
	_ =	swait.ge [sflag:s22], $0x1400  }
0xa1: {  	s28 =	sadd.s32 $0x19, s28;
	s26 =	sadd.s32 $0x19, s26;
	[sflag:s22] =	ssyncset.done $0x0  }
0xa2: {  	s23 =	sadd.s32 $0x1, s23  }
0xa3: {  	p0 =	sne.s32 s23, s4  }
.Ltmp1:
0xa4: {  	_ = 	snop;
	(pc) =	sbr.rel @p0 .LBB2_1-.Ltmp1, $2  }
0xa5: {  	_ =	sdelay $0x2  }
0xa6: {  	[sflag:s22] =	ssyncadd.s32 $0xFFFFEC00  }
0xa7: {  	_ =	sfence.sel $0x180000  }
0xa8: {  	[bflag:$0x0] =	sbarrier.arrive $0xFFFF  }
0xa9: {  	_ =	strace $0x9000004A  }
0xaa: {  	[bflag:$0x2] =	sbarrier.arrive $0xFFFF  }
0xab: {  	p0 =	sne.s32 s1, $0x0;
	s0 =	rddreg [dreg:$0x2]  }
0xac: {  	s0 =	sadd.s32 @!p0 $0x100000, s0  }
0xad: {  	[sflag:s0] =	ssyncadd.tile.s32 @!p0 $0x1;
	_ =	shalt  }
.Lfunc_end2:
_tile_overlayer_lowered:
.L_overlay_start_2:
0xae: {  	(tag) =	ssettag $0x2  }
0xaf: {  	s0 =	rddreg [dreg:$0x0];
	s2 =	stileid.u32  }
0xb0: {  	s1 =	rddreg [dreg:$0x1];
	p0 =	sne.s32 s2, $0x0  }
0xb1: {  	s3 =	rddreg [dreg:$0x2];
	[bflag:$0x3] =	sbarrier.arrive $0xFFFF;
	s2 =	simm.s32 @!p0 $0x1C04  }
0xb2: {  	[timem:s3], [sflag:s2] =	dma.local @!p0 [hbm:s0], s1  }
0xb3: {  	s0 =	simm.s32 @!p0 $0x4  }
0xb4: {  	_ =	swait.ge @!p0 [sflag:s0], s1  }
0xb5: {  	s1 =	ssub.s32 @!p0 $0x0, s1;
	[sflag:s0] =	ssyncset.done @!p0 $0x0  }
0xb6: {  	[sflag:s0] =	ssyncadd.s32 @!p0 s1  }
0xb7: {  	[bflag:$0x3] =	sbarrier.arrive $0xFFFF  }
0xb8: {  	_ =	shalt  }

</sc_bundles>
